<compile_context>
chip_gen: v7x
topology: tpu7x:2x2x1
jax: 0.10.2.dev20260603
libtpu: 0.0.44.dev20260713+nightly
codegen_flags: <defaults>
</compile_context>

<pallas_src>
import jax
import jax.numpy as jnp
from jax import lax
from jax.experimental import pallas as pl
from jax.experimental.pallas import tpu as pltpu
from jax.experimental.pallas import tpu_sc as plsc

B = 4096
L = 20
V = 1000000
D = 32
H1 = 128
H2 = 64

NC = 2
NS = 16
NW = NC * NS
SPW = B // NW
RPW = SPW * L
CH = 128
NCHUNK = RPW // CH
NB = 4
LAG = 2
PACK = 128 // D
AR = SPW * PACK
NPH = 4
SPH = SPW // NPH
HR = AR // NPH
CPH = NCHUNK // NPH
NBUF = 3
BUFR = NS * HR

TLANE = 16384
TROW = TLANE // PACK
TGRID = -(-V // TLANE)
VP = TGRID * TROW


def _repack_body(xq_ref, xc_ref, e_ref, oq_ref, oc_ref):
    def pack(x_ref):
        xa = x_ref[...]
        hi = xa.astype(jnp.bfloat16).astype(jnp.float32)
        lo = xa - hi
        X = jnp.concatenate(
            [hi[:, a * TROW:(a + 1) * TROW] for a in range(PACK)]
            + [lo[:, a * TROW:(a + 1) * TROW] for a in range(PACK)], axis=0)
        return lax.dot_general(X, e_ref[...], (((0,), (0,)), ((), ())),
                               preferred_element_type=jnp.float32)

    oq_ref[...] = pack(xq_ref)
    oc_ref[...] = pack(xc_ref)


def _repack_tc(tqT, tcT, emat):
    return pl.pallas_call(
        _repack_body,
        grid=(TGRID,),
        in_specs=[
            pl.BlockSpec((D, TLANE), lambda i: (0, i)),
            pl.BlockSpec((D, TLANE), lambda i: (0, i)),
            pl.BlockSpec((2 * PACK * D, PACK * D), lambda i: (0, 0)),
        ],
        out_specs=[
            pl.BlockSpec((TROW, PACK * D), lambda i: (i, 0)),
            pl.BlockSpec((TROW, PACK * D), lambda i: (i, 0)),
        ],
        out_shape=[
            jax.ShapeDtypeStruct((VP, PACK * D), jnp.float32),
            jax.ShapeDtypeStruct((VP, PACK * D), jnp.float32),
        ],
    )(tqT, tcT, emat)


def _pool_body(tq_hbm, tc_hbm, qpidx_hbm, cpidx_hbm, sidx_hbm, zeros_hbm,
               accq_hbm, accc_hbm,
               pidx_v, sidxq_v, sidxc_v, rows_v, acc_sh, gsem, ssem):
    cid = lax.axis_index("c")
    sid = lax.axis_index("s")
    wid = sid * NC + cid
    base_i = wid * RPW
    base_a = sid * HR

    pltpu.sync_copy(qpidx_hbm.at[pl.ds(base_i, RPW)], pidx_v.at[0])
    pltpu.sync_copy(cpidx_hbm.at[pl.ds(base_i, RPW)], pidx_v.at[1])
    pltpu.sync_copy(sidx_hbm.at[wid], sidxq_v)
    pltpu.sync_copy(sidx_hbm.at[NW + wid], sidxc_v)
    pltpu.sync_copy(zeros_hbm, acc_sh.at[pl.ds(0 * BUFR + base_a, HR)])
    pltpu.sync_copy(zeros_hbm, acc_sh.at[pl.ds(1 * BUFR + base_a, HR)])

    tbls = (tq_hbm, tc_hbm)
    sidxs = (sidxq_v, sidxc_v)
    outs = (accq_hbm, accc_hbm)
    NWORK = 2 * NCHUNK

    def gather(k):
        tower, j = divmod(k, NCHUNK)
        return pltpu.async_copy(
            tbls[tower].at[pidx_v.at[tower, pl.ds(j * CH, CH)]],
            rows_v.at[k % NB], gsem)

    NPHASES = 2 * NPH

    def flush(ph):
        tower, quarter = divmod(ph, NPH)
        pltpu.sync_copy(
            acc_sh.at[pl.ds((ph % NBUF) * BUFR + base_a, HR)],
            outs[tower].at[pl.ds(wid * AR + quarter * HR, HR)])

    gd = [None] * NWORK
    sd = [None] * NWORK
    waited = [False] * NWORK
    for k in range(NWORK + LAG):
        if k < NWORK:
            if k >= NB and not waited[k - NB]:
                sd[k - NB].wait()
                waited[k - NB] = True
            gd[k] = gather(k)
        ks = k - LAG
        if 0 <= ks < NWORK:
            if ks % CPH == 0 and ks > 0:
                p = ks // CPH
                for i in range(ks):
                    if not waited[i]:
                        sd[i].wait()
                        waited[i] = True
                if p >= 2:
                    flush(p - 2)
                if p + 1 < NPHASES:
                    pltpu.sync_copy(
                        zeros_hbm,
                        acc_sh.at[pl.ds(((p + 1) % NBUF) * BUFR + base_a,
                                        HR)])
            tower, j = divmod(ks, NCHUNK)
            gd[ks].wait()
            if ks > 0 and not waited[ks - 1]:
                sd[ks - 1].wait()
                waited[ks - 1] = True
            sd[ks] = pltpu.async_copy(
                rows_v.at[ks % NB], acc_sh.at[sidxs[tower].at[j]], ssem,
                add=True)
    for i in range(NWORK):
        if not waited[i]:
            sd[i].wait()
    flush(NPHASES - 2)
    flush(NPHASES - 1)


def _pooled_sc(tq2, tc2, qpidx, cpidx, sidx, zeros):
    mesh = plsc.VectorSubcoreMesh(core_axis_name="c", subcore_axis_name="s")
    return pl.kernel(
        _pool_body,
        out_type=(
            jax.ShapeDtypeStruct((B * PACK, PACK * D), jnp.float32),
            jax.ShapeDtypeStruct((B * PACK, PACK * D), jnp.float32),
        ),
        mesh=mesh,
        scratch_types=[
            pltpu.VMEM((2, RPW), jnp.int32),
            pltpu.VMEM((NCHUNK, CH), jnp.int32),
            pltpu.VMEM((NCHUNK, CH), jnp.int32),
            pltpu.VMEM((NB, CH, PACK * D), jnp.float32),
            pltpu.VMEM_SHARED((NBUF * BUFR, PACK * D), jnp.float32),
            pltpu.SemaphoreType.DMA,
            pltpu.SemaphoreType.DMA,
        ],
        compiler_params=pltpu.CompilerParams(use_tc_tiling_on_sc=True),
    )(tq2, tc2, qpidx, cpidx, sidx, zeros)


def _mlp_body(aq_ref, ac_ref, wq1_ref, bq1_ref, wq2_ref, bq2_ref,
              wc1_ref, bc1_ref, wc2_ref, bc2_ref, oq_ref, oc_ref):
    blk = aq_ref.shape[0] // PACK

    def pool(a_ref):
        a = a_ref[...].reshape(blk, PACK, PACK * D)
        x = a[:, 0, 0:D]
        for r in range(1, PACK):
            x = x + a[:, r, D * r: D * (r + 1)]
        return x

    xq = pool(aq_ref)
    hq = jnp.dot(xq, wq1_ref[...], preferred_element_type=jnp.float32)
    hq = jnp.maximum(hq + bq1_ref[...], 0.0)
    oq = jnp.dot(hq, wq2_ref[...], preferred_element_type=jnp.float32)
    oq_ref[...] = jnp.maximum(oq + bq2_ref[...], 0.0)

    xc = pool(ac_ref)
    hc = jnp.dot(xc, wc1_ref[...], preferred_element_type=jnp.float32)
    hc = jnp.maximum(hc + bc1_ref[...], 0.0)
    oc = jnp.dot(hc, wc2_ref[...], preferred_element_type=jnp.float32)
    oc_ref[...] = jnp.maximum(oc + bc2_ref[...], 0.0)


def _mlp_tc(accq, accc, Wq1, bq1, Wq2, bq2, Wc1, bc1, Wc2, bc2):
    BLK = 512
    grid = (B // BLK,)
    full = lambda r, c: pl.BlockSpec((r, c), lambda i: (0, 0))
    return pl.pallas_call(
        _mlp_body,
        grid=grid,
        in_specs=[
            pl.BlockSpec((BLK * PACK, PACK * D), lambda i: (i, 0)),
            pl.BlockSpec((BLK * PACK, PACK * D), lambda i: (i, 0)),
            full(D, H1), full(1, H1), full(H1, H2), full(1, H2),
            full(D, H1), full(1, H1), full(H1, H2), full(1, H2),
        ],
        out_specs=[
            pl.BlockSpec((BLK, H2), lambda i: (i, 0)),
            pl.BlockSpec((BLK, H2), lambda i: (i, 0)),
        ],
        out_shape=[
            jax.ShapeDtypeStruct((B, H2), jnp.float32),
            jax.ShapeDtypeStruct((B, H2), jnp.float32),
        ],
    )(accq, accc, Wq1, bq1, Wq2, bq2, Wc1, bc1, Wc2, bc2)


def kernel(query_indices, candidate_indices, table_q, table_c,
           Wq1, bq1, Wq2, bq2, Wc1, bc1, Wc2, bc2):
    qidx_flat = query_indices.astype(jnp.int32).reshape(B * L)
    cidx_flat = candidate_indices.astype(jnp.int32).reshape(B * L)

    erow = jnp.arange(2 * PACK * D, dtype=jnp.int32) % (PACK * D)
    emat = (erow[:, None]
            == jnp.arange(PACK * D, dtype=jnp.int32)[None, :]).astype(
                jnp.float32)
    tq2, tc2 = _repack_tc(table_q.T, table_c.T, emat)

    qpidx = (qidx_flat // TLANE) * TROW + qidx_flat % TROW
    cpidx = (cidx_flat // TLANE) * TROW + cidx_flat % TROW
    pos = jnp.arange(B * L, dtype=jnp.int32)
    chunk_in_tower = (pos % RPW) // CH
    base = PACK * ((pos // L) % SPH) + (pos // RPW // NC) * HR
    ph_q = chunk_in_tower // CPH
    ph_c = NPH + ph_q
    sidx = jnp.stack([
        (base + (ph_q % NBUF) * BUFR
         + (qidx_flat % TLANE) // TROW).reshape(NW, NCHUNK, CH),
        (base + (ph_c % NBUF) * BUFR
         + (cidx_flat % TLANE) // TROW).reshape(NW, NCHUNK, CH),
    ]).reshape(2 * NW, NCHUNK, CH)
    zeros = jnp.zeros((HR, PACK * D), jnp.float32)

    accq, accc = _pooled_sc(tq2, tc2, qpidx, cpidx, sidx, zeros)

    q, c = _mlp_tc(accq, accc,
                   Wq1, bq1[None, :], Wq2, bq2[None, :],
                   Wc1, bc1[None, :], Wc2, bc2[None, :])
    return q, c

# --- scband reference (transcript-rebuilt; emitter-appended) ---
"""Pipeline reference for scband-two-tower-22548578304847 (READ-ONLY COPY).

The authoritative reference and input builder live on the scoring server;
editing this copy changes nothing except your own understanding.
"""

import jax, jax.numpy as jnp
import numpy as np

B = 4096
L = 20
V = 1000000
D = 32
H1 = 128
H2 = 64


def setup_inputs(seed: int = 0) -> dict:
    key = jax.random.key(seed)
    ks = jax.random.split(key, 12)
    query_indices = jax.random.randint(ks[0], (B, L), 0, V, dtype=jnp.int64) if jax.config.jax_enable_x64 else jax.random.randint(ks[0], (B, L), 0, V)
    candidate_indices = jax.random.randint(ks[1], (B, L), 0, V)
    table_q = jax.random.normal(ks[2], (V, D), dtype=jnp.float32) * 0.01
    table_c = jax.random.normal(ks[3], (V, D), dtype=jnp.float32) * 0.01
    Wq1 = jax.random.normal(ks[4], (D, H1), dtype=jnp.float32) * 0.05
    bq1 = jnp.zeros((H1,), dtype=jnp.float32)
    Wq2 = jax.random.normal(ks[5], (H1, H2), dtype=jnp.float32) * 0.05
    bq2 = jnp.zeros((H2,), dtype=jnp.float32)
    Wc1 = jax.random.normal(ks[6], (D, H1), dtype=jnp.float32) * 0.05
    bc1 = jnp.zeros((H1,), dtype=jnp.float32)
    Wc2 = jax.random.normal(ks[7], (H1, H2), dtype=jnp.float32) * 0.05
    bc2 = jnp.zeros((H2,), dtype=jnp.float32)
    return {
        "query_indices": query_indices,
        "candidate_indices": candidate_indices,
        "table_q": table_q,
        "table_c": table_c,
        "Wq1": Wq1, "bq1": bq1, "Wq2": Wq2, "bq2": bq2,
        "Wc1": Wc1, "bc1": bc1, "Wc2": Wc2, "bc2": bc2,
    }


def reference(query_indices, candidate_indices, table_q, table_c,
              Wq1, bq1, Wq2, bq2, Wc1, bc1, Wc2, bc2):
    # EmbeddingBagCollection with sum pooling: gather then segment-sum over bag dim
    pooled_q = jnp.take(table_q, query_indices, axis=0).sum(axis=1)  # [B, D]
    pooled_c = jnp.take(table_c, candidate_indices, axis=0).sum(axis=1)  # [B, D]
    # query tower MLP (torchrec MLP: Linear + ReLU per layer)
    q = jax.nn.relu(pooled_q @ Wq1 + bq1)
    q = jax.nn.relu(q @ Wq2 + bq2)
    # candidate tower MLP
    c = jax.nn.relu(pooled_c @ Wc1 + bc1)
    c = jax.nn.relu(c @ Wc2 + bc2)
    return (q, c)

if __name__ == "__main__":
    import jax
    _d = setup_inputs()
    print(jax.jit(kernel)(*tuple(_d.values())))

</pallas_src>

<mosaic_0001>
#map = affine_map<(d0, d1) -> (0, 0)>
#map1 = affine_map<(d0, d1) -> (0)>
#map2 = affine_map<(d0, d1) -> (0, 0, 0)>
module attributes {stable_mosaic.version = 14 : i64} {
  func.func @_pool_body(%arg0: i32, %arg1: i32, %arg2: memref<253952x128xf32, #tpu.memory_space<hbm>>, %arg3: memref<253952x128xf32, #tpu.memory_space<hbm>>, %arg4: memref<81920xi32, #tpu.memory_space<hbm>>, %arg5: memref<81920xi32, #tpu.memory_space<hbm>>, %arg6: memref<64x20x128xi32, #tpu.memory_space<hbm>>, %arg7: memref<128x128xf32, #tpu.memory_space<hbm>>, %arg8: memref<16384x128xf32, #tpu.memory_space<hbm>>, %arg9: memref<16384x128xf32, #tpu.memory_space<hbm>>, %arg10: memref<2x2560xi32, #tpu.memory_space<vmem>>, %arg11: memref<20x128xi32, #tpu.memory_space<vmem>>, %arg12: memref<20x128xi32, #tpu.memory_space<vmem>>, %arg13: memref<4x128x128xf32, #tpu.memory_space<vmem>>, %arg14: memref<6144x128xf32, #tpu.memory_space<vmem_shared>>, %arg15: memref<!tpu.dma_semaphore, #tpu.memory_space<semaphore_mem>>, %arg16: memref<!tpu.dma_semaphore, #tpu.memory_space<semaphore_mem>>) attributes {dimension_semantics = [#tpu.dimension_semantics<core_parallel>, #tpu.dimension_semantics<subcore_parallel>], iteration_bounds = array<i64: 2, 16>, scalar_prefetch = 0 : i64, scratch_operands = 7 : i64, tpu.core_type = #tpu.core_type<sc_vector_subcore>, window_params = [{transform_indices = #map}, {transform_indices = #map}, {transform_indices = #map1}, {transform_indices = #map1}, {transform_indices = #map2}, {transform_indices = #map}, {transform_indices = #map}, {transform_indices = #map}]} {
    %mul3A = arith.constant 2 : i32
    %mul3A_0 = arith.muli %arg1, %mul3A : i32
    %add3A = arith.addi %mul3A_0, %arg0 : i32
    %mul3A_1 = arith.constant 2560 : i32
    %mul3A_2 = arith.muli %add3A, %mul3A_1 : i32
    %mul3A_3 = arith.constant 128 : i32
    %mul3A_4 = arith.muli %arg1, %mul3A_3 : i32
    %run_scoped3A = arith.constant 0 : i32
    "tpu.region"() ({
      %run_scoped3A_1990 = tpu.sem_alloc : memref<!tpu.dma_semaphore, #tpu.memory_space<semaphore_mem>>
      %dma_start3A_1991 = arith.constant 0 : i32
      %dma_start3A_1992 = tpu.memref_slice %arg10[%run_scoped3A, %dma_start3A_1991] : memref<2x2560xi32, #tpu.memory_space<vmem>> -> memref<1x2560xi32, #tpu.memory_space<vmem>>
      %dma_start3A_1993 = tpu.memref_squeeze %dma_start3A_1992 : memref<1x2560xi32, #tpu.memory_space<vmem>> -> memref<2560xi32, #tpu.memory_space<vmem>>
      %dma_start3A_1994 = tpu.memref_slice %arg4[%mul3A_2] : memref<81920xi32, #tpu.memory_space<hbm>> -> memref<2560xi32, #tpu.memory_space<hbm>>
      %dma_start3A_1995 = arith.constant 0 : i32
      %dma_start3A_1996 = tpu.memref_slice %arg10[%run_scoped3A, %dma_start3A_1995] : memref<2x2560xi32, #tpu.memory_space<vmem>> -> memref<1x2560xi32, #tpu.memory_space<vmem>>
      %dma_start3A_1997 = tpu.memref_squeeze %dma_start3A_1996 : memref<1x2560xi32, #tpu.memory_space<vmem>> -> memref<2560xi32, #tpu.memory_space<vmem>>
      %dma_start3A_1998 = tpu.memref_slice %arg4[%mul3A_2] : memref<81920xi32, #tpu.memory_space<hbm>> -> memref<2560xi32, #tpu.memory_space<hbm>>
      tpu.enqueue_dma source(%dma_start3A_1998 : memref<2560xi32, #tpu.memory_space<hbm>>) target(%dma_start3A_1997 : memref<2560xi32, #tpu.memory_space<vmem>>) target_semaphore(%run_scoped3A_1990 : memref<!tpu.dma_semaphore, #tpu.memory_space<semaphore_mem>>)
      %dma_wait3A_1999 = arith.constant 0 : i32
      %dma_wait3A_2000 = tpu.memref_slice %arg10[%run_scoped3A, %dma_wait3A_1999] : memref<2x2560xi32, #tpu.memory_space<vmem>> -> memref<1x2560xi32, #tpu.memory_space<vmem>>
      %dma_wait3A_2001 = tpu.memref_squeeze %dma_wait3A_2000 : memref<1x2560xi32, #tpu.memory_space<vmem>> -> memref<2560xi32, #tpu.memory_space<vmem>>
      %dma_wait3A_2002 = tpu.memref_slice %arg4[%mul3A_2] : memref<81920xi32, #tpu.memory_space<hbm>> -> memref<2560xi32, #tpu.memory_space<hbm>>
      %dma_wait3A_2003 = arith.constant 0 : i32
      %dma_wait3A_2004 = tpu.memref_slice %arg10[%run_scoped3A, %dma_wait3A_2003] : memref<2x2560xi32, #tpu.memory_space<vmem>> -> memref<1x2560xi32, #tpu.memory_space<vmem>>
      %dma_wait3A_2005 = tpu.memref_squeeze %dma_wait3A_2004 : memref<1x2560xi32, #tpu.memory_space<vmem>> -> memref<2560xi32, #tpu.memory_space<vmem>>
      %dma_wait3A_2006 = tpu.memref_slice %arg4[%mul3A_2] : memref<81920xi32, #tpu.memory_space<hbm>> -> memref<2560xi32, #tpu.memory_space<hbm>>
      tpu.wait_dma2 semaphore(%run_scoped3A_1990 : memref<!tpu.dma_semaphore, #tpu.memory_space<semaphore_mem>>) src(%dma_wait3A_2006 : memref<2560xi32, #tpu.memory_space<hbm>>) dst(%dma_wait3A_2005 : memref<2560xi32, #tpu.memory_space<vmem>>)
      tpu.yield
    }) : () -> ()
    %run_scoped3A_5 = arith.constant 1 : i32
    "tpu.region"() ({
      %run_scoped3A_1990 = tpu.sem_alloc : memref<!tpu.dma_semaphore, #tpu.memory_space<semaphore_mem>>
      %dma_start3A_1991 = arith.constant 0 : i32
      %dma_start3A_1992 = tpu.memref_slice %arg10[%run_scoped3A_5, %dma_start3A_1991] : memref<2x2560xi32, #tpu.memory_space<vmem>> -> memref<1x2560xi32, #tpu.memory_space<vmem>>
      %dma_start3A_1993 = tpu.memref_squeeze %dma_start3A_1992 : memref<1x2560xi32, #tpu.memory_space<vmem>> -> memref<2560xi32, #tpu.memory_space<vmem>>
      %dma_start3A_1994 = tpu.memref_slice %arg5[%mul3A_2] : memref<81920xi32, #tpu.memory_space<hbm>> -> memref<2560xi32, #tpu.memory_space<hbm>>
      %dma_start3A_1995 = arith.constant 0 : i32
      %dma_start3A_1996 = tpu.memref_slice %arg10[%run_scoped3A_5, %dma_start3A_1995] : memref<2x2560xi32, #tpu.memory_space<vmem>> -> memref<1x2560xi32, #tpu.memory_space<vmem>>
      %dma_start3A_1997 = tpu.memref_squeeze %dma_start3A_1996 : memref<1x2560xi32, #tpu.memory_space<vmem>> -> memref<2560xi32, #tpu.memory_space<vmem>>
      %dma_start3A_1998 = tpu.memref_slice %arg5[%mul3A_2] : memref<81920xi32, #tpu.memory_space<hbm>> -> memref<2560xi32, #tpu.memory_space<hbm>>
      tpu.enqueue_dma source(%dma_start3A_1998 : memref<2560xi32, #tpu.memory_space<hbm>>) target(%dma_start3A_1997 : memref<2560xi32, #tpu.memory_space<vmem>>) target_semaphore(%run_scoped3A_1990 : memref<!tpu.dma_semaphore, #tpu.memory_space<semaphore_mem>>)
      %dma_wait3A_1999 = arith.constant 0 : i32
      %dma_wait3A_2000 = tpu.memref_slice %arg10[%run_scoped3A_5, %dma_wait3A_1999] : memref<2x2560xi32, #tpu.memory_space<vmem>> -> memref<1x2560xi32, #tpu.memory_space<vmem>>
      %dma_wait3A_2001 = tpu.memref_squeeze %dma_wait3A_2000 : memref<1x2560xi32, #tpu.memory_space<vmem>> -> memref<2560xi32, #tpu.memory_space<vmem>>
      %dma_wait3A_2002 = tpu.memref_slice %arg5[%mul3A_2] : memref<81920xi32, #tpu.memory_space<hbm>> -> memref<2560xi32, #tpu.memory_space<hbm>>
      %dma_wait3A_2003 = arith.constant 0 : i32
      %dma_wait3A_2004 = tpu.memref_slice %arg10[%run_scoped3A_5, %dma_wait3A_2003] : memref<2x2560xi32, #tpu.memory_space<vmem>> -> memref<1x2560xi32, #tpu.memory_space<vmem>>
      %dma_wait3A_2005 = tpu.memref_squeeze %dma_wait3A_2004 : memref<1x2560xi32, #tpu.memory_space<vmem>> -> memref<2560xi32, #tpu.memory_space<vmem>>
      %dma_wait3A_2006 = tpu.memref_slice %arg5[%mul3A_2] : memref<81920xi32, #tpu.memory_space<hbm>> -> memref<2560xi32, #tpu.memory_space<hbm>>
      tpu.wait_dma2 semaphore(%run_scoped3A_1990 : memref<!tpu.dma_semaphore, #tpu.memory_space<semaphore_mem>>) src(%dma_wait3A_2006 : memref<2560xi32, #tpu.memory_space<hbm>>) dst(%dma_wait3A_2005 : memref<2560xi32, #tpu.memory_space<vmem>>)
      tpu.yield
    }) : () -> ()
    "tpu.region"() ({
      %run_scoped3A_1990 = tpu.sem_alloc : memref<!tpu.dma_semaphore, #tpu.memory_space<semaphore_mem>>
      %dma_start3A_1991 = arith.constant 0 : i32
      %dma_start3A_1992 = arith.constant 0 : i32
      %dma_start3A_1993 = tpu.memref_slice %arg6[%add3A, %dma_start3A_1991, %dma_start3A_1992] : memref<64x20x128xi32, #tpu.memory_space<hbm>> -> memref<1x20x128xi32, #tpu.memory_space<hbm>>
      %dma_start3A_1994 = tpu.memref_squeeze %dma_start3A_1993 : memref<1x20x128xi32, #tpu.memory_space<hbm>> -> memref<20x128xi32, #tpu.memory_space<hbm>>
      %dma_start3A_1995 = arith.constant 0 : i32
      %dma_start3A_1996 = arith.constant 0 : i32
      %dma_start3A_1997 = tpu.memref_slice %arg6[%add3A, %dma_start3A_1995, %dma_start3A_1996] : memref<64x20x128xi32, #tpu.memory_space<hbm>> -> memref<1x20x128xi32, #tpu.memory_space<hbm>>
      %dma_start3A_1998 = tpu.memref_squeeze %dma_start3A_1997 : memref<1x20x128xi32, #tpu.memory_space<hbm>> -> memref<20x128xi32, #tpu.memory_space<hbm>>
      tpu.enqueue_dma source(%dma_start3A_1998 : memref<20x128xi32, #tpu.memory_space<hbm>>) target(%arg11 : memref<20x128xi32, #tpu.memory_space<vmem>>) target_semaphore(%run_scoped3A_1990 : memref<!tpu.dma_semaphore, #tpu.memory_space<semaphore_mem>>)
      %dma_wait3A_1999 = arith.constant 0 : i32
      %dma_wait3A_2000 = arith.constant 0 : i32
      %dma_wait3A_2001 = tpu.memref_slice %arg6[%add3A, %dma_wait3A_1999, %dma_wait3A_2000] : memref<64x20x128xi32, #tpu.memory_space<hbm>> -> memref<1x20x128xi32, #tpu.memory_space<hbm>>
      %dma_wait3A_2002 = tpu.memref_squeeze %dma_wait3A_2001 : memref<1x20x128xi32, #tpu.memory_space<hbm>> -> memref<20x128xi32, #tpu.memory_space<hbm>>
      %dma_wait3A_2003 = arith.constant 0 : i32
      %dma_wait3A_2004 = arith.constant 0 : i32
      %dma_wait3A_2005 = tpu.memref_slice %arg6[%add3A, %dma_wait3A_2003, %dma_wait3A_2004] : memref<64x20x128xi32, #tpu.memory_space<hbm>> -> memref<1x20x128xi32, #tpu.memory_space<hbm>>
      %dma_wait3A_2006 = tpu.memref_squeeze %dma_wait3A_2005 : memref<1x20x128xi32, #tpu.memory_space<hbm>> -> memref<20x128xi32, #tpu.memory_space<hbm>>
      tpu.wait_dma2 semaphore(%run_scoped3A_1990 : memref<!tpu.dma_semaphore, #tpu.memory_space<semaphore_mem>>) src(%dma_wait3A_2006 : memref<20x128xi32, #tpu.memory_space<hbm>>) dst(%arg11 : memref<20x128xi32, #tpu.memory_space<vmem>>)
      tpu.yield
    }) : () -> ()
    %add3A_6 = arith.constant 32 : i32
    %add3A_7 = arith.addi %add3A_6, %add3A : i32
    "tpu.region"() ({
      %run_scoped3A_1990 = tpu.sem_alloc : memref<!tpu.dma_semaphore, #tpu.memory_space<semaphore_mem>>
      %dma_start3A_1991 = arith.constant 0 : i32
      %dma_start3A_1992 = arith.constant 0 : i32
      %dma_start3A_1993 = tpu.memref_slice %arg6[%add3A_7, %dma_start3A_1991, %dma_start3A_1992] : memref<64x20x128xi32, #tpu.memory_space<hbm>> -> memref<1x20x128xi32, #tpu.memory_space<hbm>>
      %dma_start3A_1994 = tpu.memref_squeeze %dma_start3A_1993 : memref<1x20x128xi32, #tpu.memory_space<hbm>> -> memref<20x128xi32, #tpu.memory_space<hbm>>
      %dma_start3A_1995 = arith.constant 0 : i32
      %dma_start3A_1996 = arith.constant 0 : i32
      %dma_start3A_1997 = tpu.memref_slice %arg6[%add3A_7, %dma_start3A_1995, %dma_start3A_1996] : memref<64x20x128xi32, #tpu.memory_space<hbm>> -> memref<1x20x128xi32, #tpu.memory_space<hbm>>
      %dma_start3A_1998 = tpu.memref_squeeze %dma_start3A_1997 : memref<1x20x128xi32, #tpu.memory_space<hbm>> -> memref<20x128xi32, #tpu.memory_space<hbm>>
      tpu.enqueue_dma source(%dma_start3A_1998 : memref<20x128xi32, #tpu.memory_space<hbm>>) target(%arg12 : memref<20x128xi32, #tpu.memory_space<vmem>>) target_semaphore(%run_scoped3A_1990 : memref<!tpu.dma_semaphore, #tpu.memory_space<semaphore_mem>>)
      %dma_wait3A_1999 = arith.constant 0 : i32
      %dma_wait3A_2000 = arith.constant 0 : i32
      %dma_wait3A_2001 = tpu.memref_slice %arg6[%add3A_7, %dma_wait3A_1999, %dma_wait3A_2000] : memref<64x20x128xi32, #tpu.memory_space<hbm>> -> memref<1x20x128xi32, #tpu.memory_space<hbm>>
      %dma_wait3A_2002 = tpu.memref_squeeze %dma_wait3A_2001 : memref<1x20x128xi32, #tpu.memory_space<hbm>> -> memref<20x128xi32, #tpu.memory_space<hbm>>
      %dma_wait3A_2003 = arith.constant 0 : i32
      %dma_wait3A_2004 = arith.constant 0 : i32
      %dma_wait3A_2005 = tpu.memref_slice %arg6[%add3A_7, %dma_wait3A_2003, %dma_wait3A_2004] : memref<64x20x128xi32, #tpu.memory_space<hbm>> -> memref<1x20x128xi32, #tpu.memory_space<hbm>>
      %dma_wait3A_2006 = tpu.memref_squeeze %dma_wait3A_2005 : memref<1x20x128xi32, #tpu.memory_space<hbm>> -> memref<20x128xi32, #tpu.memory_space<hbm>>
      tpu.wait_dma2 semaphore(%run_scoped3A_1990 : memref<!tpu.dma_semaphore, #tpu.memory_space<semaphore_mem>>) src(%dma_wait3A_2006 : memref<20x128xi32, #tpu.memory_space<hbm>>) dst(%arg12 : memref<20x128xi32, #tpu.memory_space<vmem>>)
      tpu.yield
    }) : () -> ()
    %add3A_8 = arith.constant 0 : i32
    %add3A_9 = arith.addi %add3A_8, %mul3A_4 : i32
    "tpu.region"() ({
      %run_scoped3A_1990 = tpu.sem_alloc : memref<!tpu.dma_semaphore, #tpu.memory_space<semaphore_mem>>
      %dma_start3A_1991 = arith.constant 0 : i32
      %dma_start3A_1992 = tpu.memref_slice %arg14[%add3A_9, %dma_start3A_1991] : memref<6144x128xf32, #tpu.memory_space<vmem_shared>> -> memref<128x128xf32, #tpu.memory_space<vmem_shared>>
      tpu.enqueue_dma source(%arg7 : memref<128x128xf32, #tpu.memory_space<hbm>>) target(%dma_start3A_1992 : memref<128x128xf32, #tpu.memory_space<vmem_shared>>) target_semaphore(%run_scoped3A_1990 : memref<!tpu.dma_semaphore, #tpu.memory_space<semaphore_mem>>)
      %dma_wait3A_1993 = arith.constant 0 : i32
      %dma_wait3A_1994 = tpu.memref_slice %arg14[%add3A_9, %dma_wait3A_1993] : memref<6144x128xf32, #tpu.memory_space<vmem_shared>> -> memref<128x128xf32, #tpu.memory_space<vmem_shared>>
      tpu.wait_dma2 semaphore(%run_scoped3A_1990 : memref<!tpu.dma_semaphore, #tpu.memory_space<semaphore_mem>>) src(%arg7 : memref<128x128xf32, #tpu.memory_space<hbm>>) dst(%dma_wait3A_1994 : memref<128x128xf32, #tpu.memory_space<vmem_shared>>)
      tpu.yield
    }) : () -> ()
    %add3A_10 = arith.constant 2048 : i32
    %add3A_11 = arith.addi %add3A_10, %mul3A_4 : i32
    "tpu.region"() ({
      %run_scoped3A_1990 = tpu.sem_alloc : memref<!tpu.dma_semaphore, #tpu.memory_space<semaphore_mem>>
      %dma_start3A_1991 = arith.constant 0 : i32
      %dma_start3A_1992 = tpu.memref_slice %arg14[%add3A_11, %dma_start3A_1991] : memref<6144x128xf32, #tpu.memory_space<vmem_shared>> -> memref<128x128xf32, #tpu.memory_space<vmem_shared>>
      tpu.enqueue_dma source(%arg7 : memref<128x128xf32, #tpu.memory_space<hbm>>) target(%dma_start3A_1992 : memref<128x128xf32, #tpu.memory_space<vmem_shared>>) target_semaphore(%run_scoped3A_1990 : memref<!tpu.dma_semaphore, #tpu.memory_space<semaphore_mem>>)
      %dma_wait3A_1993 = arith.constant 0 : i32
      %dma_wait3A_1994 = tpu.memref_slice %arg14[%add3A_11, %dma_wait3A_1993] : memref<6144x128xf32, #tpu.memory_space<vmem_shared>> -> memref<128x128xf32, #tpu.memory_space<vmem_shared>>
      tpu.wait_dma2 semaphore(%run_scoped3A_1990 : memref<!tpu.dma_semaphore, #tpu.memory_space<semaphore_mem>>) src(%arg7 : memref<128x128xf32, #tpu.memory_space<hbm>>) dst(%dma_wait3A_1994 : memref<128x128xf32, #tpu.memory_space<vmem_shared>>)
      tpu.yield
    }) : () -> ()
    %dma_start3A = arith.constant 0 : i32
    %dma_start3A_12 = arith.constant 0 : i32
    %dma_start3A_13 = arith.constant 0 : i32
    %dma_start3A_14 = arith.constant 0 : i32
    %dma_start3A_15 = tpu.memref_slice %arg13[%dma_start3A_12, %dma_start3A_13, %dma_start3A_14] : memref<4x128x128xf32, #tpu.memory_space<vmem>> -> memref<1x128x128xf32, #tpu.memory_space<vmem>>
    %dma_start3A_16 = tpu.memref_squeeze %dma_start3A_15 : memref<1x128x128xf32, #tpu.memory_space<vmem>> -> memref<128x128xf32, #tpu.memory_space<vmem>>
    %dma_start3A_17 = arith.constant 0 : i32
    %dma_start3A_18 = tpu.memref_slice %arg10[%dma_start3A, %dma_start3A_17] : memref<2x2560xi32, #tpu.memory_space<vmem>> -> memref<1x128xi32, #tpu.memory_space<vmem>>
    %dma_start3A_19 = tpu.memref_squeeze %dma_start3A_18 : memref<1x128xi32, #tpu.memory_space<vmem>> -> memref<128xi32, #tpu.memory_space<vmem>>
    %dma_start3A_20 = arith.constant 0 : i32
    %dma_start3A_21 = arith.constant 0 : i32
    %dma_start3A_22 = tpu.memref_slice %arg2[%dma_start3A_20, %dma_start3A_21] : memref<253952x128xf32, #tpu.memory_space<hbm>> -> memref<253952x128xf32, #tpu.memory_space<hbm>>
    tpu.enqueue_indirect_dma source(%dma_start3A_22 : memref<253952x128xf32, #tpu.memory_space<hbm>>) target(%dma_start3A_16 : memref<128x128xf32, #tpu.memory_space<vmem>>) offsets(%dma_start3A_19 : memref<128xi32, #tpu.memory_space<vmem>>) semaphore(%arg15 : memref<!tpu.dma_semaphore, #tpu.memory_space<semaphore_mem>>)
    %dma_start3A_23 = arith.constant 0 : i32
    %dma_start3A_24 = arith.constant 1 : i32
    %dma_start3A_25 = arith.constant 0 : i32
    %dma_start3A_26 = arith.constant 0 : i32
    %dma_start3A_27 = tpu.memref_slice %arg13[%dma_start3A_24, %dma_start3A_25, %dma_start3A_26] : memref<4x128x128xf32, #tpu.memory_space<vmem>> -> memref<1x128x128xf32, #tpu.memory_space<vmem>>
    %dma_start3A_28 = tpu.memref_squeeze %dma_start3A_27 : memref<1x128x128xf32, #tpu.memory_space<vmem>> -> memref<128x128xf32, #tpu.memory_space<vmem>>
    %dma_start3A_29 = arith.constant 128 : i32
    %dma_start3A_30 = tpu.memref_slice %arg10[%dma_start3A_23, %dma_start3A_29] : memref<2x2560xi32, #tpu.memory_space<vmem>> -> memref<1x128xi32, #tpu.memory_space<vmem>>
    %dma_start3A_31 = tpu.memref_squeeze %dma_start3A_30 : memref<1x128xi32, #tpu.memory_space<vmem>> -> memref<128xi32, #tpu.memory_space<vmem>>
    %dma_start3A_32 = arith.constant 0 : i32
    %dma_start3A_33 = arith.constant 0 : i32
    %dma_start3A_34 = tpu.memref_slice %arg2[%dma_start3A_32, %dma_start3A_33] : memref<253952x128xf32, #tpu.memory_space<hbm>> -> memref<253952x128xf32, #tpu.memory_space<hbm>>
    tpu.enqueue_indirect_dma source(%dma_start3A_34 : memref<253952x128xf32, #tpu.memory_space<hbm>>) target(%dma_start3A_28 : memref<128x128xf32, #tpu.memory_space<vmem>>) offsets(%dma_start3A_31 : memref<128xi32, #tpu.memory_space<vmem>>) semaphore(%arg15 : memref<!tpu.dma_semaphore, #tpu.memory_space<semaphore_mem>>)
    %dma_start3A_35 = arith.constant 0 : i32
    %dma_start3A_36 = arith.constant 2 : i32
    %dma_start3A_37 = arith.constant 0 : i32
    %dma_start3A_38 = arith.constant 0 : i32
    %dma_start3A_39 = tpu.memref_slice %arg13[%dma_start3A_36, %dma_start3A_37, %dma_start3A_38] : memref<4x128x128xf32, #tpu.memory_space<vmem>> -> memref<1x128x128xf32, #tpu.memory_space<vmem>>
    %dma_start3A_40 = tpu.memref_squeeze %dma_start3A_39 : memref<1x128x128xf32, #tpu.memory_space<vmem>> -> memref<128x128xf32, #tpu.memory_space<vmem>>
    %dma_start3A_41 = arith.constant 256 : i32
    %dma_start3A_42 = tpu.memref_slice %arg10[%dma_start3A_35, %dma_start3A_41] : memref<2x2560xi32, #tpu.memory_space<vmem>> -> memref<1x128xi32, #tpu.memory_space<vmem>>
    %dma_start3A_43 = tpu.memref_squeeze %dma_start3A_42 : memref<1x128xi32, #tpu.memory_space<vmem>> -> memref<128xi32, #tpu.memory_space<vmem>>
    %dma_start3A_44 = arith.constant 0 : i32
    %dma_start3A_45 = arith.constant 0 : i32
    %dma_start3A_46 = tpu.memref_slice %arg2[%dma_start3A_44, %dma_start3A_45] : memref<253952x128xf32, #tpu.memory_space<hbm>> -> memref<253952x128xf32, #tpu.memory_space<hbm>>
    tpu.enqueue_indirect_dma source(%dma_start3A_46 : memref<253952x128xf32, #tpu.memory_space<hbm>>) target(%dma_start3A_40 : memref<128x128xf32, #tpu.memory_space<vmem>>) offsets(%dma_start3A_43 : memref<128xi32, #tpu.memory_space<vmem>>) semaphore(%arg15 : memref<!tpu.dma_semaphore, #tpu.memory_space<semaphore_mem>>)
    %dma_wait3A = arith.constant 0 : i32
    %dma_wait3A_47 = arith.constant 0 : i32
    %dma_wait3A_48 = arith.constant 0 : i32
    %dma_wait3A_49 = arith.constant 0 : i32
    %dma_wait3A_50 = tpu.memref_slice %arg13[%dma_wait3A_47, %dma_wait3A_48, %dma_wait3A_49] : memref<4x128x128xf32, #tpu.memory_space<vmem>> -> memref<1x128x128xf32, #tpu.memory_space<vmem>>
    %dma_wait3A_51 = tpu.memref_squeeze %dma_wait3A_50 : memref<1x128x128xf32, #tpu.memory_space<vmem>> -> memref<128x128xf32, #tpu.memory_space<vmem>>
    %dma_wait3A_52 = arith.constant 0 : i32
    %dma_wait3A_53 = tpu.memref_slice %arg10[%dma_wait3A, %dma_wait3A_52] : memref<2x2560xi32, #tpu.memory_space<vmem>> -> memref<1x128xi32, #tpu.memory_space<vmem>>
    %dma_wait3A_54 = tpu.memref_squeeze %dma_wait3A_53 : memref<1x128xi32, #tpu.memory_space<vmem>> -> memref<128xi32, #tpu.memory_space<vmem>>
    %dma_wait3A_55 = arith.constant 0 : i32
    %dma_wait3A_56 = arith.constant 0 : i32
    %dma_wait3A_57 = tpu.memref_slice %arg2[%dma_wait3A_55, %dma_wait3A_56] : memref<253952x128xf32, #tpu.memory_space<hbm>> -> memref<253952x128xf32, #tpu.memory_space<hbm>>
    tpu.wait_indirect_dma semaphore(%arg15 : memref<!tpu.dma_semaphore, #tpu.memory_space<semaphore_mem>>) src(%dma_wait3A_57 : memref<253952x128xf32, #tpu.memory_space<hbm>>) dst(%dma_wait3A_51 : memref<128x128xf32, #tpu.memory_space<vmem>>)
    %dma_start3A_58 = arith.constant 0 : i32
    %dma_start3A_59 = arith.constant 0 : i32
    %dma_start3A_60 = arith.constant 0 : i32
    %dma_start3A_61 = arith.constant 0 : i32
    %dma_start3A_62 = tpu.memref_slice %arg13[%dma_start3A_58, %dma_start3A_60, %dma_start3A_61] : memref<4x128x128xf32, #tpu.memory_space<vmem>> -> memref<1x128x128xf32, #tpu.memory_space<vmem>>
    %dma_start3A_63 = tpu.memref_squeeze %dma_start3A_62 : memref<1x128x128xf32, #tpu.memory_space<vmem>> -> memref<128x128xf32, #tpu.memory_space<vmem>>
    %dma_start3A_64 = arith.constant 0 : i32
    %dma_start3A_65 = tpu.memref_slice %arg11[%dma_start3A_59, %dma_start3A_64] : memref<20x128xi32, #tpu.memory_space<vmem>> -> memref<1x128xi32, #tpu.memory_space<vmem>>
    %dma_start3A_66 = tpu.memref_squeeze %dma_start3A_65 : memref<1x128xi32, #tpu.memory_space<vmem>> -> memref<128xi32, #tpu.memory_space<vmem>>
    %dma_start3A_67 = arith.constant 0 : i32
    %dma_start3A_68 = arith.constant 0 : i32
    %dma_start3A_69 = tpu.memref_slice %arg14[%dma_start3A_67, %dma_start3A_68] : memref<6144x128xf32, #tpu.memory_space<vmem_shared>> -> memref<6144x128xf32, #tpu.memory_space<vmem_shared>>
    tpu.enqueue_indirect_dma source(%dma_start3A_63 : memref<128x128xf32, #tpu.memory_space<vmem>>) target(%dma_start3A_69 : memref<6144x128xf32, #tpu.memory_space<vmem_shared>>) offsets(%dma_start3A_66 : memref<128xi32, #tpu.memory_space<vmem>>) semaphore(%arg16 : memref<!tpu.dma_semaphore, #tpu.memory_space<semaphore_mem>>) {add = true}
    %dma_start3A_70 = arith.constant 0 : i32
    %dma_start3A_71 = arith.constant 3 : i32
    %dma_start3A_72 = arith.constant 0 : i32
    %dma_start3A_73 = arith.constant 0 : i32
    %dma_start3A_74 = tpu.memref_slice %arg13[%dma_start3A_71, %dma_start3A_72, %dma_start3A_73] : memref<4x128x128xf32, #tpu.memory_space<vmem>> -> memref<1x128x128xf32, #tpu.memory_space<vmem>>
    %dma_start3A_75 = tpu.memref_squeeze %dma_start3A_74 : memref<1x128x128xf32, #tpu.memory_space<vmem>> -> memref<128x128xf32, #tpu.memory_space<vmem>>
    %dma_start3A_76 = arith.constant 384 : i32
    %dma_start3A_77 = tpu.memref_slice %arg10[%dma_start3A_70, %dma_start3A_76] : memref<2x2560xi32, #tpu.memory_space<vmem>> -> memref<1x128xi32, #tpu.memory_space<vmem>>
    %dma_start3A_78 = tpu.memref_squeeze %dma_start3A_77 : memref<1x128xi32, #tpu.memory_space<vmem>> -> memref<128xi32, #tpu.memory_space<vmem>>
    %dma_start3A_79 = arith.constant 0 : i32
    %dma_start3A_80 = arith.constant 0 : i32
    %dma_start3A_81 = tpu.memref_slice %arg2[%dma_start3A_79, %dma_start3A_80] : memref<253952x128xf32, #tpu.memory_space<hbm>> -> memref<253952x128xf32, #tpu.memory_space<hbm>>
    tpu.enqueue_indirect_dma source(%dma_start3A_81 : memref<253952x128xf32, #tpu.memory_space<hbm>>) target(%dma_start3A_75 : memref<128x128xf32, #tpu.memory_space<vmem>>) offsets(%dma_start3A_78 : memref<128xi32, #tpu.memory_space<vmem>>) semaphore(%arg15 : memref<!tpu.dma_semaphore, #tpu.memory_space<semaphore_mem>>)
    %dma_wait3A_82 = arith.constant 0 : i32
    %dma_wait3A_83 = arith.constant 1 : i32
    %dma_wait3A_84 = arith.constant 0 : i32
    %dma_wait3A_85 = arith.constant 0 : i32
    %dma_wait3A_86 = tpu.memref_slice %arg13[%dma_wait3A_83, %dma_wait3A_84, %dma_wait3A_85] : memref<4x128x128xf32, #tpu.memory_space<vmem>> -> memref<1x128x128xf32, #tpu.memory_space<vmem>>
    %dma_wait3A_87 = tpu.memref_squeeze %dma_wait3A_86 : memref<1x128x128xf32, #tpu.memory_space<vmem>> -> memref<128x128xf32, #tpu.memory_space<vmem>>
    %dma_wait3A_88 = arith.constant 128 : i32
    %dma_wait3A_89 = tpu.memref_slice %arg10[%dma_wait3A_82, %dma_wait3A_88] : memref<2x2560xi32, #tpu.memory_space<vmem>> -> memref<1x128xi32, #tpu.memory_space<vmem>>
    %dma_wait3A_90 = tpu.memref_squeeze %dma_wait3A_89 : memref<1x128xi32, #tpu.memory_space<vmem>> -> memref<128xi32, #tpu.memory_space<vmem>>
    %dma_wait3A_91 = arith.constant 0 : i32
    %dma_wait3A_92 = arith.constant 0 : i32
    %dma_wait3A_93 = tpu.memref_slice %arg2[%dma_wait3A_91, %dma_wait3A_92] : memref<253952x128xf32, #tpu.memory_space<hbm>> -> memref<253952x128xf32, #tpu.memory_space<hbm>>
    tpu.wait_indirect_dma semaphore(%arg15 : memref<!tpu.dma_semaphore, #tpu.memory_space<semaphore_mem>>) src(%dma_wait3A_93 : memref<253952x128xf32, #tpu.memory_space<hbm>>) dst(%dma_wait3A_87 : memref<128x128xf32, #tpu.memory_space<vmem>>)
    %dma_wait3A_94 = arith.constant 0 : i32
    %dma_wait3A_95 = arith.constant 0 : i32
    %dma_wait3A_96 = arith.constant 0 : i32
    %dma_wait3A_97 = arith.constant 0 : i32
    %dma_wait3A_98 = tpu.memref_slice %arg13[%dma_wait3A_94, %dma_wait3A_96, %dma_wait3A_97] : memref<4x128x128xf32, #tpu.memory_space<vmem>> -> memref<1x128x128xf32, #tpu.memory_space<vmem>>
    %dma_wait3A_99 = tpu.memref_squeeze %dma_wait3A_98 : memref<1x128x128xf32, #tpu.memory_space<vmem>> -> memref<128x128xf32, #tpu.memory_space<vmem>>
    %dma_wait3A_100 = arith.constant 0 : i32
    %dma_wait3A_101 = tpu.memref_slice %arg11[%dma_wait3A_95, %dma_wait3A_100] : memref<20x128xi32, #tpu.memory_space<vmem>> -> memref<1x128xi32, #tpu.memory_space<vmem>>
    %dma_wait3A_102 = tpu.memref_squeeze %dma_wait3A_101 : memref<1x128xi32, #tpu.memory_space<vmem>> -> memref<128xi32, #tpu.memory_space<vmem>>
    %dma_wait3A_103 = arith.constant 0 : i32
    %dma_wait3A_104 = arith.constant 0 : i32
    %dma_wait3A_105 = tpu.memref_slice %arg14[%dma_wait3A_103, %dma_wait3A_104] : memref<6144x128xf32, #tpu.memory_space<vmem_shared>> -> memref<6144x128xf32, #tpu.memory_space<vmem_shared>>
    tpu.wait_indirect_dma semaphore(%arg16 : memref<!tpu.dma_semaphore, #tpu.memory_space<semaphore_mem>>) src(%dma_wait3A_99 : memref<128x128xf32, #tpu.memory_space<vmem>>) dst(%dma_wait3A_105 : memref<6144x128xf32, #tpu.memory_space<vmem_shared>>)
    %dma_start3A_106 = arith.constant 1 : i32
    %dma_start3A_107 = arith.constant 1 : i32
    %dma_start3A_108 = arith.constant 0 : i32
    %dma_start3A_109 = arith.constant 0 : i32
    %dma_start3A_110 = tpu.memref_slice %arg13[%dma_start3A_106, %dma_start3A_108, %dma_start3A_109] : memref<4x128x128xf32, #tpu.memory_space<vmem>> -> memref<1x128x128xf32, #tpu.memory_space<vmem>>
    %dma_start3A_111 = tpu.memref_squeeze %dma_start3A_110 : memref<1x128x128xf32, #tpu.memory_space<vmem>> -> memref<128x128xf32, #tpu.memory_space<vmem>>
    %dma_start3A_112 = arith.constant 0 : i32
    %dma_start3A_113 = tpu.memref_slice %arg11[%dma_start3A_107, %dma_start3A_112] : memref<20x128xi32, #tpu.memory_space<vmem>> -> memref<1x128xi32, #tpu.memory_space<vmem>>
    %dma_start3A_114 = tpu.memref_squeeze %dma_start3A_113 : memref<1x128xi32, #tpu.memory_space<vmem>> -> memref<128xi32, #tpu.memory_space<vmem>>
    %dma_start3A_115 = arith.constant 0 : i32
    %dma_start3A_116 = arith.constant 0 : i32
    %dma_start3A_117 = tpu.memref_slice %arg14[%dma_start3A_115, %dma_start3A_116] : memref<6144x128xf32, #tpu.memory_space<vmem_shared>> -> memref<6144x128xf32, #tpu.memory_space<vmem_shared>>
    tpu.enqueue_indirect_dma source(%dma_start3A_111 : memref<128x128xf32, #tpu.memory_space<vmem>>) target(%dma_start3A_117 : memref<6144x128xf32, #tpu.memory_space<vmem_shared>>) offsets(%dma_start3A_114 : memref<128xi32, #tpu.memory_space<vmem>>) semaphore(%arg16 : memref<!tpu.dma_semaphore, #tpu.memory_space<semaphore_mem>>) {add = true}
    %dma_start3A_118 = arith.constant 0 : i32
    %dma_start3A_119 = arith.constant 0 : i32
    %dma_start3A_120 = arith.constant 0 : i32
    %dma_start3A_121 = arith.constant 0 : i32
    %dma_start3A_122 = tpu.memref_slice %arg13[%dma_start3A_119, %dma_start3A_120, %dma_start3A_121] : memref<4x128x128xf32, #tpu.memory_space<vmem>> -> memref<1x128x128xf32, #tpu.memory_space<vmem>>
    %dma_start3A_123 = tpu.memref_squeeze %dma_start3A_122 : memref<1x128x128xf32, #tpu.memory_space<vmem>> -> memref<128x128xf32, #tpu.memory_space<vmem>>
    %dma_start3A_124 = arith.constant 512 : i32
    %dma_start3A_125 = tpu.memref_slice %arg10[%dma_start3A_118, %dma_start3A_124] : memref<2x2560xi32, #tpu.memory_space<vmem>> -> memref<1x128xi32, #tpu.memory_space<vmem>>
    %dma_start3A_126 = tpu.memref_squeeze %dma_start3A_125 : memref<1x128xi32, #tpu.memory_space<vmem>> -> memref<128xi32, #tpu.memory_space<vmem>>
    %dma_start3A_127 = arith.constant 0 : i32
    %dma_start3A_128 = arith.constant 0 : i32
    %dma_start3A_129 = tpu.memref_slice %arg2[%dma_start3A_127, %dma_start3A_128] : memref<253952x128xf32, #tpu.memory_space<hbm>> -> memref<253952x128xf32, #tpu.memory_space<hbm>>
    tpu.enqueue_indirect_dma source(%dma_start3A_129 : memref<253952x128xf32, #tpu.memory_space<hbm>>) target(%dma_start3A_123 : memref<128x128xf32, #tpu.memory_space<vmem>>) offsets(%dma_start3A_126 : memref<128xi32, #tpu.memory_space<vmem>>) semaphore(%arg15 : memref<!tpu.dma_semaphore, #tpu.memory_space<semaphore_mem>>)
    %dma_wait3A_130 = arith.constant 0 : i32
    %dma_wait3A_131 = arith.constant 2 : i32
    %dma_wait3A_132 = arith.constant 0 : i32
    %dma_wait3A_133 = arith.constant 0 : i32
    %dma_wait3A_134 = tpu.memref_slice %arg13[%dma_wait3A_131, %dma_wait3A_132, %dma_wait3A_133] : memref<4x128x128xf32, #tpu.memory_space<vmem>> -> memref<1x128x128xf32, #tpu.memory_space<vmem>>
    %dma_wait3A_135 = tpu.memref_squeeze %dma_wait3A_134 : memref<1x128x128xf32, #tpu.memory_space<vmem>> -> memref<128x128xf32, #tpu.memory_space<vmem>>
    %dma_wait3A_136 = arith.constant 256 : i32
    %dma_wait3A_137 = tpu.memref_slice %arg10[%dma_wait3A_130, %dma_wait3A_136] : memref<2x2560xi32, #tpu.memory_space<vmem>> -> memref<1x128xi32, #tpu.memory_space<vmem>>
    %dma_wait3A_138 = tpu.memref_squeeze %dma_wait3A_137 : memref<1x128xi32, #tpu.memory_space<vmem>> -> memref<128xi32, #tpu.memory_space<vmem>>
    %dma_wait3A_139 = arith.constant 0 : i32
    %dma_wait3A_140 = arith.constant 0 : i32
    %dma_wait3A_141 = tpu.memref_slice %arg2[%dma_wait3A_139, %dma_wait3A_140] : memref<253952x128xf32, #tpu.memory_space<hbm>> -> memref<253952x128xf32, #tpu.memory_space<hbm>>
    tpu.wait_indirect_dma semaphore(%arg15 : memref<!tpu.dma_semaphore, #tpu.memory_space<semaphore_mem>>) src(%dma_wait3A_141 : memref<253952x128xf32, #tpu.memory_space<hbm>>) dst(%dma_wait3A_135 : memref<128x128xf32, #tpu.memory_space<vmem>>)
    %dma_wait3A_142 = arith.constant 1 : i32
    %dma_wait3A_143 = arith.constant 1 : i32
    %dma_wait3A_144 = arith.constant 0 : i32
    %dma_wait3A_145 = arith.constant 0 : i32
    %dma_wait3A_146 = tpu.memref_slice %arg13[%dma_wait3A_142, %dma_wait3A_144, %dma_wait3A_145] : memref<4x128x128xf32, #tpu.memory_space<vmem>> -> memref<1x128x128xf32, #tpu.memory_space<vmem>>
    %dma_wait3A_147 = tpu.memref_squeeze %dma_wait3A_146 : memref<1x128x128xf32, #tpu.memory_space<vmem>> -> memref<128x128xf32, #tpu.memory_space<vmem>>
    %dma_wait3A_148 = arith.constant 0 : i32
    %dma_wait3A_149 = tpu.memref_slice %arg11[%dma_wait3A_143, %dma_wait3A_148] : memref<20x128xi32, #tpu.memory_space<vmem>> -> memref<1x128xi32, #tpu.memory_space<vmem>>
    %dma_wait3A_150 = tpu.memref_squeeze %dma_wait3A_149 : memref<1x128xi32, #tpu.memory_space<vmem>> -> memref<128xi32, #tpu.memory_space<vmem>>
    %dma_wait3A_151 = arith.constant 0 : i32
    %dma_wait3A_152 = arith.constant 0 : i32
    %dma_wait3A_153 = tpu.memref_slice %arg14[%dma_wait3A_151, %dma_wait3A_152] : memref<6144x128xf32, #tpu.memory_space<vmem_shared>> -> memref<6144x128xf32, #tpu.memory_space<vmem_shared>>
    tpu.wait_indirect_dma semaphore(%arg16 : memref<!tpu.dma_semaphore, #tpu.memory_space<semaphore_mem>>) src(%dma_wait3A_147 : memref<128x128xf32, #tpu.memory_space<vmem>>) dst(%dma_wait3A_153 : memref<6144x128xf32, #tpu.memory_space<vmem_shared>>)
    %dma_start3A_154 = arith.constant 2 : i32
    %dma_start3A_155 = arith.constant 2 : i32
    %dma_start3A_156 = arith.constant 0 : i32
    %dma_start3A_157 = arith.constant 0 : i32
    %dma_start3A_158 = tpu.memref_slice %arg13[%dma_start3A_154, %dma_start3A_156, %dma_start3A_157] : memref<4x128x128xf32, #tpu.memory_space<vmem>> -> memref<1x128x128xf32, #tpu.memory_space<vmem>>
    %dma_start3A_159 = tpu.memref_squeeze %dma_start3A_158 : memref<1x128x128xf32, #tpu.memory_space<vmem>> -> memref<128x128xf32, #tpu.memory_space<vmem>>
    %dma_start3A_160 = arith.constant 0 : i32
    %dma_start3A_161 = tpu.memref_slice %arg11[%dma_start3A_155, %dma_start3A_160] : memref<20x128xi32, #tpu.memory_space<vmem>> -> memref<1x128xi32, #tpu.memory_space<vmem>>
    %dma_start3A_162 = tpu.memref_squeeze %dma_start3A_161 : memref<1x128xi32, #tpu.memory_space<vmem>> -> memref<128xi32, #tpu.memory_space<vmem>>
    %dma_start3A_163 = arith.constant 0 : i32
    %dma_start3A_164 = arith.constant 0 : i32
    %dma_start3A_165 = tpu.memref_slice %arg14[%dma_start3A_163, %dma_start3A_164] : memref<6144x128xf32, #tpu.memory_space<vmem_shared>> -> memref<6144x128xf32, #tpu.memory_space<vmem_shared>>
    tpu.enqueue_indirect_dma source(%dma_start3A_159 : memref<128x128xf32, #tpu.memory_space<vmem>>) target(%dma_start3A_165 : memref<6144x128xf32, #tpu.memory_space<vmem_shared>>) offsets(%dma_start3A_162 : memref<128xi32, #tpu.memory_space<vmem>>) semaphore(%arg16 : memref<!tpu.dma_semaphore, #tpu.memory_space<semaphore_mem>>) {add = true}
    %dma_start3A_166 = arith.constant 0 : i32
    %dma_start3A_167 = arith.constant 1 : i32
    %dma_start3A_168 = arith.constant 0 : i32
    %dma_start3A_169 = arith.constant 0 : i32
    %dma_start3A_170 = tpu.memref_slice %arg13[%dma_start3A_167, %dma_start3A_168, %dma_start3A_169] : memref<4x128x128xf32, #tpu.memory_space<vmem>> -> memref<1x128x128xf32, #tpu.memory_space<vmem>>
    %dma_start3A_171 = tpu.memref_squeeze %dma_start3A_170 : memref<1x128x128xf32, #tpu.memory_space<vmem>> -> memref<128x128xf32, #tpu.memory_space<vmem>>
    %dma_start3A_172 = arith.constant 640 : i32
    %dma_start3A_173 = tpu.memref_slice %arg10[%dma_start3A_166, %dma_start3A_172] : memref<2x2560xi32, #tpu.memory_space<vmem>> -> memref<1x128xi32, #tpu.memory_space<vmem>>
    %dma_start3A_174 = tpu.memref_squeeze %dma_start3A_173 : memref<1x128xi32, #tpu.memory_space<vmem>> -> memref<128xi32, #tpu.memory_space<vmem>>
    %dma_start3A_175 = arith.constant 0 : i32
    %dma_start3A_176 = arith.constant 0 : i32
    %dma_start3A_177 = tpu.memref_slice %arg2[%dma_start3A_175, %dma_start3A_176] : memref<253952x128xf32, #tpu.memory_space<hbm>> -> memref<253952x128xf32, #tpu.memory_space<hbm>>
    tpu.enqueue_indirect_dma source(%dma_start3A_177 : memref<253952x128xf32, #tpu.memory_space<hbm>>) target(%dma_start3A_171 : memref<128x128xf32, #tpu.memory_space<vmem>>) offsets(%dma_start3A_174 : memref<128xi32, #tpu.memory_space<vmem>>) semaphore(%arg15 : memref<!tpu.dma_semaphore, #tpu.memory_space<semaphore_mem>>)
    %dma_wait3A_178 = arith.constant 0 : i32
    %dma_wait3A_179 = arith.constant 3 : i32
    %dma_wait3A_180 = arith.constant 0 : i32
    %dma_wait3A_181 = arith.constant 0 : i32
    %dma_wait3A_182 = tpu.memref_slice %arg13[%dma_wait3A_179, %dma_wait3A_180, %dma_wait3A_181] : memref<4x128x128xf32, #tpu.memory_space<vmem>> -> memref<1x128x128xf32, #tpu.memory_space<vmem>>
    %dma_wait3A_183 = tpu.memref_squeeze %dma_wait3A_182 : memref<1x128x128xf32, #tpu.memory_space<vmem>> -> memref<128x128xf32, #tpu.memory_space<vmem>>
    %dma_wait3A_184 = arith.constant 384 : i32
    %dma_wait3A_185 = tpu.memref_slice %arg10[%dma_wait3A_178, %dma_wait3A_184] : memref<2x2560xi32, #tpu.memory_space<vmem>> -> memref<1x128xi32, #tpu.memory_space<vmem>>
    %dma_wait3A_186 = tpu.memref_squeeze %dma_wait3A_185 : memref<1x128xi32, #tpu.memory_space<vmem>> -> memref<128xi32, #tpu.memory_space<vmem>>
    %dma_wait3A_187 = arith.constant 0 : i32
    %dma_wait3A_188 = arith.constant 0 : i32
    %dma_wait3A_189 = tpu.memref_slice %arg2[%dma_wait3A_187, %dma_wait3A_188] : memref<253952x128xf32, #tpu.memory_space<hbm>> -> memref<253952x128xf32, #tpu.memory_space<hbm>>
    tpu.wait_indirect_dma semaphore(%arg15 : memref<!tpu.dma_semaphore, #tpu.memory_space<semaphore_mem>>) src(%dma_wait3A_189 : memref<253952x128xf32, #tpu.memory_space<hbm>>) dst(%dma_wait3A_183 : memref<128x128xf32, #tpu.memory_space<vmem>>)
    %dma_wait3A_190 = arith.constant 2 : i32
    %dma_wait3A_191 = arith.constant 2 : i32
    %dma_wait3A_192 = arith.constant 0 : i32
    %dma_wait3A_193 = arith.constant 0 : i32
    %dma_wait3A_194 = tpu.memref_slice %arg13[%dma_wait3A_190, %dma_wait3A_192, %dma_wait3A_193] : memref<4x128x128xf32, #tpu.memory_space<vmem>> -> memref<1x128x128xf32, #tpu.memory_space<vmem>>
    %dma_wait3A_195 = tpu.memref_squeeze %dma_wait3A_194 : memref<1x128x128xf32, #tpu.memory_space<vmem>> -> memref<128x128xf32, #tpu.memory_space<vmem>>
    %dma_wait3A_196 = arith.constant 0 : i32
    %dma_wait3A_197 = tpu.memref_slice %arg11[%dma_wait3A_191, %dma_wait3A_196] : memref<20x128xi32, #tpu.memory_space<vmem>> -> memref<1x128xi32, #tpu.memory_space<vmem>>
    %dma_wait3A_198 = tpu.memref_squeeze %dma_wait3A_197 : memref<1x128xi32, #tpu.memory_space<vmem>> -> memref<128xi32, #tpu.memory_space<vmem>>
    %dma_wait3A_199 = arith.constant 0 : i32
    %dma_wait3A_200 = arith.constant 0 : i32
    %dma_wait3A_201 = tpu.memref_slice %arg14[%dma_wait3A_199, %dma_wait3A_200] : memref<6144x128xf32, #tpu.memory_space<vmem_shared>> -> memref<6144x128xf32, #tpu.memory_space<vmem_shared>>
    tpu.wait_indirect_dma semaphore(%arg16 : memref<!tpu.dma_semaphore, #tpu.memory_space<semaphore_mem>>) src(%dma_wait3A_195 : memref<128x128xf32, #tpu.memory_space<vmem>>) dst(%dma_wait3A_201 : memref<6144x128xf32, #tpu.memory_space<vmem_shared>>)
    %dma_start3A_202 = arith.constant 3 : i32
    %dma_start3A_203 = arith.constant 3 : i32
    %dma_start3A_204 = arith.constant 0 : i32
    %dma_start3A_205 = arith.constant 0 : i32
    %dma_start3A_206 = tpu.memref_slice %arg13[%dma_start3A_202, %dma_start3A_204, %dma_start3A_205] : memref<4x128x128xf32, #tpu.memory_space<vmem>> -> memref<1x128x128xf32, #tpu.memory_space<vmem>>
    %dma_start3A_207 = tpu.memref_squeeze %dma_start3A_206 : memref<1x128x128xf32, #tpu.memory_space<vmem>> -> memref<128x128xf32, #tpu.memory_space<vmem>>
    %dma_start3A_208 = arith.constant 0 : i32
    %dma_start3A_209 = tpu.memref_slice %arg11[%dma_start3A_203, %dma_start3A_208] : memref<20x128xi32, #tpu.memory_space<vmem>> -> memref<1x128xi32, #tpu.memory_space<vmem>>
    %dma_start3A_210 = tpu.memref_squeeze %dma_start3A_209 : memref<1x128xi32, #tpu.memory_space<vmem>> -> memref<128xi32, #tpu.memory_space<vmem>>
    %dma_start3A_211 = arith.constant 0 : i32
    %dma_start3A_212 = arith.constant 0 : i32
    %dma_start3A_213 = tpu.memref_slice %arg14[%dma_start3A_211, %dma_start3A_212] : memref<6144x128xf32, #tpu.memory_space<vmem_shared>> -> memref<6144x128xf32, #tpu.memory_space<vmem_shared>>
    tpu.enqueue_indirect_dma source(%dma_start3A_207 : memref<128x128xf32, #tpu.memory_space<vmem>>) target(%dma_start3A_213 : memref<6144x128xf32, #tpu.memory_space<vmem_shared>>) offsets(%dma_start3A_210 : memref<128xi32, #tpu.memory_space<vmem>>) semaphore(%arg16 : memref<!tpu.dma_semaphore, #tpu.memory_space<semaphore_mem>>) {add = true}
    %dma_start3A_214 = arith.constant 0 : i32
    %dma_start3A_215 = arith.constant 2 : i32
    %dma_start3A_216 = arith.constant 0 : i32
    %dma_start3A_217 = arith.constant 0 : i32
    %dma_start3A_218 = tpu.memref_slice %arg13[%dma_start3A_215, %dma_start3A_216, %dma_start3A_217] : memref<4x128x128xf32, #tpu.memory_space<vmem>> -> memref<1x128x128xf32, #tpu.memory_space<vmem>>
    %dma_start3A_219 = tpu.memref_squeeze %dma_start3A_218 : memref<1x128x128xf32, #tpu.memory_space<vmem>> -> memref<128x128xf32, #tpu.memory_space<vmem>>
    %dma_start3A_220 = arith.constant 768 : i32
    %dma_start3A_221 = tpu.memref_slice %arg10[%dma_start3A_214, %dma_start3A_220] : memref<2x2560xi32, #tpu.memory_space<vmem>> -> memref<1x128xi32, #tpu.memory_space<vmem>>
    %dma_start3A_222 = tpu.memref_squeeze %dma_start3A_221 : memref<1x128xi32, #tpu.memory_space<vmem>> -> memref<128xi32, #tpu.memory_space<vmem>>
    %dma_start3A_223 = arith.constant 0 : i32
    %dma_start3A_224 = arith.constant 0 : i32
    %dma_start3A_225 = tpu.memref_slice %arg2[%dma_start3A_223, %dma_start3A_224] : memref<253952x128xf32, #tpu.memory_space<hbm>> -> memref<253952x128xf32, #tpu.memory_space<hbm>>
    tpu.enqueue_indirect_dma source(%dma_start3A_225 : memref<253952x128xf32, #tpu.memory_space<hbm>>) target(%dma_start3A_219 : memref<128x128xf32, #tpu.memory_space<vmem>>) offsets(%dma_start3A_222 : memref<128xi32, #tpu.memory_space<vmem>>) semaphore(%arg15 : memref<!tpu.dma_semaphore, #tpu.memory_space<semaphore_mem>>)
    %dma_wait3A_226 = arith.constant 0 : i32
    %dma_wait3A_227 = arith.constant 0 : i32
    %dma_wait3A_228 = arith.constant 0 : i32
    %dma_wait3A_229 = arith.constant 0 : i32
    %dma_wait3A_230 = tpu.memref_slice %arg13[%dma_wait3A_227, %dma_wait3A_228, %dma_wait3A_229] : memref<4x128x128xf32, #tpu.memory_space<vmem>> -> memref<1x128x128xf32, #tpu.memory_space<vmem>>
    %dma_wait3A_231 = tpu.memref_squeeze %dma_wait3A_230 : memref<1x128x128xf32, #tpu.memory_space<vmem>> -> memref<128x128xf32, #tpu.memory_space<vmem>>
    %dma_wait3A_232 = arith.constant 512 : i32
    %dma_wait3A_233 = tpu.memref_slice %arg10[%dma_wait3A_226, %dma_wait3A_232] : memref<2x2560xi32, #tpu.memory_space<vmem>> -> memref<1x128xi32, #tpu.memory_space<vmem>>
    %dma_wait3A_234 = tpu.memref_squeeze %dma_wait3A_233 : memref<1x128xi32, #tpu.memory_space<vmem>> -> memref<128xi32, #tpu.memory_space<vmem>>
    %dma_wait3A_235 = arith.constant 0 : i32
    %dma_wait3A_236 = arith.constant 0 : i32
    %dma_wait3A_237 = tpu.memref_slice %arg2[%dma_wait3A_235, %dma_wait3A_236] : memref<253952x128xf32, #tpu.memory_space<hbm>> -> memref<253952x128xf32, #tpu.memory_space<hbm>>
    tpu.wait_indirect_dma semaphore(%arg15 : memref<!tpu.dma_semaphore, #tpu.memory_space<semaphore_mem>>) src(%dma_wait3A_237 : memref<253952x128xf32, #tpu.memory_space<hbm>>) dst(%dma_wait3A_231 : memref<128x128xf32, #tpu.memory_space<vmem>>)
    %dma_wait3A_238 = arith.constant 3 : i32
    %dma_wait3A_239 = arith.constant 3 : i32
    %dma_wait3A_240 = arith.constant 0 : i32
    %dma_wait3A_241 = arith.constant 0 : i32
    %dma_wait3A_242 = tpu.memref_slice %arg13[%dma_wait3A_238, %dma_wait3A_240, %dma_wait3A_241] : memref<4x128x128xf32, #tpu.memory_space<vmem>> -> memref<1x128x128xf32, #tpu.memory_space<vmem>>
    %dma_wait3A_243 = tpu.memref_squeeze %dma_wait3A_242 : memref<1x128x128xf32, #tpu.memory_space<vmem>> -> memref<128x128xf32, #tpu.memory_space<vmem>>
    %dma_wait3A_244 = arith.constant 0 : i32
    %dma_wait3A_245 = tpu.memref_slice %arg11[%dma_wait3A_239, %dma_wait3A_244] : memref<20x128xi32, #tpu.memory_space<vmem>> -> memref<1x128xi32, #tpu.memory_space<vmem>>
    %dma_wait3A_246 = tpu.memref_squeeze %dma_wait3A_245 : memref<1x128xi32, #tpu.memory_space<vmem>> -> memref<128xi32, #tpu.memory_space<vmem>>
    %dma_wait3A_247 = arith.constant 0 : i32
    %dma_wait3A_248 = arith.constant 0 : i32
    %dma_wait3A_249 = tpu.memref_slice %arg14[%dma_wait3A_247, %dma_wait3A_248] : memref<6144x128xf32, #tpu.memory_space<vmem_shared>> -> memref<6144x128xf32, #tpu.memory_space<vmem_shared>>
    tpu.wait_indirect_dma semaphore(%arg16 : memref<!tpu.dma_semaphore, #tpu.memory_space<semaphore_mem>>) src(%dma_wait3A_243 : memref<128x128xf32, #tpu.memory_space<vmem>>) dst(%dma_wait3A_249 : memref<6144x128xf32, #tpu.memory_space<vmem_shared>>)
    %dma_start3A_250 = arith.constant 0 : i32
    %dma_start3A_251 = arith.constant 4 : i32
    %dma_start3A_252 = arith.constant 0 : i32
    %dma_start3A_253 = arith.constant 0 : i32
    %dma_start3A_254 = tpu.memref_slice %arg13[%dma_start3A_250, %dma_start3A_252, %dma_start3A_253] : memref<4x128x128xf32, #tpu.memory_space<vmem>> -> memref<1x128x128xf32, #tpu.memory_space<vmem>>
    %dma_start3A_255 = tpu.memref_squeeze %dma_start3A_254 : memref<1x128x128xf32, #tpu.memory_space<vmem>> -> memref<128x128xf32, #tpu.memory_space<vmem>>
    %dma_start3A_256 = arith.constant 0 : i32
    %dma_start3A_257 = tpu.memref_slice %arg11[%dma_start3A_251, %dma_start3A_256] : memref<20x128xi32, #tpu.memory_space<vmem>> -> memref<1x128xi32, #tpu.memory_space<vmem>>
    %dma_start3A_258 = tpu.memref_squeeze %dma_start3A_257 : memref<1x128xi32, #tpu.memory_space<vmem>> -> memref<128xi32, #tpu.memory_space<vmem>>
    %dma_start3A_259 = arith.constant 0 : i32
    %dma_start3A_260 = arith.constant 0 : i32
    %dma_start3A_261 = tpu.memref_slice %arg14[%dma_start3A_259, %dma_start3A_260] : memref<6144x128xf32, #tpu.memory_space<vmem_shared>> -> memref<6144x128xf32, #tpu.memory_space<vmem_shared>>
    tpu.enqueue_indirect_dma source(%dma_start3A_255 : memref<128x128xf32, #tpu.memory_space<vmem>>) target(%dma_start3A_261 : memref<6144x128xf32, #tpu.memory_space<vmem_shared>>) offsets(%dma_start3A_258 : memref<128xi32, #tpu.memory_space<vmem>>) semaphore(%arg16 : memref<!tpu.dma_semaphore, #tpu.memory_space<semaphore_mem>>) {add = true}
    %dma_start3A_262 = arith.constant 0 : i32
    %dma_start3A_263 = arith.constant 3 : i32
    %dma_start3A_264 = arith.constant 0 : i32
    %dma_start3A_265 = arith.constant 0 : i32
    %dma_start3A_266 = tpu.memref_slice %arg13[%dma_start3A_263, %dma_start3A_264, %dma_start3A_265] : memref<4x128x128xf32, #tpu.memory_space<vmem>> -> memref<1x128x128xf32, #tpu.memory_space<vmem>>
    %dma_start3A_267 = tpu.memref_squeeze %dma_start3A_266 : memref<1x128x128xf32, #tpu.memory_space<vmem>> -> memref<128x128xf32, #tpu.memory_space<vmem>>
    %dma_start3A_268 = arith.constant 896 : i32
    %dma_start3A_269 = tpu.memref_slice %arg10[%dma_start3A_262, %dma_start3A_268] : memref<2x2560xi32, #tpu.memory_space<vmem>> -> memref<1x128xi32, #tpu.memory_space<vmem>>
    %dma_start3A_270 = tpu.memref_squeeze %dma_start3A_269 : memref<1x128xi32, #tpu.memory_space<vmem>> -> memref<128xi32, #tpu.memory_space<vmem>>
    %dma_start3A_271 = arith.constant 0 : i32
    %dma_start3A_272 = arith.constant 0 : i32
    %dma_start3A_273 = tpu.memref_slice %arg2[%dma_start3A_271, %dma_start3A_272] : memref<253952x128xf32, #tpu.memory_space<hbm>> -> memref<253952x128xf32, #tpu.memory_space<hbm>>
    tpu.enqueue_indirect_dma source(%dma_start3A_273 : memref<253952x128xf32, #tpu.memory_space<hbm>>) target(%dma_start3A_267 : memref<128x128xf32, #tpu.memory_space<vmem>>) offsets(%dma_start3A_270 : memref<128xi32, #tpu.memory_space<vmem>>) semaphore(%arg15 : memref<!tpu.dma_semaphore, #tpu.memory_space<semaphore_mem>>)
    %dma_wait3A_274 = arith.constant 0 : i32
    %dma_wait3A_275 = arith.constant 4 : i32
    %dma_wait3A_276 = arith.constant 0 : i32
    %dma_wait3A_277 = arith.constant 0 : i32
    %dma_wait3A_278 = tpu.memref_slice %arg13[%dma_wait3A_274, %dma_wait3A_276, %dma_wait3A_277] : memref<4x128x128xf32, #tpu.memory_space<vmem>> -> memref<1x128x128xf32, #tpu.memory_space<vmem>>
    %dma_wait3A_279 = tpu.memref_squeeze %dma_wait3A_278 : memref<1x128x128xf32, #tpu.memory_space<vmem>> -> memref<128x128xf32, #tpu.memory_space<vmem>>
    %dma_wait3A_280 = arith.constant 0 : i32
    %dma_wait3A_281 = tpu.memref_slice %arg11[%dma_wait3A_275, %dma_wait3A_280] : memref<20x128xi32, #tpu.memory_space<vmem>> -> memref<1x128xi32, #tpu.memory_space<vmem>>
    %dma_wait3A_282 = tpu.memref_squeeze %dma_wait3A_281 : memref<1x128xi32, #tpu.memory_space<vmem>> -> memref<128xi32, #tpu.memory_space<vmem>>
    %dma_wait3A_283 = arith.constant 0 : i32
    %dma_wait3A_284 = arith.constant 0 : i32
    %dma_wait3A_285 = tpu.memref_slice %arg14[%dma_wait3A_283, %dma_wait3A_284] : memref<6144x128xf32, #tpu.memory_space<vmem_shared>> -> memref<6144x128xf32, #tpu.memory_space<vmem_shared>>
    tpu.wait_indirect_dma semaphore(%arg16 : memref<!tpu.dma_semaphore, #tpu.memory_space<semaphore_mem>>) src(%dma_wait3A_279 : memref<128x128xf32, #tpu.memory_space<vmem>>) dst(%dma_wait3A_285 : memref<6144x128xf32, #tpu.memory_space<vmem_shared>>)
    %add3A_286 = arith.constant 4096 : i32
    %add3A_287 = arith.addi %add3A_286, %mul3A_4 : i32
    "tpu.region"() ({
      %run_scoped3A_1990 = tpu.sem_alloc : memref<!tpu.dma_semaphore, #tpu.memory_space<semaphore_mem>>
      %dma_start3A_1991 = arith.constant 0 : i32
      %dma_start3A_1992 = tpu.memref_slice %arg14[%add3A_287, %dma_start3A_1991] : memref<6144x128xf32, #tpu.memory_space<vmem_shared>> -> memref<128x128xf32, #tpu.memory_space<vmem_shared>>
      tpu.enqueue_dma source(%arg7 : memref<128x128xf32, #tpu.memory_space<hbm>>) target(%dma_start3A_1992 : memref<128x128xf32, #tpu.memory_space<vmem_shared>>) target_semaphore(%run_scoped3A_1990 : memref<!tpu.dma_semaphore, #tpu.memory_space<semaphore_mem>>)
      %dma_wait3A_1993 = arith.constant 0 : i32
      %dma_wait3A_1994 = tpu.memref_slice %arg14[%add3A_287, %dma_wait3A_1993] : memref<6144x128xf32, #tpu.memory_space<vmem_shared>> -> memref<128x128xf32, #tpu.memory_space<vmem_shared>>
      tpu.wait_dma2 semaphore(%run_scoped3A_1990 : memref<!tpu.dma_semaphore, #tpu.memory_space<semaphore_mem>>) src(%arg7 : memref<128x128xf32, #tpu.memory_space<hbm>>) dst(%dma_wait3A_1994 : memref<128x128xf32, #tpu.memory_space<vmem_shared>>)
      tpu.yield
    }) : () -> ()
    %dma_wait3A_288 = arith.constant 0 : i32
    %dma_wait3A_289 = arith.constant 1 : i32
    %dma_wait3A_290 = arith.constant 0 : i32
    %dma_wait3A_291 = arith.constant 0 : i32
    %dma_wait3A_292 = tpu.memref_slice %arg13[%dma_wait3A_289, %dma_wait3A_290, %dma_wait3A_291] : memref<4x128x128xf32, #tpu.memory_space<vmem>> -> memref<1x128x128xf32, #tpu.memory_space<vmem>>
    %dma_wait3A_293 = tpu.memref_squeeze %dma_wait3A_292 : memref<1x128x128xf32, #tpu.memory_space<vmem>> -> memref<128x128xf32, #tpu.memory_space<vmem>>
    %dma_wait3A_294 = arith.constant 640 : i32
    %dma_wait3A_295 = tpu.memref_slice %arg10[%dma_wait3A_288, %dma_wait3A_294] : memref<2x2560xi32, #tpu.memory_space<vmem>> -> memref<1x128xi32, #tpu.memory_space<vmem>>
    %dma_wait3A_296 = tpu.memref_squeeze %dma_wait3A_295 : memref<1x128xi32, #tpu.memory_space<vmem>> -> memref<128xi32, #tpu.memory_space<vmem>>
    %dma_wait3A_297 = arith.constant 0 : i32
    %dma_wait3A_298 = arith.constant 0 : i32
    %dma_wait3A_299 = tpu.memref_slice %arg2[%dma_wait3A_297, %dma_wait3A_298] : memref<253952x128xf32, #tpu.memory_space<hbm>> -> memref<253952x128xf32, #tpu.memory_space<hbm>>
    tpu.wait_indirect_dma semaphore(%arg15 : memref<!tpu.dma_semaphore, #tpu.memory_space<semaphore_mem>>) src(%dma_wait3A_299 : memref<253952x128xf32, #tpu.memory_space<hbm>>) dst(%dma_wait3A_293 : memref<128x128xf32, #tpu.memory_space<vmem>>)
    %dma_start3A_300 = arith.constant 1 : i32
    %dma_start3A_301 = arith.constant 5 : i32
    %dma_start3A_302 = arith.constant 0 : i32
    %dma_start3A_303 = arith.constant 0 : i32
    %dma_start3A_304 = tpu.memref_slice %arg13[%dma_start3A_300, %dma_start3A_302, %dma_start3A_303] : memref<4x128x128xf32, #tpu.memory_space<vmem>> -> memref<1x128x128xf32, #tpu.memory_space<vmem>>
    %dma_start3A_305 = tpu.memref_squeeze %dma_start3A_304 : memref<1x128x128xf32, #tpu.memory_space<vmem>> -> memref<128x128xf32, #tpu.memory_space<vmem>>
    %dma_start3A_306 = arith.constant 0 : i32
    %dma_start3A_307 = tpu.memref_slice %arg11[%dma_start3A_301, %dma_start3A_306] : memref<20x128xi32, #tpu.memory_space<vmem>> -> memref<1x128xi32, #tpu.memory_space<vmem>>
    %dma_start3A_308 = tpu.memref_squeeze %dma_start3A_307 : memref<1x128xi32, #tpu.memory_space<vmem>> -> memref<128xi32, #tpu.memory_space<vmem>>
    %dma_start3A_309 = arith.constant 0 : i32
    %dma_start3A_310 = arith.constant 0 : i32
    %dma_start3A_311 = tpu.memref_slice %arg14[%dma_start3A_309, %dma_start3A_310] : memref<6144x128xf32, #tpu.memory_space<vmem_shared>> -> memref<6144x128xf32, #tpu.memory_space<vmem_shared>>
    tpu.enqueue_indirect_dma source(%dma_start3A_305 : memref<128x128xf32, #tpu.memory_space<vmem>>) target(%dma_start3A_311 : memref<6144x128xf32, #tpu.memory_space<vmem_shared>>) offsets(%dma_start3A_308 : memref<128xi32, #tpu.memory_space<vmem>>) semaphore(%arg16 : memref<!tpu.dma_semaphore, #tpu.memory_space<semaphore_mem>>) {add = true}
    %dma_start3A_312 = arith.constant 0 : i32
    %dma_start3A_313 = arith.constant 0 : i32
    %dma_start3A_314 = arith.constant 0 : i32
    %dma_start3A_315 = arith.constant 0 : i32
    %dma_start3A_316 = tpu.memref_slice %arg13[%dma_start3A_313, %dma_start3A_314, %dma_start3A_315] : memref<4x128x128xf32, #tpu.memory_space<vmem>> -> memref<1x128x128xf32, #tpu.memory_space<vmem>>
    %dma_start3A_317 = tpu.memref_squeeze %dma_start3A_316 : memref<1x128x128xf32, #tpu.memory_space<vmem>> -> memref<128x128xf32, #tpu.memory_space<vmem>>
    %dma_start3A_318 = arith.constant 1024 : i32
    %dma_start3A_319 = tpu.memref_slice %arg10[%dma_start3A_312, %dma_start3A_318] : memref<2x2560xi32, #tpu.memory_space<vmem>> -> memref<1x128xi32, #tpu.memory_space<vmem>>
    %dma_start3A_320 = tpu.memref_squeeze %dma_start3A_319 : memref<1x128xi32, #tpu.memory_space<vmem>> -> memref<128xi32, #tpu.memory_space<vmem>>
    %dma_start3A_321 = arith.constant 0 : i32
    %dma_start3A_322 = arith.constant 0 : i32
    %dma_start3A_323 = tpu.memref_slice %arg2[%dma_start3A_321, %dma_start3A_322] : memref<253952x128xf32, #tpu.memory_space<hbm>> -> memref<253952x128xf32, #tpu.memory_space<hbm>>
    tpu.enqueue_indirect_dma source(%dma_start3A_323 : memref<253952x128xf32, #tpu.memory_space<hbm>>) target(%dma_start3A_317 : memref<128x128xf32, #tpu.memory_space<vmem>>) offsets(%dma_start3A_320 : memref<128xi32, #tpu.memory_space<vmem>>) semaphore(%arg15 : memref<!tpu.dma_semaphore, #tpu.memory_space<semaphore_mem>>)
    %dma_wait3A_324 = arith.constant 0 : i32
    %dma_wait3A_325 = arith.constant 2 : i32
    %dma_wait3A_326 = arith.constant 0 : i32
    %dma_wait3A_327 = arith.constant 0 : i32
    %dma_wait3A_328 = tpu.memref_slice %arg13[%dma_wait3A_325, %dma_wait3A_326, %dma_wait3A_327] : memref<4x128x128xf32, #tpu.memory_space<vmem>> -> memref<1x128x128xf32, #tpu.memory_space<vmem>>
    %dma_wait3A_329 = tpu.memref_squeeze %dma_wait3A_328 : memref<1x128x128xf32, #tpu.memory_space<vmem>> -> memref<128x128xf32, #tpu.memory_space<vmem>>
    %dma_wait3A_330 = arith.constant 768 : i32
    %dma_wait3A_331 = tpu.memref_slice %arg10[%dma_wait3A_324, %dma_wait3A_330] : memref<2x2560xi32, #tpu.memory_space<vmem>> -> memref<1x128xi32, #tpu.memory_space<vmem>>
    %dma_wait3A_332 = tpu.memref_squeeze %dma_wait3A_331 : memref<1x128xi32, #tpu.memory_space<vmem>> -> memref<128xi32, #tpu.memory_space<vmem>>
    %dma_wait3A_333 = arith.constant 0 : i32
    %dma_wait3A_334 = arith.constant 0 : i32
    %dma_wait3A_335 = tpu.memref_slice %arg2[%dma_wait3A_333, %dma_wait3A_334] : memref<253952x128xf32, #tpu.memory_space<hbm>> -> memref<253952x128xf32, #tpu.memory_space<hbm>>
    tpu.wait_indirect_dma semaphore(%arg15 : memref<!tpu.dma_semaphore, #tpu.memory_space<semaphore_mem>>) src(%dma_wait3A_335 : memref<253952x128xf32, #tpu.memory_space<hbm>>) dst(%dma_wait3A_329 : memref<128x128xf32, #tpu.memory_space<vmem>>)
    %dma_wait3A_336 = arith.constant 1 : i32
    %dma_wait3A_337 = arith.constant 5 : i32
    %dma_wait3A_338 = arith.constant 0 : i32
    %dma_wait3A_339 = arith.constant 0 : i32
    %dma_wait3A_340 = tpu.memref_slice %arg13[%dma_wait3A_336, %dma_wait3A_338, %dma_wait3A_339] : memref<4x128x128xf32, #tpu.memory_space<vmem>> -> memref<1x128x128xf32, #tpu.memory_space<vmem>>
    %dma_wait3A_341 = tpu.memref_squeeze %dma_wait3A_340 : memref<1x128x128xf32, #tpu.memory_space<vmem>> -> memref<128x128xf32, #tpu.memory_space<vmem>>
    %dma_wait3A_342 = arith.constant 0 : i32
    %dma_wait3A_343 = tpu.memref_slice %arg11[%dma_wait3A_337, %dma_wait3A_342] : memref<20x128xi32, #tpu.memory_space<vmem>> -> memref<1x128xi32, #tpu.memory_space<vmem>>
    %dma_wait3A_344 = tpu.memref_squeeze %dma_wait3A_343 : memref<1x128xi32, #tpu.memory_space<vmem>> -> memref<128xi32, #tpu.memory_space<vmem>>
    %dma_wait3A_345 = arith.constant 0 : i32
    %dma_wait3A_346 = arith.constant 0 : i32
    %dma_wait3A_347 = tpu.memref_slice %arg14[%dma_wait3A_345, %dma_wait3A_346] : memref<6144x128xf32, #tpu.memory_space<vmem_shared>> -> memref<6144x128xf32, #tpu.memory_space<vmem_shared>>
    tpu.wait_indirect_dma semaphore(%arg16 : memref<!tpu.dma_semaphore, #tpu.memory_space<semaphore_mem>>) src(%dma_wait3A_341 : memref<128x128xf32, #tpu.memory_space<vmem>>) dst(%dma_wait3A_347 : memref<6144x128xf32, #tpu.memory_space<vmem_shared>>)
    %dma_start3A_348 = arith.constant 2 : i32
    %dma_start3A_349 = arith.constant 6 : i32
    %dma_start3A_350 = arith.constant 0 : i32
    %dma_start3A_351 = arith.constant 0 : i32
    %dma_start3A_352 = tpu.memref_slice %arg13[%dma_start3A_348, %dma_start3A_350, %dma_start3A_351] : memref<4x128x128xf32, #tpu.memory_space<vmem>> -> memref<1x128x128xf32, #tpu.memory_space<vmem>>
    %dma_start3A_353 = tpu.memref_squeeze %dma_start3A_352 : memref<1x128x128xf32, #tpu.memory_space<vmem>> -> memref<128x128xf32, #tpu.memory_space<vmem>>
    %dma_start3A_354 = arith.constant 0 : i32
    %dma_start3A_355 = tpu.memref_slice %arg11[%dma_start3A_349, %dma_start3A_354] : memref<20x128xi32, #tpu.memory_space<vmem>> -> memref<1x128xi32, #tpu.memory_space<vmem>>
    %dma_start3A_356 = tpu.memref_squeeze %dma_start3A_355 : memref<1x128xi32, #tpu.memory_space<vmem>> -> memref<128xi32, #tpu.memory_space<vmem>>
    %dma_start3A_357 = arith.constant 0 : i32
    %dma_start3A_358 = arith.constant 0 : i32
    %dma_start3A_359 = tpu.memref_slice %arg14[%dma_start3A_357, %dma_start3A_358] : memref<6144x128xf32, #tpu.memory_space<vmem_shared>> -> memref<6144x128xf32, #tpu.memory_space<vmem_shared>>
    tpu.enqueue_indirect_dma source(%dma_start3A_353 : memref<128x128xf32, #tpu.memory_space<vmem>>) target(%dma_start3A_359 : memref<6144x128xf32, #tpu.memory_space<vmem_shared>>) offsets(%dma_start3A_356 : memref<128xi32, #tpu.memory_space<vmem>>) semaphore(%arg16 : memref<!tpu.dma_semaphore, #tpu.memory_space<semaphore_mem>>) {add = true}
    %dma_start3A_360 = arith.constant 0 : i32
    %dma_start3A_361 = arith.constant 1 : i32
    %dma_start3A_362 = arith.constant 0 : i32
    %dma_start3A_363 = arith.constant 0 : i32
    %dma_start3A_364 = tpu.memref_slice %arg13[%dma_start3A_361, %dma_start3A_362, %dma_start3A_363] : memref<4x128x128xf32, #tpu.memory_space<vmem>> -> memref<1x128x128xf32, #tpu.memory_space<vmem>>
    %dma_start3A_365 = tpu.memref_squeeze %dma_start3A_364 : memref<1x128x128xf32, #tpu.memory_space<vmem>> -> memref<128x128xf32, #tpu.memory_space<vmem>>
    %dma_start3A_366 = arith.constant 1152 : i32
    %dma_start3A_367 = tpu.memref_slice %arg10[%dma_start3A_360, %dma_start3A_366] : memref<2x2560xi32, #tpu.memory_space<vmem>> -> memref<1x128xi32, #tpu.memory_space<vmem>>
    %dma_start3A_368 = tpu.memref_squeeze %dma_start3A_367 : memref<1x128xi32, #tpu.memory_space<vmem>> -> memref<128xi32, #tpu.memory_space<vmem>>
    %dma_start3A_369 = arith.constant 0 : i32
    %dma_start3A_370 = arith.constant 0 : i32
    %dma_start3A_371 = tpu.memref_slice %arg2[%dma_start3A_369, %dma_start3A_370] : memref<253952x128xf32, #tpu.memory_space<hbm>> -> memref<253952x128xf32, #tpu.memory_space<hbm>>
    tpu.enqueue_indirect_dma source(%dma_start3A_371 : memref<253952x128xf32, #tpu.memory_space<hbm>>) target(%dma_start3A_365 : memref<128x128xf32, #tpu.memory_space<vmem>>) offsets(%dma_start3A_368 : memref<128xi32, #tpu.memory_space<vmem>>) semaphore(%arg15 : memref<!tpu.dma_semaphore, #tpu.memory_space<semaphore_mem>>)
    %dma_wait3A_372 = arith.constant 0 : i32
    %dma_wait3A_373 = arith.constant 3 : i32
    %dma_wait3A_374 = arith.constant 0 : i32
    %dma_wait3A_375 = arith.constant 0 : i32
    %dma_wait3A_376 = tpu.memref_slice %arg13[%dma_wait3A_373, %dma_wait3A_374, %dma_wait3A_375] : memref<4x128x128xf32, #tpu.memory_space<vmem>> -> memref<1x128x128xf32, #tpu.memory_space<vmem>>
    %dma_wait3A_377 = tpu.memref_squeeze %dma_wait3A_376 : memref<1x128x128xf32, #tpu.memory_space<vmem>> -> memref<128x128xf32, #tpu.memory_space<vmem>>
    %dma_wait3A_378 = arith.constant 896 : i32
    %dma_wait3A_379 = tpu.memref_slice %arg10[%dma_wait3A_372, %dma_wait3A_378] : memref<2x2560xi32, #tpu.memory_space<vmem>> -> memref<1x128xi32, #tpu.memory_space<vmem>>
    %dma_wait3A_380 = tpu.memref_squeeze %dma_wait3A_379 : memref<1x128xi32, #tpu.memory_space<vmem>> -> memref<128xi32, #tpu.memory_space<vmem>>
    %dma_wait3A_381 = arith.constant 0 : i32
    %dma_wait3A_382 = arith.constant 0 : i32
    %dma_wait3A_383 = tpu.memref_slice %arg2[%dma_wait3A_381, %dma_wait3A_382] : memref<253952x128xf32, #tpu.memory_space<hbm>> -> memref<253952x128xf32, #tpu.memory_space<hbm>>
    tpu.wait_indirect_dma semaphore(%arg15 : memref<!tpu.dma_semaphore, #tpu.memory_space<semaphore_mem>>) src(%dma_wait3A_383 : memref<253952x128xf32, #tpu.memory_space<hbm>>) dst(%dma_wait3A_377 : memref<128x128xf32, #tpu.memory_space<vmem>>)
    %dma_wait3A_384 = arith.constant 2 : i32
    %dma_wait3A_385 = arith.constant 6 : i32
    %dma_wait3A_386 = arith.constant 0 : i32
    %dma_wait3A_387 = arith.constant 0 : i32
    %dma_wait3A_388 = tpu.memref_slice %arg13[%dma_wait3A_384, %dma_wait3A_386, %dma_wait3A_387] : memref<4x128x128xf32, #tpu.memory_space<vmem>> -> memref<1x128x128xf32, #tpu.memory_space<vmem>>
    %dma_wait3A_389 = tpu.memref_squeeze %dma_wait3A_388 : memref<1x128x128xf32, #tpu.memory_space<vmem>> -> memref<128x128xf32, #tpu.memory_space<vmem>>
    %dma_wait3A_390 = arith.constant 0 : i32
    %dma_wait3A_391 = tpu.memref_slice %arg11[%dma_wait3A_385, %dma_wait3A_390] : memref<20x128xi32, #tpu.memory_space<vmem>> -> memref<1x128xi32, #tpu.memory_space<vmem>>
    %dma_wait3A_392 = tpu.memref_squeeze %dma_wait3A_391 : memref<1x128xi32, #tpu.memory_space<vmem>> -> memref<128xi32, #tpu.memory_space<vmem>>
    %dma_wait3A_393 = arith.constant 0 : i32
    %dma_wait3A_394 = arith.constant 0 : i32
    %dma_wait3A_395 = tpu.memref_slice %arg14[%dma_wait3A_393, %dma_wait3A_394] : memref<6144x128xf32, #tpu.memory_space<vmem_shared>> -> memref<6144x128xf32, #tpu.memory_space<vmem_shared>>
    tpu.wait_indirect_dma semaphore(%arg16 : memref<!tpu.dma_semaphore, #tpu.memory_space<semaphore_mem>>) src(%dma_wait3A_389 : memref<128x128xf32, #tpu.memory_space<vmem>>) dst(%dma_wait3A_395 : memref<6144x128xf32, #tpu.memory_space<vmem_shared>>)
    %dma_start3A_396 = arith.constant 3 : i32
    %dma_start3A_397 = arith.constant 7 : i32
    %dma_start3A_398 = arith.constant 0 : i32
    %dma_start3A_399 = arith.constant 0 : i32
    %dma_start3A_400 = tpu.memref_slice %arg13[%dma_start3A_396, %dma_start3A_398, %dma_start3A_399] : memref<4x128x128xf32, #tpu.memory_space<vmem>> -> memref<1x128x128xf32, #tpu.memory_space<vmem>>
    %dma_start3A_401 = tpu.memref_squeeze %dma_start3A_400 : memref<1x128x128xf32, #tpu.memory_space<vmem>> -> memref<128x128xf32, #tpu.memory_space<vmem>>
    %dma_start3A_402 = arith.constant 0 : i32
    %dma_start3A_403 = tpu.memref_slice %arg11[%dma_start3A_397, %dma_start3A_402] : memref<20x128xi32, #tpu.memory_space<vmem>> -> memref<1x128xi32, #tpu.memory_space<vmem>>
    %dma_start3A_404 = tpu.memref_squeeze %dma_start3A_403 : memref<1x128xi32, #tpu.memory_space<vmem>> -> memref<128xi32, #tpu.memory_space<vmem>>
    %dma_start3A_405 = arith.constant 0 : i32
    %dma_start3A_406 = arith.constant 0 : i32
    %dma_start3A_407 = tpu.memref_slice %arg14[%dma_start3A_405, %dma_start3A_406] : memref<6144x128xf32, #tpu.memory_space<vmem_shared>> -> memref<6144x128xf32, #tpu.memory_space<vmem_shared>>
    tpu.enqueue_indirect_dma source(%dma_start3A_401 : memref<128x128xf32, #tpu.memory_space<vmem>>) target(%dma_start3A_407 : memref<6144x128xf32, #tpu.memory_space<vmem_shared>>) offsets(%dma_start3A_404 : memref<128xi32, #tpu.memory_space<vmem>>) semaphore(%arg16 : memref<!tpu.dma_semaphore, #tpu.memory_space<semaphore_mem>>) {add = true}
    %dma_start3A_408 = arith.constant 0 : i32
    %dma_start3A_409 = arith.constant 2 : i32
    %dma_start3A_410 = arith.constant 0 : i32
    %dma_start3A_411 = arith.constant 0 : i32
    %dma_start3A_412 = tpu.memref_slice %arg13[%dma_start3A_409, %dma_start3A_410, %dma_start3A_411] : memref<4x128x128xf32, #tpu.memory_space<vmem>> -> memref<1x128x128xf32, #tpu.memory_space<vmem>>
    %dma_start3A_413 = tpu.memref_squeeze %dma_start3A_412 : memref<1x128x128xf32, #tpu.memory_space<vmem>> -> memref<128x128xf32, #tpu.memory_space<vmem>>
    %dma_start3A_414 = arith.constant 1280 : i32
    %dma_start3A_415 = tpu.memref_slice %arg10[%dma_start3A_408, %dma_start3A_414] : memref<2x2560xi32, #tpu.memory_space<vmem>> -> memref<1x128xi32, #tpu.memory_space<vmem>>
    %dma_start3A_416 = tpu.memref_squeeze %dma_start3A_415 : memref<1x128xi32, #tpu.memory_space<vmem>> -> memref<128xi32, #tpu.memory_space<vmem>>
    %dma_start3A_417 = arith.constant 0 : i32
    %dma_start3A_418 = arith.constant 0 : i32
    %dma_start3A_419 = tpu.memref_slice %arg2[%dma_start3A_417, %dma_start3A_418] : memref<253952x128xf32, #tpu.memory_space<hbm>> -> memref<253952x128xf32, #tpu.memory_space<hbm>>
    tpu.enqueue_indirect_dma source(%dma_start3A_419 : memref<253952x128xf32, #tpu.memory_space<hbm>>) target(%dma_start3A_413 : memref<128x128xf32, #tpu.memory_space<vmem>>) offsets(%dma_start3A_416 : memref<128xi32, #tpu.memory_space<vmem>>) semaphore(%arg15 : memref<!tpu.dma_semaphore, #tpu.memory_space<semaphore_mem>>)
    %dma_wait3A_420 = arith.constant 0 : i32
    %dma_wait3A_421 = arith.constant 0 : i32
    %dma_wait3A_422 = arith.constant 0 : i32
    %dma_wait3A_423 = arith.constant 0 : i32
    %dma_wait3A_424 = tpu.memref_slice %arg13[%dma_wait3A_421, %dma_wait3A_422, %dma_wait3A_423] : memref<4x128x128xf32, #tpu.memory_space<vmem>> -> memref<1x128x128xf32, #tpu.memory_space<vmem>>
    %dma_wait3A_425 = tpu.memref_squeeze %dma_wait3A_424 : memref<1x128x128xf32, #tpu.memory_space<vmem>> -> memref<128x128xf32, #tpu.memory_space<vmem>>
    %dma_wait3A_426 = arith.constant 1024 : i32
    %dma_wait3A_427 = tpu.memref_slice %arg10[%dma_wait3A_420, %dma_wait3A_426] : memref<2x2560xi32, #tpu.memory_space<vmem>> -> memref<1x128xi32, #tpu.memory_space<vmem>>
    %dma_wait3A_428 = tpu.memref_squeeze %dma_wait3A_427 : memref<1x128xi32, #tpu.memory_space<vmem>> -> memref<128xi32, #tpu.memory_space<vmem>>
    %dma_wait3A_429 = arith.constant 0 : i32
    %dma_wait3A_430 = arith.constant 0 : i32
    %dma_wait3A_431 = tpu.memref_slice %arg2[%dma_wait3A_429, %dma_wait3A_430] : memref<253952x128xf32, #tpu.memory_space<hbm>> -> memref<253952x128xf32, #tpu.memory_space<hbm>>
    tpu.wait_indirect_dma semaphore(%arg15 : memref<!tpu.dma_semaphore, #tpu.memory_space<semaphore_mem>>) src(%dma_wait3A_431 : memref<253952x128xf32, #tpu.memory_space<hbm>>) dst(%dma_wait3A_425 : memref<128x128xf32, #tpu.memory_space<vmem>>)
    %dma_wait3A_432 = arith.constant 3 : i32
    %dma_wait3A_433 = arith.constant 7 : i32
    %dma_wait3A_434 = arith.constant 0 : i32
    %dma_wait3A_435 = arith.constant 0 : i32
    %dma_wait3A_436 = tpu.memref_slice %arg13[%dma_wait3A_432, %dma_wait3A_434, %dma_wait3A_435] : memref<4x128x128xf32, #tpu.memory_space<vmem>> -> memref<1x128x128xf32, #tpu.memory_space<vmem>>
    %dma_wait3A_437 = tpu.memref_squeeze %dma_wait3A_436 : memref<1x128x128xf32, #tpu.memory_space<vmem>> -> memref<128x128xf32, #tpu.memory_space<vmem>>
    %dma_wait3A_438 = arith.constant 0 : i32
    %dma_wait3A_439 = tpu.memref_slice %arg11[%dma_wait3A_433, %dma_wait3A_438] : memref<20x128xi32, #tpu.memory_space<vmem>> -> memref<1x128xi32, #tpu.memory_space<vmem>>
    %dma_wait3A_440 = tpu.memref_squeeze %dma_wait3A_439 : memref<1x128xi32, #tpu.memory_space<vmem>> -> memref<128xi32, #tpu.memory_space<vmem>>
    %dma_wait3A_441 = arith.constant 0 : i32
    %dma_wait3A_442 = arith.constant 0 : i32
    %dma_wait3A_443 = tpu.memref_slice %arg14[%dma_wait3A_441, %dma_wait3A_442] : memref<6144x128xf32, #tpu.memory_space<vmem_shared>> -> memref<6144x128xf32, #tpu.memory_space<vmem_shared>>
    tpu.wait_indirect_dma semaphore(%arg16 : memref<!tpu.dma_semaphore, #tpu.memory_space<semaphore_mem>>) src(%dma_wait3A_437 : memref<128x128xf32, #tpu.memory_space<vmem>>) dst(%dma_wait3A_443 : memref<6144x128xf32, #tpu.memory_space<vmem_shared>>)
    %dma_start3A_444 = arith.constant 0 : i32
    %dma_start3A_445 = arith.constant 8 : i32
    %dma_start3A_446 = arith.constant 0 : i32
    %dma_start3A_447 = arith.constant 0 : i32
    %dma_start3A_448 = tpu.memref_slice %arg13[%dma_start3A_444, %dma_start3A_446, %dma_start3A_447] : memref<4x128x128xf32, #tpu.memory_space<vmem>> -> memref<1x128x128xf32, #tpu.memory_space<vmem>>
    %dma_start3A_449 = tpu.memref_squeeze %dma_start3A_448 : memref<1x128x128xf32, #tpu.memory_space<vmem>> -> memref<128x128xf32, #tpu.memory_space<vmem>>
    %dma_start3A_450 = arith.constant 0 : i32
    %dma_start3A_451 = tpu.memref_slice %arg11[%dma_start3A_445, %dma_start3A_450] : memref<20x128xi32, #tpu.memory_space<vmem>> -> memref<1x128xi32, #tpu.memory_space<vmem>>
    %dma_start3A_452 = tpu.memref_squeeze %dma_start3A_451 : memref<1x128xi32, #tpu.memory_space<vmem>> -> memref<128xi32, #tpu.memory_space<vmem>>
    %dma_start3A_453 = arith.constant 0 : i32
    %dma_start3A_454 = arith.constant 0 : i32
    %dma_start3A_455 = tpu.memref_slice %arg14[%dma_start3A_453, %dma_start3A_454] : memref<6144x128xf32, #tpu.memory_space<vmem_shared>> -> memref<6144x128xf32, #tpu.memory_space<vmem_shared>>
    tpu.enqueue_indirect_dma source(%dma_start3A_449 : memref<128x128xf32, #tpu.memory_space<vmem>>) target(%dma_start3A_455 : memref<6144x128xf32, #tpu.memory_space<vmem_shared>>) offsets(%dma_start3A_452 : memref<128xi32, #tpu.memory_space<vmem>>) semaphore(%arg16 : memref<!tpu.dma_semaphore, #tpu.memory_space<semaphore_mem>>) {add = true}
    %dma_start3A_456 = arith.constant 0 : i32
    %dma_start3A_457 = arith.constant 3 : i32
    %dma_start3A_458 = arith.constant 0 : i32
    %dma_start3A_459 = arith.constant 0 : i32
    %dma_start3A_460 = tpu.memref_slice %arg13[%dma_start3A_457, %dma_start3A_458, %dma_start3A_459] : memref<4x128x128xf32, #tpu.memory_space<vmem>> -> memref<1x128x128xf32, #tpu.memory_space<vmem>>
    %dma_start3A_461 = tpu.memref_squeeze %dma_start3A_460 : memref<1x128x128xf32, #tpu.memory_space<vmem>> -> memref<128x128xf32, #tpu.memory_space<vmem>>
    %dma_start3A_462 = arith.constant 1408 : i32
    %dma_start3A_463 = tpu.memref_slice %arg10[%dma_start3A_456, %dma_start3A_462] : memref<2x2560xi32, #tpu.memory_space<vmem>> -> memref<1x128xi32, #tpu.memory_space<vmem>>
    %dma_start3A_464 = tpu.memref_squeeze %dma_start3A_463 : memref<1x128xi32, #tpu.memory_space<vmem>> -> memref<128xi32, #tpu.memory_space<vmem>>
    %dma_start3A_465 = arith.constant 0 : i32
    %dma_start3A_466 = arith.constant 0 : i32
    %dma_start3A_467 = tpu.memref_slice %arg2[%dma_start3A_465, %dma_start3A_466] : memref<253952x128xf32, #tpu.memory_space<hbm>> -> memref<253952x128xf32, #tpu.memory_space<hbm>>
    tpu.enqueue_indirect_dma source(%dma_start3A_467 : memref<253952x128xf32, #tpu.memory_space<hbm>>) target(%dma_start3A_461 : memref<128x128xf32, #tpu.memory_space<vmem>>) offsets(%dma_start3A_464 : memref<128xi32, #tpu.memory_space<vmem>>) semaphore(%arg15 : memref<!tpu.dma_semaphore, #tpu.memory_space<semaphore_mem>>)
    %dma_wait3A_468 = arith.constant 0 : i32
    %dma_wait3A_469 = arith.constant 1 : i32
    %dma_wait3A_470 = arith.constant 0 : i32
    %dma_wait3A_471 = arith.constant 0 : i32
    %dma_wait3A_472 = tpu.memref_slice %arg13[%dma_wait3A_469, %dma_wait3A_470, %dma_wait3A_471] : memref<4x128x128xf32, #tpu.memory_space<vmem>> -> memref<1x128x128xf32, #tpu.memory_space<vmem>>
    %dma_wait3A_473 = tpu.memref_squeeze %dma_wait3A_472 : memref<1x128x128xf32, #tpu.memory_space<vmem>> -> memref<128x128xf32, #tpu.memory_space<vmem>>
    %dma_wait3A_474 = arith.constant 1152 : i32
    %dma_wait3A_475 = tpu.memref_slice %arg10[%dma_wait3A_468, %dma_wait3A_474] : memref<2x2560xi32, #tpu.memory_space<vmem>> -> memref<1x128xi32, #tpu.memory_space<vmem>>
    %dma_wait3A_476 = tpu.memref_squeeze %dma_wait3A_475 : memref<1x128xi32, #tpu.memory_space<vmem>> -> memref<128xi32, #tpu.memory_space<vmem>>
    %dma_wait3A_477 = arith.constant 0 : i32
    %dma_wait3A_478 = arith.constant 0 : i32
    %dma_wait3A_479 = tpu.memref_slice %arg2[%dma_wait3A_477, %dma_wait3A_478] : memref<253952x128xf32, #tpu.memory_space<hbm>> -> memref<253952x128xf32, #tpu.memory_space<hbm>>
    tpu.wait_indirect_dma semaphore(%arg15 : memref<!tpu.dma_semaphore, #tpu.memory_space<semaphore_mem>>) src(%dma_wait3A_479 : memref<253952x128xf32, #tpu.memory_space<hbm>>) dst(%dma_wait3A_473 : memref<128x128xf32, #tpu.memory_space<vmem>>)
    %dma_wait3A_480 = arith.constant 0 : i32
    %dma_wait3A_481 = arith.constant 8 : i32
    %dma_wait3A_482 = arith.constant 0 : i32
    %dma_wait3A_483 = arith.constant 0 : i32
    %dma_wait3A_484 = tpu.memref_slice %arg13[%dma_wait3A_480, %dma_wait3A_482, %dma_wait3A_483] : memref<4x128x128xf32, #tpu.memory_space<vmem>> -> memref<1x128x128xf32, #tpu.memory_space<vmem>>
    %dma_wait3A_485 = tpu.memref_squeeze %dma_wait3A_484 : memref<1x128x128xf32, #tpu.memory_space<vmem>> -> memref<128x128xf32, #tpu.memory_space<vmem>>
    %dma_wait3A_486 = arith.constant 0 : i32
    %dma_wait3A_487 = tpu.memref_slice %arg11[%dma_wait3A_481, %dma_wait3A_486] : memref<20x128xi32, #tpu.memory_space<vmem>> -> memref<1x128xi32, #tpu.memory_space<vmem>>
    %dma_wait3A_488 = tpu.memref_squeeze %dma_wait3A_487 : memref<1x128xi32, #tpu.memory_space<vmem>> -> memref<128xi32, #tpu.memory_space<vmem>>
    %dma_wait3A_489 = arith.constant 0 : i32
    %dma_wait3A_490 = arith.constant 0 : i32
    %dma_wait3A_491 = tpu.memref_slice %arg14[%dma_wait3A_489, %dma_wait3A_490] : memref<6144x128xf32, #tpu.memory_space<vmem_shared>> -> memref<6144x128xf32, #tpu.memory_space<vmem_shared>>
    tpu.wait_indirect_dma semaphore(%arg16 : memref<!tpu.dma_semaphore, #tpu.memory_space<semaphore_mem>>) src(%dma_wait3A_485 : memref<128x128xf32, #tpu.memory_space<vmem>>) dst(%dma_wait3A_491 : memref<6144x128xf32, #tpu.memory_space<vmem_shared>>)
    %dma_start3A_492 = arith.constant 1 : i32
    %dma_start3A_493 = arith.constant 9 : i32
    %dma_start3A_494 = arith.constant 0 : i32
    %dma_start3A_495 = arith.constant 0 : i32
    %dma_start3A_496 = tpu.memref_slice %arg13[%dma_start3A_492, %dma_start3A_494, %dma_start3A_495] : memref<4x128x128xf32, #tpu.memory_space<vmem>> -> memref<1x128x128xf32, #tpu.memory_space<vmem>>
    %dma_start3A_497 = tpu.memref_squeeze %dma_start3A_496 : memref<1x128x128xf32, #tpu.memory_space<vmem>> -> memref<128x128xf32, #tpu.memory_space<vmem>>
    %dma_start3A_498 = arith.constant 0 : i32
    %dma_start3A_499 = tpu.memref_slice %arg11[%dma_start3A_493, %dma_start3A_498] : memref<20x128xi32, #tpu.memory_space<vmem>> -> memref<1x128xi32, #tpu.memory_space<vmem>>
    %dma_start3A_500 = tpu.memref_squeeze %dma_start3A_499 : memref<1x128xi32, #tpu.memory_space<vmem>> -> memref<128xi32, #tpu.memory_space<vmem>>
    %dma_start3A_501 = arith.constant 0 : i32
    %dma_start3A_502 = arith.constant 0 : i32
    %dma_start3A_503 = tpu.memref_slice %arg14[%dma_start3A_501, %dma_start3A_502] : memref<6144x128xf32, #tpu.memory_space<vmem_shared>> -> memref<6144x128xf32, #tpu.memory_space<vmem_shared>>
    tpu.enqueue_indirect_dma source(%dma_start3A_497 : memref<128x128xf32, #tpu.memory_space<vmem>>) target(%dma_start3A_503 : memref<6144x128xf32, #tpu.memory_space<vmem_shared>>) offsets(%dma_start3A_500 : memref<128xi32, #tpu.memory_space<vmem>>) semaphore(%arg16 : memref<!tpu.dma_semaphore, #tpu.memory_space<semaphore_mem>>) {add = true}
    %dma_start3A_504 = arith.constant 0 : i32
    %dma_start3A_505 = arith.constant 0 : i32
    %dma_start3A_506 = arith.constant 0 : i32
    %dma_start3A_507 = arith.constant 0 : i32
    %dma_start3A_508 = tpu.memref_slice %arg13[%dma_start3A_505, %dma_start3A_506, %dma_start3A_507] : memref<4x128x128xf32, #tpu.memory_space<vmem>> -> memref<1x128x128xf32, #tpu.memory_space<vmem>>
    %dma_start3A_509 = tpu.memref_squeeze %dma_start3A_508 : memref<1x128x128xf32, #tpu.memory_space<vmem>> -> memref<128x128xf32, #tpu.memory_space<vmem>>
    %dma_start3A_510 = arith.constant 1536 : i32
    %dma_start3A_511 = tpu.memref_slice %arg10[%dma_start3A_504, %dma_start3A_510] : memref<2x2560xi32, #tpu.memory_space<vmem>> -> memref<1x128xi32, #tpu.memory_space<vmem>>
    %dma_start3A_512 = tpu.memref_squeeze %dma_start3A_511 : memref<1x128xi32, #tpu.memory_space<vmem>> -> memref<128xi32, #tpu.memory_space<vmem>>
    %dma_start3A_513 = arith.constant 0 : i32
    %dma_start3A_514 = arith.constant 0 : i32
    %dma_start3A_515 = tpu.memref_slice %arg2[%dma_start3A_513, %dma_start3A_514] : memref<253952x128xf32, #tpu.memory_space<hbm>> -> memref<253952x128xf32, #tpu.memory_space<hbm>>
    tpu.enqueue_indirect_dma source(%dma_start3A_515 : memref<253952x128xf32, #tpu.memory_space<hbm>>) target(%dma_start3A_509 : memref<128x128xf32, #tpu.memory_space<vmem>>) offsets(%dma_start3A_512 : memref<128xi32, #tpu.memory_space<vmem>>) semaphore(%arg15 : memref<!tpu.dma_semaphore, #tpu.memory_space<semaphore_mem>>)
    %dma_wait3A_516 = arith.constant 1 : i32
    %dma_wait3A_517 = arith.constant 9 : i32
    %dma_wait3A_518 = arith.constant 0 : i32
    %dma_wait3A_519 = arith.constant 0 : i32
    %dma_wait3A_520 = tpu.memref_slice %arg13[%dma_wait3A_516, %dma_wait3A_518, %dma_wait3A_519] : memref<4x128x128xf32, #tpu.memory_space<vmem>> -> memref<1x128x128xf32, #tpu.memory_space<vmem>>
    %dma_wait3A_521 = tpu.memref_squeeze %dma_wait3A_520 : memref<1x128x128xf32, #tpu.memory_space<vmem>> -> memref<128x128xf32, #tpu.memory_space<vmem>>
    %dma_wait3A_522 = arith.constant 0 : i32
    %dma_wait3A_523 = tpu.memref_slice %arg11[%dma_wait3A_517, %dma_wait3A_522] : memref<20x128xi32, #tpu.memory_space<vmem>> -> memref<1x128xi32, #tpu.memory_space<vmem>>
    %dma_wait3A_524 = tpu.memref_squeeze %dma_wait3A_523 : memref<1x128xi32, #tpu.memory_space<vmem>> -> memref<128xi32, #tpu.memory_space<vmem>>
    %dma_wait3A_525 = arith.constant 0 : i32
    %dma_wait3A_526 = arith.constant 0 : i32
    %dma_wait3A_527 = tpu.memref_slice %arg14[%dma_wait3A_525, %dma_wait3A_526] : memref<6144x128xf32, #tpu.memory_space<vmem_shared>> -> memref<6144x128xf32, #tpu.memory_space<vmem_shared>>
    tpu.wait_indirect_dma semaphore(%arg16 : memref<!tpu.dma_semaphore, #tpu.memory_space<semaphore_mem>>) src(%dma_wait3A_521 : memref<128x128xf32, #tpu.memory_space<vmem>>) dst(%dma_wait3A_527 : memref<6144x128xf32, #tpu.memory_space<vmem_shared>>)
    %add3A_528 = arith.constant 0 : i32
    %add3A_529 = arith.addi %add3A_528, %mul3A_4 : i32
    %mul3A_530 = arith.constant 512 : i32
    %mul3A_531 = arith.muli %add3A, %mul3A_530 : i32
    %add3A_532 = arith.constant 0 : i32
    %add3A_533 = arith.addi %mul3A_531, %add3A_532 : i32
    "tpu.region"() ({
      %run_scoped3A_1990 = tpu.sem_alloc : memref<!tpu.dma_semaphore, #tpu.memory_space<semaphore_mem>>
      %dma_start3A_1991 = arith.constant 0 : i32
      %dma_start3A_1992 = tpu.memref_slice %arg8[%add3A_533, %dma_start3A_1991] : memref<16384x128xf32, #tpu.memory_space<hbm>> -> memref<128x128xf32, #tpu.memory_space<hbm>>
      %dma_start3A_1993 = arith.constant 0 : i32
      %dma_start3A_1994 = tpu.memref_slice %arg14[%add3A_529, %dma_start3A_1993] : memref<6144x128xf32, #tpu.memory_space<vmem_shared>> -> memref<128x128xf32, #tpu.memory_space<vmem_shared>>
      tpu.enqueue_dma source(%dma_start3A_1994 : memref<128x128xf32, #tpu.memory_space<vmem_shared>>) target(%dma_start3A_1992 : memref<128x128xf32, #tpu.memory_space<hbm>>) target_semaphore(%run_scoped3A_1990 : memref<!tpu.dma_semaphore, #tpu.memory_space<semaphore_mem>>)
      %dma_wait3A_1995 = arith.constant 0 : i32
      %dma_wait3A_1996 = tpu.memref_slice %arg8[%add3A_533, %dma_wait3A_1995] : memref<16384x128xf32, #tpu.memory_space<hbm>> -> memref<128x128xf32, #tpu.memory_space<hbm>>
      %dma_wait3A_1997 = arith.constant 0 : i32
      %dma_wait3A_1998 = tpu.memref_slice %arg14[%add3A_529, %dma_wait3A_1997] : memref<6144x128xf32, #tpu.memory_space<vmem_shared>> -> memref<128x128xf32, #tpu.memory_space<vmem_shared>>
      tpu.wait_dma2 semaphore(%run_scoped3A_1990 : memref<!tpu.dma_semaphore, #tpu.memory_space<semaphore_mem>>) src(%dma_wait3A_1998 : memref<128x128xf32, #tpu.memory_space<vmem_shared>>) dst(%dma_wait3A_1996 : memref<128x128xf32, #tpu.memory_space<hbm>>)
      tpu.yield
    }) : () -> ()
    %add3A_534 = arith.constant 0 : i32
    %add3A_535 = arith.addi %add3A_534, %mul3A_4 : i32
    "tpu.region"() ({
      %run_scoped3A_1990 = tpu.sem_alloc : memref<!tpu.dma_semaphore, #tpu.memory_space<semaphore_mem>>
      %dma_start3A_1991 = arith.constant 0 : i32
      %dma_start3A_1992 = tpu.memref_slice %arg14[%add3A_535, %dma_start3A_1991] : memref<6144x128xf32, #tpu.memory_space<vmem_shared>> -> memref<128x128xf32, #tpu.memory_space<vmem_shared>>
      tpu.enqueue_dma source(%arg7 : memref<128x128xf32, #tpu.memory_space<hbm>>) target(%dma_start3A_1992 : memref<128x128xf32, #tpu.memory_space<vmem_shared>>) target_semaphore(%run_scoped3A_1990 : memref<!tpu.dma_semaphore, #tpu.memory_space<semaphore_mem>>)
      %dma_wait3A_1993 = arith.constant 0 : i32
      %dma_wait3A_1994 = tpu.memref_slice %arg14[%add3A_535, %dma_wait3A_1993] : memref<6144x128xf32, #tpu.memory_space<vmem_shared>> -> memref<128x128xf32, #tpu.memory_space<vmem_shared>>
      tpu.wait_dma2 semaphore(%run_scoped3A_1990 : memref<!tpu.dma_semaphore, #tpu.memory_space<semaphore_mem>>) src(%arg7 : memref<128x128xf32, #tpu.memory_space<hbm>>) dst(%dma_wait3A_1994 : memref<128x128xf32, #tpu.memory_space<vmem_shared>>)
      tpu.yield
    }) : () -> ()
    %dma_wait3A_536 = arith.constant 0 : i32
    %dma_wait3A_537 = arith.constant 2 : i32
    %dma_wait3A_538 = arith.constant 0 : i32
    %dma_wait3A_539 = arith.constant 0 : i32
    %dma_wait3A_540 = tpu.memref_slice %arg13[%dma_wait3A_537, %dma_wait3A_538, %dma_wait3A_539] : memref<4x128x128xf32, #tpu.memory_space<vmem>> -> memref<1x128x128xf32, #tpu.memory_space<vmem>>
    %dma_wait3A_541 = tpu.memref_squeeze %dma_wait3A_540 : memref<1x128x128xf32, #tpu.memory_space<vmem>> -> memref<128x128xf32, #tpu.memory_space<vmem>>
    %dma_wait3A_542 = arith.constant 1280 : i32
    %dma_wait3A_543 = tpu.memref_slice %arg10[%dma_wait3A_536, %dma_wait3A_542] : memref<2x2560xi32, #tpu.memory_space<vmem>> -> memref<1x128xi32, #tpu.memory_space<vmem>>
    %dma_wait3A_544 = tpu.memref_squeeze %dma_wait3A_543 : memref<1x128xi32, #tpu.memory_space<vmem>> -> memref<128xi32, #tpu.memory_space<vmem>>
    %dma_wait3A_545 = arith.constant 0 : i32
    %dma_wait3A_546 = arith.constant 0 : i32
    %dma_wait3A_547 = tpu.memref_slice %arg2[%dma_wait3A_545, %dma_wait3A_546] : memref<253952x128xf32, #tpu.memory_space<hbm>> -> memref<253952x128xf32, #tpu.memory_space<hbm>>
    tpu.wait_indirect_dma semaphore(%arg15 : memref<!tpu.dma_semaphore, #tpu.memory_space<semaphore_mem>>) src(%dma_wait3A_547 : memref<253952x128xf32, #tpu.memory_space<hbm>>) dst(%dma_wait3A_541 : memref<128x128xf32, #tpu.memory_space<vmem>>)
    %dma_start3A_548 = arith.constant 2 : i32
    %dma_start3A_549 = arith.constant 10 : i32
    %dma_start3A_550 = arith.constant 0 : i32
    %dma_start3A_551 = arith.constant 0 : i32
    %dma_start3A_552 = tpu.memref_slice %arg13[%dma_start3A_548, %dma_start3A_550, %dma_start3A_551] : memref<4x128x128xf32, #tpu.memory_space<vmem>> -> memref<1x128x128xf32, #tpu.memory_space<vmem>>
    %dma_start3A_553 = tpu.memref_squeeze %dma_start3A_552 : memref<1x128x128xf32, #tpu.memory_space<vmem>> -> memref<128x128xf32, #tpu.memory_space<vmem>>
    %dma_start3A_554 = arith.constant 0 : i32
    %dma_start3A_555 = tpu.memref_slice %arg11[%dma_start3A_549, %dma_start3A_554] : memref<20x128xi32, #tpu.memory_space<vmem>> -> memref<1x128xi32, #tpu.memory_space<vmem>>
    %dma_start3A_556 = tpu.memref_squeeze %dma_start3A_555 : memref<1x128xi32, #tpu.memory_space<vmem>> -> memref<128xi32, #tpu.memory_space<vmem>>
    %dma_start3A_557 = arith.constant 0 : i32
    %dma_start3A_558 = arith.constant 0 : i32
    %dma_start3A_559 = tpu.memref_slice %arg14[%dma_start3A_557, %dma_start3A_558] : memref<6144x128xf32, #tpu.memory_space<vmem_shared>> -> memref<6144x128xf32, #tpu.memory_space<vmem_shared>>
    tpu.enqueue_indirect_dma source(%dma_start3A_553 : memref<128x128xf32, #tpu.memory_space<vmem>>) target(%dma_start3A_559 : memref<6144x128xf32, #tpu.memory_space<vmem_shared>>) offsets(%dma_start3A_556 : memref<128xi32, #tpu.memory_space<vmem>>) semaphore(%arg16 : memref<!tpu.dma_semaphore, #tpu.memory_space<semaphore_mem>>) {add = true}
    %dma_start3A_560 = arith.constant 0 : i32
    %dma_start3A_561 = arith.constant 1 : i32
    %dma_start3A_562 = arith.constant 0 : i32
    %dma_start3A_563 = arith.constant 0 : i32
    %dma_start3A_564 = tpu.memref_slice %arg13[%dma_start3A_561, %dma_start3A_562, %dma_start3A_563] : memref<4x128x128xf32, #tpu.memory_space<vmem>> -> memref<1x128x128xf32, #tpu.memory_space<vmem>>
    %dma_start3A_565 = tpu.memref_squeeze %dma_start3A_564 : memref<1x128x128xf32, #tpu.memory_space<vmem>> -> memref<128x128xf32, #tpu.memory_space<vmem>>
    %dma_start3A_566 = arith.constant 1664 : i32
    %dma_start3A_567 = tpu.memref_slice %arg10[%dma_start3A_560, %dma_start3A_566] : memref<2x2560xi32, #tpu.memory_space<vmem>> -> memref<1x128xi32, #tpu.memory_space<vmem>>
    %dma_start3A_568 = tpu.memref_squeeze %dma_start3A_567 : memref<1x128xi32, #tpu.memory_space<vmem>> -> memref<128xi32, #tpu.memory_space<vmem>>
    %dma_start3A_569 = arith.constant 0 : i32
    %dma_start3A_570 = arith.constant 0 : i32
    %dma_start3A_571 = tpu.memref_slice %arg2[%dma_start3A_569, %dma_start3A_570] : memref<253952x128xf32, #tpu.memory_space<hbm>> -> memref<253952x128xf32, #tpu.memory_space<hbm>>
    tpu.enqueue_indirect_dma source(%dma_start3A_571 : memref<253952x128xf32, #tpu.memory_space<hbm>>) target(%dma_start3A_565 : memref<128x128xf32, #tpu.memory_space<vmem>>) offsets(%dma_start3A_568 : memref<128xi32, #tpu.memory_space<vmem>>) semaphore(%arg15 : memref<!tpu.dma_semaphore, #tpu.memory_space<semaphore_mem>>)
    %dma_wait3A_572 = arith.constant 0 : i32
    %dma_wait3A_573 = arith.constant 3 : i32
    %dma_wait3A_574 = arith.constant 0 : i32
    %dma_wait3A_575 = arith.constant 0 : i32
    %dma_wait3A_576 = tpu.memref_slice %arg13[%dma_wait3A_573, %dma_wait3A_574, %dma_wait3A_575] : memref<4x128x128xf32, #tpu.memory_space<vmem>> -> memref<1x128x128xf32, #tpu.memory_space<vmem>>
    %dma_wait3A_577 = tpu.memref_squeeze %dma_wait3A_576 : memref<1x128x128xf32, #tpu.memory_space<vmem>> -> memref<128x128xf32, #tpu.memory_space<vmem>>
    %dma_wait3A_578 = arith.constant 1408 : i32
    %dma_wait3A_579 = tpu.memref_slice %arg10[%dma_wait3A_572, %dma_wait3A_578] : memref<2x2560xi32, #tpu.memory_space<vmem>> -> memref<1x128xi32, #tpu.memory_space<vmem>>
    %dma_wait3A_580 = tpu.memref_squeeze %dma_wait3A_579 : memref<1x128xi32, #tpu.memory_space<vmem>> -> memref<128xi32, #tpu.memory_space<vmem>>
    %dma_wait3A_581 = arith.constant 0 : i32
    %dma_wait3A_582 = arith.constant 0 : i32
    %dma_wait3A_583 = tpu.memref_slice %arg2[%dma_wait3A_581, %dma_wait3A_582] : memref<253952x128xf32, #tpu.memory_space<hbm>> -> memref<253952x128xf32, #tpu.memory_space<hbm>>
    tpu.wait_indirect_dma semaphore(%arg15 : memref<!tpu.dma_semaphore, #tpu.memory_space<semaphore_mem>>) src(%dma_wait3A_583 : memref<253952x128xf32, #tpu.memory_space<hbm>>) dst(%dma_wait3A_577 : memref<128x128xf32, #tpu.memory_space<vmem>>)
    %dma_wait3A_584 = arith.constant 2 : i32
    %dma_wait3A_585 = arith.constant 10 : i32
    %dma_wait3A_586 = arith.constant 0 : i32
    %dma_wait3A_587 = arith.constant 0 : i32
    %dma_wait3A_588 = tpu.memref_slice %arg13[%dma_wait3A_584, %dma_wait3A_586, %dma_wait3A_587] : memref<4x128x128xf32, #tpu.memory_space<vmem>> -> memref<1x128x128xf32, #tpu.memory_space<vmem>>
    %dma_wait3A_589 = tpu.memref_squeeze %dma_wait3A_588 : memref<1x128x128xf32, #tpu.memory_space<vmem>> -> memref<128x128xf32, #tpu.memory_space<vmem>>
    %dma_wait3A_590 = arith.constant 0 : i32
    %dma_wait3A_591 = tpu.memref_slice %arg11[%dma_wait3A_585, %dma_wait3A_590] : memref<20x128xi32, #tpu.memory_space<vmem>> -> memref<1x128xi32, #tpu.memory_space<vmem>>
    %dma_wait3A_592 = tpu.memref_squeeze %dma_wait3A_591 : memref<1x128xi32, #tpu.memory_space<vmem>> -> memref<128xi32, #tpu.memory_space<vmem>>
    %dma_wait3A_593 = arith.constant 0 : i32
    %dma_wait3A_594 = arith.constant 0 : i32
    %dma_wait3A_595 = tpu.memref_slice %arg14[%dma_wait3A_593, %dma_wait3A_594] : memref<6144x128xf32, #tpu.memory_space<vmem_shared>> -> memref<6144x128xf32, #tpu.memory_space<vmem_shared>>
    tpu.wait_indirect_dma semaphore(%arg16 : memref<!tpu.dma_semaphore, #tpu.memory_space<semaphore_mem>>) src(%dma_wait3A_589 : memref<128x128xf32, #tpu.memory_space<vmem>>) dst(%dma_wait3A_595 : memref<6144x128xf32, #tpu.memory_space<vmem_shared>>)
    %dma_start3A_596 = arith.constant 3 : i32
    %dma_start3A_597 = arith.constant 11 : i32
    %dma_start3A_598 = arith.constant 0 : i32
    %dma_start3A_599 = arith.constant 0 : i32
    %dma_start3A_600 = tpu.memref_slice %arg13[%dma_start3A_596, %dma_start3A_598, %dma_start3A_599] : memref<4x128x128xf32, #tpu.memory_space<vmem>> -> memref<1x128x128xf32, #tpu.memory_space<vmem>>
    %dma_start3A_601 = tpu.memref_squeeze %dma_start3A_600 : memref<1x128x128xf32, #tpu.memory_space<vmem>> -> memref<128x128xf32, #tpu.memory_space<vmem>>
    %dma_start3A_602 = arith.constant 0 : i32
    %dma_start3A_603 = tpu.memref_slice %arg11[%dma_start3A_597, %dma_start3A_602] : memref<20x128xi32, #tpu.memory_space<vmem>> -> memref<1x128xi32, #tpu.memory_space<vmem>>
    %dma_start3A_604 = tpu.memref_squeeze %dma_start3A_603 : memref<1x128xi32, #tpu.memory_space<vmem>> -> memref<128xi32, #tpu.memory_space<vmem>>
    %dma_start3A_605 = arith.constant 0 : i32
    %dma_start3A_606 = arith.constant 0 : i32
    %dma_start3A_607 = tpu.memref_slice %arg14[%dma_start3A_605, %dma_start3A_606] : memref<6144x128xf32, #tpu.memory_space<vmem_shared>> -> memref<6144x128xf32, #tpu.memory_space<vmem_shared>>
    tpu.enqueue_indirect_dma source(%dma_start3A_601 : memref<128x128xf32, #tpu.memory_space<vmem>>) target(%dma_start3A_607 : memref<6144x128xf32, #tpu.memory_space<vmem_shared>>) offsets(%dma_start3A_604 : memref<128xi32, #tpu.memory_space<vmem>>) semaphore(%arg16 : memref<!tpu.dma_semaphore, #tpu.memory_space<semaphore_mem>>) {add = true}
    %dma_start3A_608 = arith.constant 0 : i32
    %dma_start3A_609 = arith.constant 2 : i32
    %dma_start3A_610 = arith.constant 0 : i32
    %dma_start3A_611 = arith.constant 0 : i32
    %dma_start3A_612 = tpu.memref_slice %arg13[%dma_start3A_609, %dma_start3A_610, %dma_start3A_611] : memref<4x128x128xf32, #tpu.memory_space<vmem>> -> memref<1x128x128xf32, #tpu.memory_space<vmem>>
    %dma_start3A_613 = tpu.memref_squeeze %dma_start3A_612 : memref<1x128x128xf32, #tpu.memory_space<vmem>> -> memref<128x128xf32, #tpu.memory_space<vmem>>
    %dma_start3A_614 = arith.constant 1792 : i32
    %dma_start3A_615 = tpu.memref_slice %arg10[%dma_start3A_608, %dma_start3A_614] : memref<2x2560xi32, #tpu.memory_space<vmem>> -> memref<1x128xi32, #tpu.memory_space<vmem>>
    %dma_start3A_616 = tpu.memref_squeeze %dma_start3A_615 : memref<1x128xi32, #tpu.memory_space<vmem>> -> memref<128xi32, #tpu.memory_space<vmem>>
    %dma_start3A_617 = arith.constant 0 : i32
    %dma_start3A_618 = arith.constant 0 : i32
    %dma_start3A_619 = tpu.memref_slice %arg2[%dma_start3A_617, %dma_start3A_618] : memref<253952x128xf32, #tpu.memory_space<hbm>> -> memref<253952x128xf32, #tpu.memory_space<hbm>>
    tpu.enqueue_indirect_dma source(%dma_start3A_619 : memref<253952x128xf32, #tpu.memory_space<hbm>>) target(%dma_start3A_613 : memref<128x128xf32, #tpu.memory_space<vmem>>) offsets(%dma_start3A_616 : memref<128xi32, #tpu.memory_space<vmem>>) semaphore(%arg15 : memref<!tpu.dma_semaphore, #tpu.memory_space<semaphore_mem>>)
    %dma_wait3A_620 = arith.constant 0 : i32
    %dma_wait3A_621 = arith.constant 0 : i32
    %dma_wait3A_622 = arith.constant 0 : i32
    %dma_wait3A_623 = arith.constant 0 : i32
    %dma_wait3A_624 = tpu.memref_slice %arg13[%dma_wait3A_621, %dma_wait3A_622, %dma_wait3A_623] : memref<4x128x128xf32, #tpu.memory_space<vmem>> -> memref<1x128x128xf32, #tpu.memory_space<vmem>>
    %dma_wait3A_625 = tpu.memref_squeeze %dma_wait3A_624 : memref<1x128x128xf32, #tpu.memory_space<vmem>> -> memref<128x128xf32, #tpu.memory_space<vmem>>
    %dma_wait3A_626 = arith.constant 1536 : i32
    %dma_wait3A_627 = tpu.memref_slice %arg10[%dma_wait3A_620, %dma_wait3A_626] : memref<2x2560xi32, #tpu.memory_space<vmem>> -> memref<1x128xi32, #tpu.memory_space<vmem>>
    %dma_wait3A_628 = tpu.memref_squeeze %dma_wait3A_627 : memref<1x128xi32, #tpu.memory_space<vmem>> -> memref<128xi32, #tpu.memory_space<vmem>>
    %dma_wait3A_629 = arith.constant 0 : i32
    %dma_wait3A_630 = arith.constant 0 : i32
    %dma_wait3A_631 = tpu.memref_slice %arg2[%dma_wait3A_629, %dma_wait3A_630] : memref<253952x128xf32, #tpu.memory_space<hbm>> -> memref<253952x128xf32, #tpu.memory_space<hbm>>
    tpu.wait_indirect_dma semaphore(%arg15 : memref<!tpu.dma_semaphore, #tpu.memory_space<semaphore_mem>>) src(%dma_wait3A_631 : memref<253952x128xf32, #tpu.memory_space<hbm>>) dst(%dma_wait3A_625 : memref<128x128xf32, #tpu.memory_space<vmem>>)
    %dma_wait3A_632 = arith.constant 3 : i32
    %dma_wait3A_633 = arith.constant 11 : i32
    %dma_wait3A_634 = arith.constant 0 : i32
    %dma_wait3A_635 = arith.constant 0 : i32
    %dma_wait3A_636 = tpu.memref_slice %arg13[%dma_wait3A_632, %dma_wait3A_634, %dma_wait3A_635] : memref<4x128x128xf32, #tpu.memory_space<vmem>> -> memref<1x128x128xf32, #tpu.memory_space<vmem>>
    %dma_wait3A_637 = tpu.memref_squeeze %dma_wait3A_636 : memref<1x128x128xf32, #tpu.memory_space<vmem>> -> memref<128x128xf32, #tpu.memory_space<vmem>>
    %dma_wait3A_638 = arith.constant 0 : i32
    %dma_wait3A_639 = tpu.memref_slice %arg11[%dma_wait3A_633, %dma_wait3A_638] : memref<20x128xi32, #tpu.memory_space<vmem>> -> memref<1x128xi32, #tpu.memory_space<vmem>>
    %dma_wait3A_640 = tpu.memref_squeeze %dma_wait3A_639 : memref<1x128xi32, #tpu.memory_space<vmem>> -> memref<128xi32, #tpu.memory_space<vmem>>
    %dma_wait3A_641 = arith.constant 0 : i32
    %dma_wait3A_642 = arith.constant 0 : i32
    %dma_wait3A_643 = tpu.memref_slice %arg14[%dma_wait3A_641, %dma_wait3A_642] : memref<6144x128xf32, #tpu.memory_space<vmem_shared>> -> memref<6144x128xf32, #tpu.memory_space<vmem_shared>>
    tpu.wait_indirect_dma semaphore(%arg16 : memref<!tpu.dma_semaphore, #tpu.memory_space<semaphore_mem>>) src(%dma_wait3A_637 : memref<128x128xf32, #tpu.memory_space<vmem>>) dst(%dma_wait3A_643 : memref<6144x128xf32, #tpu.memory_space<vmem_shared>>)
    %dma_start3A_644 = arith.constant 0 : i32
    %dma_start3A_645 = arith.constant 12 : i32
    %dma_start3A_646 = arith.constant 0 : i32
    %dma_start3A_647 = arith.constant 0 : i32
    %dma_start3A_648 = tpu.memref_slice %arg13[%dma_start3A_644, %dma_start3A_646, %dma_start3A_647] : memref<4x128x128xf32, #tpu.memory_space<vmem>> -> memref<1x128x128xf32, #tpu.memory_space<vmem>>
    %dma_start3A_649 = tpu.memref_squeeze %dma_start3A_648 : memref<1x128x128xf32, #tpu.memory_space<vmem>> -> memref<128x128xf32, #tpu.memory_space<vmem>>
    %dma_start3A_650 = arith.constant 0 : i32
    %dma_start3A_651 = tpu.memref_slice %arg11[%dma_start3A_645, %dma_start3A_650] : memref<20x128xi32, #tpu.memory_space<vmem>> -> memref<1x128xi32, #tpu.memory_space<vmem>>
    %dma_start3A_652 = tpu.memref_squeeze %dma_start3A_651 : memref<1x128xi32, #tpu.memory_space<vmem>> -> memref<128xi32, #tpu.memory_space<vmem>>
    %dma_start3A_653 = arith.constant 0 : i32
    %dma_start3A_654 = arith.constant 0 : i32
    %dma_start3A_655 = tpu.memref_slice %arg14[%dma_start3A_653, %dma_start3A_654] : memref<6144x128xf32, #tpu.memory_space<vmem_shared>> -> memref<6144x128xf32, #tpu.memory_space<vmem_shared>>
    tpu.enqueue_indirect_dma source(%dma_start3A_649 : memref<128x128xf32, #tpu.memory_space<vmem>>) target(%dma_start3A_655 : memref<6144x128xf32, #tpu.memory_space<vmem_shared>>) offsets(%dma_start3A_652 : memref<128xi32, #tpu.memory_space<vmem>>) semaphore(%arg16 : memref<!tpu.dma_semaphore, #tpu.memory_space<semaphore_mem>>) {add = true}
    %dma_start3A_656 = arith.constant 0 : i32
    %dma_start3A_657 = arith.constant 3 : i32
    %dma_start3A_658 = arith.constant 0 : i32
    %dma_start3A_659 = arith.constant 0 : i32
    %dma_start3A_660 = tpu.memref_slice %arg13[%dma_start3A_657, %dma_start3A_658, %dma_start3A_659] : memref<4x128x128xf32, #tpu.memory_space<vmem>> -> memref<1x128x128xf32, #tpu.memory_space<vmem>>
    %dma_start3A_661 = tpu.memref_squeeze %dma_start3A_660 : memref<1x128x128xf32, #tpu.memory_space<vmem>> -> memref<128x128xf32, #tpu.memory_space<vmem>>
    %dma_start3A_662 = arith.constant 1920 : i32
    %dma_start3A_663 = tpu.memref_slice %arg10[%dma_start3A_656, %dma_start3A_662] : memref<2x2560xi32, #tpu.memory_space<vmem>> -> memref<1x128xi32, #tpu.memory_space<vmem>>
    %dma_start3A_664 = tpu.memref_squeeze %dma_start3A_663 : memref<1x128xi32, #tpu.memory_space<vmem>> -> memref<128xi32, #tpu.memory_space<vmem>>
    %dma_start3A_665 = arith.constant 0 : i32
    %dma_start3A_666 = arith.constant 0 : i32
    %dma_start3A_667 = tpu.memref_slice %arg2[%dma_start3A_665, %dma_start3A_666] : memref<253952x128xf32, #tpu.memory_space<hbm>> -> memref<253952x128xf32, #tpu.memory_space<hbm>>
    tpu.enqueue_indirect_dma source(%dma_start3A_667 : memref<253952x128xf32, #tpu.memory_space<hbm>>) target(%dma_start3A_661 : memref<128x128xf32, #tpu.memory_space<vmem>>) offsets(%dma_start3A_664 : memref<128xi32, #tpu.memory_space<vmem>>) semaphore(%arg15 : memref<!tpu.dma_semaphore, #tpu.memory_space<semaphore_mem>>)
    %dma_wait3A_668 = arith.constant 0 : i32
    %dma_wait3A_669 = arith.constant 1 : i32
    %dma_wait3A_670 = arith.constant 0 : i32
    %dma_wait3A_671 = arith.constant 0 : i32
    %dma_wait3A_672 = tpu.memref_slice %arg13[%dma_wait3A_669, %dma_wait3A_670, %dma_wait3A_671] : memref<4x128x128xf32, #tpu.memory_space<vmem>> -> memref<1x128x128xf32, #tpu.memory_space<vmem>>
    %dma_wait3A_673 = tpu.memref_squeeze %dma_wait3A_672 : memref<1x128x128xf32, #tpu.memory_space<vmem>> -> memref<128x128xf32, #tpu.memory_space<vmem>>
    %dma_wait3A_674 = arith.constant 1664 : i32
    %dma_wait3A_675 = tpu.memref_slice %arg10[%dma_wait3A_668, %dma_wait3A_674] : memref<2x2560xi32, #tpu.memory_space<vmem>> -> memref<1x128xi32, #tpu.memory_space<vmem>>
    %dma_wait3A_676 = tpu.memref_squeeze %dma_wait3A_675 : memref<1x128xi32, #tpu.memory_space<vmem>> -> memref<128xi32, #tpu.memory_space<vmem>>
    %dma_wait3A_677 = arith.constant 0 : i32
    %dma_wait3A_678 = arith.constant 0 : i32
    %dma_wait3A_679 = tpu.memref_slice %arg2[%dma_wait3A_677, %dma_wait3A_678] : memref<253952x128xf32, #tpu.memory_space<hbm>> -> memref<253952x128xf32, #tpu.memory_space<hbm>>
    tpu.wait_indirect_dma semaphore(%arg15 : memref<!tpu.dma_semaphore, #tpu.memory_space<semaphore_mem>>) src(%dma_wait3A_679 : memref<253952x128xf32, #tpu.memory_space<hbm>>) dst(%dma_wait3A_673 : memref<128x128xf32, #tpu.memory_space<vmem>>)
    %dma_wait3A_680 = arith.constant 0 : i32
    %dma_wait3A_681 = arith.constant 12 : i32
    %dma_wait3A_682 = arith.constant 0 : i32
    %dma_wait3A_683 = arith.constant 0 : i32
    %dma_wait3A_684 = tpu.memref_slice %arg13[%dma_wait3A_680, %dma_wait3A_682, %dma_wait3A_683] : memref<4x128x128xf32, #tpu.memory_space<vmem>> -> memref<1x128x128xf32, #tpu.memory_space<vmem>>
    %dma_wait3A_685 = tpu.memref_squeeze %dma_wait3A_684 : memref<1x128x128xf32, #tpu.memory_space<vmem>> -> memref<128x128xf32, #tpu.memory_space<vmem>>
    %dma_wait3A_686 = arith.constant 0 : i32
    %dma_wait3A_687 = tpu.memref_slice %arg11[%dma_wait3A_681, %dma_wait3A_686] : memref<20x128xi32, #tpu.memory_space<vmem>> -> memref<1x128xi32, #tpu.memory_space<vmem>>
    %dma_wait3A_688 = tpu.memref_squeeze %dma_wait3A_687 : memref<1x128xi32, #tpu.memory_space<vmem>> -> memref<128xi32, #tpu.memory_space<vmem>>
    %dma_wait3A_689 = arith.constant 0 : i32
    %dma_wait3A_690 = arith.constant 0 : i32
    %dma_wait3A_691 = tpu.memref_slice %arg14[%dma_wait3A_689, %dma_wait3A_690] : memref<6144x128xf32, #tpu.memory_space<vmem_shared>> -> memref<6144x128xf32, #tpu.memory_space<vmem_shared>>
    tpu.wait_indirect_dma semaphore(%arg16 : memref<!tpu.dma_semaphore, #tpu.memory_space<semaphore_mem>>) src(%dma_wait3A_685 : memref<128x128xf32, #tpu.memory_space<vmem>>) dst(%dma_wait3A_691 : memref<6144x128xf32, #tpu.memory_space<vmem_shared>>)
    %dma_start3A_692 = arith.constant 1 : i32
    %dma_start3A_693 = arith.constant 13 : i32
    %dma_start3A_694 = arith.constant 0 : i32
    %dma_start3A_695 = arith.constant 0 : i32
    %dma_start3A_696 = tpu.memref_slice %arg13[%dma_start3A_692, %dma_start3A_694, %dma_start3A_695] : memref<4x128x128xf32, #tpu.memory_space<vmem>> -> memref<1x128x128xf32, #tpu.memory_space<vmem>>
    %dma_start3A_697 = tpu.memref_squeeze %dma_start3A_696 : memref<1x128x128xf32, #tpu.memory_space<vmem>> -> memref<128x128xf32, #tpu.memory_space<vmem>>
    %dma_start3A_698 = arith.constant 0 : i32
    %dma_start3A_699 = tpu.memref_slice %arg11[%dma_start3A_693, %dma_start3A_698] : memref<20x128xi32, #tpu.memory_space<vmem>> -> memref<1x128xi32, #tpu.memory_space<vmem>>
    %dma_start3A_700 = tpu.memref_squeeze %dma_start3A_699 : memref<1x128xi32, #tpu.memory_space<vmem>> -> memref<128xi32, #tpu.memory_space<vmem>>
    %dma_start3A_701 = arith.constant 0 : i32
    %dma_start3A_702 = arith.constant 0 : i32
    %dma_start3A_703 = tpu.memref_slice %arg14[%dma_start3A_701, %dma_start3A_702] : memref<6144x128xf32, #tpu.memory_space<vmem_shared>> -> memref<6144x128xf32, #tpu.memory_space<vmem_shared>>
    tpu.enqueue_indirect_dma source(%dma_start3A_697 : memref<128x128xf32, #tpu.memory_space<vmem>>) target(%dma_start3A_703 : memref<6144x128xf32, #tpu.memory_space<vmem_shared>>) offsets(%dma_start3A_700 : memref<128xi32, #tpu.memory_space<vmem>>) semaphore(%arg16 : memref<!tpu.dma_semaphore, #tpu.memory_space<semaphore_mem>>) {add = true}
    %dma_start3A_704 = arith.constant 0 : i32
    %dma_start3A_705 = arith.constant 0 : i32
    %dma_start3A_706 = arith.constant 0 : i32
    %dma_start3A_707 = arith.constant 0 : i32
    %dma_start3A_708 = tpu.memref_slice %arg13[%dma_start3A_705, %dma_start3A_706, %dma_start3A_707] : memref<4x128x128xf32, #tpu.memory_space<vmem>> -> memref<1x128x128xf32, #tpu.memory_space<vmem>>
    %dma_start3A_709 = tpu.memref_squeeze %dma_start3A_708 : memref<1x128x128xf32, #tpu.memory_space<vmem>> -> memref<128x128xf32, #tpu.memory_space<vmem>>
    %dma_start3A_710 = arith.constant 2048 : i32
    %dma_start3A_711 = tpu.memref_slice %arg10[%dma_start3A_704, %dma_start3A_710] : memref<2x2560xi32, #tpu.memory_space<vmem>> -> memref<1x128xi32, #tpu.memory_space<vmem>>
    %dma_start3A_712 = tpu.memref_squeeze %dma_start3A_711 : memref<1x128xi32, #tpu.memory_space<vmem>> -> memref<128xi32, #tpu.memory_space<vmem>>
    %dma_start3A_713 = arith.constant 0 : i32
    %dma_start3A_714 = arith.constant 0 : i32
    %dma_start3A_715 = tpu.memref_slice %arg2[%dma_start3A_713, %dma_start3A_714] : memref<253952x128xf32, #tpu.memory_space<hbm>> -> memref<253952x128xf32, #tpu.memory_space<hbm>>
    tpu.enqueue_indirect_dma source(%dma_start3A_715 : memref<253952x128xf32, #tpu.memory_space<hbm>>) target(%dma_start3A_709 : memref<128x128xf32, #tpu.memory_space<vmem>>) offsets(%dma_start3A_712 : memref<128xi32, #tpu.memory_space<vmem>>) semaphore(%arg15 : memref<!tpu.dma_semaphore, #tpu.memory_space<semaphore_mem>>)
    %dma_wait3A_716 = arith.constant 0 : i32
    %dma_wait3A_717 = arith.constant 2 : i32
    %dma_wait3A_718 = arith.constant 0 : i32
    %dma_wait3A_719 = arith.constant 0 : i32
    %dma_wait3A_720 = tpu.memref_slice %arg13[%dma_wait3A_717, %dma_wait3A_718, %dma_wait3A_719] : memref<4x128x128xf32, #tpu.memory_space<vmem>> -> memref<1x128x128xf32, #tpu.memory_space<vmem>>
    %dma_wait3A_721 = tpu.memref_squeeze %dma_wait3A_720 : memref<1x128x128xf32, #tpu.memory_space<vmem>> -> memref<128x128xf32, #tpu.memory_space<vmem>>
    %dma_wait3A_722 = arith.constant 1792 : i32
    %dma_wait3A_723 = tpu.memref_slice %arg10[%dma_wait3A_716, %dma_wait3A_722] : memref<2x2560xi32, #tpu.memory_space<vmem>> -> memref<1x128xi32, #tpu.memory_space<vmem>>
    %dma_wait3A_724 = tpu.memref_squeeze %dma_wait3A_723 : memref<1x128xi32, #tpu.memory_space<vmem>> -> memref<128xi32, #tpu.memory_space<vmem>>
    %dma_wait3A_725 = arith.constant 0 : i32
    %dma_wait3A_726 = arith.constant 0 : i32
    %dma_wait3A_727 = tpu.memref_slice %arg2[%dma_wait3A_725, %dma_wait3A_726] : memref<253952x128xf32, #tpu.memory_space<hbm>> -> memref<253952x128xf32, #tpu.memory_space<hbm>>
    tpu.wait_indirect_dma semaphore(%arg15 : memref<!tpu.dma_semaphore, #tpu.memory_space<semaphore_mem>>) src(%dma_wait3A_727 : memref<253952x128xf32, #tpu.memory_space<hbm>>) dst(%dma_wait3A_721 : memref<128x128xf32, #tpu.memory_space<vmem>>)
    %dma_wait3A_728 = arith.constant 1 : i32
    %dma_wait3A_729 = arith.constant 13 : i32
    %dma_wait3A_730 = arith.constant 0 : i32
    %dma_wait3A_731 = arith.constant 0 : i32
    %dma_wait3A_732 = tpu.memref_slice %arg13[%dma_wait3A_728, %dma_wait3A_730, %dma_wait3A_731] : memref<4x128x128xf32, #tpu.memory_space<vmem>> -> memref<1x128x128xf32, #tpu.memory_space<vmem>>
    %dma_wait3A_733 = tpu.memref_squeeze %dma_wait3A_732 : memref<1x128x128xf32, #tpu.memory_space<vmem>> -> memref<128x128xf32, #tpu.memory_space<vmem>>
    %dma_wait3A_734 = arith.constant 0 : i32
    %dma_wait3A_735 = tpu.memref_slice %arg11[%dma_wait3A_729, %dma_wait3A_734] : memref<20x128xi32, #tpu.memory_space<vmem>> -> memref<1x128xi32, #tpu.memory_space<vmem>>
    %dma_wait3A_736 = tpu.memref_squeeze %dma_wait3A_735 : memref<1x128xi32, #tpu.memory_space<vmem>> -> memref<128xi32, #tpu.memory_space<vmem>>
    %dma_wait3A_737 = arith.constant 0 : i32
    %dma_wait3A_738 = arith.constant 0 : i32
    %dma_wait3A_739 = tpu.memref_slice %arg14[%dma_wait3A_737, %dma_wait3A_738] : memref<6144x128xf32, #tpu.memory_space<vmem_shared>> -> memref<6144x128xf32, #tpu.memory_space<vmem_shared>>
    tpu.wait_indirect_dma semaphore(%arg16 : memref<!tpu.dma_semaphore, #tpu.memory_space<semaphore_mem>>) src(%dma_wait3A_733 : memref<128x128xf32, #tpu.memory_space<vmem>>) dst(%dma_wait3A_739 : memref<6144x128xf32, #tpu.memory_space<vmem_shared>>)
    %dma_start3A_740 = arith.constant 2 : i32
    %dma_start3A_741 = arith.constant 14 : i32
    %dma_start3A_742 = arith.constant 0 : i32
    %dma_start3A_743 = arith.constant 0 : i32
    %dma_start3A_744 = tpu.memref_slice %arg13[%dma_start3A_740, %dma_start3A_742, %dma_start3A_743] : memref<4x128x128xf32, #tpu.memory_space<vmem>> -> memref<1x128x128xf32, #tpu.memory_space<vmem>>
    %dma_start3A_745 = tpu.memref_squeeze %dma_start3A_744 : memref<1x128x128xf32, #tpu.memory_space<vmem>> -> memref<128x128xf32, #tpu.memory_space<vmem>>
    %dma_start3A_746 = arith.constant 0 : i32
    %dma_start3A_747 = tpu.memref_slice %arg11[%dma_start3A_741, %dma_start3A_746] : memref<20x128xi32, #tpu.memory_space<vmem>> -> memref<1x128xi32, #tpu.memory_space<vmem>>
    %dma_start3A_748 = tpu.memref_squeeze %dma_start3A_747 : memref<1x128xi32, #tpu.memory_space<vmem>> -> memref<128xi32, #tpu.memory_space<vmem>>
    %dma_start3A_749 = arith.constant 0 : i32
    %dma_start3A_750 = arith.constant 0 : i32
    %dma_start3A_751 = tpu.memref_slice %arg14[%dma_start3A_749, %dma_start3A_750] : memref<6144x128xf32, #tpu.memory_space<vmem_shared>> -> memref<6144x128xf32, #tpu.memory_space<vmem_shared>>
    tpu.enqueue_indirect_dma source(%dma_start3A_745 : memref<128x128xf32, #tpu.memory_space<vmem>>) target(%dma_start3A_751 : memref<6144x128xf32, #tpu.memory_space<vmem_shared>>) offsets(%dma_start3A_748 : memref<128xi32, #tpu.memory_space<vmem>>) semaphore(%arg16 : memref<!tpu.dma_semaphore, #tpu.memory_space<semaphore_mem>>) {add = true}
    %dma_start3A_752 = arith.constant 0 : i32
    %dma_start3A_753 = arith.constant 1 : i32
    %dma_start3A_754 = arith.constant 0 : i32
    %dma_start3A_755 = arith.constant 0 : i32
    %dma_start3A_756 = tpu.memref_slice %arg13[%dma_start3A_753, %dma_start3A_754, %dma_start3A_755] : memref<4x128x128xf32, #tpu.memory_space<vmem>> -> memref<1x128x128xf32, #tpu.memory_space<vmem>>
    %dma_start3A_757 = tpu.memref_squeeze %dma_start3A_756 : memref<1x128x128xf32, #tpu.memory_space<vmem>> -> memref<128x128xf32, #tpu.memory_space<vmem>>
    %dma_start3A_758 = arith.constant 2176 : i32
    %dma_start3A_759 = tpu.memref_slice %arg10[%dma_start3A_752, %dma_start3A_758] : memref<2x2560xi32, #tpu.memory_space<vmem>> -> memref<1x128xi32, #tpu.memory_space<vmem>>
    %dma_start3A_760 = tpu.memref_squeeze %dma_start3A_759 : memref<1x128xi32, #tpu.memory_space<vmem>> -> memref<128xi32, #tpu.memory_space<vmem>>
    %dma_start3A_761 = arith.constant 0 : i32
    %dma_start3A_762 = arith.constant 0 : i32
    %dma_start3A_763 = tpu.memref_slice %arg2[%dma_start3A_761, %dma_start3A_762] : memref<253952x128xf32, #tpu.memory_space<hbm>> -> memref<253952x128xf32, #tpu.memory_space<hbm>>
    tpu.enqueue_indirect_dma source(%dma_start3A_763 : memref<253952x128xf32, #tpu.memory_space<hbm>>) target(%dma_start3A_757 : memref<128x128xf32, #tpu.memory_space<vmem>>) offsets(%dma_start3A_760 : memref<128xi32, #tpu.memory_space<vmem>>) semaphore(%arg15 : memref<!tpu.dma_semaphore, #tpu.memory_space<semaphore_mem>>)
    %dma_wait3A_764 = arith.constant 2 : i32
    %dma_wait3A_765 = arith.constant 14 : i32
    %dma_wait3A_766 = arith.constant 0 : i32
    %dma_wait3A_767 = arith.constant 0 : i32
    %dma_wait3A_768 = tpu.memref_slice %arg13[%dma_wait3A_764, %dma_wait3A_766, %dma_wait3A_767] : memref<4x128x128xf32, #tpu.memory_space<vmem>> -> memref<1x128x128xf32, #tpu.memory_space<vmem>>
    %dma_wait3A_769 = tpu.memref_squeeze %dma_wait3A_768 : memref<1x128x128xf32, #tpu.memory_space<vmem>> -> memref<128x128xf32, #tpu.memory_space<vmem>>
    %dma_wait3A_770 = arith.constant 0 : i32
    %dma_wait3A_771 = tpu.memref_slice %arg11[%dma_wait3A_765, %dma_wait3A_770] : memref<20x128xi32, #tpu.memory_space<vmem>> -> memref<1x128xi32, #tpu.memory_space<vmem>>
    %dma_wait3A_772 = tpu.memref_squeeze %dma_wait3A_771 : memref<1x128xi32, #tpu.memory_space<vmem>> -> memref<128xi32, #tpu.memory_space<vmem>>
    %dma_wait3A_773 = arith.constant 0 : i32
    %dma_wait3A_774 = arith.constant 0 : i32
    %dma_wait3A_775 = tpu.memref_slice %arg14[%dma_wait3A_773, %dma_wait3A_774] : memref<6144x128xf32, #tpu.memory_space<vmem_shared>> -> memref<6144x128xf32, #tpu.memory_space<vmem_shared>>
    tpu.wait_indirect_dma semaphore(%arg16 : memref<!tpu.dma_semaphore, #tpu.memory_space<semaphore_mem>>) src(%dma_wait3A_769 : memref<128x128xf32, #tpu.memory_space<vmem>>) dst(%dma_wait3A_775 : memref<6144x128xf32, #tpu.memory_space<vmem_shared>>)
    %add3A_776 = arith.constant 2048 : i32
    %add3A_777 = arith.addi %add3A_776, %mul3A_4 : i32
    %mul3A_778 = arith.constant 512 : i32
    %mul3A_779 = arith.muli %add3A, %mul3A_778 : i32
    %add3A_780 = arith.constant 128 : i32
    %add3A_781 = arith.addi %mul3A_779, %add3A_780 : i32
    "tpu.region"() ({
      %run_scoped3A_1990 = tpu.sem_alloc : memref<!tpu.dma_semaphore, #tpu.memory_space<semaphore_mem>>
      %dma_start3A_1991 = arith.constant 0 : i32
      %dma_start3A_1992 = tpu.memref_slice %arg8[%add3A_781, %dma_start3A_1991] : memref<16384x128xf32, #tpu.memory_space<hbm>> -> memref<128x128xf32, #tpu.memory_space<hbm>>
      %dma_start3A_1993 = arith.constant 0 : i32
      %dma_start3A_1994 = tpu.memref_slice %arg14[%add3A_777, %dma_start3A_1993] : memref<6144x128xf32, #tpu.memory_space<vmem_shared>> -> memref<128x128xf32, #tpu.memory_space<vmem_shared>>
      tpu.enqueue_dma source(%dma_start3A_1994 : memref<128x128xf32, #tpu.memory_space<vmem_shared>>) target(%dma_start3A_1992 : memref<128x128xf32, #tpu.memory_space<hbm>>) target_semaphore(%run_scoped3A_1990 : memref<!tpu.dma_semaphore, #tpu.memory_space<semaphore_mem>>)
      %dma_wait3A_1995 = arith.constant 0 : i32
      %dma_wait3A_1996 = tpu.memref_slice %arg8[%add3A_781, %dma_wait3A_1995] : memref<16384x128xf32, #tpu.memory_space<hbm>> -> memref<128x128xf32, #tpu.memory_space<hbm>>
      %dma_wait3A_1997 = arith.constant 0 : i32
      %dma_wait3A_1998 = tpu.memref_slice %arg14[%add3A_777, %dma_wait3A_1997] : memref<6144x128xf32, #tpu.memory_space<vmem_shared>> -> memref<128x128xf32, #tpu.memory_space<vmem_shared>>
      tpu.wait_dma2 semaphore(%run_scoped3A_1990 : memref<!tpu.dma_semaphore, #tpu.memory_space<semaphore_mem>>) src(%dma_wait3A_1998 : memref<128x128xf32, #tpu.memory_space<vmem_shared>>) dst(%dma_wait3A_1996 : memref<128x128xf32, #tpu.memory_space<hbm>>)
      tpu.yield
    }) : () -> ()
    %add3A_782 = arith.constant 2048 : i32
    %add3A_783 = arith.addi %add3A_782, %mul3A_4 : i32
    "tpu.region"() ({
      %run_scoped3A_1990 = tpu.sem_alloc : memref<!tpu.dma_semaphore, #tpu.memory_space<semaphore_mem>>
      %dma_start3A_1991 = arith.constant 0 : i32
      %dma_start3A_1992 = tpu.memref_slice %arg14[%add3A_783, %dma_start3A_1991] : memref<6144x128xf32, #tpu.memory_space<vmem_shared>> -> memref<128x128xf32, #tpu.memory_space<vmem_shared>>
      tpu.enqueue_dma source(%arg7 : memref<128x128xf32, #tpu.memory_space<hbm>>) target(%dma_start3A_1992 : memref<128x128xf32, #tpu.memory_space<vmem_shared>>) target_semaphore(%run_scoped3A_1990 : memref<!tpu.dma_semaphore, #tpu.memory_space<semaphore_mem>>)
      %dma_wait3A_1993 = arith.constant 0 : i32
      %dma_wait3A_1994 = tpu.memref_slice %arg14[%add3A_783, %dma_wait3A_1993] : memref<6144x128xf32, #tpu.memory_space<vmem_shared>> -> memref<128x128xf32, #tpu.memory_space<vmem_shared>>
      tpu.wait_dma2 semaphore(%run_scoped3A_1990 : memref<!tpu.dma_semaphore, #tpu.memory_space<semaphore_mem>>) src(%arg7 : memref<128x128xf32, #tpu.memory_space<hbm>>) dst(%dma_wait3A_1994 : memref<128x128xf32, #tpu.memory_space<vmem_shared>>)
      tpu.yield
    }) : () -> ()
    %dma_wait3A_784 = arith.constant 0 : i32
    %dma_wait3A_785 = arith.constant 3 : i32
    %dma_wait3A_786 = arith.constant 0 : i32
    %dma_wait3A_787 = arith.constant 0 : i32
    %dma_wait3A_788 = tpu.memref_slice %arg13[%dma_wait3A_785, %dma_wait3A_786, %dma_wait3A_787] : memref<4x128x128xf32, #tpu.memory_space<vmem>> -> memref<1x128x128xf32, #tpu.memory_space<vmem>>
    %dma_wait3A_789 = tpu.memref_squeeze %dma_wait3A_788 : memref<1x128x128xf32, #tpu.memory_space<vmem>> -> memref<128x128xf32, #tpu.memory_space<vmem>>
    %dma_wait3A_790 = arith.constant 1920 : i32
    %dma_wait3A_791 = tpu.memref_slice %arg10[%dma_wait3A_784, %dma_wait3A_790] : memref<2x2560xi32, #tpu.memory_space<vmem>> -> memref<1x128xi32, #tpu.memory_space<vmem>>
    %dma_wait3A_792 = tpu.memref_squeeze %dma_wait3A_791 : memref<1x128xi32, #tpu.memory_space<vmem>> -> memref<128xi32, #tpu.memory_space<vmem>>
    %dma_wait3A_793 = arith.constant 0 : i32
    %dma_wait3A_794 = arith.constant 0 : i32
    %dma_wait3A_795 = tpu.memref_slice %arg2[%dma_wait3A_793, %dma_wait3A_794] : memref<253952x128xf32, #tpu.memory_space<hbm>> -> memref<253952x128xf32, #tpu.memory_space<hbm>>
    tpu.wait_indirect_dma semaphore(%arg15 : memref<!tpu.dma_semaphore, #tpu.memory_space<semaphore_mem>>) src(%dma_wait3A_795 : memref<253952x128xf32, #tpu.memory_space<hbm>>) dst(%dma_wait3A_789 : memref<128x128xf32, #tpu.memory_space<vmem>>)
    %dma_start3A_796 = arith.constant 3 : i32
    %dma_start3A_797 = arith.constant 15 : i32
    %dma_start3A_798 = arith.constant 0 : i32
    %dma_start3A_799 = arith.constant 0 : i32
    %dma_start3A_800 = tpu.memref_slice %arg13[%dma_start3A_796, %dma_start3A_798, %dma_start3A_799] : memref<4x128x128xf32, #tpu.memory_space<vmem>> -> memref<1x128x128xf32, #tpu.memory_space<vmem>>
    %dma_start3A_801 = tpu.memref_squeeze %dma_start3A_800 : memref<1x128x128xf32, #tpu.memory_space<vmem>> -> memref<128x128xf32, #tpu.memory_space<vmem>>
    %dma_start3A_802 = arith.constant 0 : i32
    %dma_start3A_803 = tpu.memref_slice %arg11[%dma_start3A_797, %dma_start3A_802] : memref<20x128xi32, #tpu.memory_space<vmem>> -> memref<1x128xi32, #tpu.memory_space<vmem>>
    %dma_start3A_804 = tpu.memref_squeeze %dma_start3A_803 : memref<1x128xi32, #tpu.memory_space<vmem>> -> memref<128xi32, #tpu.memory_space<vmem>>
    %dma_start3A_805 = arith.constant 0 : i32
    %dma_start3A_806 = arith.constant 0 : i32
    %dma_start3A_807 = tpu.memref_slice %arg14[%dma_start3A_805, %dma_start3A_806] : memref<6144x128xf32, #tpu.memory_space<vmem_shared>> -> memref<6144x128xf32, #tpu.memory_space<vmem_shared>>
    tpu.enqueue_indirect_dma source(%dma_start3A_801 : memref<128x128xf32, #tpu.memory_space<vmem>>) target(%dma_start3A_807 : memref<6144x128xf32, #tpu.memory_space<vmem_shared>>) offsets(%dma_start3A_804 : memref<128xi32, #tpu.memory_space<vmem>>) semaphore(%arg16 : memref<!tpu.dma_semaphore, #tpu.memory_space<semaphore_mem>>) {add = true}
    %dma_start3A_808 = arith.constant 0 : i32
    %dma_start3A_809 = arith.constant 2 : i32
    %dma_start3A_810 = arith.constant 0 : i32
    %dma_start3A_811 = arith.constant 0 : i32
    %dma_start3A_812 = tpu.memref_slice %arg13[%dma_start3A_809, %dma_start3A_810, %dma_start3A_811] : memref<4x128x128xf32, #tpu.memory_space<vmem>> -> memref<1x128x128xf32, #tpu.memory_space<vmem>>
    %dma_start3A_813 = tpu.memref_squeeze %dma_start3A_812 : memref<1x128x128xf32, #tpu.memory_space<vmem>> -> memref<128x128xf32, #tpu.memory_space<vmem>>
    %dma_start3A_814 = arith.constant 2304 : i32
    %dma_start3A_815 = tpu.memref_slice %arg10[%dma_start3A_808, %dma_start3A_814] : memref<2x2560xi32, #tpu.memory_space<vmem>> -> memref<1x128xi32, #tpu.memory_space<vmem>>
    %dma_start3A_816 = tpu.memref_squeeze %dma_start3A_815 : memref<1x128xi32, #tpu.memory_space<vmem>> -> memref<128xi32, #tpu.memory_space<vmem>>
    %dma_start3A_817 = arith.constant 0 : i32
    %dma_start3A_818 = arith.constant 0 : i32
    %dma_start3A_819 = tpu.memref_slice %arg2[%dma_start3A_817, %dma_start3A_818] : memref<253952x128xf32, #tpu.memory_space<hbm>> -> memref<253952x128xf32, #tpu.memory_space<hbm>>
    tpu.enqueue_indirect_dma source(%dma_start3A_819 : memref<253952x128xf32, #tpu.memory_space<hbm>>) target(%dma_start3A_813 : memref<128x128xf32, #tpu.memory_space<vmem>>) offsets(%dma_start3A_816 : memref<128xi32, #tpu.memory_space<vmem>>) semaphore(%arg15 : memref<!tpu.dma_semaphore, #tpu.memory_space<semaphore_mem>>)
    %dma_wait3A_820 = arith.constant 0 : i32
    %dma_wait3A_821 = arith.constant 0 : i32
    %dma_wait3A_822 = arith.constant 0 : i32
    %dma_wait3A_823 = arith.constant 0 : i32
    %dma_wait3A_824 = tpu.memref_slice %arg13[%dma_wait3A_821, %dma_wait3A_822, %dma_wait3A_823] : memref<4x128x128xf32, #tpu.memory_space<vmem>> -> memref<1x128x128xf32, #tpu.memory_space<vmem>>
    %dma_wait3A_825 = tpu.memref_squeeze %dma_wait3A_824 : memref<1x128x128xf32, #tpu.memory_space<vmem>> -> memref<128x128xf32, #tpu.memory_space<vmem>>
    %dma_wait3A_826 = arith.constant 2048 : i32
    %dma_wait3A_827 = tpu.memref_slice %arg10[%dma_wait3A_820, %dma_wait3A_826] : memref<2x2560xi32, #tpu.memory_space<vmem>> -> memref<1x128xi32, #tpu.memory_space<vmem>>
    %dma_wait3A_828 = tpu.memref_squeeze %dma_wait3A_827 : memref<1x128xi32, #tpu.memory_space<vmem>> -> memref<128xi32, #tpu.memory_space<vmem>>
    %dma_wait3A_829 = arith.constant 0 : i32
    %dma_wait3A_830 = arith.constant 0 : i32
    %dma_wait3A_831 = tpu.memref_slice %arg2[%dma_wait3A_829, %dma_wait3A_830] : memref<253952x128xf32, #tpu.memory_space<hbm>> -> memref<253952x128xf32, #tpu.memory_space<hbm>>
    tpu.wait_indirect_dma semaphore(%arg15 : memref<!tpu.dma_semaphore, #tpu.memory_space<semaphore_mem>>) src(%dma_wait3A_831 : memref<253952x128xf32, #tpu.memory_space<hbm>>) dst(%dma_wait3A_825 : memref<128x128xf32, #tpu.memory_space<vmem>>)
    %dma_wait3A_832 = arith.constant 3 : i32
    %dma_wait3A_833 = arith.constant 15 : i32
    %dma_wait3A_834 = arith.constant 0 : i32
    %dma_wait3A_835 = arith.constant 0 : i32
    %dma_wait3A_836 = tpu.memref_slice %arg13[%dma_wait3A_832, %dma_wait3A_834, %dma_wait3A_835] : memref<4x128x128xf32, #tpu.memory_space<vmem>> -> memref<1x128x128xf32, #tpu.memory_space<vmem>>
    %dma_wait3A_837 = tpu.memref_squeeze %dma_wait3A_836 : memref<1x128x128xf32, #tpu.memory_space<vmem>> -> memref<128x128xf32, #tpu.memory_space<vmem>>
    %dma_wait3A_838 = arith.constant 0 : i32
    %dma_wait3A_839 = tpu.memref_slice %arg11[%dma_wait3A_833, %dma_wait3A_838] : memref<20x128xi32, #tpu.memory_space<vmem>> -> memref<1x128xi32, #tpu.memory_space<vmem>>
    %dma_wait3A_840 = tpu.memref_squeeze %dma_wait3A_839 : memref<1x128xi32, #tpu.memory_space<vmem>> -> memref<128xi32, #tpu.memory_space<vmem>>
    %dma_wait3A_841 = arith.constant 0 : i32
    %dma_wait3A_842 = arith.constant 0 : i32
    %dma_wait3A_843 = tpu.memref_slice %arg14[%dma_wait3A_841, %dma_wait3A_842] : memref<6144x128xf32, #tpu.memory_space<vmem_shared>> -> memref<6144x128xf32, #tpu.memory_space<vmem_shared>>
    tpu.wait_indirect_dma semaphore(%arg16 : memref<!tpu.dma_semaphore, #tpu.memory_space<semaphore_mem>>) src(%dma_wait3A_837 : memref<128x128xf32, #tpu.memory_space<vmem>>) dst(%dma_wait3A_843 : memref<6144x128xf32, #tpu.memory_space<vmem_shared>>)
    %dma_start3A_844 = arith.constant 0 : i32
    %dma_start3A_845 = arith.constant 16 : i32
    %dma_start3A_846 = arith.constant 0 : i32
    %dma_start3A_847 = arith.constant 0 : i32
    %dma_start3A_848 = tpu.memref_slice %arg13[%dma_start3A_844, %dma_start3A_846, %dma_start3A_847] : memref<4x128x128xf32, #tpu.memory_space<vmem>> -> memref<1x128x128xf32, #tpu.memory_space<vmem>>
    %dma_start3A_849 = tpu.memref_squeeze %dma_start3A_848 : memref<1x128x128xf32, #tpu.memory_space<vmem>> -> memref<128x128xf32, #tpu.memory_space<vmem>>
    %dma_start3A_850 = arith.constant 0 : i32
    %dma_start3A_851 = tpu.memref_slice %arg11[%dma_start3A_845, %dma_start3A_850] : memref<20x128xi32, #tpu.memory_space<vmem>> -> memref<1x128xi32, #tpu.memory_space<vmem>>
    %dma_start3A_852 = tpu.memref_squeeze %dma_start3A_851 : memref<1x128xi32, #tpu.memory_space<vmem>> -> memref<128xi32, #tpu.memory_space<vmem>>
    %dma_start3A_853 = arith.constant 0 : i32
    %dma_start3A_854 = arith.constant 0 : i32
    %dma_start3A_855 = tpu.memref_slice %arg14[%dma_start3A_853, %dma_start3A_854] : memref<6144x128xf32, #tpu.memory_space<vmem_shared>> -> memref<6144x128xf32, #tpu.memory_space<vmem_shared>>
    tpu.enqueue_indirect_dma source(%dma_start3A_849 : memref<128x128xf32, #tpu.memory_space<vmem>>) target(%dma_start3A_855 : memref<6144x128xf32, #tpu.memory_space<vmem_shared>>) offsets(%dma_start3A_852 : memref<128xi32, #tpu.memory_space<vmem>>) semaphore(%arg16 : memref<!tpu.dma_semaphore, #tpu.memory_space<semaphore_mem>>) {add = true}
    %dma_start3A_856 = arith.constant 0 : i32
    %dma_start3A_857 = arith.constant 3 : i32
    %dma_start3A_858 = arith.constant 0 : i32
    %dma_start3A_859 = arith.constant 0 : i32
    %dma_start3A_860 = tpu.memref_slice %arg13[%dma_start3A_857, %dma_start3A_858, %dma_start3A_859] : memref<4x128x128xf32, #tpu.memory_space<vmem>> -> memref<1x128x128xf32, #tpu.memory_space<vmem>>
    %dma_start3A_861 = tpu.memref_squeeze %dma_start3A_860 : memref<1x128x128xf32, #tpu.memory_space<vmem>> -> memref<128x128xf32, #tpu.memory_space<vmem>>
    %dma_start3A_862 = arith.constant 2432 : i32
    %dma_start3A_863 = tpu.memref_slice %arg10[%dma_start3A_856, %dma_start3A_862] : memref<2x2560xi32, #tpu.memory_space<vmem>> -> memref<1x128xi32, #tpu.memory_space<vmem>>
    %dma_start3A_864 = tpu.memref_squeeze %dma_start3A_863 : memref<1x128xi32, #tpu.memory_space<vmem>> -> memref<128xi32, #tpu.memory_space<vmem>>
    %dma_start3A_865 = arith.constant 0 : i32
    %dma_start3A_866 = arith.constant 0 : i32
    %dma_start3A_867 = tpu.memref_slice %arg2[%dma_start3A_865, %dma_start3A_866] : memref<253952x128xf32, #tpu.memory_space<hbm>> -> memref<253952x128xf32, #tpu.memory_space<hbm>>
    tpu.enqueue_indirect_dma source(%dma_start3A_867 : memref<253952x128xf32, #tpu.memory_space<hbm>>) target(%dma_start3A_861 : memref<128x128xf32, #tpu.memory_space<vmem>>) offsets(%dma_start3A_864 : memref<128xi32, #tpu.memory_space<vmem>>) semaphore(%arg15 : memref<!tpu.dma_semaphore, #tpu.memory_space<semaphore_mem>>)
    %dma_wait3A_868 = arith.constant 0 : i32
    %dma_wait3A_869 = arith.constant 1 : i32
    %dma_wait3A_870 = arith.constant 0 : i32
    %dma_wait3A_871 = arith.constant 0 : i32
    %dma_wait3A_872 = tpu.memref_slice %arg13[%dma_wait3A_869, %dma_wait3A_870, %dma_wait3A_871] : memref<4x128x128xf32, #tpu.memory_space<vmem>> -> memref<1x128x128xf32, #tpu.memory_space<vmem>>
    %dma_wait3A_873 = tpu.memref_squeeze %dma_wait3A_872 : memref<1x128x128xf32, #tpu.memory_space<vmem>> -> memref<128x128xf32, #tpu.memory_space<vmem>>
    %dma_wait3A_874 = arith.constant 2176 : i32
    %dma_wait3A_875 = tpu.memref_slice %arg10[%dma_wait3A_868, %dma_wait3A_874] : memref<2x2560xi32, #tpu.memory_space<vmem>> -> memref<1x128xi32, #tpu.memory_space<vmem>>
    %dma_wait3A_876 = tpu.memref_squeeze %dma_wait3A_875 : memref<1x128xi32, #tpu.memory_space<vmem>> -> memref<128xi32, #tpu.memory_space<vmem>>
    %dma_wait3A_877 = arith.constant 0 : i32
    %dma_wait3A_878 = arith.constant 0 : i32
    %dma_wait3A_879 = tpu.memref_slice %arg2[%dma_wait3A_877, %dma_wait3A_878] : memref<253952x128xf32, #tpu.memory_space<hbm>> -> memref<253952x128xf32, #tpu.memory_space<hbm>>
    tpu.wait_indirect_dma semaphore(%arg15 : memref<!tpu.dma_semaphore, #tpu.memory_space<semaphore_mem>>) src(%dma_wait3A_879 : memref<253952x128xf32, #tpu.memory_space<hbm>>) dst(%dma_wait3A_873 : memref<128x128xf32, #tpu.memory_space<vmem>>)
    %dma_wait3A_880 = arith.constant 0 : i32
    %dma_wait3A_881 = arith.constant 16 : i32
    %dma_wait3A_882 = arith.constant 0 : i32
    %dma_wait3A_883 = arith.constant 0 : i32
    %dma_wait3A_884 = tpu.memref_slice %arg13[%dma_wait3A_880, %dma_wait3A_882, %dma_wait3A_883] : memref<4x128x128xf32, #tpu.memory_space<vmem>> -> memref<1x128x128xf32, #tpu.memory_space<vmem>>
    %dma_wait3A_885 = tpu.memref_squeeze %dma_wait3A_884 : memref<1x128x128xf32, #tpu.memory_space<vmem>> -> memref<128x128xf32, #tpu.memory_space<vmem>>
    %dma_wait3A_886 = arith.constant 0 : i32
    %dma_wait3A_887 = tpu.memref_slice %arg11[%dma_wait3A_881, %dma_wait3A_886] : memref<20x128xi32, #tpu.memory_space<vmem>> -> memref<1x128xi32, #tpu.memory_space<vmem>>
    %dma_wait3A_888 = tpu.memref_squeeze %dma_wait3A_887 : memref<1x128xi32, #tpu.memory_space<vmem>> -> memref<128xi32, #tpu.memory_space<vmem>>
    %dma_wait3A_889 = arith.constant 0 : i32
    %dma_wait3A_890 = arith.constant 0 : i32
    %dma_wait3A_891 = tpu.memref_slice %arg14[%dma_wait3A_889, %dma_wait3A_890] : memref<6144x128xf32, #tpu.memory_space<vmem_shared>> -> memref<6144x128xf32, #tpu.memory_space<vmem_shared>>
    tpu.wait_indirect_dma semaphore(%arg16 : memref<!tpu.dma_semaphore, #tpu.memory_space<semaphore_mem>>) src(%dma_wait3A_885 : memref<128x128xf32, #tpu.memory_space<vmem>>) dst(%dma_wait3A_891 : memref<6144x128xf32, #tpu.memory_space<vmem_shared>>)
    %dma_start3A_892 = arith.constant 1 : i32
    %dma_start3A_893 = arith.constant 17 : i32
    %dma_start3A_894 = arith.constant 0 : i32
    %dma_start3A_895 = arith.constant 0 : i32
    %dma_start3A_896 = tpu.memref_slice %arg13[%dma_start3A_892, %dma_start3A_894, %dma_start3A_895] : memref<4x128x128xf32, #tpu.memory_space<vmem>> -> memref<1x128x128xf32, #tpu.memory_space<vmem>>
    %dma_start3A_897 = tpu.memref_squeeze %dma_start3A_896 : memref<1x128x128xf32, #tpu.memory_space<vmem>> -> memref<128x128xf32, #tpu.memory_space<vmem>>
    %dma_start3A_898 = arith.constant 0 : i32
    %dma_start3A_899 = tpu.memref_slice %arg11[%dma_start3A_893, %dma_start3A_898] : memref<20x128xi32, #tpu.memory_space<vmem>> -> memref<1x128xi32, #tpu.memory_space<vmem>>
    %dma_start3A_900 = tpu.memref_squeeze %dma_start3A_899 : memref<1x128xi32, #tpu.memory_space<vmem>> -> memref<128xi32, #tpu.memory_space<vmem>>
    %dma_start3A_901 = arith.constant 0 : i32
    %dma_start3A_902 = arith.constant 0 : i32
    %dma_start3A_903 = tpu.memref_slice %arg14[%dma_start3A_901, %dma_start3A_902] : memref<6144x128xf32, #tpu.memory_space<vmem_shared>> -> memref<6144x128xf32, #tpu.memory_space<vmem_shared>>
    tpu.enqueue_indirect_dma source(%dma_start3A_897 : memref<128x128xf32, #tpu.memory_space<vmem>>) target(%dma_start3A_903 : memref<6144x128xf32, #tpu.memory_space<vmem_shared>>) offsets(%dma_start3A_900 : memref<128xi32, #tpu.memory_space<vmem>>) semaphore(%arg16 : memref<!tpu.dma_semaphore, #tpu.memory_space<semaphore_mem>>) {add = true}
    %dma_start3A_904 = arith.constant 1 : i32
    %dma_start3A_905 = arith.constant 0 : i32
    %dma_start3A_906 = arith.constant 0 : i32
    %dma_start3A_907 = arith.constant 0 : i32
    %dma_start3A_908 = tpu.memref_slice %arg13[%dma_start3A_905, %dma_start3A_906, %dma_start3A_907] : memref<4x128x128xf32, #tpu.memory_space<vmem>> -> memref<1x128x128xf32, #tpu.memory_space<vmem>>
    %dma_start3A_909 = tpu.memref_squeeze %dma_start3A_908 : memref<1x128x128xf32, #tpu.memory_space<vmem>> -> memref<128x128xf32, #tpu.memory_space<vmem>>
    %dma_start3A_910 = arith.constant 0 : i32
    %dma_start3A_911 = tpu.memref_slice %arg10[%dma_start3A_904, %dma_start3A_910] : memref<2x2560xi32, #tpu.memory_space<vmem>> -> memref<1x128xi32, #tpu.memory_space<vmem>>
    %dma_start3A_912 = tpu.memref_squeeze %dma_start3A_911 : memref<1x128xi32, #tpu.memory_space<vmem>> -> memref<128xi32, #tpu.memory_space<vmem>>
    %dma_start3A_913 = arith.constant 0 : i32
    %dma_start3A_914 = arith.constant 0 : i32
    %dma_start3A_915 = tpu.memref_slice %arg3[%dma_start3A_913, %dma_start3A_914] : memref<253952x128xf32, #tpu.memory_space<hbm>> -> memref<253952x128xf32, #tpu.memory_space<hbm>>
    tpu.enqueue_indirect_dma source(%dma_start3A_915 : memref<253952x128xf32, #tpu.memory_space<hbm>>) target(%dma_start3A_909 : memref<128x128xf32, #tpu.memory_space<vmem>>) offsets(%dma_start3A_912 : memref<128xi32, #tpu.memory_space<vmem>>) semaphore(%arg15 : memref<!tpu.dma_semaphore, #tpu.memory_space<semaphore_mem>>)
    %dma_wait3A_916 = arith.constant 0 : i32
    %dma_wait3A_917 = arith.constant 2 : i32
    %dma_wait3A_918 = arith.constant 0 : i32
    %dma_wait3A_919 = arith.constant 0 : i32
    %dma_wait3A_920 = tpu.memref_slice %arg13[%dma_wait3A_917, %dma_wait3A_918, %dma_wait3A_919] : memref<4x128x128xf32, #tpu.memory_space<vmem>> -> memref<1x128x128xf32, #tpu.memory_space<vmem>>
    %dma_wait3A_921 = tpu.memref_squeeze %dma_wait3A_920 : memref<1x128x128xf32, #tpu.memory_space<vmem>> -> memref<128x128xf32, #tpu.memory_space<vmem>>
    %dma_wait3A_922 = arith.constant 2304 : i32
    %dma_wait3A_923 = tpu.memref_slice %arg10[%dma_wait3A_916, %dma_wait3A_922] : memref<2x2560xi32, #tpu.memory_space<vmem>> -> memref<1x128xi32, #tpu.memory_space<vmem>>
    %dma_wait3A_924 = tpu.memref_squeeze %dma_wait3A_923 : memref<1x128xi32, #tpu.memory_space<vmem>> -> memref<128xi32, #tpu.memory_space<vmem>>
    %dma_wait3A_925 = arith.constant 0 : i32
    %dma_wait3A_926 = arith.constant 0 : i32
    %dma_wait3A_927 = tpu.memref_slice %arg2[%dma_wait3A_925, %dma_wait3A_926] : memref<253952x128xf32, #tpu.memory_space<hbm>> -> memref<253952x128xf32, #tpu.memory_space<hbm>>
    tpu.wait_indirect_dma semaphore(%arg15 : memref<!tpu.dma_semaphore, #tpu.memory_space<semaphore_mem>>) src(%dma_wait3A_927 : memref<253952x128xf32, #tpu.memory_space<hbm>>) dst(%dma_wait3A_921 : memref<128x128xf32, #tpu.memory_space<vmem>>)
    %dma_wait3A_928 = arith.constant 1 : i32
    %dma_wait3A_929 = arith.constant 17 : i32
    %dma_wait3A_930 = arith.constant 0 : i32
    %dma_wait3A_931 = arith.constant 0 : i32
    %dma_wait3A_932 = tpu.memref_slice %arg13[%dma_wait3A_928, %dma_wait3A_930, %dma_wait3A_931] : memref<4x128x128xf32, #tpu.memory_space<vmem>> -> memref<1x128x128xf32, #tpu.memory_space<vmem>>
    %dma_wait3A_933 = tpu.memref_squeeze %dma_wait3A_932 : memref<1x128x128xf32, #tpu.memory_space<vmem>> -> memref<128x128xf32, #tpu.memory_space<vmem>>
    %dma_wait3A_934 = arith.constant 0 : i32
    %dma_wait3A_935 = tpu.memref_slice %arg11[%dma_wait3A_929, %dma_wait3A_934] : memref<20x128xi32, #tpu.memory_space<vmem>> -> memref<1x128xi32, #tpu.memory_space<vmem>>
    %dma_wait3A_936 = tpu.memref_squeeze %dma_wait3A_935 : memref<1x128xi32, #tpu.memory_space<vmem>> -> memref<128xi32, #tpu.memory_space<vmem>>
    %dma_wait3A_937 = arith.constant 0 : i32
    %dma_wait3A_938 = arith.constant 0 : i32
    %dma_wait3A_939 = tpu.memref_slice %arg14[%dma_wait3A_937, %dma_wait3A_938] : memref<6144x128xf32, #tpu.memory_space<vmem_shared>> -> memref<6144x128xf32, #tpu.memory_space<vmem_shared>>
    tpu.wait_indirect_dma semaphore(%arg16 : memref<!tpu.dma_semaphore, #tpu.memory_space<semaphore_mem>>) src(%dma_wait3A_933 : memref<128x128xf32, #tpu.memory_space<vmem>>) dst(%dma_wait3A_939 : memref<6144x128xf32, #tpu.memory_space<vmem_shared>>)
    %dma_start3A_940 = arith.constant 2 : i32
    %dma_start3A_941 = arith.constant 18 : i32
    %dma_start3A_942 = arith.constant 0 : i32
    %dma_start3A_943 = arith.constant 0 : i32
    %dma_start3A_944 = tpu.memref_slice %arg13[%dma_start3A_940, %dma_start3A_942, %dma_start3A_943] : memref<4x128x128xf32, #tpu.memory_space<vmem>> -> memref<1x128x128xf32, #tpu.memory_space<vmem>>
    %dma_start3A_945 = tpu.memref_squeeze %dma_start3A_944 : memref<1x128x128xf32, #tpu.memory_space<vmem>> -> memref<128x128xf32, #tpu.memory_space<vmem>>
    %dma_start3A_946 = arith.constant 0 : i32
    %dma_start3A_947 = tpu.memref_slice %arg11[%dma_start3A_941, %dma_start3A_946] : memref<20x128xi32, #tpu.memory_space<vmem>> -> memref<1x128xi32, #tpu.memory_space<vmem>>
    %dma_start3A_948 = tpu.memref_squeeze %dma_start3A_947 : memref<1x128xi32, #tpu.memory_space<vmem>> -> memref<128xi32, #tpu.memory_space<vmem>>
    %dma_start3A_949 = arith.constant 0 : i32
    %dma_start3A_950 = arith.constant 0 : i32
    %dma_start3A_951 = tpu.memref_slice %arg14[%dma_start3A_949, %dma_start3A_950] : memref<6144x128xf32, #tpu.memory_space<vmem_shared>> -> memref<6144x128xf32, #tpu.memory_space<vmem_shared>>
    tpu.enqueue_indirect_dma source(%dma_start3A_945 : memref<128x128xf32, #tpu.memory_space<vmem>>) target(%dma_start3A_951 : memref<6144x128xf32, #tpu.memory_space<vmem_shared>>) offsets(%dma_start3A_948 : memref<128xi32, #tpu.memory_space<vmem>>) semaphore(%arg16 : memref<!tpu.dma_semaphore, #tpu.memory_space<semaphore_mem>>) {add = true}
    %dma_start3A_952 = arith.constant 1 : i32
    %dma_start3A_953 = arith.constant 1 : i32
    %dma_start3A_954 = arith.constant 0 : i32
    %dma_start3A_955 = arith.constant 0 : i32
    %dma_start3A_956 = tpu.memref_slice %arg13[%dma_start3A_953, %dma_start3A_954, %dma_start3A_955] : memref<4x128x128xf32, #tpu.memory_space<vmem>> -> memref<1x128x128xf32, #tpu.memory_space<vmem>>
    %dma_start3A_957 = tpu.memref_squeeze %dma_start3A_956 : memref<1x128x128xf32, #tpu.memory_space<vmem>> -> memref<128x128xf32, #tpu.memory_space<vmem>>
    %dma_start3A_958 = arith.constant 128 : i32
    %dma_start3A_959 = tpu.memref_slice %arg10[%dma_start3A_952, %dma_start3A_958] : memref<2x2560xi32, #tpu.memory_space<vmem>> -> memref<1x128xi32, #tpu.memory_space<vmem>>
    %dma_start3A_960 = tpu.memref_squeeze %dma_start3A_959 : memref<1x128xi32, #tpu.memory_space<vmem>> -> memref<128xi32, #tpu.memory_space<vmem>>
    %dma_start3A_961 = arith.constant 0 : i32
    %dma_start3A_962 = arith.constant 0 : i32
    %dma_start3A_963 = tpu.memref_slice %arg3[%dma_start3A_961, %dma_start3A_962] : memref<253952x128xf32, #tpu.memory_space<hbm>> -> memref<253952x128xf32, #tpu.memory_space<hbm>>
    tpu.enqueue_indirect_dma source(%dma_start3A_963 : memref<253952x128xf32, #tpu.memory_space<hbm>>) target(%dma_start3A_957 : memref<128x128xf32, #tpu.memory_space<vmem>>) offsets(%dma_start3A_960 : memref<128xi32, #tpu.memory_space<vmem>>) semaphore(%arg15 : memref<!tpu.dma_semaphore, #tpu.memory_space<semaphore_mem>>)
    %dma_wait3A_964 = arith.constant 0 : i32
    %dma_wait3A_965 = arith.constant 3 : i32
    %dma_wait3A_966 = arith.constant 0 : i32
    %dma_wait3A_967 = arith.constant 0 : i32
    %dma_wait3A_968 = tpu.memref_slice %arg13[%dma_wait3A_965, %dma_wait3A_966, %dma_wait3A_967] : memref<4x128x128xf32, #tpu.memory_space<vmem>> -> memref<1x128x128xf32, #tpu.memory_space<vmem>>
    %dma_wait3A_969 = tpu.memref_squeeze %dma_wait3A_968 : memref<1x128x128xf32, #tpu.memory_space<vmem>> -> memref<128x128xf32, #tpu.memory_space<vmem>>
    %dma_wait3A_970 = arith.constant 2432 : i32
    %dma_wait3A_971 = tpu.memref_slice %arg10[%dma_wait3A_964, %dma_wait3A_970] : memref<2x2560xi32, #tpu.memory_space<vmem>> -> memref<1x128xi32, #tpu.memory_space<vmem>>
    %dma_wait3A_972 = tpu.memref_squeeze %dma_wait3A_971 : memref<1x128xi32, #tpu.memory_space<vmem>> -> memref<128xi32, #tpu.memory_space<vmem>>
    %dma_wait3A_973 = arith.constant 0 : i32
    %dma_wait3A_974 = arith.constant 0 : i32
    %dma_wait3A_975 = tpu.memref_slice %arg2[%dma_wait3A_973, %dma_wait3A_974] : memref<253952x128xf32, #tpu.memory_space<hbm>> -> memref<253952x128xf32, #tpu.memory_space<hbm>>
    tpu.wait_indirect_dma semaphore(%arg15 : memref<!tpu.dma_semaphore, #tpu.memory_space<semaphore_mem>>) src(%dma_wait3A_975 : memref<253952x128xf32, #tpu.memory_space<hbm>>) dst(%dma_wait3A_969 : memref<128x128xf32, #tpu.memory_space<vmem>>)
    %dma_wait3A_976 = arith.constant 2 : i32
    %dma_wait3A_977 = arith.constant 18 : i32
    %dma_wait3A_978 = arith.constant 0 : i32
    %dma_wait3A_979 = arith.constant 0 : i32
    %dma_wait3A_980 = tpu.memref_slice %arg13[%dma_wait3A_976, %dma_wait3A_978, %dma_wait3A_979] : memref<4x128x128xf32, #tpu.memory_space<vmem>> -> memref<1x128x128xf32, #tpu.memory_space<vmem>>
    %dma_wait3A_981 = tpu.memref_squeeze %dma_wait3A_980 : memref<1x128x128xf32, #tpu.memory_space<vmem>> -> memref<128x128xf32, #tpu.memory_space<vmem>>
    %dma_wait3A_982 = arith.constant 0 : i32
    %dma_wait3A_983 = tpu.memref_slice %arg11[%dma_wait3A_977, %dma_wait3A_982] : memref<20x128xi32, #tpu.memory_space<vmem>> -> memref<1x128xi32, #tpu.memory_space<vmem>>
    %dma_wait3A_984 = tpu.memref_squeeze %dma_wait3A_983 : memref<1x128xi32, #tpu.memory_space<vmem>> -> memref<128xi32, #tpu.memory_space<vmem>>
    %dma_wait3A_985 = arith.constant 0 : i32
    %dma_wait3A_986 = arith.constant 0 : i32
    %dma_wait3A_987 = tpu.memref_slice %arg14[%dma_wait3A_985, %dma_wait3A_986] : memref<6144x128xf32, #tpu.memory_space<vmem_shared>> -> memref<6144x128xf32, #tpu.memory_space<vmem_shared>>
    tpu.wait_indirect_dma semaphore(%arg16 : memref<!tpu.dma_semaphore, #tpu.memory_space<semaphore_mem>>) src(%dma_wait3A_981 : memref<128x128xf32, #tpu.memory_space<vmem>>) dst(%dma_wait3A_987 : memref<6144x128xf32, #tpu.memory_space<vmem_shared>>)
    %dma_start3A_988 = arith.constant 3 : i32
    %dma_start3A_989 = arith.constant 19 : i32
    %dma_start3A_990 = arith.constant 0 : i32
    %dma_start3A_991 = arith.constant 0 : i32
    %dma_start3A_992 = tpu.memref_slice %arg13[%dma_start3A_988, %dma_start3A_990, %dma_start3A_991] : memref<4x128x128xf32, #tpu.memory_space<vmem>> -> memref<1x128x128xf32, #tpu.memory_space<vmem>>
    %dma_start3A_993 = tpu.memref_squeeze %dma_start3A_992 : memref<1x128x128xf32, #tpu.memory_space<vmem>> -> memref<128x128xf32, #tpu.memory_space<vmem>>
    %dma_start3A_994 = arith.constant 0 : i32
    %dma_start3A_995 = tpu.memref_slice %arg11[%dma_start3A_989, %dma_start3A_994] : memref<20x128xi32, #tpu.memory_space<vmem>> -> memref<1x128xi32, #tpu.memory_space<vmem>>
    %dma_start3A_996 = tpu.memref_squeeze %dma_start3A_995 : memref<1x128xi32, #tpu.memory_space<vmem>> -> memref<128xi32, #tpu.memory_space<vmem>>
    %dma_start3A_997 = arith.constant 0 : i32
    %dma_start3A_998 = arith.constant 0 : i32
    %dma_start3A_999 = tpu.memref_slice %arg14[%dma_start3A_997, %dma_start3A_998] : memref<6144x128xf32, #tpu.memory_space<vmem_shared>> -> memref<6144x128xf32, #tpu.memory_space<vmem_shared>>
    tpu.enqueue_indirect_dma source(%dma_start3A_993 : memref<128x128xf32, #tpu.memory_space<vmem>>) target(%dma_start3A_999 : memref<6144x128xf32, #tpu.memory_space<vmem_shared>>) offsets(%dma_start3A_996 : memref<128xi32, #tpu.memory_space<vmem>>) semaphore(%arg16 : memref<!tpu.dma_semaphore, #tpu.memory_space<semaphore_mem>>) {add = true}
    %dma_start3A_1000 = arith.constant 1 : i32
    %dma_start3A_1001 = arith.constant 2 : i32
    %dma_start3A_1002 = arith.constant 0 : i32
    %dma_start3A_1003 = arith.constant 0 : i32
    %dma_start3A_1004 = tpu.memref_slice %arg13[%dma_start3A_1001, %dma_start3A_1002, %dma_start3A_1003] : memref<4x128x128xf32, #tpu.memory_space<vmem>> -> memref<1x128x128xf32, #tpu.memory_space<vmem>>
    %dma_start3A_1005 = tpu.memref_squeeze %dma_start3A_1004 : memref<1x128x128xf32, #tpu.memory_space<vmem>> -> memref<128x128xf32, #tpu.memory_space<vmem>>
    %dma_start3A_1006 = arith.constant 256 : i32
    %dma_start3A_1007 = tpu.memref_slice %arg10[%dma_start3A_1000, %dma_start3A_1006] : memref<2x2560xi32, #tpu.memory_space<vmem>> -> memref<1x128xi32, #tpu.memory_space<vmem>>
    %dma_start3A_1008 = tpu.memref_squeeze %dma_start3A_1007 : memref<1x128xi32, #tpu.memory_space<vmem>> -> memref<128xi32, #tpu.memory_space<vmem>>
    %dma_start3A_1009 = arith.constant 0 : i32
    %dma_start3A_1010 = arith.constant 0 : i32
    %dma_start3A_1011 = tpu.memref_slice %arg3[%dma_start3A_1009, %dma_start3A_1010] : memref<253952x128xf32, #tpu.memory_space<hbm>> -> memref<253952x128xf32, #tpu.memory_space<hbm>>
    tpu.enqueue_indirect_dma source(%dma_start3A_1011 : memref<253952x128xf32, #tpu.memory_space<hbm>>) target(%dma_start3A_1005 : memref<128x128xf32, #tpu.memory_space<vmem>>) offsets(%dma_start3A_1008 : memref<128xi32, #tpu.memory_space<vmem>>) semaphore(%arg15 : memref<!tpu.dma_semaphore, #tpu.memory_space<semaphore_mem>>)
    %dma_wait3A_1012 = arith.constant 3 : i32
    %dma_wait3A_1013 = arith.constant 19 : i32
    %dma_wait3A_1014 = arith.constant 0 : i32
    %dma_wait3A_1015 = arith.constant 0 : i32
    %dma_wait3A_1016 = tpu.memref_slice %arg13[%dma_wait3A_1012, %dma_wait3A_1014, %dma_wait3A_1015] : memref<4x128x128xf32, #tpu.memory_space<vmem>> -> memref<1x128x128xf32, #tpu.memory_space<vmem>>
    %dma_wait3A_1017 = tpu.memref_squeeze %dma_wait3A_1016 : memref<1x128x128xf32, #tpu.memory_space<vmem>> -> memref<128x128xf32, #tpu.memory_space<vmem>>
    %dma_wait3A_1018 = arith.constant 0 : i32
    %dma_wait3A_1019 = tpu.memref_slice %arg11[%dma_wait3A_1013, %dma_wait3A_1018] : memref<20x128xi32, #tpu.memory_space<vmem>> -> memref<1x128xi32, #tpu.memory_space<vmem>>
    %dma_wait3A_1020 = tpu.memref_squeeze %dma_wait3A_1019 : memref<1x128xi32, #tpu.memory_space<vmem>> -> memref<128xi32, #tpu.memory_space<vmem>>
    %dma_wait3A_1021 = arith.constant 0 : i32
    %dma_wait3A_1022 = arith.constant 0 : i32
    %dma_wait3A_1023 = tpu.memref_slice %arg14[%dma_wait3A_1021, %dma_wait3A_1022] : memref<6144x128xf32, #tpu.memory_space<vmem_shared>> -> memref<6144x128xf32, #tpu.memory_space<vmem_shared>>
    tpu.wait_indirect_dma semaphore(%arg16 : memref<!tpu.dma_semaphore, #tpu.memory_space<semaphore_mem>>) src(%dma_wait3A_1017 : memref<128x128xf32, #tpu.memory_space<vmem>>) dst(%dma_wait3A_1023 : memref<6144x128xf32, #tpu.memory_space<vmem_shared>>)
    %add3A_1024 = arith.constant 4096 : i32
    %add3A_1025 = arith.addi %add3A_1024, %mul3A_4 : i32
    %mul3A_1026 = arith.constant 512 : i32
    %mul3A_1027 = arith.muli %add3A, %mul3A_1026 : i32
    %add3A_1028 = arith.constant 256 : i32
    %add3A_1029 = arith.addi %mul3A_1027, %add3A_1028 : i32
    "tpu.region"() ({
      %run_scoped3A_1990 = tpu.sem_alloc : memref<!tpu.dma_semaphore, #tpu.memory_space<semaphore_mem>>
      %dma_start3A_1991 = arith.constant 0 : i32
      %dma_start3A_1992 = tpu.memref_slice %arg8[%add3A_1029, %dma_start3A_1991] : memref<16384x128xf32, #tpu.memory_space<hbm>> -> memref<128x128xf32, #tpu.memory_space<hbm>>
      %dma_start3A_1993 = arith.constant 0 : i32
      %dma_start3A_1994 = tpu.memref_slice %arg14[%add3A_1025, %dma_start3A_1993] : memref<6144x128xf32, #tpu.memory_space<vmem_shared>> -> memref<128x128xf32, #tpu.memory_space<vmem_shared>>
      tpu.enqueue_dma source(%dma_start3A_1994 : memref<128x128xf32, #tpu.memory_space<vmem_shared>>) target(%dma_start3A_1992 : memref<128x128xf32, #tpu.memory_space<hbm>>) target_semaphore(%run_scoped3A_1990 : memref<!tpu.dma_semaphore, #tpu.memory_space<semaphore_mem>>)
      %dma_wait3A_1995 = arith.constant 0 : i32
      %dma_wait3A_1996 = tpu.memref_slice %arg8[%add3A_1029, %dma_wait3A_1995] : memref<16384x128xf32, #tpu.memory_space<hbm>> -> memref<128x128xf32, #tpu.memory_space<hbm>>
      %dma_wait3A_1997 = arith.constant 0 : i32
      %dma_wait3A_1998 = tpu.memref_slice %arg14[%add3A_1025, %dma_wait3A_1997] : memref<6144x128xf32, #tpu.memory_space<vmem_shared>> -> memref<128x128xf32, #tpu.memory_space<vmem_shared>>
      tpu.wait_dma2 semaphore(%run_scoped3A_1990 : memref<!tpu.dma_semaphore, #tpu.memory_space<semaphore_mem>>) src(%dma_wait3A_1998 : memref<128x128xf32, #tpu.memory_space<vmem_shared>>) dst(%dma_wait3A_1996 : memref<128x128xf32, #tpu.memory_space<hbm>>)
      tpu.yield
    }) : () -> ()
    %add3A_1030 = arith.constant 4096 : i32
    %add3A_1031 = arith.addi %add3A_1030, %mul3A_4 : i32
    "tpu.region"() ({
      %run_scoped3A_1990 = tpu.sem_alloc : memref<!tpu.dma_semaphore, #tpu.memory_space<semaphore_mem>>
      %dma_start3A_1991 = arith.constant 0 : i32
      %dma_start3A_1992 = tpu.memref_slice %arg14[%add3A_1031, %dma_start3A_1991] : memref<6144x128xf32, #tpu.memory_space<vmem_shared>> -> memref<128x128xf32, #tpu.memory_space<vmem_shared>>
      tpu.enqueue_dma source(%arg7 : memref<128x128xf32, #tpu.memory_space<hbm>>) target(%dma_start3A_1992 : memref<128x128xf32, #tpu.memory_space<vmem_shared>>) target_semaphore(%run_scoped3A_1990 : memref<!tpu.dma_semaphore, #tpu.memory_space<semaphore_mem>>)
      %dma_wait3A_1993 = arith.constant 0 : i32
      %dma_wait3A_1994 = tpu.memref_slice %arg14[%add3A_1031, %dma_wait3A_1993] : memref<6144x128xf32, #tpu.memory_space<vmem_shared>> -> memref<128x128xf32, #tpu.memory_space<vmem_shared>>
      tpu.wait_dma2 semaphore(%run_scoped3A_1990 : memref<!tpu.dma_semaphore, #tpu.memory_space<semaphore_mem>>) src(%arg7 : memref<128x128xf32, #tpu.memory_space<hbm>>) dst(%dma_wait3A_1994 : memref<128x128xf32, #tpu.memory_space<vmem_shared>>)
      tpu.yield
    }) : () -> ()
    %dma_wait3A_1032 = arith.constant 1 : i32
    %dma_wait3A_1033 = arith.constant 0 : i32
    %dma_wait3A_1034 = arith.constant 0 : i32
    %dma_wait3A_1035 = arith.constant 0 : i32
    %dma_wait3A_1036 = tpu.memref_slice %arg13[%dma_wait3A_1033, %dma_wait3A_1034, %dma_wait3A_1035] : memref<4x128x128xf32, #tpu.memory_space<vmem>> -> memref<1x128x128xf32, #tpu.memory_space<vmem>>
    %dma_wait3A_1037 = tpu.memref_squeeze %dma_wait3A_1036 : memref<1x128x128xf32, #tpu.memory_space<vmem>> -> memref<128x128xf32, #tpu.memory_space<vmem>>
    %dma_wait3A_1038 = arith.constant 0 : i32
    %dma_wait3A_1039 = tpu.memref_slice %arg10[%dma_wait3A_1032, %dma_wait3A_1038] : memref<2x2560xi32, #tpu.memory_space<vmem>> -> memref<1x128xi32, #tpu.memory_space<vmem>>
    %dma_wait3A_1040 = tpu.memref_squeeze %dma_wait3A_1039 : memref<1x128xi32, #tpu.memory_space<vmem>> -> memref<128xi32, #tpu.memory_space<vmem>>
    %dma_wait3A_1041 = arith.constant 0 : i32
    %dma_wait3A_1042 = arith.constant 0 : i32
    %dma_wait3A_1043 = tpu.memref_slice %arg3[%dma_wait3A_1041, %dma_wait3A_1042] : memref<253952x128xf32, #tpu.memory_space<hbm>> -> memref<253952x128xf32, #tpu.memory_space<hbm>>
    tpu.wait_indirect_dma semaphore(%arg15 : memref<!tpu.dma_semaphore, #tpu.memory_space<semaphore_mem>>) src(%dma_wait3A_1043 : memref<253952x128xf32, #tpu.memory_space<hbm>>) dst(%dma_wait3A_1037 : memref<128x128xf32, #tpu.memory_space<vmem>>)
    %dma_start3A_1044 = arith.constant 0 : i32
    %dma_start3A_1045 = arith.constant 0 : i32
    %dma_start3A_1046 = arith.constant 0 : i32
    %dma_start3A_1047 = arith.constant 0 : i32
    %dma_start3A_1048 = tpu.memref_slice %arg13[%dma_start3A_1044, %dma_start3A_1046, %dma_start3A_1047] : memref<4x128x128xf32, #tpu.memory_space<vmem>> -> memref<1x128x128xf32, #tpu.memory_space<vmem>>
    %dma_start3A_1049 = tpu.memref_squeeze %dma_start3A_1048 : memref<1x128x128xf32, #tpu.memory_space<vmem>> -> memref<128x128xf32, #tpu.memory_space<vmem>>
    %dma_start3A_1050 = arith.constant 0 : i32
    %dma_start3A_1051 = tpu.memref_slice %arg12[%dma_start3A_1045, %dma_start3A_1050] : memref<20x128xi32, #tpu.memory_space<vmem>> -> memref<1x128xi32, #tpu.memory_space<vmem>>
    %dma_start3A_1052 = tpu.memref_squeeze %dma_start3A_1051 : memref<1x128xi32, #tpu.memory_space<vmem>> -> memref<128xi32, #tpu.memory_space<vmem>>
    %dma_start3A_1053 = arith.constant 0 : i32
    %dma_start3A_1054 = arith.constant 0 : i32
    %dma_start3A_1055 = tpu.memref_slice %arg14[%dma_start3A_1053, %dma_start3A_1054] : memref<6144x128xf32, #tpu.memory_space<vmem_shared>> -> memref<6144x128xf32, #tpu.memory_space<vmem_shared>>
    tpu.enqueue_indirect_dma source(%dma_start3A_1049 : memref<128x128xf32, #tpu.memory_space<vmem>>) target(%dma_start3A_1055 : memref<6144x128xf32, #tpu.memory_space<vmem_shared>>) offsets(%dma_start3A_1052 : memref<128xi32, #tpu.memory_space<vmem>>) semaphore(%arg16 : memref<!tpu.dma_semaphore, #tpu.memory_space<semaphore_mem>>) {add = true}
    %dma_start3A_1056 = arith.constant 1 : i32
    %dma_start3A_1057 = arith.constant 3 : i32
    %dma_start3A_1058 = arith.constant 0 : i32
    %dma_start3A_1059 = arith.constant 0 : i32
    %dma_start3A_1060 = tpu.memref_slice %arg13[%dma_start3A_1057, %dma_start3A_1058, %dma_start3A_1059] : memref<4x128x128xf32, #tpu.memory_space<vmem>> -> memref<1x128x128xf32, #tpu.memory_space<vmem>>
    %dma_start3A_1061 = tpu.memref_squeeze %dma_start3A_1060 : memref<1x128x128xf32, #tpu.memory_space<vmem>> -> memref<128x128xf32, #tpu.memory_space<vmem>>
    %dma_start3A_1062 = arith.constant 384 : i32
    %dma_start3A_1063 = tpu.memref_slice %arg10[%dma_start3A_1056, %dma_start3A_1062] : memref<2x2560xi32, #tpu.memory_space<vmem>> -> memref<1x128xi32, #tpu.memory_space<vmem>>
    %dma_start3A_1064 = tpu.memref_squeeze %dma_start3A_1063 : memref<1x128xi32, #tpu.memory_space<vmem>> -> memref<128xi32, #tpu.memory_space<vmem>>
    %dma_start3A_1065 = arith.constant 0 : i32
    %dma_start3A_1066 = arith.constant 0 : i32
    %dma_start3A_1067 = tpu.memref_slice %arg3[%dma_start3A_1065, %dma_start3A_1066] : memref<253952x128xf32, #tpu.memory_space<hbm>> -> memref<253952x128xf32, #tpu.memory_space<hbm>>
    tpu.enqueue_indirect_dma source(%dma_start3A_1067 : memref<253952x128xf32, #tpu.memory_space<hbm>>) target(%dma_start3A_1061 : memref<128x128xf32, #tpu.memory_space<vmem>>) offsets(%dma_start3A_1064 : memref<128xi32, #tpu.memory_space<vmem>>) semaphore(%arg15 : memref<!tpu.dma_semaphore, #tpu.memory_space<semaphore_mem>>)
    %dma_wait3A_1068 = arith.constant 1 : i32
    %dma_wait3A_1069 = arith.constant 1 : i32
    %dma_wait3A_1070 = arith.constant 0 : i32
    %dma_wait3A_1071 = arith.constant 0 : i32
    %dma_wait3A_1072 = tpu.memref_slice %arg13[%dma_wait3A_1069, %dma_wait3A_1070, %dma_wait3A_1071] : memref<4x128x128xf32, #tpu.memory_space<vmem>> -> memref<1x128x128xf32, #tpu.memory_space<vmem>>
    %dma_wait3A_1073 = tpu.memref_squeeze %dma_wait3A_1072 : memref<1x128x128xf32, #tpu.memory_space<vmem>> -> memref<128x128xf32, #tpu.memory_space<vmem>>
    %dma_wait3A_1074 = arith.constant 128 : i32
    %dma_wait3A_1075 = tpu.memref_slice %arg10[%dma_wait3A_1068, %dma_wait3A_1074] : memref<2x2560xi32, #tpu.memory_space<vmem>> -> memref<1x128xi32, #tpu.memory_space<vmem>>
    %dma_wait3A_1076 = tpu.memref_squeeze %dma_wait3A_1075 : memref<1x128xi32, #tpu.memory_space<vmem>> -> memref<128xi32, #tpu.memory_space<vmem>>
    %dma_wait3A_1077 = arith.constant 0 : i32
    %dma_wait3A_1078 = arith.constant 0 : i32
    %dma_wait3A_1079 = tpu.memref_slice %arg3[%dma_wait3A_1077, %dma_wait3A_1078] : memref<253952x128xf32, #tpu.memory_space<hbm>> -> memref<253952x128xf32, #tpu.memory_space<hbm>>
    tpu.wait_indirect_dma semaphore(%arg15 : memref<!tpu.dma_semaphore, #tpu.memory_space<semaphore_mem>>) src(%dma_wait3A_1079 : memref<253952x128xf32, #tpu.memory_space<hbm>>) dst(%dma_wait3A_1073 : memref<128x128xf32, #tpu.memory_space<vmem>>)
    %dma_wait3A_1080 = arith.constant 0 : i32
    %dma_wait3A_1081 = arith.constant 0 : i32
    %dma_wait3A_1082 = arith.constant 0 : i32
    %dma_wait3A_1083 = arith.constant 0 : i32
    %dma_wait3A_1084 = tpu.memref_slice %arg13[%dma_wait3A_1080, %dma_wait3A_1082, %dma_wait3A_1083] : memref<4x128x128xf32, #tpu.memory_space<vmem>> -> memref<1x128x128xf32, #tpu.memory_space<vmem>>
    %dma_wait3A_1085 = tpu.memref_squeeze %dma_wait3A_1084 : memref<1x128x128xf32, #tpu.memory_space<vmem>> -> memref<128x128xf32, #tpu.memory_space<vmem>>
    %dma_wait3A_1086 = arith.constant 0 : i32
    %dma_wait3A_1087 = tpu.memref_slice %arg12[%dma_wait3A_1081, %dma_wait3A_1086] : memref<20x128xi32, #tpu.memory_space<vmem>> -> memref<1x128xi32, #tpu.memory_space<vmem>>
    %dma_wait3A_1088 = tpu.memref_squeeze %dma_wait3A_1087 : memref<1x128xi32, #tpu.memory_space<vmem>> -> memref<128xi32, #tpu.memory_space<vmem>>
    %dma_wait3A_1089 = arith.constant 0 : i32
    %dma_wait3A_1090 = arith.constant 0 : i32
    %dma_wait3A_1091 = tpu.memref_slice %arg14[%dma_wait3A_1089, %dma_wait3A_1090] : memref<6144x128xf32, #tpu.memory_space<vmem_shared>> -> memref<6144x128xf32, #tpu.memory_space<vmem_shared>>
    tpu.wait_indirect_dma semaphore(%arg16 : memref<!tpu.dma_semaphore, #tpu.memory_space<semaphore_mem>>) src(%dma_wait3A_1085 : memref<128x128xf32, #tpu.memory_space<vmem>>) dst(%dma_wait3A_1091 : memref<6144x128xf32, #tpu.memory_space<vmem_shared>>)
    %dma_start3A_1092 = arith.constant 1 : i32
    %dma_start3A_1093 = arith.constant 1 : i32
    %dma_start3A_1094 = arith.constant 0 : i32
    %dma_start3A_1095 = arith.constant 0 : i32
    %dma_start3A_1096 = tpu.memref_slice %arg13[%dma_start3A_1092, %dma_start3A_1094, %dma_start3A_1095] : memref<4x128x128xf32, #tpu.memory_space<vmem>> -> memref<1x128x128xf32, #tpu.memory_space<vmem>>
    %dma_start3A_1097 = tpu.memref_squeeze %dma_start3A_1096 : memref<1x128x128xf32, #tpu.memory_space<vmem>> -> memref<128x128xf32, #tpu.memory_space<vmem>>
    %dma_start3A_1098 = arith.constant 0 : i32
    %dma_start3A_1099 = tpu.memref_slice %arg12[%dma_start3A_1093, %dma_start3A_1098] : memref<20x128xi32, #tpu.memory_space<vmem>> -> memref<1x128xi32, #tpu.memory_space<vmem>>
    %dma_start3A_1100 = tpu.memref_squeeze %dma_start3A_1099 : memref<1x128xi32, #tpu.memory_space<vmem>> -> memref<128xi32, #tpu.memory_space<vmem>>
    %dma_start3A_1101 = arith.constant 0 : i32
    %dma_start3A_1102 = arith.constant 0 : i32
    %dma_start3A_1103 = tpu.memref_slice %arg14[%dma_start3A_1101, %dma_start3A_1102] : memref<6144x128xf32, #tpu.memory_space<vmem_shared>> -> memref<6144x128xf32, #tpu.memory_space<vmem_shared>>
    tpu.enqueue_indirect_dma source(%dma_start3A_1097 : memref<128x128xf32, #tpu.memory_space<vmem>>) target(%dma_start3A_1103 : memref<6144x128xf32, #tpu.memory_space<vmem_shared>>) offsets(%dma_start3A_1100 : memref<128xi32, #tpu.memory_space<vmem>>) semaphore(%arg16 : memref<!tpu.dma_semaphore, #tpu.memory_space<semaphore_mem>>) {add = true}
    %dma_start3A_1104 = arith.constant 1 : i32
    %dma_start3A_1105 = arith.constant 0 : i32
    %dma_start3A_1106 = arith.constant 0 : i32
    %dma_start3A_1107 = arith.constant 0 : i32
    %dma_start3A_1108 = tpu.memref_slice %arg13[%dma_start3A_1105, %dma_start3A_1106, %dma_start3A_1107] : memref<4x128x128xf32, #tpu.memory_space<vmem>> -> memref<1x128x128xf32, #tpu.memory_space<vmem>>
    %dma_start3A_1109 = tpu.memref_squeeze %dma_start3A_1108 : memref<1x128x128xf32, #tpu.memory_space<vmem>> -> memref<128x128xf32, #tpu.memory_space<vmem>>
    %dma_start3A_1110 = arith.constant 512 : i32
    %dma_start3A_1111 = tpu.memref_slice %arg10[%dma_start3A_1104, %dma_start3A_1110] : memref<2x2560xi32, #tpu.memory_space<vmem>> -> memref<1x128xi32, #tpu.memory_space<vmem>>
    %dma_start3A_1112 = tpu.memref_squeeze %dma_start3A_1111 : memref<1x128xi32, #tpu.memory_space<vmem>> -> memref<128xi32, #tpu.memory_space<vmem>>
    %dma_start3A_1113 = arith.constant 0 : i32
    %dma_start3A_1114 = arith.constant 0 : i32
    %dma_start3A_1115 = tpu.memref_slice %arg3[%dma_start3A_1113, %dma_start3A_1114] : memref<253952x128xf32, #tpu.memory_space<hbm>> -> memref<253952x128xf32, #tpu.memory_space<hbm>>
    tpu.enqueue_indirect_dma source(%dma_start3A_1115 : memref<253952x128xf32, #tpu.memory_space<hbm>>) target(%dma_start3A_1109 : memref<128x128xf32, #tpu.memory_space<vmem>>) offsets(%dma_start3A_1112 : memref<128xi32, #tpu.memory_space<vmem>>) semaphore(%arg15 : memref<!tpu.dma_semaphore, #tpu.memory_space<semaphore_mem>>)
    %dma_wait3A_1116 = arith.constant 1 : i32
    %dma_wait3A_1117 = arith.constant 2 : i32
    %dma_wait3A_1118 = arith.constant 0 : i32
    %dma_wait3A_1119 = arith.constant 0 : i32
    %dma_wait3A_1120 = tpu.memref_slice %arg13[%dma_wait3A_1117, %dma_wait3A_1118, %dma_wait3A_1119] : memref<4x128x128xf32, #tpu.memory_space<vmem>> -> memref<1x128x128xf32, #tpu.memory_space<vmem>>
    %dma_wait3A_1121 = tpu.memref_squeeze %dma_wait3A_1120 : memref<1x128x128xf32, #tpu.memory_space<vmem>> -> memref<128x128xf32, #tpu.memory_space<vmem>>
    %dma_wait3A_1122 = arith.constant 256 : i32
    %dma_wait3A_1123 = tpu.memref_slice %arg10[%dma_wait3A_1116, %dma_wait3A_1122] : memref<2x2560xi32, #tpu.memory_space<vmem>> -> memref<1x128xi32, #tpu.memory_space<vmem>>
    %dma_wait3A_1124 = tpu.memref_squeeze %dma_wait3A_1123 : memref<1x128xi32, #tpu.memory_space<vmem>> -> memref<128xi32, #tpu.memory_space<vmem>>
    %dma_wait3A_1125 = arith.constant 0 : i32
    %dma_wait3A_1126 = arith.constant 0 : i32
    %dma_wait3A_1127 = tpu.memref_slice %arg3[%dma_wait3A_1125, %dma_wait3A_1126] : memref<253952x128xf32, #tpu.memory_space<hbm>> -> memref<253952x128xf32, #tpu.memory_space<hbm>>
    tpu.wait_indirect_dma semaphore(%arg15 : memref<!tpu.dma_semaphore, #tpu.memory_space<semaphore_mem>>) src(%dma_wait3A_1127 : memref<253952x128xf32, #tpu.memory_space<hbm>>) dst(%dma_wait3A_1121 : memref<128x128xf32, #tpu.memory_space<vmem>>)
    %dma_wait3A_1128 = arith.constant 1 : i32
    %dma_wait3A_1129 = arith.constant 1 : i32
    %dma_wait3A_1130 = arith.constant 0 : i32
    %dma_wait3A_1131 = arith.constant 0 : i32
    %dma_wait3A_1132 = tpu.memref_slice %arg13[%dma_wait3A_1128, %dma_wait3A_1130, %dma_wait3A_1131] : memref<4x128x128xf32, #tpu.memory_space<vmem>> -> memref<1x128x128xf32, #tpu.memory_space<vmem>>
    %dma_wait3A_1133 = tpu.memref_squeeze %dma_wait3A_1132 : memref<1x128x128xf32, #tpu.memory_space<vmem>> -> memref<128x128xf32, #tpu.memory_space<vmem>>
    %dma_wait3A_1134 = arith.constant 0 : i32
    %dma_wait3A_1135 = tpu.memref_slice %arg12[%dma_wait3A_1129, %dma_wait3A_1134] : memref<20x128xi32, #tpu.memory_space<vmem>> -> memref<1x128xi32, #tpu.memory_space<vmem>>
    %dma_wait3A_1136 = tpu.memref_squeeze %dma_wait3A_1135 : memref<1x128xi32, #tpu.memory_space<vmem>> -> memref<128xi32, #tpu.memory_space<vmem>>
    %dma_wait3A_1137 = arith.constant 0 : i32
    %dma_wait3A_1138 = arith.constant 0 : i32
    %dma_wait3A_1139 = tpu.memref_slice %arg14[%dma_wait3A_1137, %dma_wait3A_1138] : memref<6144x128xf32, #tpu.memory_space<vmem_shared>> -> memref<6144x128xf32, #tpu.memory_space<vmem_shared>>
    tpu.wait_indirect_dma semaphore(%arg16 : memref<!tpu.dma_semaphore, #tpu.memory_space<semaphore_mem>>) src(%dma_wait3A_1133 : memref<128x128xf32, #tpu.memory_space<vmem>>) dst(%dma_wait3A_1139 : memref<6144x128xf32, #tpu.memory_space<vmem_shared>>)
    %dma_start3A_1140 = arith.constant 2 : i32
    %dma_start3A_1141 = arith.constant 2 : i32
    %dma_start3A_1142 = arith.constant 0 : i32
    %dma_start3A_1143 = arith.constant 0 : i32
    %dma_start3A_1144 = tpu.memref_slice %arg13[%dma_start3A_1140, %dma_start3A_1142, %dma_start3A_1143] : memref<4x128x128xf32, #tpu.memory_space<vmem>> -> memref<1x128x128xf32, #tpu.memory_space<vmem>>
    %dma_start3A_1145 = tpu.memref_squeeze %dma_start3A_1144 : memref<1x128x128xf32, #tpu.memory_space<vmem>> -> memref<128x128xf32, #tpu.memory_space<vmem>>
    %dma_start3A_1146 = arith.constant 0 : i32
    %dma_start3A_1147 = tpu.memref_slice %arg12[%dma_start3A_1141, %dma_start3A_1146] : memref<20x128xi32, #tpu.memory_space<vmem>> -> memref<1x128xi32, #tpu.memory_space<vmem>>
    %dma_start3A_1148 = tpu.memref_squeeze %dma_start3A_1147 : memref<1x128xi32, #tpu.memory_space<vmem>> -> memref<128xi32, #tpu.memory_space<vmem>>
    %dma_start3A_1149 = arith.constant 0 : i32
    %dma_start3A_1150 = arith.constant 0 : i32
    %dma_start3A_1151 = tpu.memref_slice %arg14[%dma_start3A_1149, %dma_start3A_1150] : memref<6144x128xf32, #tpu.memory_space<vmem_shared>> -> memref<6144x128xf32, #tpu.memory_space<vmem_shared>>
    tpu.enqueue_indirect_dma source(%dma_start3A_1145 : memref<128x128xf32, #tpu.memory_space<vmem>>) target(%dma_start3A_1151 : memref<6144x128xf32, #tpu.memory_space<vmem_shared>>) offsets(%dma_start3A_1148 : memref<128xi32, #tpu.memory_space<vmem>>) semaphore(%arg16 : memref<!tpu.dma_semaphore, #tpu.memory_space<semaphore_mem>>) {add = true}
    %dma_start3A_1152 = arith.constant 1 : i32
    %dma_start3A_1153 = arith.constant 1 : i32
    %dma_start3A_1154 = arith.constant 0 : i32
    %dma_start3A_1155 = arith.constant 0 : i32
    %dma_start3A_1156 = tpu.memref_slice %arg13[%dma_start3A_1153, %dma_start3A_1154, %dma_start3A_1155] : memref<4x128x128xf32, #tpu.memory_space<vmem>> -> memref<1x128x128xf32, #tpu.memory_space<vmem>>
    %dma_start3A_1157 = tpu.memref_squeeze %dma_start3A_1156 : memref<1x128x128xf32, #tpu.memory_space<vmem>> -> memref<128x128xf32, #tpu.memory_space<vmem>>
    %dma_start3A_1158 = arith.constant 640 : i32
    %dma_start3A_1159 = tpu.memref_slice %arg10[%dma_start3A_1152, %dma_start3A_1158] : memref<2x2560xi32, #tpu.memory_space<vmem>> -> memref<1x128xi32, #tpu.memory_space<vmem>>
    %dma_start3A_1160 = tpu.memref_squeeze %dma_start3A_1159 : memref<1x128xi32, #tpu.memory_space<vmem>> -> memref<128xi32, #tpu.memory_space<vmem>>
    %dma_start3A_1161 = arith.constant 0 : i32
    %dma_start3A_1162 = arith.constant 0 : i32
    %dma_start3A_1163 = tpu.memref_slice %arg3[%dma_start3A_1161, %dma_start3A_1162] : memref<253952x128xf32, #tpu.memory_space<hbm>> -> memref<253952x128xf32, #tpu.memory_space<hbm>>
    tpu.enqueue_indirect_dma source(%dma_start3A_1163 : memref<253952x128xf32, #tpu.memory_space<hbm>>) target(%dma_start3A_1157 : memref<128x128xf32, #tpu.memory_space<vmem>>) offsets(%dma_start3A_1160 : memref<128xi32, #tpu.memory_space<vmem>>) semaphore(%arg15 : memref<!tpu.dma_semaphore, #tpu.memory_space<semaphore_mem>>)
    %dma_wait3A_1164 = arith.constant 1 : i32
    %dma_wait3A_1165 = arith.constant 3 : i32
    %dma_wait3A_1166 = arith.constant 0 : i32
    %dma_wait3A_1167 = arith.constant 0 : i32
    %dma_wait3A_1168 = tpu.memref_slice %arg13[%dma_wait3A_1165, %dma_wait3A_1166, %dma_wait3A_1167] : memref<4x128x128xf32, #tpu.memory_space<vmem>> -> memref<1x128x128xf32, #tpu.memory_space<vmem>>
    %dma_wait3A_1169 = tpu.memref_squeeze %dma_wait3A_1168 : memref<1x128x128xf32, #tpu.memory_space<vmem>> -> memref<128x128xf32, #tpu.memory_space<vmem>>
    %dma_wait3A_1170 = arith.constant 384 : i32
    %dma_wait3A_1171 = tpu.memref_slice %arg10[%dma_wait3A_1164, %dma_wait3A_1170] : memref<2x2560xi32, #tpu.memory_space<vmem>> -> memref<1x128xi32, #tpu.memory_space<vmem>>
    %dma_wait3A_1172 = tpu.memref_squeeze %dma_wait3A_1171 : memref<1x128xi32, #tpu.memory_space<vmem>> -> memref<128xi32, #tpu.memory_space<vmem>>
    %dma_wait3A_1173 = arith.constant 0 : i32
    %dma_wait3A_1174 = arith.constant 0 : i32
    %dma_wait3A_1175 = tpu.memref_slice %arg3[%dma_wait3A_1173, %dma_wait3A_1174] : memref<253952x128xf32, #tpu.memory_space<hbm>> -> memref<253952x128xf32, #tpu.memory_space<hbm>>
    tpu.wait_indirect_dma semaphore(%arg15 : memref<!tpu.dma_semaphore, #tpu.memory_space<semaphore_mem>>) src(%dma_wait3A_1175 : memref<253952x128xf32, #tpu.memory_space<hbm>>) dst(%dma_wait3A_1169 : memref<128x128xf32, #tpu.memory_space<vmem>>)
    %dma_wait3A_1176 = arith.constant 2 : i32
    %dma_wait3A_1177 = arith.constant 2 : i32
    %dma_wait3A_1178 = arith.constant 0 : i32
    %dma_wait3A_1179 = arith.constant 0 : i32
    %dma_wait3A_1180 = tpu.memref_slice %arg13[%dma_wait3A_1176, %dma_wait3A_1178, %dma_wait3A_1179] : memref<4x128x128xf32, #tpu.memory_space<vmem>> -> memref<1x128x128xf32, #tpu.memory_space<vmem>>
    %dma_wait3A_1181 = tpu.memref_squeeze %dma_wait3A_1180 : memref<1x128x128xf32, #tpu.memory_space<vmem>> -> memref<128x128xf32, #tpu.memory_space<vmem>>
    %dma_wait3A_1182 = arith.constant 0 : i32
    %dma_wait3A_1183 = tpu.memref_slice %arg12[%dma_wait3A_1177, %dma_wait3A_1182] : memref<20x128xi32, #tpu.memory_space<vmem>> -> memref<1x128xi32, #tpu.memory_space<vmem>>
    %dma_wait3A_1184 = tpu.memref_squeeze %dma_wait3A_1183 : memref<1x128xi32, #tpu.memory_space<vmem>> -> memref<128xi32, #tpu.memory_space<vmem>>
    %dma_wait3A_1185 = arith.constant 0 : i32
    %dma_wait3A_1186 = arith.constant 0 : i32
    %dma_wait3A_1187 = tpu.memref_slice %arg14[%dma_wait3A_1185, %dma_wait3A_1186] : memref<6144x128xf32, #tpu.memory_space<vmem_shared>> -> memref<6144x128xf32, #tpu.memory_space<vmem_shared>>
    tpu.wait_indirect_dma semaphore(%arg16 : memref<!tpu.dma_semaphore, #tpu.memory_space<semaphore_mem>>) src(%dma_wait3A_1181 : memref<128x128xf32, #tpu.memory_space<vmem>>) dst(%dma_wait3A_1187 : memref<6144x128xf32, #tpu.memory_space<vmem_shared>>)
    %dma_start3A_1188 = arith.constant 3 : i32
    %dma_start3A_1189 = arith.constant 3 : i32
    %dma_start3A_1190 = arith.constant 0 : i32
    %dma_start3A_1191 = arith.constant 0 : i32
    %dma_start3A_1192 = tpu.memref_slice %arg13[%dma_start3A_1188, %dma_start3A_1190, %dma_start3A_1191] : memref<4x128x128xf32, #tpu.memory_space<vmem>> -> memref<1x128x128xf32, #tpu.memory_space<vmem>>
    %dma_start3A_1193 = tpu.memref_squeeze %dma_start3A_1192 : memref<1x128x128xf32, #tpu.memory_space<vmem>> -> memref<128x128xf32, #tpu.memory_space<vmem>>
    %dma_start3A_1194 = arith.constant 0 : i32
    %dma_start3A_1195 = tpu.memref_slice %arg12[%dma_start3A_1189, %dma_start3A_1194] : memref<20x128xi32, #tpu.memory_space<vmem>> -> memref<1x128xi32, #tpu.memory_space<vmem>>
    %dma_start3A_1196 = tpu.memref_squeeze %dma_start3A_1195 : memref<1x128xi32, #tpu.memory_space<vmem>> -> memref<128xi32, #tpu.memory_space<vmem>>
    %dma_start3A_1197 = arith.constant 0 : i32
    %dma_start3A_1198 = arith.constant 0 : i32
    %dma_start3A_1199 = tpu.memref_slice %arg14[%dma_start3A_1197, %dma_start3A_1198] : memref<6144x128xf32, #tpu.memory_space<vmem_shared>> -> memref<6144x128xf32, #tpu.memory_space<vmem_shared>>
    tpu.enqueue_indirect_dma source(%dma_start3A_1193 : memref<128x128xf32, #tpu.memory_space<vmem>>) target(%dma_start3A_1199 : memref<6144x128xf32, #tpu.memory_space<vmem_shared>>) offsets(%dma_start3A_1196 : memref<128xi32, #tpu.memory_space<vmem>>) semaphore(%arg16 : memref<!tpu.dma_semaphore, #tpu.memory_space<semaphore_mem>>) {add = true}
    %dma_start3A_1200 = arith.constant 1 : i32
    %dma_start3A_1201 = arith.constant 2 : i32
    %dma_start3A_1202 = arith.constant 0 : i32
    %dma_start3A_1203 = arith.constant 0 : i32
    %dma_start3A_1204 = tpu.memref_slice %arg13[%dma_start3A_1201, %dma_start3A_1202, %dma_start3A_1203] : memref<4x128x128xf32, #tpu.memory_space<vmem>> -> memref<1x128x128xf32, #tpu.memory_space<vmem>>
    %dma_start3A_1205 = tpu.memref_squeeze %dma_start3A_1204 : memref<1x128x128xf32, #tpu.memory_space<vmem>> -> memref<128x128xf32, #tpu.memory_space<vmem>>
    %dma_start3A_1206 = arith.constant 768 : i32
    %dma_start3A_1207 = tpu.memref_slice %arg10[%dma_start3A_1200, %dma_start3A_1206] : memref<2x2560xi32, #tpu.memory_space<vmem>> -> memref<1x128xi32, #tpu.memory_space<vmem>>
    %dma_start3A_1208 = tpu.memref_squeeze %dma_start3A_1207 : memref<1x128xi32, #tpu.memory_space<vmem>> -> memref<128xi32, #tpu.memory_space<vmem>>
    %dma_start3A_1209 = arith.constant 0 : i32
    %dma_start3A_1210 = arith.constant 0 : i32
    %dma_start3A_1211 = tpu.memref_slice %arg3[%dma_start3A_1209, %dma_start3A_1210] : memref<253952x128xf32, #tpu.memory_space<hbm>> -> memref<253952x128xf32, #tpu.memory_space<hbm>>
    tpu.enqueue_indirect_dma source(%dma_start3A_1211 : memref<253952x128xf32, #tpu.memory_space<hbm>>) target(%dma_start3A_1205 : memref<128x128xf32, #tpu.memory_space<vmem>>) offsets(%dma_start3A_1208 : memref<128xi32, #tpu.memory_space<vmem>>) semaphore(%arg15 : memref<!tpu.dma_semaphore, #tpu.memory_space<semaphore_mem>>)
    %dma_wait3A_1212 = arith.constant 1 : i32
    %dma_wait3A_1213 = arith.constant 0 : i32
    %dma_wait3A_1214 = arith.constant 0 : i32
    %dma_wait3A_1215 = arith.constant 0 : i32
    %dma_wait3A_1216 = tpu.memref_slice %arg13[%dma_wait3A_1213, %dma_wait3A_1214, %dma_wait3A_1215] : memref<4x128x128xf32, #tpu.memory_space<vmem>> -> memref<1x128x128xf32, #tpu.memory_space<vmem>>
    %dma_wait3A_1217 = tpu.memref_squeeze %dma_wait3A_1216 : memref<1x128x128xf32, #tpu.memory_space<vmem>> -> memref<128x128xf32, #tpu.memory_space<vmem>>
    %dma_wait3A_1218 = arith.constant 512 : i32
    %dma_wait3A_1219 = tpu.memref_slice %arg10[%dma_wait3A_1212, %dma_wait3A_1218] : memref<2x2560xi32, #tpu.memory_space<vmem>> -> memref<1x128xi32, #tpu.memory_space<vmem>>
    %dma_wait3A_1220 = tpu.memref_squeeze %dma_wait3A_1219 : memref<1x128xi32, #tpu.memory_space<vmem>> -> memref<128xi32, #tpu.memory_space<vmem>>
    %dma_wait3A_1221 = arith.constant 0 : i32
    %dma_wait3A_1222 = arith.constant 0 : i32
    %dma_wait3A_1223 = tpu.memref_slice %arg3[%dma_wait3A_1221, %dma_wait3A_1222] : memref<253952x128xf32, #tpu.memory_space<hbm>> -> memref<253952x128xf32, #tpu.memory_space<hbm>>
    tpu.wait_indirect_dma semaphore(%arg15 : memref<!tpu.dma_semaphore, #tpu.memory_space<semaphore_mem>>) src(%dma_wait3A_1223 : memref<253952x128xf32, #tpu.memory_space<hbm>>) dst(%dma_wait3A_1217 : memref<128x128xf32, #tpu.memory_space<vmem>>)
    %dma_wait3A_1224 = arith.constant 3 : i32
    %dma_wait3A_1225 = arith.constant 3 : i32
    %dma_wait3A_1226 = arith.constant 0 : i32
    %dma_wait3A_1227 = arith.constant 0 : i32
    %dma_wait3A_1228 = tpu.memref_slice %arg13[%dma_wait3A_1224, %dma_wait3A_1226, %dma_wait3A_1227] : memref<4x128x128xf32, #tpu.memory_space<vmem>> -> memref<1x128x128xf32, #tpu.memory_space<vmem>>
    %dma_wait3A_1229 = tpu.memref_squeeze %dma_wait3A_1228 : memref<1x128x128xf32, #tpu.memory_space<vmem>> -> memref<128x128xf32, #tpu.memory_space<vmem>>
    %dma_wait3A_1230 = arith.constant 0 : i32
    %dma_wait3A_1231 = tpu.memref_slice %arg12[%dma_wait3A_1225, %dma_wait3A_1230] : memref<20x128xi32, #tpu.memory_space<vmem>> -> memref<1x128xi32, #tpu.memory_space<vmem>>
    %dma_wait3A_1232 = tpu.memref_squeeze %dma_wait3A_1231 : memref<1x128xi32, #tpu.memory_space<vmem>> -> memref<128xi32, #tpu.memory_space<vmem>>
    %dma_wait3A_1233 = arith.constant 0 : i32
    %dma_wait3A_1234 = arith.constant 0 : i32
    %dma_wait3A_1235 = tpu.memref_slice %arg14[%dma_wait3A_1233, %dma_wait3A_1234] : memref<6144x128xf32, #tpu.memory_space<vmem_shared>> -> memref<6144x128xf32, #tpu.memory_space<vmem_shared>>
    tpu.wait_indirect_dma semaphore(%arg16 : memref<!tpu.dma_semaphore, #tpu.memory_space<semaphore_mem>>) src(%dma_wait3A_1229 : memref<128x128xf32, #tpu.memory_space<vmem>>) dst(%dma_wait3A_1235 : memref<6144x128xf32, #tpu.memory_space<vmem_shared>>)
    %dma_start3A_1236 = arith.constant 0 : i32
    %dma_start3A_1237 = arith.constant 4 : i32
    %dma_start3A_1238 = arith.constant 0 : i32
    %dma_start3A_1239 = arith.constant 0 : i32
    %dma_start3A_1240 = tpu.memref_slice %arg13[%dma_start3A_1236, %dma_start3A_1238, %dma_start3A_1239] : memref<4x128x128xf32, #tpu.memory_space<vmem>> -> memref<1x128x128xf32, #tpu.memory_space<vmem>>
    %dma_start3A_1241 = tpu.memref_squeeze %dma_start3A_1240 : memref<1x128x128xf32, #tpu.memory_space<vmem>> -> memref<128x128xf32, #tpu.memory_space<vmem>>
    %dma_start3A_1242 = arith.constant 0 : i32
    %dma_start3A_1243 = tpu.memref_slice %arg12[%dma_start3A_1237, %dma_start3A_1242] : memref<20x128xi32, #tpu.memory_space<vmem>> -> memref<1x128xi32, #tpu.memory_space<vmem>>
    %dma_start3A_1244 = tpu.memref_squeeze %dma_start3A_1243 : memref<1x128xi32, #tpu.memory_space<vmem>> -> memref<128xi32, #tpu.memory_space<vmem>>
    %dma_start3A_1245 = arith.constant 0 : i32
    %dma_start3A_1246 = arith.constant 0 : i32
    %dma_start3A_1247 = tpu.memref_slice %arg14[%dma_start3A_1245, %dma_start3A_1246] : memref<6144x128xf32, #tpu.memory_space<vmem_shared>> -> memref<6144x128xf32, #tpu.memory_space<vmem_shared>>
    tpu.enqueue_indirect_dma source(%dma_start3A_1241 : memref<128x128xf32, #tpu.memory_space<vmem>>) target(%dma_start3A_1247 : memref<6144x128xf32, #tpu.memory_space<vmem_shared>>) offsets(%dma_start3A_1244 : memref<128xi32, #tpu.memory_space<vmem>>) semaphore(%arg16 : memref<!tpu.dma_semaphore, #tpu.memory_space<semaphore_mem>>) {add = true}
    %dma_start3A_1248 = arith.constant 1 : i32
    %dma_start3A_1249 = arith.constant 3 : i32
    %dma_start3A_1250 = arith.constant 0 : i32
    %dma_start3A_1251 = arith.constant 0 : i32
    %dma_start3A_1252 = tpu.memref_slice %arg13[%dma_start3A_1249, %dma_start3A_1250, %dma_start3A_1251] : memref<4x128x128xf32, #tpu.memory_space<vmem>> -> memref<1x128x128xf32, #tpu.memory_space<vmem>>
    %dma_start3A_1253 = tpu.memref_squeeze %dma_start3A_1252 : memref<1x128x128xf32, #tpu.memory_space<vmem>> -> memref<128x128xf32, #tpu.memory_space<vmem>>
    %dma_start3A_1254 = arith.constant 896 : i32
    %dma_start3A_1255 = tpu.memref_slice %arg10[%dma_start3A_1248, %dma_start3A_1254] : memref<2x2560xi32, #tpu.memory_space<vmem>> -> memref<1x128xi32, #tpu.memory_space<vmem>>
    %dma_start3A_1256 = tpu.memref_squeeze %dma_start3A_1255 : memref<1x128xi32, #tpu.memory_space<vmem>> -> memref<128xi32, #tpu.memory_space<vmem>>
    %dma_start3A_1257 = arith.constant 0 : i32
    %dma_start3A_1258 = arith.constant 0 : i32
    %dma_start3A_1259 = tpu.memref_slice %arg3[%dma_start3A_1257, %dma_start3A_1258] : memref<253952x128xf32, #tpu.memory_space<hbm>> -> memref<253952x128xf32, #tpu.memory_space<hbm>>
    tpu.enqueue_indirect_dma source(%dma_start3A_1259 : memref<253952x128xf32, #tpu.memory_space<hbm>>) target(%dma_start3A_1253 : memref<128x128xf32, #tpu.memory_space<vmem>>) offsets(%dma_start3A_1256 : memref<128xi32, #tpu.memory_space<vmem>>) semaphore(%arg15 : memref<!tpu.dma_semaphore, #tpu.memory_space<semaphore_mem>>)
    %dma_wait3A_1260 = arith.constant 0 : i32
    %dma_wait3A_1261 = arith.constant 4 : i32
    %dma_wait3A_1262 = arith.constant 0 : i32
    %dma_wait3A_1263 = arith.constant 0 : i32
    %dma_wait3A_1264 = tpu.memref_slice %arg13[%dma_wait3A_1260, %dma_wait3A_1262, %dma_wait3A_1263] : memref<4x128x128xf32, #tpu.memory_space<vmem>> -> memref<1x128x128xf32, #tpu.memory_space<vmem>>
    %dma_wait3A_1265 = tpu.memref_squeeze %dma_wait3A_1264 : memref<1x128x128xf32, #tpu.memory_space<vmem>> -> memref<128x128xf32, #tpu.memory_space<vmem>>
    %dma_wait3A_1266 = arith.constant 0 : i32
    %dma_wait3A_1267 = tpu.memref_slice %arg12[%dma_wait3A_1261, %dma_wait3A_1266] : memref<20x128xi32, #tpu.memory_space<vmem>> -> memref<1x128xi32, #tpu.memory_space<vmem>>
    %dma_wait3A_1268 = tpu.memref_squeeze %dma_wait3A_1267 : memref<1x128xi32, #tpu.memory_space<vmem>> -> memref<128xi32, #tpu.memory_space<vmem>>
    %dma_wait3A_1269 = arith.constant 0 : i32
    %dma_wait3A_1270 = arith.constant 0 : i32
    %dma_wait3A_1271 = tpu.memref_slice %arg14[%dma_wait3A_1269, %dma_wait3A_1270] : memref<6144x128xf32, #tpu.memory_space<vmem_shared>> -> memref<6144x128xf32, #tpu.memory_space<vmem_shared>>
    tpu.wait_indirect_dma semaphore(%arg16 : memref<!tpu.dma_semaphore, #tpu.memory_space<semaphore_mem>>) src(%dma_wait3A_1265 : memref<128x128xf32, #tpu.memory_space<vmem>>) dst(%dma_wait3A_1271 : memref<6144x128xf32, #tpu.memory_space<vmem_shared>>)
    %add3A_1272 = arith.constant 0 : i32
    %add3A_1273 = arith.addi %add3A_1272, %mul3A_4 : i32
    %mul3A_1274 = arith.constant 512 : i32
    %mul3A_1275 = arith.muli %add3A, %mul3A_1274 : i32
    %add3A_1276 = arith.constant 384 : i32
    %add3A_1277 = arith.addi %mul3A_1275, %add3A_1276 : i32
    "tpu.region"() ({
      %run_scoped3A_1990 = tpu.sem_alloc : memref<!tpu.dma_semaphore, #tpu.memory_space<semaphore_mem>>
      %dma_start3A_1991 = arith.constant 0 : i32
      %dma_start3A_1992 = tpu.memref_slice %arg8[%add3A_1277, %dma_start3A_1991] : memref<16384x128xf32, #tpu.memory_space<hbm>> -> memref<128x128xf32, #tpu.memory_space<hbm>>
      %dma_start3A_1993 = arith.constant 0 : i32
      %dma_start3A_1994 = tpu.memref_slice %arg14[%add3A_1273, %dma_start3A_1993] : memref<6144x128xf32, #tpu.memory_space<vmem_shared>> -> memref<128x128xf32, #tpu.memory_space<vmem_shared>>
      tpu.enqueue_dma source(%dma_start3A_1994 : memref<128x128xf32, #tpu.memory_space<vmem_shared>>) target(%dma_start3A_1992 : memref<128x128xf32, #tpu.memory_space<hbm>>) target_semaphore(%run_scoped3A_1990 : memref<!tpu.dma_semaphore, #tpu.memory_space<semaphore_mem>>)
      %dma_wait3A_1995 = arith.constant 0 : i32
      %dma_wait3A_1996 = tpu.memref_slice %arg8[%add3A_1277, %dma_wait3A_1995] : memref<16384x128xf32, #tpu.memory_space<hbm>> -> memref<128x128xf32, #tpu.memory_space<hbm>>
      %dma_wait3A_1997 = arith.constant 0 : i32
      %dma_wait3A_1998 = tpu.memref_slice %arg14[%add3A_1273, %dma_wait3A_1997] : memref<6144x128xf32, #tpu.memory_space<vmem_shared>> -> memref<128x128xf32, #tpu.memory_space<vmem_shared>>
      tpu.wait_dma2 semaphore(%run_scoped3A_1990 : memref<!tpu.dma_semaphore, #tpu.memory_space<semaphore_mem>>) src(%dma_wait3A_1998 : memref<128x128xf32, #tpu.memory_space<vmem_shared>>) dst(%dma_wait3A_1996 : memref<128x128xf32, #tpu.memory_space<hbm>>)
      tpu.yield
    }) : () -> ()
    %add3A_1278 = arith.constant 0 : i32
    %add3A_1279 = arith.addi %add3A_1278, %mul3A_4 : i32
    "tpu.region"() ({
      %run_scoped3A_1990 = tpu.sem_alloc : memref<!tpu.dma_semaphore, #tpu.memory_space<semaphore_mem>>
      %dma_start3A_1991 = arith.constant 0 : i32
      %dma_start3A_1992 = tpu.memref_slice %arg14[%add3A_1279, %dma_start3A_1991] : memref<6144x128xf32, #tpu.memory_space<vmem_shared>> -> memref<128x128xf32, #tpu.memory_space<vmem_shared>>
      tpu.enqueue_dma source(%arg7 : memref<128x128xf32, #tpu.memory_space<hbm>>) target(%dma_start3A_1992 : memref<128x128xf32, #tpu.memory_space<vmem_shared>>) target_semaphore(%run_scoped3A_1990 : memref<!tpu.dma_semaphore, #tpu.memory_space<semaphore_mem>>)
      %dma_wait3A_1993 = arith.constant 0 : i32
      %dma_wait3A_1994 = tpu.memref_slice %arg14[%add3A_1279, %dma_wait3A_1993] : memref<6144x128xf32, #tpu.memory_space<vmem_shared>> -> memref<128x128xf32, #tpu.memory_space<vmem_shared>>
      tpu.wait_dma2 semaphore(%run_scoped3A_1990 : memref<!tpu.dma_semaphore, #tpu.memory_space<semaphore_mem>>) src(%arg7 : memref<128x128xf32, #tpu.memory_space<hbm>>) dst(%dma_wait3A_1994 : memref<128x128xf32, #tpu.memory_space<vmem_shared>>)
      tpu.yield
    }) : () -> ()
    %dma_wait3A_1280 = arith.constant 1 : i32
    %dma_wait3A_1281 = arith.constant 1 : i32
    %dma_wait3A_1282 = arith.constant 0 : i32
    %dma_wait3A_1283 = arith.constant 0 : i32
    %dma_wait3A_1284 = tpu.memref_slice %arg13[%dma_wait3A_1281, %dma_wait3A_1282, %dma_wait3A_1283] : memref<4x128x128xf32, #tpu.memory_space<vmem>> -> memref<1x128x128xf32, #tpu.memory_space<vmem>>
    %dma_wait3A_1285 = tpu.memref_squeeze %dma_wait3A_1284 : memref<1x128x128xf32, #tpu.memory_space<vmem>> -> memref<128x128xf32, #tpu.memory_space<vmem>>
    %dma_wait3A_1286 = arith.constant 640 : i32
    %dma_wait3A_1287 = tpu.memref_slice %arg10[%dma_wait3A_1280, %dma_wait3A_1286] : memref<2x2560xi32, #tpu.memory_space<vmem>> -> memref<1x128xi32, #tpu.memory_space<vmem>>
    %dma_wait3A_1288 = tpu.memref_squeeze %dma_wait3A_1287 : memref<1x128xi32, #tpu.memory_space<vmem>> -> memref<128xi32, #tpu.memory_space<vmem>>
    %dma_wait3A_1289 = arith.constant 0 : i32
    %dma_wait3A_1290 = arith.constant 0 : i32
    %dma_wait3A_1291 = tpu.memref_slice %arg3[%dma_wait3A_1289, %dma_wait3A_1290] : memref<253952x128xf32, #tpu.memory_space<hbm>> -> memref<253952x128xf32, #tpu.memory_space<hbm>>
    tpu.wait_indirect_dma semaphore(%arg15 : memref<!tpu.dma_semaphore, #tpu.memory_space<semaphore_mem>>) src(%dma_wait3A_1291 : memref<253952x128xf32, #tpu.memory_space<hbm>>) dst(%dma_wait3A_1285 : memref<128x128xf32, #tpu.memory_space<vmem>>)
    %dma_start3A_1292 = arith.constant 1 : i32
    %dma_start3A_1293 = arith.constant 5 : i32
    %dma_start3A_1294 = arith.constant 0 : i32
    %dma_start3A_1295 = arith.constant 0 : i32
    %dma_start3A_1296 = tpu.memref_slice %arg13[%dma_start3A_1292, %dma_start3A_1294, %dma_start3A_1295] : memref<4x128x128xf32, #tpu.memory_space<vmem>> -> memref<1x128x128xf32, #tpu.memory_space<vmem>>
    %dma_start3A_1297 = tpu.memref_squeeze %dma_start3A_1296 : memref<1x128x128xf32, #tpu.memory_space<vmem>> -> memref<128x128xf32, #tpu.memory_space<vmem>>
    %dma_start3A_1298 = arith.constant 0 : i32
    %dma_start3A_1299 = tpu.memref_slice %arg12[%dma_start3A_1293, %dma_start3A_1298] : memref<20x128xi32, #tpu.memory_space<vmem>> -> memref<1x128xi32, #tpu.memory_space<vmem>>
    %dma_start3A_1300 = tpu.memref_squeeze %dma_start3A_1299 : memref<1x128xi32, #tpu.memory_space<vmem>> -> memref<128xi32, #tpu.memory_space<vmem>>
    %dma_start3A_1301 = arith.constant 0 : i32
    %dma_start3A_1302 = arith.constant 0 : i32
    %dma_start3A_1303 = tpu.memref_slice %arg14[%dma_start3A_1301, %dma_start3A_1302] : memref<6144x128xf32, #tpu.memory_space<vmem_shared>> -> memref<6144x128xf32, #tpu.memory_space<vmem_shared>>
    tpu.enqueue_indirect_dma source(%dma_start3A_1297 : memref<128x128xf32, #tpu.memory_space<vmem>>) target(%dma_start3A_1303 : memref<6144x128xf32, #tpu.memory_space<vmem_shared>>) offsets(%dma_start3A_1300 : memref<128xi32, #tpu.memory_space<vmem>>) semaphore(%arg16 : memref<!tpu.dma_semaphore, #tpu.memory_space<semaphore_mem>>) {add = true}
    %dma_start3A_1304 = arith.constant 1 : i32
    %dma_start3A_1305 = arith.constant 0 : i32
    %dma_start3A_1306 = arith.constant 0 : i32
    %dma_start3A_1307 = arith.constant 0 : i32
    %dma_start3A_1308 = tpu.memref_slice %arg13[%dma_start3A_1305, %dma_start3A_1306, %dma_start3A_1307] : memref<4x128x128xf32, #tpu.memory_space<vmem>> -> memref<1x128x128xf32, #tpu.memory_space<vmem>>
    %dma_start3A_1309 = tpu.memref_squeeze %dma_start3A_1308 : memref<1x128x128xf32, #tpu.memory_space<vmem>> -> memref<128x128xf32, #tpu.memory_space<vmem>>
    %dma_start3A_1310 = arith.constant 1024 : i32
    %dma_start3A_1311 = tpu.memref_slice %arg10[%dma_start3A_1304, %dma_start3A_1310] : memref<2x2560xi32, #tpu.memory_space<vmem>> -> memref<1x128xi32, #tpu.memory_space<vmem>>
    %dma_start3A_1312 = tpu.memref_squeeze %dma_start3A_1311 : memref<1x128xi32, #tpu.memory_space<vmem>> -> memref<128xi32, #tpu.memory_space<vmem>>
    %dma_start3A_1313 = arith.constant 0 : i32
    %dma_start3A_1314 = arith.constant 0 : i32
    %dma_start3A_1315 = tpu.memref_slice %arg3[%dma_start3A_1313, %dma_start3A_1314] : memref<253952x128xf32, #tpu.memory_space<hbm>> -> memref<253952x128xf32, #tpu.memory_space<hbm>>
    tpu.enqueue_indirect_dma source(%dma_start3A_1315 : memref<253952x128xf32, #tpu.memory_space<hbm>>) target(%dma_start3A_1309 : memref<128x128xf32, #tpu.memory_space<vmem>>) offsets(%dma_start3A_1312 : memref<128xi32, #tpu.memory_space<vmem>>) semaphore(%arg15 : memref<!tpu.dma_semaphore, #tpu.memory_space<semaphore_mem>>)
    %dma_wait3A_1316 = arith.constant 1 : i32
    %dma_wait3A_1317 = arith.constant 2 : i32
    %dma_wait3A_1318 = arith.constant 0 : i32
    %dma_wait3A_1319 = arith.constant 0 : i32
    %dma_wait3A_1320 = tpu.memref_slice %arg13[%dma_wait3A_1317, %dma_wait3A_1318, %dma_wait3A_1319] : memref<4x128x128xf32, #tpu.memory_space<vmem>> -> memref<1x128x128xf32, #tpu.memory_space<vmem>>
    %dma_wait3A_1321 = tpu.memref_squeeze %dma_wait3A_1320 : memref<1x128x128xf32, #tpu.memory_space<vmem>> -> memref<128x128xf32, #tpu.memory_space<vmem>>
    %dma_wait3A_1322 = arith.constant 768 : i32
    %dma_wait3A_1323 = tpu.memref_slice %arg10[%dma_wait3A_1316, %dma_wait3A_1322] : memref<2x2560xi32, #tpu.memory_space<vmem>> -> memref<1x128xi32, #tpu.memory_space<vmem>>
    %dma_wait3A_1324 = tpu.memref_squeeze %dma_wait3A_1323 : memref<1x128xi32, #tpu.memory_space<vmem>> -> memref<128xi32, #tpu.memory_space<vmem>>
    %dma_wait3A_1325 = arith.constant 0 : i32
    %dma_wait3A_1326 = arith.constant 0 : i32
    %dma_wait3A_1327 = tpu.memref_slice %arg3[%dma_wait3A_1325, %dma_wait3A_1326] : memref<253952x128xf32, #tpu.memory_space<hbm>> -> memref<253952x128xf32, #tpu.memory_space<hbm>>
    tpu.wait_indirect_dma semaphore(%arg15 : memref<!tpu.dma_semaphore, #tpu.memory_space<semaphore_mem>>) src(%dma_wait3A_1327 : memref<253952x128xf32, #tpu.memory_space<hbm>>) dst(%dma_wait3A_1321 : memref<128x128xf32, #tpu.memory_space<vmem>>)
    %dma_wait3A_1328 = arith.constant 1 : i32
    %dma_wait3A_1329 = arith.constant 5 : i32
    %dma_wait3A_1330 = arith.constant 0 : i32
    %dma_wait3A_1331 = arith.constant 0 : i32
    %dma_wait3A_1332 = tpu.memref_slice %arg13[%dma_wait3A_1328, %dma_wait3A_1330, %dma_wait3A_1331] : memref<4x128x128xf32, #tpu.memory_space<vmem>> -> memref<1x128x128xf32, #tpu.memory_space<vmem>>
    %dma_wait3A_1333 = tpu.memref_squeeze %dma_wait3A_1332 : memref<1x128x128xf32, #tpu.memory_space<vmem>> -> memref<128x128xf32, #tpu.memory_space<vmem>>
    %dma_wait3A_1334 = arith.constant 0 : i32
    %dma_wait3A_1335 = tpu.memref_slice %arg12[%dma_wait3A_1329, %dma_wait3A_1334] : memref<20x128xi32, #tpu.memory_space<vmem>> -> memref<1x128xi32, #tpu.memory_space<vmem>>
    %dma_wait3A_1336 = tpu.memref_squeeze %dma_wait3A_1335 : memref<1x128xi32, #tpu.memory_space<vmem>> -> memref<128xi32, #tpu.memory_space<vmem>>
    %dma_wait3A_1337 = arith.constant 0 : i32
    %dma_wait3A_1338 = arith.constant 0 : i32
    %dma_wait3A_1339 = tpu.memref_slice %arg14[%dma_wait3A_1337, %dma_wait3A_1338] : memref<6144x128xf32, #tpu.memory_space<vmem_shared>> -> memref<6144x128xf32, #tpu.memory_space<vmem_shared>>
    tpu.wait_indirect_dma semaphore(%arg16 : memref<!tpu.dma_semaphore, #tpu.memory_space<semaphore_mem>>) src(%dma_wait3A_1333 : memref<128x128xf32, #tpu.memory_space<vmem>>) dst(%dma_wait3A_1339 : memref<6144x128xf32, #tpu.memory_space<vmem_shared>>)
    %dma_start3A_1340 = arith.constant 2 : i32
    %dma_start3A_1341 = arith.constant 6 : i32
    %dma_start3A_1342 = arith.constant 0 : i32
    %dma_start3A_1343 = arith.constant 0 : i32
    %dma_start3A_1344 = tpu.memref_slice %arg13[%dma_start3A_1340, %dma_start3A_1342, %dma_start3A_1343] : memref<4x128x128xf32, #tpu.memory_space<vmem>> -> memref<1x128x128xf32, #tpu.memory_space<vmem>>
    %dma_start3A_1345 = tpu.memref_squeeze %dma_start3A_1344 : memref<1x128x128xf32, #tpu.memory_space<vmem>> -> memref<128x128xf32, #tpu.memory_space<vmem>>
    %dma_start3A_1346 = arith.constant 0 : i32
    %dma_start3A_1347 = tpu.memref_slice %arg12[%dma_start3A_1341, %dma_start3A_1346] : memref<20x128xi32, #tpu.memory_space<vmem>> -> memref<1x128xi32, #tpu.memory_space<vmem>>
    %dma_start3A_1348 = tpu.memref_squeeze %dma_start3A_1347 : memref<1x128xi32, #tpu.memory_space<vmem>> -> memref<128xi32, #tpu.memory_space<vmem>>
    %dma_start3A_1349 = arith.constant 0 : i32
    %dma_start3A_1350 = arith.constant 0 : i32
    %dma_start3A_1351 = tpu.memref_slice %arg14[%dma_start3A_1349, %dma_start3A_1350] : memref<6144x128xf32, #tpu.memory_space<vmem_shared>> -> memref<6144x128xf32, #tpu.memory_space<vmem_shared>>
    tpu.enqueue_indirect_dma source(%dma_start3A_1345 : memref<128x128xf32, #tpu.memory_space<vmem>>) target(%dma_start3A_1351 : memref<6144x128xf32, #tpu.memory_space<vmem_shared>>) offsets(%dma_start3A_1348 : memref<128xi32, #tpu.memory_space<vmem>>) semaphore(%arg16 : memref<!tpu.dma_semaphore, #tpu.memory_space<semaphore_mem>>) {add = true}
    %dma_start3A_1352 = arith.constant 1 : i32
    %dma_start3A_1353 = arith.constant 1 : i32
    %dma_start3A_1354 = arith.constant 0 : i32
    %dma_start3A_1355 = arith.constant 0 : i32
    %dma_start3A_1356 = tpu.memref_slice %arg13[%dma_start3A_1353, %dma_start3A_1354, %dma_start3A_1355] : memref<4x128x128xf32, #tpu.memory_space<vmem>> -> memref<1x128x128xf32, #tpu.memory_space<vmem>>
    %dma_start3A_1357 = tpu.memref_squeeze %dma_start3A_1356 : memref<1x128x128xf32, #tpu.memory_space<vmem>> -> memref<128x128xf32, #tpu.memory_space<vmem>>
    %dma_start3A_1358 = arith.constant 1152 : i32
    %dma_start3A_1359 = tpu.memref_slice %arg10[%dma_start3A_1352, %dma_start3A_1358] : memref<2x2560xi32, #tpu.memory_space<vmem>> -> memref<1x128xi32, #tpu.memory_space<vmem>>
    %dma_start3A_1360 = tpu.memref_squeeze %dma_start3A_1359 : memref<1x128xi32, #tpu.memory_space<vmem>> -> memref<128xi32, #tpu.memory_space<vmem>>
    %dma_start3A_1361 = arith.constant 0 : i32
    %dma_start3A_1362 = arith.constant 0 : i32
    %dma_start3A_1363 = tpu.memref_slice %arg3[%dma_start3A_1361, %dma_start3A_1362] : memref<253952x128xf32, #tpu.memory_space<hbm>> -> memref<253952x128xf32, #tpu.memory_space<hbm>>
    tpu.enqueue_indirect_dma source(%dma_start3A_1363 : memref<253952x128xf32, #tpu.memory_space<hbm>>) target(%dma_start3A_1357 : memref<128x128xf32, #tpu.memory_space<vmem>>) offsets(%dma_start3A_1360 : memref<128xi32, #tpu.memory_space<vmem>>) semaphore(%arg15 : memref<!tpu.dma_semaphore, #tpu.memory_space<semaphore_mem>>)
    %dma_wait3A_1364 = arith.constant 1 : i32
    %dma_wait3A_1365 = arith.constant 3 : i32
    %dma_wait3A_1366 = arith.constant 0 : i32
    %dma_wait3A_1367 = arith.constant 0 : i32
    %dma_wait3A_1368 = tpu.memref_slice %arg13[%dma_wait3A_1365, %dma_wait3A_1366, %dma_wait3A_1367] : memref<4x128x128xf32, #tpu.memory_space<vmem>> -> memref<1x128x128xf32, #tpu.memory_space<vmem>>
    %dma_wait3A_1369 = tpu.memref_squeeze %dma_wait3A_1368 : memref<1x128x128xf32, #tpu.memory_space<vmem>> -> memref<128x128xf32, #tpu.memory_space<vmem>>
    %dma_wait3A_1370 = arith.constant 896 : i32
    %dma_wait3A_1371 = tpu.memref_slice %arg10[%dma_wait3A_1364, %dma_wait3A_1370] : memref<2x2560xi32, #tpu.memory_space<vmem>> -> memref<1x128xi32, #tpu.memory_space<vmem>>
    %dma_wait3A_1372 = tpu.memref_squeeze %dma_wait3A_1371 : memref<1x128xi32, #tpu.memory_space<vmem>> -> memref<128xi32, #tpu.memory_space<vmem>>
    %dma_wait3A_1373 = arith.constant 0 : i32
    %dma_wait3A_1374 = arith.constant 0 : i32
    %dma_wait3A_1375 = tpu.memref_slice %arg3[%dma_wait3A_1373, %dma_wait3A_1374] : memref<253952x128xf32, #tpu.memory_space<hbm>> -> memref<253952x128xf32, #tpu.memory_space<hbm>>
    tpu.wait_indirect_dma semaphore(%arg15 : memref<!tpu.dma_semaphore, #tpu.memory_space<semaphore_mem>>) src(%dma_wait3A_1375 : memref<253952x128xf32, #tpu.memory_space<hbm>>) dst(%dma_wait3A_1369 : memref<128x128xf32, #tpu.memory_space<vmem>>)
    %dma_wait3A_1376 = arith.constant 2 : i32
    %dma_wait3A_1377 = arith.constant 6 : i32
    %dma_wait3A_1378 = arith.constant 0 : i32
    %dma_wait3A_1379 = arith.constant 0 : i32
    %dma_wait3A_1380 = tpu.memref_slice %arg13[%dma_wait3A_1376, %dma_wait3A_1378, %dma_wait3A_1379] : memref<4x128x128xf32, #tpu.memory_space<vmem>> -> memref<1x128x128xf32, #tpu.memory_space<vmem>>
    %dma_wait3A_1381 = tpu.memref_squeeze %dma_wait3A_1380 : memref<1x128x128xf32, #tpu.memory_space<vmem>> -> memref<128x128xf32, #tpu.memory_space<vmem>>
    %dma_wait3A_1382 = arith.constant 0 : i32
    %dma_wait3A_1383 = tpu.memref_slice %arg12[%dma_wait3A_1377, %dma_wait3A_1382] : memref<20x128xi32, #tpu.memory_space<vmem>> -> memref<1x128xi32, #tpu.memory_space<vmem>>
    %dma_wait3A_1384 = tpu.memref_squeeze %dma_wait3A_1383 : memref<1x128xi32, #tpu.memory_space<vmem>> -> memref<128xi32, #tpu.memory_space<vmem>>
    %dma_wait3A_1385 = arith.constant 0 : i32
    %dma_wait3A_1386 = arith.constant 0 : i32
    %dma_wait3A_1387 = tpu.memref_slice %arg14[%dma_wait3A_1385, %dma_wait3A_1386] : memref<6144x128xf32, #tpu.memory_space<vmem_shared>> -> memref<6144x128xf32, #tpu.memory_space<vmem_shared>>
    tpu.wait_indirect_dma semaphore(%arg16 : memref<!tpu.dma_semaphore, #tpu.memory_space<semaphore_mem>>) src(%dma_wait3A_1381 : memref<128x128xf32, #tpu.memory_space<vmem>>) dst(%dma_wait3A_1387 : memref<6144x128xf32, #tpu.memory_space<vmem_shared>>)
    %dma_start3A_1388 = arith.constant 3 : i32
    %dma_start3A_1389 = arith.constant 7 : i32
    %dma_start3A_1390 = arith.constant 0 : i32
    %dma_start3A_1391 = arith.constant 0 : i32
    %dma_start3A_1392 = tpu.memref_slice %arg13[%dma_start3A_1388, %dma_start3A_1390, %dma_start3A_1391] : memref<4x128x128xf32, #tpu.memory_space<vmem>> -> memref<1x128x128xf32, #tpu.memory_space<vmem>>
    %dma_start3A_1393 = tpu.memref_squeeze %dma_start3A_1392 : memref<1x128x128xf32, #tpu.memory_space<vmem>> -> memref<128x128xf32, #tpu.memory_space<vmem>>
    %dma_start3A_1394 = arith.constant 0 : i32
    %dma_start3A_1395 = tpu.memref_slice %arg12[%dma_start3A_1389, %dma_start3A_1394] : memref<20x128xi32, #tpu.memory_space<vmem>> -> memref<1x128xi32, #tpu.memory_space<vmem>>
    %dma_start3A_1396 = tpu.memref_squeeze %dma_start3A_1395 : memref<1x128xi32, #tpu.memory_space<vmem>> -> memref<128xi32, #tpu.memory_space<vmem>>
    %dma_start3A_1397 = arith.constant 0 : i32
    %dma_start3A_1398 = arith.constant 0 : i32
    %dma_start3A_1399 = tpu.memref_slice %arg14[%dma_start3A_1397, %dma_start3A_1398] : memref<6144x128xf32, #tpu.memory_space<vmem_shared>> -> memref<6144x128xf32, #tpu.memory_space<vmem_shared>>
    tpu.enqueue_indirect_dma source(%dma_start3A_1393 : memref<128x128xf32, #tpu.memory_space<vmem>>) target(%dma_start3A_1399 : memref<6144x128xf32, #tpu.memory_space<vmem_shared>>) offsets(%dma_start3A_1396 : memref<128xi32, #tpu.memory_space<vmem>>) semaphore(%arg16 : memref<!tpu.dma_semaphore, #tpu.memory_space<semaphore_mem>>) {add = true}
    %dma_start3A_1400 = arith.constant 1 : i32
    %dma_start3A_1401 = arith.constant 2 : i32
    %dma_start3A_1402 = arith.constant 0 : i32
    %dma_start3A_1403 = arith.constant 0 : i32
    %dma_start3A_1404 = tpu.memref_slice %arg13[%dma_start3A_1401, %dma_start3A_1402, %dma_start3A_1403] : memref<4x128x128xf32, #tpu.memory_space<vmem>> -> memref<1x128x128xf32, #tpu.memory_space<vmem>>
    %dma_start3A_1405 = tpu.memref_squeeze %dma_start3A_1404 : memref<1x128x128xf32, #tpu.memory_space<vmem>> -> memref<128x128xf32, #tpu.memory_space<vmem>>
    %dma_start3A_1406 = arith.constant 1280 : i32
    %dma_start3A_1407 = tpu.memref_slice %arg10[%dma_start3A_1400, %dma_start3A_1406] : memref<2x2560xi32, #tpu.memory_space<vmem>> -> memref<1x128xi32, #tpu.memory_space<vmem>>
    %dma_start3A_1408 = tpu.memref_squeeze %dma_start3A_1407 : memref<1x128xi32, #tpu.memory_space<vmem>> -> memref<128xi32, #tpu.memory_space<vmem>>
    %dma_start3A_1409 = arith.constant 0 : i32
    %dma_start3A_1410 = arith.constant 0 : i32
    %dma_start3A_1411 = tpu.memref_slice %arg3[%dma_start3A_1409, %dma_start3A_1410] : memref<253952x128xf32, #tpu.memory_space<hbm>> -> memref<253952x128xf32, #tpu.memory_space<hbm>>
    tpu.enqueue_indirect_dma source(%dma_start3A_1411 : memref<253952x128xf32, #tpu.memory_space<hbm>>) target(%dma_start3A_1405 : memref<128x128xf32, #tpu.memory_space<vmem>>) offsets(%dma_start3A_1408 : memref<128xi32, #tpu.memory_space<vmem>>) semaphore(%arg15 : memref<!tpu.dma_semaphore, #tpu.memory_space<semaphore_mem>>)
    %dma_wait3A_1412 = arith.constant 1 : i32
    %dma_wait3A_1413 = arith.constant 0 : i32
    %dma_wait3A_1414 = arith.constant 0 : i32
    %dma_wait3A_1415 = arith.constant 0 : i32
    %dma_wait3A_1416 = tpu.memref_slice %arg13[%dma_wait3A_1413, %dma_wait3A_1414, %dma_wait3A_1415] : memref<4x128x128xf32, #tpu.memory_space<vmem>> -> memref<1x128x128xf32, #tpu.memory_space<vmem>>
    %dma_wait3A_1417 = tpu.memref_squeeze %dma_wait3A_1416 : memref<1x128x128xf32, #tpu.memory_space<vmem>> -> memref<128x128xf32, #tpu.memory_space<vmem>>
    %dma_wait3A_1418 = arith.constant 1024 : i32
    %dma_wait3A_1419 = tpu.memref_slice %arg10[%dma_wait3A_1412, %dma_wait3A_1418] : memref<2x2560xi32, #tpu.memory_space<vmem>> -> memref<1x128xi32, #tpu.memory_space<vmem>>
    %dma_wait3A_1420 = tpu.memref_squeeze %dma_wait3A_1419 : memref<1x128xi32, #tpu.memory_space<vmem>> -> memref<128xi32, #tpu.memory_space<vmem>>
    %dma_wait3A_1421 = arith.constant 0 : i32
    %dma_wait3A_1422 = arith.constant 0 : i32
    %dma_wait3A_1423 = tpu.memref_slice %arg3[%dma_wait3A_1421, %dma_wait3A_1422] : memref<253952x128xf32, #tpu.memory_space<hbm>> -> memref<253952x128xf32, #tpu.memory_space<hbm>>
    tpu.wait_indirect_dma semaphore(%arg15 : memref<!tpu.dma_semaphore, #tpu.memory_space<semaphore_mem>>) src(%dma_wait3A_1423 : memref<253952x128xf32, #tpu.memory_space<hbm>>) dst(%dma_wait3A_1417 : memref<128x128xf32, #tpu.memory_space<vmem>>)
    %dma_wait3A_1424 = arith.constant 3 : i32
    %dma_wait3A_1425 = arith.constant 7 : i32
    %dma_wait3A_1426 = arith.constant 0 : i32
    %dma_wait3A_1427 = arith.constant 0 : i32
    %dma_wait3A_1428 = tpu.memref_slice %arg13[%dma_wait3A_1424, %dma_wait3A_1426, %dma_wait3A_1427] : memref<4x128x128xf32, #tpu.memory_space<vmem>> -> memref<1x128x128xf32, #tpu.memory_space<vmem>>
    %dma_wait3A_1429 = tpu.memref_squeeze %dma_wait3A_1428 : memref<1x128x128xf32, #tpu.memory_space<vmem>> -> memref<128x128xf32, #tpu.memory_space<vmem>>
    %dma_wait3A_1430 = arith.constant 0 : i32
    %dma_wait3A_1431 = tpu.memref_slice %arg12[%dma_wait3A_1425, %dma_wait3A_1430] : memref<20x128xi32, #tpu.memory_space<vmem>> -> memref<1x128xi32, #tpu.memory_space<vmem>>
    %dma_wait3A_1432 = tpu.memref_squeeze %dma_wait3A_1431 : memref<1x128xi32, #tpu.memory_space<vmem>> -> memref<128xi32, #tpu.memory_space<vmem>>
    %dma_wait3A_1433 = arith.constant 0 : i32
    %dma_wait3A_1434 = arith.constant 0 : i32
    %dma_wait3A_1435 = tpu.memref_slice %arg14[%dma_wait3A_1433, %dma_wait3A_1434] : memref<6144x128xf32, #tpu.memory_space<vmem_shared>> -> memref<6144x128xf32, #tpu.memory_space<vmem_shared>>
    tpu.wait_indirect_dma semaphore(%arg16 : memref<!tpu.dma_semaphore, #tpu.memory_space<semaphore_mem>>) src(%dma_wait3A_1429 : memref<128x128xf32, #tpu.memory_space<vmem>>) dst(%dma_wait3A_1435 : memref<6144x128xf32, #tpu.memory_space<vmem_shared>>)
    %dma_start3A_1436 = arith.constant 0 : i32
    %dma_start3A_1437 = arith.constant 8 : i32
    %dma_start3A_1438 = arith.constant 0 : i32
    %dma_start3A_1439 = arith.constant 0 : i32
    %dma_start3A_1440 = tpu.memref_slice %arg13[%dma_start3A_1436, %dma_start3A_1438, %dma_start3A_1439] : memref<4x128x128xf32, #tpu.memory_space<vmem>> -> memref<1x128x128xf32, #tpu.memory_space<vmem>>
    %dma_start3A_1441 = tpu.memref_squeeze %dma_start3A_1440 : memref<1x128x128xf32, #tpu.memory_space<vmem>> -> memref<128x128xf32, #tpu.memory_space<vmem>>
    %dma_start3A_1442 = arith.constant 0 : i32
    %dma_start3A_1443 = tpu.memref_slice %arg12[%dma_start3A_1437, %dma_start3A_1442] : memref<20x128xi32, #tpu.memory_space<vmem>> -> memref<1x128xi32, #tpu.memory_space<vmem>>
    %dma_start3A_1444 = tpu.memref_squeeze %dma_start3A_1443 : memref<1x128xi32, #tpu.memory_space<vmem>> -> memref<128xi32, #tpu.memory_space<vmem>>
    %dma_start3A_1445 = arith.constant 0 : i32
    %dma_start3A_1446 = arith.constant 0 : i32
    %dma_start3A_1447 = tpu.memref_slice %arg14[%dma_start3A_1445, %dma_start3A_1446] : memref<6144x128xf32, #tpu.memory_space<vmem_shared>> -> memref<6144x128xf32, #tpu.memory_space<vmem_shared>>
    tpu.enqueue_indirect_dma source(%dma_start3A_1441 : memref<128x128xf32, #tpu.memory_space<vmem>>) target(%dma_start3A_1447 : memref<6144x128xf32, #tpu.memory_space<vmem_shared>>) offsets(%dma_start3A_1444 : memref<128xi32, #tpu.memory_space<vmem>>) semaphore(%arg16 : memref<!tpu.dma_semaphore, #tpu.memory_space<semaphore_mem>>) {add = true}
    %dma_start3A_1448 = arith.constant 1 : i32
    %dma_start3A_1449 = arith.constant 3 : i32
    %dma_start3A_1450 = arith.constant 0 : i32
    %dma_start3A_1451 = arith.constant 0 : i32
    %dma_start3A_1452 = tpu.memref_slice %arg13[%dma_start3A_1449, %dma_start3A_1450, %dma_start3A_1451] : memref<4x128x128xf32, #tpu.memory_space<vmem>> -> memref<1x128x128xf32, #tpu.memory_space<vmem>>
    %dma_start3A_1453 = tpu.memref_squeeze %dma_start3A_1452 : memref<1x128x128xf32, #tpu.memory_space<vmem>> -> memref<128x128xf32, #tpu.memory_space<vmem>>
    %dma_start3A_1454 = arith.constant 1408 : i32
    %dma_start3A_1455 = tpu.memref_slice %arg10[%dma_start3A_1448, %dma_start3A_1454] : memref<2x2560xi32, #tpu.memory_space<vmem>> -> memref<1x128xi32, #tpu.memory_space<vmem>>
    %dma_start3A_1456 = tpu.memref_squeeze %dma_start3A_1455 : memref<1x128xi32, #tpu.memory_space<vmem>> -> memref<128xi32, #tpu.memory_space<vmem>>
    %dma_start3A_1457 = arith.constant 0 : i32
    %dma_start3A_1458 = arith.constant 0 : i32
    %dma_start3A_1459 = tpu.memref_slice %arg3[%dma_start3A_1457, %dma_start3A_1458] : memref<253952x128xf32, #tpu.memory_space<hbm>> -> memref<253952x128xf32, #tpu.memory_space<hbm>>
    tpu.enqueue_indirect_dma source(%dma_start3A_1459 : memref<253952x128xf32, #tpu.memory_space<hbm>>) target(%dma_start3A_1453 : memref<128x128xf32, #tpu.memory_space<vmem>>) offsets(%dma_start3A_1456 : memref<128xi32, #tpu.memory_space<vmem>>) semaphore(%arg15 : memref<!tpu.dma_semaphore, #tpu.memory_space<semaphore_mem>>)
    %dma_wait3A_1460 = arith.constant 1 : i32
    %dma_wait3A_1461 = arith.constant 1 : i32
    %dma_wait3A_1462 = arith.constant 0 : i32
    %dma_wait3A_1463 = arith.constant 0 : i32
    %dma_wait3A_1464 = tpu.memref_slice %arg13[%dma_wait3A_1461, %dma_wait3A_1462, %dma_wait3A_1463] : memref<4x128x128xf32, #tpu.memory_space<vmem>> -> memref<1x128x128xf32, #tpu.memory_space<vmem>>
    %dma_wait3A_1465 = tpu.memref_squeeze %dma_wait3A_1464 : memref<1x128x128xf32, #tpu.memory_space<vmem>> -> memref<128x128xf32, #tpu.memory_space<vmem>>
    %dma_wait3A_1466 = arith.constant 1152 : i32
    %dma_wait3A_1467 = tpu.memref_slice %arg10[%dma_wait3A_1460, %dma_wait3A_1466] : memref<2x2560xi32, #tpu.memory_space<vmem>> -> memref<1x128xi32, #tpu.memory_space<vmem>>
    %dma_wait3A_1468 = tpu.memref_squeeze %dma_wait3A_1467 : memref<1x128xi32, #tpu.memory_space<vmem>> -> memref<128xi32, #tpu.memory_space<vmem>>
    %dma_wait3A_1469 = arith.constant 0 : i32
    %dma_wait3A_1470 = arith.constant 0 : i32
    %dma_wait3A_1471 = tpu.memref_slice %arg3[%dma_wait3A_1469, %dma_wait3A_1470] : memref<253952x128xf32, #tpu.memory_space<hbm>> -> memref<253952x128xf32, #tpu.memory_space<hbm>>
    tpu.wait_indirect_dma semaphore(%arg15 : memref<!tpu.dma_semaphore, #tpu.memory_space<semaphore_mem>>) src(%dma_wait3A_1471 : memref<253952x128xf32, #tpu.memory_space<hbm>>) dst(%dma_wait3A_1465 : memref<128x128xf32, #tpu.memory_space<vmem>>)
    %dma_wait3A_1472 = arith.constant 0 : i32
    %dma_wait3A_1473 = arith.constant 8 : i32
    %dma_wait3A_1474 = arith.constant 0 : i32
    %dma_wait3A_1475 = arith.constant 0 : i32
    %dma_wait3A_1476 = tpu.memref_slice %arg13[%dma_wait3A_1472, %dma_wait3A_1474, %dma_wait3A_1475] : memref<4x128x128xf32, #tpu.memory_space<vmem>> -> memref<1x128x128xf32, #tpu.memory_space<vmem>>
    %dma_wait3A_1477 = tpu.memref_squeeze %dma_wait3A_1476 : memref<1x128x128xf32, #tpu.memory_space<vmem>> -> memref<128x128xf32, #tpu.memory_space<vmem>>
    %dma_wait3A_1478 = arith.constant 0 : i32
    %dma_wait3A_1479 = tpu.memref_slice %arg12[%dma_wait3A_1473, %dma_wait3A_1478] : memref<20x128xi32, #tpu.memory_space<vmem>> -> memref<1x128xi32, #tpu.memory_space<vmem>>
    %dma_wait3A_1480 = tpu.memref_squeeze %dma_wait3A_1479 : memref<1x128xi32, #tpu.memory_space<vmem>> -> memref<128xi32, #tpu.memory_space<vmem>>
    %dma_wait3A_1481 = arith.constant 0 : i32
    %dma_wait3A_1482 = arith.constant 0 : i32
    %dma_wait3A_1483 = tpu.memref_slice %arg14[%dma_wait3A_1481, %dma_wait3A_1482] : memref<6144x128xf32, #tpu.memory_space<vmem_shared>> -> memref<6144x128xf32, #tpu.memory_space<vmem_shared>>
    tpu.wait_indirect_dma semaphore(%arg16 : memref<!tpu.dma_semaphore, #tpu.memory_space<semaphore_mem>>) src(%dma_wait3A_1477 : memref<128x128xf32, #tpu.memory_space<vmem>>) dst(%dma_wait3A_1483 : memref<6144x128xf32, #tpu.memory_space<vmem_shared>>)
    %dma_start3A_1484 = arith.constant 1 : i32
    %dma_start3A_1485 = arith.constant 9 : i32
    %dma_start3A_1486 = arith.constant 0 : i32
    %dma_start3A_1487 = arith.constant 0 : i32
    %dma_start3A_1488 = tpu.memref_slice %arg13[%dma_start3A_1484, %dma_start3A_1486, %dma_start3A_1487] : memref<4x128x128xf32, #tpu.memory_space<vmem>> -> memref<1x128x128xf32, #tpu.memory_space<vmem>>
    %dma_start3A_1489 = tpu.memref_squeeze %dma_start3A_1488 : memref<1x128x128xf32, #tpu.memory_space<vmem>> -> memref<128x128xf32, #tpu.memory_space<vmem>>
    %dma_start3A_1490 = arith.constant 0 : i32
    %dma_start3A_1491 = tpu.memref_slice %arg12[%dma_start3A_1485, %dma_start3A_1490] : memref<20x128xi32, #tpu.memory_space<vmem>> -> memref<1x128xi32, #tpu.memory_space<vmem>>
    %dma_start3A_1492 = tpu.memref_squeeze %dma_start3A_1491 : memref<1x128xi32, #tpu.memory_space<vmem>> -> memref<128xi32, #tpu.memory_space<vmem>>
    %dma_start3A_1493 = arith.constant 0 : i32
    %dma_start3A_1494 = arith.constant 0 : i32
    %dma_start3A_1495 = tpu.memref_slice %arg14[%dma_start3A_1493, %dma_start3A_1494] : memref<6144x128xf32, #tpu.memory_space<vmem_shared>> -> memref<6144x128xf32, #tpu.memory_space<vmem_shared>>
    tpu.enqueue_indirect_dma source(%dma_start3A_1489 : memref<128x128xf32, #tpu.memory_space<vmem>>) target(%dma_start3A_1495 : memref<6144x128xf32, #tpu.memory_space<vmem_shared>>) offsets(%dma_start3A_1492 : memref<128xi32, #tpu.memory_space<vmem>>) semaphore(%arg16 : memref<!tpu.dma_semaphore, #tpu.memory_space<semaphore_mem>>) {add = true}
    %dma_start3A_1496 = arith.constant 1 : i32
    %dma_start3A_1497 = arith.constant 0 : i32
    %dma_start3A_1498 = arith.constant 0 : i32
    %dma_start3A_1499 = arith.constant 0 : i32
    %dma_start3A_1500 = tpu.memref_slice %arg13[%dma_start3A_1497, %dma_start3A_1498, %dma_start3A_1499] : memref<4x128x128xf32, #tpu.memory_space<vmem>> -> memref<1x128x128xf32, #tpu.memory_space<vmem>>
    %dma_start3A_1501 = tpu.memref_squeeze %dma_start3A_1500 : memref<1x128x128xf32, #tpu.memory_space<vmem>> -> memref<128x128xf32, #tpu.memory_space<vmem>>
    %dma_start3A_1502 = arith.constant 1536 : i32
    %dma_start3A_1503 = tpu.memref_slice %arg10[%dma_start3A_1496, %dma_start3A_1502] : memref<2x2560xi32, #tpu.memory_space<vmem>> -> memref<1x128xi32, #tpu.memory_space<vmem>>
    %dma_start3A_1504 = tpu.memref_squeeze %dma_start3A_1503 : memref<1x128xi32, #tpu.memory_space<vmem>> -> memref<128xi32, #tpu.memory_space<vmem>>
    %dma_start3A_1505 = arith.constant 0 : i32
    %dma_start3A_1506 = arith.constant 0 : i32
    %dma_start3A_1507 = tpu.memref_slice %arg3[%dma_start3A_1505, %dma_start3A_1506] : memref<253952x128xf32, #tpu.memory_space<hbm>> -> memref<253952x128xf32, #tpu.memory_space<hbm>>
    tpu.enqueue_indirect_dma source(%dma_start3A_1507 : memref<253952x128xf32, #tpu.memory_space<hbm>>) target(%dma_start3A_1501 : memref<128x128xf32, #tpu.memory_space<vmem>>) offsets(%dma_start3A_1504 : memref<128xi32, #tpu.memory_space<vmem>>) semaphore(%arg15 : memref<!tpu.dma_semaphore, #tpu.memory_space<semaphore_mem>>)
    %dma_wait3A_1508 = arith.constant 1 : i32
    %dma_wait3A_1509 = arith.constant 9 : i32
    %dma_wait3A_1510 = arith.constant 0 : i32
    %dma_wait3A_1511 = arith.constant 0 : i32
    %dma_wait3A_1512 = tpu.memref_slice %arg13[%dma_wait3A_1508, %dma_wait3A_1510, %dma_wait3A_1511] : memref<4x128x128xf32, #tpu.memory_space<vmem>> -> memref<1x128x128xf32, #tpu.memory_space<vmem>>
    %dma_wait3A_1513 = tpu.memref_squeeze %dma_wait3A_1512 : memref<1x128x128xf32, #tpu.memory_space<vmem>> -> memref<128x128xf32, #tpu.memory_space<vmem>>
    %dma_wait3A_1514 = arith.constant 0 : i32
    %dma_wait3A_1515 = tpu.memref_slice %arg12[%dma_wait3A_1509, %dma_wait3A_1514] : memref<20x128xi32, #tpu.memory_space<vmem>> -> memref<1x128xi32, #tpu.memory_space<vmem>>
    %dma_wait3A_1516 = tpu.memref_squeeze %dma_wait3A_1515 : memref<1x128xi32, #tpu.memory_space<vmem>> -> memref<128xi32, #tpu.memory_space<vmem>>
    %dma_wait3A_1517 = arith.constant 0 : i32
    %dma_wait3A_1518 = arith.constant 0 : i32
    %dma_wait3A_1519 = tpu.memref_slice %arg14[%dma_wait3A_1517, %dma_wait3A_1518] : memref<6144x128xf32, #tpu.memory_space<vmem_shared>> -> memref<6144x128xf32, #tpu.memory_space<vmem_shared>>
    tpu.wait_indirect_dma semaphore(%arg16 : memref<!tpu.dma_semaphore, #tpu.memory_space<semaphore_mem>>) src(%dma_wait3A_1513 : memref<128x128xf32, #tpu.memory_space<vmem>>) dst(%dma_wait3A_1519 : memref<6144x128xf32, #tpu.memory_space<vmem_shared>>)
    %add3A_1520 = arith.constant 2048 : i32
    %add3A_1521 = arith.addi %add3A_1520, %mul3A_4 : i32
    %mul3A_1522 = arith.constant 512 : i32
    %mul3A_1523 = arith.muli %add3A, %mul3A_1522 : i32
    %add3A_1524 = arith.constant 0 : i32
    %add3A_1525 = arith.addi %mul3A_1523, %add3A_1524 : i32
    "tpu.region"() ({
      %run_scoped3A_1990 = tpu.sem_alloc : memref<!tpu.dma_semaphore, #tpu.memory_space<semaphore_mem>>
      %dma_start3A_1991 = arith.constant 0 : i32
      %dma_start3A_1992 = tpu.memref_slice %arg9[%add3A_1525, %dma_start3A_1991] : memref<16384x128xf32, #tpu.memory_space<hbm>> -> memref<128x128xf32, #tpu.memory_space<hbm>>
      %dma_start3A_1993 = arith.constant 0 : i32
      %dma_start3A_1994 = tpu.memref_slice %arg14[%add3A_1521, %dma_start3A_1993] : memref<6144x128xf32, #tpu.memory_space<vmem_shared>> -> memref<128x128xf32, #tpu.memory_space<vmem_shared>>
      tpu.enqueue_dma source(%dma_start3A_1994 : memref<128x128xf32, #tpu.memory_space<vmem_shared>>) target(%dma_start3A_1992 : memref<128x128xf32, #tpu.memory_space<hbm>>) target_semaphore(%run_scoped3A_1990 : memref<!tpu.dma_semaphore, #tpu.memory_space<semaphore_mem>>)
      %dma_wait3A_1995 = arith.constant 0 : i32
      %dma_wait3A_1996 = tpu.memref_slice %arg9[%add3A_1525, %dma_wait3A_1995] : memref<16384x128xf32, #tpu.memory_space<hbm>> -> memref<128x128xf32, #tpu.memory_space<hbm>>
      %dma_wait3A_1997 = arith.constant 0 : i32
      %dma_wait3A_1998 = tpu.memref_slice %arg14[%add3A_1521, %dma_wait3A_1997] : memref<6144x128xf32, #tpu.memory_space<vmem_shared>> -> memref<128x128xf32, #tpu.memory_space<vmem_shared>>
      tpu.wait_dma2 semaphore(%run_scoped3A_1990 : memref<!tpu.dma_semaphore, #tpu.memory_space<semaphore_mem>>) src(%dma_wait3A_1998 : memref<128x128xf32, #tpu.memory_space<vmem_shared>>) dst(%dma_wait3A_1996 : memref<128x128xf32, #tpu.memory_space<hbm>>)
      tpu.yield
    }) : () -> ()
    %add3A_1526 = arith.constant 2048 : i32
    %add3A_1527 = arith.addi %add3A_1526, %mul3A_4 : i32
    "tpu.region"() ({
      %run_scoped3A_1990 = tpu.sem_alloc : memref<!tpu.dma_semaphore, #tpu.memory_space<semaphore_mem>>
      %dma_start3A_1991 = arith.constant 0 : i32
      %dma_start3A_1992 = tpu.memref_slice %arg14[%add3A_1527, %dma_start3A_1991] : memref<6144x128xf32, #tpu.memory_space<vmem_shared>> -> memref<128x128xf32, #tpu.memory_space<vmem_shared>>
      tpu.enqueue_dma source(%arg7 : memref<128x128xf32, #tpu.memory_space<hbm>>) target(%dma_start3A_1992 : memref<128x128xf32, #tpu.memory_space<vmem_shared>>) target_semaphore(%run_scoped3A_1990 : memref<!tpu.dma_semaphore, #tpu.memory_space<semaphore_mem>>)
      %dma_wait3A_1993 = arith.constant 0 : i32
      %dma_wait3A_1994 = tpu.memref_slice %arg14[%add3A_1527, %dma_wait3A_1993] : memref<6144x128xf32, #tpu.memory_space<vmem_shared>> -> memref<128x128xf32, #tpu.memory_space<vmem_shared>>
      tpu.wait_dma2 semaphore(%run_scoped3A_1990 : memref<!tpu.dma_semaphore, #tpu.memory_space<semaphore_mem>>) src(%arg7 : memref<128x128xf32, #tpu.memory_space<hbm>>) dst(%dma_wait3A_1994 : memref<128x128xf32, #tpu.memory_space<vmem_shared>>)
      tpu.yield
    }) : () -> ()
    %dma_wait3A_1528 = arith.constant 1 : i32
    %dma_wait3A_1529 = arith.constant 2 : i32
    %dma_wait3A_1530 = arith.constant 0 : i32
    %dma_wait3A_1531 = arith.constant 0 : i32
    %dma_wait3A_1532 = tpu.memref_slice %arg13[%dma_wait3A_1529, %dma_wait3A_1530, %dma_wait3A_1531] : memref<4x128x128xf32, #tpu.memory_space<vmem>> -> memref<1x128x128xf32, #tpu.memory_space<vmem>>
    %dma_wait3A_1533 = tpu.memref_squeeze %dma_wait3A_1532 : memref<1x128x128xf32, #tpu.memory_space<vmem>> -> memref<128x128xf32, #tpu.memory_space<vmem>>
    %dma_wait3A_1534 = arith.constant 1280 : i32
    %dma_wait3A_1535 = tpu.memref_slice %arg10[%dma_wait3A_1528, %dma_wait3A_1534] : memref<2x2560xi32, #tpu.memory_space<vmem>> -> memref<1x128xi32, #tpu.memory_space<vmem>>
    %dma_wait3A_1536 = tpu.memref_squeeze %dma_wait3A_1535 : memref<1x128xi32, #tpu.memory_space<vmem>> -> memref<128xi32, #tpu.memory_space<vmem>>
    %dma_wait3A_1537 = arith.constant 0 : i32
    %dma_wait3A_1538 = arith.constant 0 : i32
    %dma_wait3A_1539 = tpu.memref_slice %arg3[%dma_wait3A_1537, %dma_wait3A_1538] : memref<253952x128xf32, #tpu.memory_space<hbm>> -> memref<253952x128xf32, #tpu.memory_space<hbm>>
    tpu.wait_indirect_dma semaphore(%arg15 : memref<!tpu.dma_semaphore, #tpu.memory_space<semaphore_mem>>) src(%dma_wait3A_1539 : memref<253952x128xf32, #tpu.memory_space<hbm>>) dst(%dma_wait3A_1533 : memref<128x128xf32, #tpu.memory_space<vmem>>)
    %dma_start3A_1540 = arith.constant 2 : i32
    %dma_start3A_1541 = arith.constant 10 : i32
    %dma_start3A_1542 = arith.constant 0 : i32
    %dma_start3A_1543 = arith.constant 0 : i32
    %dma_start3A_1544 = tpu.memref_slice %arg13[%dma_start3A_1540, %dma_start3A_1542, %dma_start3A_1543] : memref<4x128x128xf32, #tpu.memory_space<vmem>> -> memref<1x128x128xf32, #tpu.memory_space<vmem>>
    %dma_start3A_1545 = tpu.memref_squeeze %dma_start3A_1544 : memref<1x128x128xf32, #tpu.memory_space<vmem>> -> memref<128x128xf32, #tpu.memory_space<vmem>>
    %dma_start3A_1546 = arith.constant 0 : i32
    %dma_start3A_1547 = tpu.memref_slice %arg12[%dma_start3A_1541, %dma_start3A_1546] : memref<20x128xi32, #tpu.memory_space<vmem>> -> memref<1x128xi32, #tpu.memory_space<vmem>>
    %dma_start3A_1548 = tpu.memref_squeeze %dma_start3A_1547 : memref<1x128xi32, #tpu.memory_space<vmem>> -> memref<128xi32, #tpu.memory_space<vmem>>
    %dma_start3A_1549 = arith.constant 0 : i32
    %dma_start3A_1550 = arith.constant 0 : i32
    %dma_start3A_1551 = tpu.memref_slice %arg14[%dma_start3A_1549, %dma_start3A_1550] : memref<6144x128xf32, #tpu.memory_space<vmem_shared>> -> memref<6144x128xf32, #tpu.memory_space<vmem_shared>>
    tpu.enqueue_indirect_dma source(%dma_start3A_1545 : memref<128x128xf32, #tpu.memory_space<vmem>>) target(%dma_start3A_1551 : memref<6144x128xf32, #tpu.memory_space<vmem_shared>>) offsets(%dma_start3A_1548 : memref<128xi32, #tpu.memory_space<vmem>>) semaphore(%arg16 : memref<!tpu.dma_semaphore, #tpu.memory_space<semaphore_mem>>) {add = true}
    %dma_start3A_1552 = arith.constant 1 : i32
    %dma_start3A_1553 = arith.constant 1 : i32
    %dma_start3A_1554 = arith.constant 0 : i32
    %dma_start3A_1555 = arith.constant 0 : i32
    %dma_start3A_1556 = tpu.memref_slice %arg13[%dma_start3A_1553, %dma_start3A_1554, %dma_start3A_1555] : memref<4x128x128xf32, #tpu.memory_space<vmem>> -> memref<1x128x128xf32, #tpu.memory_space<vmem>>
    %dma_start3A_1557 = tpu.memref_squeeze %dma_start3A_1556 : memref<1x128x128xf32, #tpu.memory_space<vmem>> -> memref<128x128xf32, #tpu.memory_space<vmem>>
    %dma_start3A_1558 = arith.constant 1664 : i32
    %dma_start3A_1559 = tpu.memref_slice %arg10[%dma_start3A_1552, %dma_start3A_1558] : memref<2x2560xi32, #tpu.memory_space<vmem>> -> memref<1x128xi32, #tpu.memory_space<vmem>>
    %dma_start3A_1560 = tpu.memref_squeeze %dma_start3A_1559 : memref<1x128xi32, #tpu.memory_space<vmem>> -> memref<128xi32, #tpu.memory_space<vmem>>
    %dma_start3A_1561 = arith.constant 0 : i32
    %dma_start3A_1562 = arith.constant 0 : i32
    %dma_start3A_1563 = tpu.memref_slice %arg3[%dma_start3A_1561, %dma_start3A_1562] : memref<253952x128xf32, #tpu.memory_space<hbm>> -> memref<253952x128xf32, #tpu.memory_space<hbm>>
    tpu.enqueue_indirect_dma source(%dma_start3A_1563 : memref<253952x128xf32, #tpu.memory_space<hbm>>) target(%dma_start3A_1557 : memref<128x128xf32, #tpu.memory_space<vmem>>) offsets(%dma_start3A_1560 : memref<128xi32, #tpu.memory_space<vmem>>) semaphore(%arg15 : memref<!tpu.dma_semaphore, #tpu.memory_space<semaphore_mem>>)
    %dma_wait3A_1564 = arith.constant 1 : i32
    %dma_wait3A_1565 = arith.constant 3 : i32
    %dma_wait3A_1566 = arith.constant 0 : i32
    %dma_wait3A_1567 = arith.constant 0 : i32
    %dma_wait3A_1568 = tpu.memref_slice %arg13[%dma_wait3A_1565, %dma_wait3A_1566, %dma_wait3A_1567] : memref<4x128x128xf32, #tpu.memory_space<vmem>> -> memref<1x128x128xf32, #tpu.memory_space<vmem>>
    %dma_wait3A_1569 = tpu.memref_squeeze %dma_wait3A_1568 : memref<1x128x128xf32, #tpu.memory_space<vmem>> -> memref<128x128xf32, #tpu.memory_space<vmem>>
    %dma_wait3A_1570 = arith.constant 1408 : i32
    %dma_wait3A_1571 = tpu.memref_slice %arg10[%dma_wait3A_1564, %dma_wait3A_1570] : memref<2x2560xi32, #tpu.memory_space<vmem>> -> memref<1x128xi32, #tpu.memory_space<vmem>>
    %dma_wait3A_1572 = tpu.memref_squeeze %dma_wait3A_1571 : memref<1x128xi32, #tpu.memory_space<vmem>> -> memref<128xi32, #tpu.memory_space<vmem>>
    %dma_wait3A_1573 = arith.constant 0 : i32
    %dma_wait3A_1574 = arith.constant 0 : i32
    %dma_wait3A_1575 = tpu.memref_slice %arg3[%dma_wait3A_1573, %dma_wait3A_1574] : memref<253952x128xf32, #tpu.memory_space<hbm>> -> memref<253952x128xf32, #tpu.memory_space<hbm>>
    tpu.wait_indirect_dma semaphore(%arg15 : memref<!tpu.dma_semaphore, #tpu.memory_space<semaphore_mem>>) src(%dma_wait3A_1575 : memref<253952x128xf32, #tpu.memory_space<hbm>>) dst(%dma_wait3A_1569 : memref<128x128xf32, #tpu.memory_space<vmem>>)
    %dma_wait3A_1576 = arith.constant 2 : i32
    %dma_wait3A_1577 = arith.constant 10 : i32
    %dma_wait3A_1578 = arith.constant 0 : i32
    %dma_wait3A_1579 = arith.constant 0 : i32
    %dma_wait3A_1580 = tpu.memref_slice %arg13[%dma_wait3A_1576, %dma_wait3A_1578, %dma_wait3A_1579] : memref<4x128x128xf32, #tpu.memory_space<vmem>> -> memref<1x128x128xf32, #tpu.memory_space<vmem>>
    %dma_wait3A_1581 = tpu.memref_squeeze %dma_wait3A_1580 : memref<1x128x128xf32, #tpu.memory_space<vmem>> -> memref<128x128xf32, #tpu.memory_space<vmem>>
    %dma_wait3A_1582 = arith.constant 0 : i32
    %dma_wait3A_1583 = tpu.memref_slice %arg12[%dma_wait3A_1577, %dma_wait3A_1582] : memref<20x128xi32, #tpu.memory_space<vmem>> -> memref<1x128xi32, #tpu.memory_space<vmem>>
    %dma_wait3A_1584 = tpu.memref_squeeze %dma_wait3A_1583 : memref<1x128xi32, #tpu.memory_space<vmem>> -> memref<128xi32, #tpu.memory_space<vmem>>
    %dma_wait3A_1585 = arith.constant 0 : i32
    %dma_wait3A_1586 = arith.constant 0 : i32
    %dma_wait3A_1587 = tpu.memref_slice %arg14[%dma_wait3A_1585, %dma_wait3A_1586] : memref<6144x128xf32, #tpu.memory_space<vmem_shared>> -> memref<6144x128xf32, #tpu.memory_space<vmem_shared>>
    tpu.wait_indirect_dma semaphore(%arg16 : memref<!tpu.dma_semaphore, #tpu.memory_space<semaphore_mem>>) src(%dma_wait3A_1581 : memref<128x128xf32, #tpu.memory_space<vmem>>) dst(%dma_wait3A_1587 : memref<6144x128xf32, #tpu.memory_space<vmem_shared>>)
    %dma_start3A_1588 = arith.constant 3 : i32
    %dma_start3A_1589 = arith.constant 11 : i32
    %dma_start3A_1590 = arith.constant 0 : i32
    %dma_start3A_1591 = arith.constant 0 : i32
    %dma_start3A_1592 = tpu.memref_slice %arg13[%dma_start3A_1588, %dma_start3A_1590, %dma_start3A_1591] : memref<4x128x128xf32, #tpu.memory_space<vmem>> -> memref<1x128x128xf32, #tpu.memory_space<vmem>>
    %dma_start3A_1593 = tpu.memref_squeeze %dma_start3A_1592 : memref<1x128x128xf32, #tpu.memory_space<vmem>> -> memref<128x128xf32, #tpu.memory_space<vmem>>
    %dma_start3A_1594 = arith.constant 0 : i32
    %dma_start3A_1595 = tpu.memref_slice %arg12[%dma_start3A_1589, %dma_start3A_1594] : memref<20x128xi32, #tpu.memory_space<vmem>> -> memref<1x128xi32, #tpu.memory_space<vmem>>
    %dma_start3A_1596 = tpu.memref_squeeze %dma_start3A_1595 : memref<1x128xi32, #tpu.memory_space<vmem>> -> memref<128xi32, #tpu.memory_space<vmem>>
    %dma_start3A_1597 = arith.constant 0 : i32
    %dma_start3A_1598 = arith.constant 0 : i32
    %dma_start3A_1599 = tpu.memref_slice %arg14[%dma_start3A_1597, %dma_start3A_1598] : memref<6144x128xf32, #tpu.memory_space<vmem_shared>> -> memref<6144x128xf32, #tpu.memory_space<vmem_shared>>
    tpu.enqueue_indirect_dma source(%dma_start3A_1593 : memref<128x128xf32, #tpu.memory_space<vmem>>) target(%dma_start3A_1599 : memref<6144x128xf32, #tpu.memory_space<vmem_shared>>) offsets(%dma_start3A_1596 : memref<128xi32, #tpu.memory_space<vmem>>) semaphore(%arg16 : memref<!tpu.dma_semaphore, #tpu.memory_space<semaphore_mem>>) {add = true}
    %dma_start3A_1600 = arith.constant 1 : i32
    %dma_start3A_1601 = arith.constant 2 : i32
    %dma_start3A_1602 = arith.constant 0 : i32
    %dma_start3A_1603 = arith.constant 0 : i32
    %dma_start3A_1604 = tpu.memref_slice %arg13[%dma_start3A_1601, %dma_start3A_1602, %dma_start3A_1603] : memref<4x128x128xf32, #tpu.memory_space<vmem>> -> memref<1x128x128xf32, #tpu.memory_space<vmem>>
    %dma_start3A_1605 = tpu.memref_squeeze %dma_start3A_1604 : memref<1x128x128xf32, #tpu.memory_space<vmem>> -> memref<128x128xf32, #tpu.memory_space<vmem>>
    %dma_start3A_1606 = arith.constant 1792 : i32
    %dma_start3A_1607 = tpu.memref_slice %arg10[%dma_start3A_1600, %dma_start3A_1606] : memref<2x2560xi32, #tpu.memory_space<vmem>> -> memref<1x128xi32, #tpu.memory_space<vmem>>
    %dma_start3A_1608 = tpu.memref_squeeze %dma_start3A_1607 : memref<1x128xi32, #tpu.memory_space<vmem>> -> memref<128xi32, #tpu.memory_space<vmem>>
    %dma_start3A_1609 = arith.constant 0 : i32
    %dma_start3A_1610 = arith.constant 0 : i32
    %dma_start3A_1611 = tpu.memref_slice %arg3[%dma_start3A_1609, %dma_start3A_1610] : memref<253952x128xf32, #tpu.memory_space<hbm>> -> memref<253952x128xf32, #tpu.memory_space<hbm>>
    tpu.enqueue_indirect_dma source(%dma_start3A_1611 : memref<253952x128xf32, #tpu.memory_space<hbm>>) target(%dma_start3A_1605 : memref<128x128xf32, #tpu.memory_space<vmem>>) offsets(%dma_start3A_1608 : memref<128xi32, #tpu.memory_space<vmem>>) semaphore(%arg15 : memref<!tpu.dma_semaphore, #tpu.memory_space<semaphore_mem>>)
    %dma_wait3A_1612 = arith.constant 1 : i32
    %dma_wait3A_1613 = arith.constant 0 : i32
    %dma_wait3A_1614 = arith.constant 0 : i32
    %dma_wait3A_1615 = arith.constant 0 : i32
    %dma_wait3A_1616 = tpu.memref_slice %arg13[%dma_wait3A_1613, %dma_wait3A_1614, %dma_wait3A_1615] : memref<4x128x128xf32, #tpu.memory_space<vmem>> -> memref<1x128x128xf32, #tpu.memory_space<vmem>>
    %dma_wait3A_1617 = tpu.memref_squeeze %dma_wait3A_1616 : memref<1x128x128xf32, #tpu.memory_space<vmem>> -> memref<128x128xf32, #tpu.memory_space<vmem>>
    %dma_wait3A_1618 = arith.constant 1536 : i32
    %dma_wait3A_1619 = tpu.memref_slice %arg10[%dma_wait3A_1612, %dma_wait3A_1618] : memref<2x2560xi32, #tpu.memory_space<vmem>> -> memref<1x128xi32, #tpu.memory_space<vmem>>
    %dma_wait3A_1620 = tpu.memref_squeeze %dma_wait3A_1619 : memref<1x128xi32, #tpu.memory_space<vmem>> -> memref<128xi32, #tpu.memory_space<vmem>>
    %dma_wait3A_1621 = arith.constant 0 : i32
    %dma_wait3A_1622 = arith.constant 0 : i32
    %dma_wait3A_1623 = tpu.memref_slice %arg3[%dma_wait3A_1621, %dma_wait3A_1622] : memref<253952x128xf32, #tpu.memory_space<hbm>> -> memref<253952x128xf32, #tpu.memory_space<hbm>>
    tpu.wait_indirect_dma semaphore(%arg15 : memref<!tpu.dma_semaphore, #tpu.memory_space<semaphore_mem>>) src(%dma_wait3A_1623 : memref<253952x128xf32, #tpu.memory_space<hbm>>) dst(%dma_wait3A_1617 : memref<128x128xf32, #tpu.memory_space<vmem>>)
    %dma_wait3A_1624 = arith.constant 3 : i32
    %dma_wait3A_1625 = arith.constant 11 : i32
    %dma_wait3A_1626 = arith.constant 0 : i32
    %dma_wait3A_1627 = arith.constant 0 : i32
    %dma_wait3A_1628 = tpu.memref_slice %arg13[%dma_wait3A_1624, %dma_wait3A_1626, %dma_wait3A_1627] : memref<4x128x128xf32, #tpu.memory_space<vmem>> -> memref<1x128x128xf32, #tpu.memory_space<vmem>>
    %dma_wait3A_1629 = tpu.memref_squeeze %dma_wait3A_1628 : memref<1x128x128xf32, #tpu.memory_space<vmem>> -> memref<128x128xf32, #tpu.memory_space<vmem>>
    %dma_wait3A_1630 = arith.constant 0 : i32
    %dma_wait3A_1631 = tpu.memref_slice %arg12[%dma_wait3A_1625, %dma_wait3A_1630] : memref<20x128xi32, #tpu.memory_space<vmem>> -> memref<1x128xi32, #tpu.memory_space<vmem>>
    %dma_wait3A_1632 = tpu.memref_squeeze %dma_wait3A_1631 : memref<1x128xi32, #tpu.memory_space<vmem>> -> memref<128xi32, #tpu.memory_space<vmem>>
    %dma_wait3A_1633 = arith.constant 0 : i32
    %dma_wait3A_1634 = arith.constant 0 : i32
    %dma_wait3A_1635 = tpu.memref_slice %arg14[%dma_wait3A_1633, %dma_wait3A_1634] : memref<6144x128xf32, #tpu.memory_space<vmem_shared>> -> memref<6144x128xf32, #tpu.memory_space<vmem_shared>>
    tpu.wait_indirect_dma semaphore(%arg16 : memref<!tpu.dma_semaphore, #tpu.memory_space<semaphore_mem>>) src(%dma_wait3A_1629 : memref<128x128xf32, #tpu.memory_space<vmem>>) dst(%dma_wait3A_1635 : memref<6144x128xf32, #tpu.memory_space<vmem_shared>>)
    %dma_start3A_1636 = arith.constant 0 : i32
    %dma_start3A_1637 = arith.constant 12 : i32
    %dma_start3A_1638 = arith.constant 0 : i32
    %dma_start3A_1639 = arith.constant 0 : i32
    %dma_start3A_1640 = tpu.memref_slice %arg13[%dma_start3A_1636, %dma_start3A_1638, %dma_start3A_1639] : memref<4x128x128xf32, #tpu.memory_space<vmem>> -> memref<1x128x128xf32, #tpu.memory_space<vmem>>
    %dma_start3A_1641 = tpu.memref_squeeze %dma_start3A_1640 : memref<1x128x128xf32, #tpu.memory_space<vmem>> -> memref<128x128xf32, #tpu.memory_space<vmem>>
    %dma_start3A_1642 = arith.constant 0 : i32
    %dma_start3A_1643 = tpu.memref_slice %arg12[%dma_start3A_1637, %dma_start3A_1642] : memref<20x128xi32, #tpu.memory_space<vmem>> -> memref<1x128xi32, #tpu.memory_space<vmem>>
    %dma_start3A_1644 = tpu.memref_squeeze %dma_start3A_1643 : memref<1x128xi32, #tpu.memory_space<vmem>> -> memref<128xi32, #tpu.memory_space<vmem>>
    %dma_start3A_1645 = arith.constant 0 : i32
    %dma_start3A_1646 = arith.constant 0 : i32
    %dma_start3A_1647 = tpu.memref_slice %arg14[%dma_start3A_1645, %dma_start3A_1646] : memref<6144x128xf32, #tpu.memory_space<vmem_shared>> -> memref<6144x128xf32, #tpu.memory_space<vmem_shared>>
    tpu.enqueue_indirect_dma source(%dma_start3A_1641 : memref<128x128xf32, #tpu.memory_space<vmem>>) target(%dma_start3A_1647 : memref<6144x128xf32, #tpu.memory_space<vmem_shared>>) offsets(%dma_start3A_1644 : memref<128xi32, #tpu.memory_space<vmem>>) semaphore(%arg16 : memref<!tpu.dma_semaphore, #tpu.memory_space<semaphore_mem>>) {add = true}
    %dma_start3A_1648 = arith.constant 1 : i32
    %dma_start3A_1649 = arith.constant 3 : i32
    %dma_start3A_1650 = arith.constant 0 : i32
    %dma_start3A_1651 = arith.constant 0 : i32
    %dma_start3A_1652 = tpu.memref_slice %arg13[%dma_start3A_1649, %dma_start3A_1650, %dma_start3A_1651] : memref<4x128x128xf32, #tpu.memory_space<vmem>> -> memref<1x128x128xf32, #tpu.memory_space<vmem>>
    %dma_start3A_1653 = tpu.memref_squeeze %dma_start3A_1652 : memref<1x128x128xf32, #tpu.memory_space<vmem>> -> memref<128x128xf32, #tpu.memory_space<vmem>>
    %dma_start3A_1654 = arith.constant 1920 : i32
    %dma_start3A_1655 = tpu.memref_slice %arg10[%dma_start3A_1648, %dma_start3A_1654] : memref<2x2560xi32, #tpu.memory_space<vmem>> -> memref<1x128xi32, #tpu.memory_space<vmem>>
    %dma_start3A_1656 = tpu.memref_squeeze %dma_start3A_1655 : memref<1x128xi32, #tpu.memory_space<vmem>> -> memref<128xi32, #tpu.memory_space<vmem>>
    %dma_start3A_1657 = arith.constant 0 : i32
    %dma_start3A_1658 = arith.constant 0 : i32
    %dma_start3A_1659 = tpu.memref_slice %arg3[%dma_start3A_1657, %dma_start3A_1658] : memref<253952x128xf32, #tpu.memory_space<hbm>> -> memref<253952x128xf32, #tpu.memory_space<hbm>>
    tpu.enqueue_indirect_dma source(%dma_start3A_1659 : memref<253952x128xf32, #tpu.memory_space<hbm>>) target(%dma_start3A_1653 : memref<128x128xf32, #tpu.memory_space<vmem>>) offsets(%dma_start3A_1656 : memref<128xi32, #tpu.memory_space<vmem>>) semaphore(%arg15 : memref<!tpu.dma_semaphore, #tpu.memory_space<semaphore_mem>>)
    %dma_wait3A_1660 = arith.constant 1 : i32
    %dma_wait3A_1661 = arith.constant 1 : i32
    %dma_wait3A_1662 = arith.constant 0 : i32
    %dma_wait3A_1663 = arith.constant 0 : i32
    %dma_wait3A_1664 = tpu.memref_slice %arg13[%dma_wait3A_1661, %dma_wait3A_1662, %dma_wait3A_1663] : memref<4x128x128xf32, #tpu.memory_space<vmem>> -> memref<1x128x128xf32, #tpu.memory_space<vmem>>
    %dma_wait3A_1665 = tpu.memref_squeeze %dma_wait3A_1664 : memref<1x128x128xf32, #tpu.memory_space<vmem>> -> memref<128x128xf32, #tpu.memory_space<vmem>>
    %dma_wait3A_1666 = arith.constant 1664 : i32
    %dma_wait3A_1667 = tpu.memref_slice %arg10[%dma_wait3A_1660, %dma_wait3A_1666] : memref<2x2560xi32, #tpu.memory_space<vmem>> -> memref<1x128xi32, #tpu.memory_space<vmem>>
    %dma_wait3A_1668 = tpu.memref_squeeze %dma_wait3A_1667 : memref<1x128xi32, #tpu.memory_space<vmem>> -> memref<128xi32, #tpu.memory_space<vmem>>
    %dma_wait3A_1669 = arith.constant 0 : i32
    %dma_wait3A_1670 = arith.constant 0 : i32
    %dma_wait3A_1671 = tpu.memref_slice %arg3[%dma_wait3A_1669, %dma_wait3A_1670] : memref<253952x128xf32, #tpu.memory_space<hbm>> -> memref<253952x128xf32, #tpu.memory_space<hbm>>
    tpu.wait_indirect_dma semaphore(%arg15 : memref<!tpu.dma_semaphore, #tpu.memory_space<semaphore_mem>>) src(%dma_wait3A_1671 : memref<253952x128xf32, #tpu.memory_space<hbm>>) dst(%dma_wait3A_1665 : memref<128x128xf32, #tpu.memory_space<vmem>>)
    %dma_wait3A_1672 = arith.constant 0 : i32
    %dma_wait3A_1673 = arith.constant 12 : i32
    %dma_wait3A_1674 = arith.constant 0 : i32
    %dma_wait3A_1675 = arith.constant 0 : i32
    %dma_wait3A_1676 = tpu.memref_slice %arg13[%dma_wait3A_1672, %dma_wait3A_1674, %dma_wait3A_1675] : memref<4x128x128xf32, #tpu.memory_space<vmem>> -> memref<1x128x128xf32, #tpu.memory_space<vmem>>
    %dma_wait3A_1677 = tpu.memref_squeeze %dma_wait3A_1676 : memref<1x128x128xf32, #tpu.memory_space<vmem>> -> memref<128x128xf32, #tpu.memory_space<vmem>>
    %dma_wait3A_1678 = arith.constant 0 : i32
    %dma_wait3A_1679 = tpu.memref_slice %arg12[%dma_wait3A_1673, %dma_wait3A_1678] : memref<20x128xi32, #tpu.memory_space<vmem>> -> memref<1x128xi32, #tpu.memory_space<vmem>>
    %dma_wait3A_1680 = tpu.memref_squeeze %dma_wait3A_1679 : memref<1x128xi32, #tpu.memory_space<vmem>> -> memref<128xi32, #tpu.memory_space<vmem>>
    %dma_wait3A_1681 = arith.constant 0 : i32
    %dma_wait3A_1682 = arith.constant 0 : i32
    %dma_wait3A_1683 = tpu.memref_slice %arg14[%dma_wait3A_1681, %dma_wait3A_1682] : memref<6144x128xf32, #tpu.memory_space<vmem_shared>> -> memref<6144x128xf32, #tpu.memory_space<vmem_shared>>
    tpu.wait_indirect_dma semaphore(%arg16 : memref<!tpu.dma_semaphore, #tpu.memory_space<semaphore_mem>>) src(%dma_wait3A_1677 : memref<128x128xf32, #tpu.memory_space<vmem>>) dst(%dma_wait3A_1683 : memref<6144x128xf32, #tpu.memory_space<vmem_shared>>)
    %dma_start3A_1684 = arith.constant 1 : i32
    %dma_start3A_1685 = arith.constant 13 : i32
    %dma_start3A_1686 = arith.constant 0 : i32
    %dma_start3A_1687 = arith.constant 0 : i32
    %dma_start3A_1688 = tpu.memref_slice %arg13[%dma_start3A_1684, %dma_start3A_1686, %dma_start3A_1687] : memref<4x128x128xf32, #tpu.memory_space<vmem>> -> memref<1x128x128xf32, #tpu.memory_space<vmem>>
    %dma_start3A_1689 = tpu.memref_squeeze %dma_start3A_1688 : memref<1x128x128xf32, #tpu.memory_space<vmem>> -> memref<128x128xf32, #tpu.memory_space<vmem>>
    %dma_start3A_1690 = arith.constant 0 : i32
    %dma_start3A_1691 = tpu.memref_slice %arg12[%dma_start3A_1685, %dma_start3A_1690] : memref<20x128xi32, #tpu.memory_space<vmem>> -> memref<1x128xi32, #tpu.memory_space<vmem>>
    %dma_start3A_1692 = tpu.memref_squeeze %dma_start3A_1691 : memref<1x128xi32, #tpu.memory_space<vmem>> -> memref<128xi32, #tpu.memory_space<vmem>>
    %dma_start3A_1693 = arith.constant 0 : i32
    %dma_start3A_1694 = arith.constant 0 : i32
    %dma_start3A_1695 = tpu.memref_slice %arg14[%dma_start3A_1693, %dma_start3A_1694] : memref<6144x128xf32, #tpu.memory_space<vmem_shared>> -> memref<6144x128xf32, #tpu.memory_space<vmem_shared>>
    tpu.enqueue_indirect_dma source(%dma_start3A_1689 : memref<128x128xf32, #tpu.memory_space<vmem>>) target(%dma_start3A_1695 : memref<6144x128xf32, #tpu.memory_space<vmem_shared>>) offsets(%dma_start3A_1692 : memref<128xi32, #tpu.memory_space<vmem>>) semaphore(%arg16 : memref<!tpu.dma_semaphore, #tpu.memory_space<semaphore_mem>>) {add = true}
    %dma_start3A_1696 = arith.constant 1 : i32
    %dma_start3A_1697 = arith.constant 0 : i32
    %dma_start3A_1698 = arith.constant 0 : i32
    %dma_start3A_1699 = arith.constant 0 : i32
    %dma_start3A_1700 = tpu.memref_slice %arg13[%dma_start3A_1697, %dma_start3A_1698, %dma_start3A_1699] : memref<4x128x128xf32, #tpu.memory_space<vmem>> -> memref<1x128x128xf32, #tpu.memory_space<vmem>>
    %dma_start3A_1701 = tpu.memref_squeeze %dma_start3A_1700 : memref<1x128x128xf32, #tpu.memory_space<vmem>> -> memref<128x128xf32, #tpu.memory_space<vmem>>
    %dma_start3A_1702 = arith.constant 2048 : i32
    %dma_start3A_1703 = tpu.memref_slice %arg10[%dma_start3A_1696, %dma_start3A_1702] : memref<2x2560xi32, #tpu.memory_space<vmem>> -> memref<1x128xi32, #tpu.memory_space<vmem>>
    %dma_start3A_1704 = tpu.memref_squeeze %dma_start3A_1703 : memref<1x128xi32, #tpu.memory_space<vmem>> -> memref<128xi32, #tpu.memory_space<vmem>>
    %dma_start3A_1705 = arith.constant 0 : i32
    %dma_start3A_1706 = arith.constant 0 : i32
    %dma_start3A_1707 = tpu.memref_slice %arg3[%dma_start3A_1705, %dma_start3A_1706] : memref<253952x128xf32, #tpu.memory_space<hbm>> -> memref<253952x128xf32, #tpu.memory_space<hbm>>
    tpu.enqueue_indirect_dma source(%dma_start3A_1707 : memref<253952x128xf32, #tpu.memory_space<hbm>>) target(%dma_start3A_1701 : memref<128x128xf32, #tpu.memory_space<vmem>>) offsets(%dma_start3A_1704 : memref<128xi32, #tpu.memory_space<vmem>>) semaphore(%arg15 : memref<!tpu.dma_semaphore, #tpu.memory_space<semaphore_mem>>)
    %dma_wait3A_1708 = arith.constant 1 : i32
    %dma_wait3A_1709 = arith.constant 2 : i32
    %dma_wait3A_1710 = arith.constant 0 : i32
    %dma_wait3A_1711 = arith.constant 0 : i32
    %dma_wait3A_1712 = tpu.memref_slice %arg13[%dma_wait3A_1709, %dma_wait3A_1710, %dma_wait3A_1711] : memref<4x128x128xf32, #tpu.memory_space<vmem>> -> memref<1x128x128xf32, #tpu.memory_space<vmem>>
    %dma_wait3A_1713 = tpu.memref_squeeze %dma_wait3A_1712 : memref<1x128x128xf32, #tpu.memory_space<vmem>> -> memref<128x128xf32, #tpu.memory_space<vmem>>
    %dma_wait3A_1714 = arith.constant 1792 : i32
    %dma_wait3A_1715 = tpu.memref_slice %arg10[%dma_wait3A_1708, %dma_wait3A_1714] : memref<2x2560xi32, #tpu.memory_space<vmem>> -> memref<1x128xi32, #tpu.memory_space<vmem>>
    %dma_wait3A_1716 = tpu.memref_squeeze %dma_wait3A_1715 : memref<1x128xi32, #tpu.memory_space<vmem>> -> memref<128xi32, #tpu.memory_space<vmem>>
    %dma_wait3A_1717 = arith.constant 0 : i32
    %dma_wait3A_1718 = arith.constant 0 : i32
    %dma_wait3A_1719 = tpu.memref_slice %arg3[%dma_wait3A_1717, %dma_wait3A_1718] : memref<253952x128xf32, #tpu.memory_space<hbm>> -> memref<253952x128xf32, #tpu.memory_space<hbm>>
    tpu.wait_indirect_dma semaphore(%arg15 : memref<!tpu.dma_semaphore, #tpu.memory_space<semaphore_mem>>) src(%dma_wait3A_1719 : memref<253952x128xf32, #tpu.memory_space<hbm>>) dst(%dma_wait3A_1713 : memref<128x128xf32, #tpu.memory_space<vmem>>)
    %dma_wait3A_1720 = arith.constant 1 : i32
    %dma_wait3A_1721 = arith.constant 13 : i32
    %dma_wait3A_1722 = arith.constant 0 : i32
    %dma_wait3A_1723 = arith.constant 0 : i32
    %dma_wait3A_1724 = tpu.memref_slice %arg13[%dma_wait3A_1720, %dma_wait3A_1722, %dma_wait3A_1723] : memref<4x128x128xf32, #tpu.memory_space<vmem>> -> memref<1x128x128xf32, #tpu.memory_space<vmem>>
    %dma_wait3A_1725 = tpu.memref_squeeze %dma_wait3A_1724 : memref<1x128x128xf32, #tpu.memory_space<vmem>> -> memref<128x128xf32, #tpu.memory_space<vmem>>
    %dma_wait3A_1726 = arith.constant 0 : i32
    %dma_wait3A_1727 = tpu.memref_slice %arg12[%dma_wait3A_1721, %dma_wait3A_1726] : memref<20x128xi32, #tpu.memory_space<vmem>> -> memref<1x128xi32, #tpu.memory_space<vmem>>
    %dma_wait3A_1728 = tpu.memref_squeeze %dma_wait3A_1727 : memref<1x128xi32, #tpu.memory_space<vmem>> -> memref<128xi32, #tpu.memory_space<vmem>>
    %dma_wait3A_1729 = arith.constant 0 : i32
    %dma_wait3A_1730 = arith.constant 0 : i32
    %dma_wait3A_1731 = tpu.memref_slice %arg14[%dma_wait3A_1729, %dma_wait3A_1730] : memref<6144x128xf32, #tpu.memory_space<vmem_shared>> -> memref<6144x128xf32, #tpu.memory_space<vmem_shared>>
    tpu.wait_indirect_dma semaphore(%arg16 : memref<!tpu.dma_semaphore, #tpu.memory_space<semaphore_mem>>) src(%dma_wait3A_1725 : memref<128x128xf32, #tpu.memory_space<vmem>>) dst(%dma_wait3A_1731 : memref<6144x128xf32, #tpu.memory_space<vmem_shared>>)
    %dma_start3A_1732 = arith.constant 2 : i32
    %dma_start3A_1733 = arith.constant 14 : i32
    %dma_start3A_1734 = arith.constant 0 : i32
    %dma_start3A_1735 = arith.constant 0 : i32
    %dma_start3A_1736 = tpu.memref_slice %arg13[%dma_start3A_1732, %dma_start3A_1734, %dma_start3A_1735] : memref<4x128x128xf32, #tpu.memory_space<vmem>> -> memref<1x128x128xf32, #tpu.memory_space<vmem>>
    %dma_start3A_1737 = tpu.memref_squeeze %dma_start3A_1736 : memref<1x128x128xf32, #tpu.memory_space<vmem>> -> memref<128x128xf32, #tpu.memory_space<vmem>>
    %dma_start3A_1738 = arith.constant 0 : i32
    %dma_start3A_1739 = tpu.memref_slice %arg12[%dma_start3A_1733, %dma_start3A_1738] : memref<20x128xi32, #tpu.memory_space<vmem>> -> memref<1x128xi32, #tpu.memory_space<vmem>>
    %dma_start3A_1740 = tpu.memref_squeeze %dma_start3A_1739 : memref<1x128xi32, #tpu.memory_space<vmem>> -> memref<128xi32, #tpu.memory_space<vmem>>
    %dma_start3A_1741 = arith.constant 0 : i32
    %dma_start3A_1742 = arith.constant 0 : i32
    %dma_start3A_1743 = tpu.memref_slice %arg14[%dma_start3A_1741, %dma_start3A_1742] : memref<6144x128xf32, #tpu.memory_space<vmem_shared>> -> memref<6144x128xf32, #tpu.memory_space<vmem_shared>>
    tpu.enqueue_indirect_dma source(%dma_start3A_1737 : memref<128x128xf32, #tpu.memory_space<vmem>>) target(%dma_start3A_1743 : memref<6144x128xf32, #tpu.memory_space<vmem_shared>>) offsets(%dma_start3A_1740 : memref<128xi32, #tpu.memory_space<vmem>>) semaphore(%arg16 : memref<!tpu.dma_semaphore, #tpu.memory_space<semaphore_mem>>) {add = true}
    %dma_start3A_1744 = arith.constant 1 : i32
    %dma_start3A_1745 = arith.constant 1 : i32
    %dma_start3A_1746 = arith.constant 0 : i32
    %dma_start3A_1747 = arith.constant 0 : i32
    %dma_start3A_1748 = tpu.memref_slice %arg13[%dma_start3A_1745, %dma_start3A_1746, %dma_start3A_1747] : memref<4x128x128xf32, #tpu.memory_space<vmem>> -> memref<1x128x128xf32, #tpu.memory_space<vmem>>
    %dma_start3A_1749 = tpu.memref_squeeze %dma_start3A_1748 : memref<1x128x128xf32, #tpu.memory_space<vmem>> -> memref<128x128xf32, #tpu.memory_space<vmem>>
    %dma_start3A_1750 = arith.constant 2176 : i32
    %dma_start3A_1751 = tpu.memref_slice %arg10[%dma_start3A_1744, %dma_start3A_1750] : memref<2x2560xi32, #tpu.memory_space<vmem>> -> memref<1x128xi32, #tpu.memory_space<vmem>>
    %dma_start3A_1752 = tpu.memref_squeeze %dma_start3A_1751 : memref<1x128xi32, #tpu.memory_space<vmem>> -> memref<128xi32, #tpu.memory_space<vmem>>
    %dma_start3A_1753 = arith.constant 0 : i32
    %dma_start3A_1754 = arith.constant 0 : i32
    %dma_start3A_1755 = tpu.memref_slice %arg3[%dma_start3A_1753, %dma_start3A_1754] : memref<253952x128xf32, #tpu.memory_space<hbm>> -> memref<253952x128xf32, #tpu.memory_space<hbm>>
    tpu.enqueue_indirect_dma source(%dma_start3A_1755 : memref<253952x128xf32, #tpu.memory_space<hbm>>) target(%dma_start3A_1749 : memref<128x128xf32, #tpu.memory_space<vmem>>) offsets(%dma_start3A_1752 : memref<128xi32, #tpu.memory_space<vmem>>) semaphore(%arg15 : memref<!tpu.dma_semaphore, #tpu.memory_space<semaphore_mem>>)
    %dma_wait3A_1756 = arith.constant 2 : i32
    %dma_wait3A_1757 = arith.constant 14 : i32
    %dma_wait3A_1758 = arith.constant 0 : i32
    %dma_wait3A_1759 = arith.constant 0 : i32
    %dma_wait3A_1760 = tpu.memref_slice %arg13[%dma_wait3A_1756, %dma_wait3A_1758, %dma_wait3A_1759] : memref<4x128x128xf32, #tpu.memory_space<vmem>> -> memref<1x128x128xf32, #tpu.memory_space<vmem>>
    %dma_wait3A_1761 = tpu.memref_squeeze %dma_wait3A_1760 : memref<1x128x128xf32, #tpu.memory_space<vmem>> -> memref<128x128xf32, #tpu.memory_space<vmem>>
    %dma_wait3A_1762 = arith.constant 0 : i32
    %dma_wait3A_1763 = tpu.memref_slice %arg12[%dma_wait3A_1757, %dma_wait3A_1762] : memref<20x128xi32, #tpu.memory_space<vmem>> -> memref<1x128xi32, #tpu.memory_space<vmem>>
    %dma_wait3A_1764 = tpu.memref_squeeze %dma_wait3A_1763 : memref<1x128xi32, #tpu.memory_space<vmem>> -> memref<128xi32, #tpu.memory_space<vmem>>
    %dma_wait3A_1765 = arith.constant 0 : i32
    %dma_wait3A_1766 = arith.constant 0 : i32
    %dma_wait3A_1767 = tpu.memref_slice %arg14[%dma_wait3A_1765, %dma_wait3A_1766] : memref<6144x128xf32, #tpu.memory_space<vmem_shared>> -> memref<6144x128xf32, #tpu.memory_space<vmem_shared>>
    tpu.wait_indirect_dma semaphore(%arg16 : memref<!tpu.dma_semaphore, #tpu.memory_space<semaphore_mem>>) src(%dma_wait3A_1761 : memref<128x128xf32, #tpu.memory_space<vmem>>) dst(%dma_wait3A_1767 : memref<6144x128xf32, #tpu.memory_space<vmem_shared>>)
    %add3A_1768 = arith.constant 4096 : i32
    %add3A_1769 = arith.addi %add3A_1768, %mul3A_4 : i32
    %mul3A_1770 = arith.constant 512 : i32
    %mul3A_1771 = arith.muli %add3A, %mul3A_1770 : i32
    %add3A_1772 = arith.constant 128 : i32
    %add3A_1773 = arith.addi %mul3A_1771, %add3A_1772 : i32
    "tpu.region"() ({
      %run_scoped3A_1990 = tpu.sem_alloc : memref<!tpu.dma_semaphore, #tpu.memory_space<semaphore_mem>>
      %dma_start3A_1991 = arith.constant 0 : i32
      %dma_start3A_1992 = tpu.memref_slice %arg9[%add3A_1773, %dma_start3A_1991] : memref<16384x128xf32, #tpu.memory_space<hbm>> -> memref<128x128xf32, #tpu.memory_space<hbm>>
      %dma_start3A_1993 = arith.constant 0 : i32
      %dma_start3A_1994 = tpu.memref_slice %arg14[%add3A_1769, %dma_start3A_1993] : memref<6144x128xf32, #tpu.memory_space<vmem_shared>> -> memref<128x128xf32, #tpu.memory_space<vmem_shared>>
      tpu.enqueue_dma source(%dma_start3A_1994 : memref<128x128xf32, #tpu.memory_space<vmem_shared>>) target(%dma_start3A_1992 : memref<128x128xf32, #tpu.memory_space<hbm>>) target_semaphore(%run_scoped3A_1990 : memref<!tpu.dma_semaphore, #tpu.memory_space<semaphore_mem>>)
      %dma_wait3A_1995 = arith.constant 0 : i32
      %dma_wait3A_1996 = tpu.memref_slice %arg9[%add3A_1773, %dma_wait3A_1995] : memref<16384x128xf32, #tpu.memory_space<hbm>> -> memref<128x128xf32, #tpu.memory_space<hbm>>
      %dma_wait3A_1997 = arith.constant 0 : i32
      %dma_wait3A_1998 = tpu.memref_slice %arg14[%add3A_1769, %dma_wait3A_1997] : memref<6144x128xf32, #tpu.memory_space<vmem_shared>> -> memref<128x128xf32, #tpu.memory_space<vmem_shared>>
      tpu.wait_dma2 semaphore(%run_scoped3A_1990 : memref<!tpu.dma_semaphore, #tpu.memory_space<semaphore_mem>>) src(%dma_wait3A_1998 : memref<128x128xf32, #tpu.memory_space<vmem_shared>>) dst(%dma_wait3A_1996 : memref<128x128xf32, #tpu.memory_space<hbm>>)
      tpu.yield
    }) : () -> ()
    %dma_wait3A_1774 = arith.constant 1 : i32
    %dma_wait3A_1775 = arith.constant 3 : i32
    %dma_wait3A_1776 = arith.constant 0 : i32
    %dma_wait3A_1777 = arith.constant 0 : i32
    %dma_wait3A_1778 = tpu.memref_slice %arg13[%dma_wait3A_1775, %dma_wait3A_1776, %dma_wait3A_1777] : memref<4x128x128xf32, #tpu.memory_space<vmem>> -> memref<1x128x128xf32, #tpu.memory_space<vmem>>
    %dma_wait3A_1779 = tpu.memref_squeeze %dma_wait3A_1778 : memref<1x128x128xf32, #tpu.memory_space<vmem>> -> memref<128x128xf32, #tpu.memory_space<vmem>>
    %dma_wait3A_1780 = arith.constant 1920 : i32
    %dma_wait3A_1781 = tpu.memref_slice %arg10[%dma_wait3A_1774, %dma_wait3A_1780] : memref<2x2560xi32, #tpu.memory_space<vmem>> -> memref<1x128xi32, #tpu.memory_space<vmem>>
    %dma_wait3A_1782 = tpu.memref_squeeze %dma_wait3A_1781 : memref<1x128xi32, #tpu.memory_space<vmem>> -> memref<128xi32, #tpu.memory_space<vmem>>
    %dma_wait3A_1783 = arith.constant 0 : i32
    %dma_wait3A_1784 = arith.constant 0 : i32
    %dma_wait3A_1785 = tpu.memref_slice %arg3[%dma_wait3A_1783, %dma_wait3A_1784] : memref<253952x128xf32, #tpu.memory_space<hbm>> -> memref<253952x128xf32, #tpu.memory_space<hbm>>
    tpu.wait_indirect_dma semaphore(%arg15 : memref<!tpu.dma_semaphore, #tpu.memory_space<semaphore_mem>>) src(%dma_wait3A_1785 : memref<253952x128xf32, #tpu.memory_space<hbm>>) dst(%dma_wait3A_1779 : memref<128x128xf32, #tpu.memory_space<vmem>>)
    %dma_start3A_1786 = arith.constant 3 : i32
    %dma_start3A_1787 = arith.constant 15 : i32
    %dma_start3A_1788 = arith.constant 0 : i32
    %dma_start3A_1789 = arith.constant 0 : i32
    %dma_start3A_1790 = tpu.memref_slice %arg13[%dma_start3A_1786, %dma_start3A_1788, %dma_start3A_1789] : memref<4x128x128xf32, #tpu.memory_space<vmem>> -> memref<1x128x128xf32, #tpu.memory_space<vmem>>
    %dma_start3A_1791 = tpu.memref_squeeze %dma_start3A_1790 : memref<1x128x128xf32, #tpu.memory_space<vmem>> -> memref<128x128xf32, #tpu.memory_space<vmem>>
    %dma_start3A_1792 = arith.constant 0 : i32
    %dma_start3A_1793 = tpu.memref_slice %arg12[%dma_start3A_1787, %dma_start3A_1792] : memref<20x128xi32, #tpu.memory_space<vmem>> -> memref<1x128xi32, #tpu.memory_space<vmem>>
    %dma_start3A_1794 = tpu.memref_squeeze %dma_start3A_1793 : memref<1x128xi32, #tpu.memory_space<vmem>> -> memref<128xi32, #tpu.memory_space<vmem>>
    %dma_start3A_1795 = arith.constant 0 : i32
    %dma_start3A_1796 = arith.constant 0 : i32
    %dma_start3A_1797 = tpu.memref_slice %arg14[%dma_start3A_1795, %dma_start3A_1796] : memref<6144x128xf32, #tpu.memory_space<vmem_shared>> -> memref<6144x128xf32, #tpu.memory_space<vmem_shared>>
    tpu.enqueue_indirect_dma source(%dma_start3A_1791 : memref<128x128xf32, #tpu.memory_space<vmem>>) target(%dma_start3A_1797 : memref<6144x128xf32, #tpu.memory_space<vmem_shared>>) offsets(%dma_start3A_1794 : memref<128xi32, #tpu.memory_space<vmem>>) semaphore(%arg16 : memref<!tpu.dma_semaphore, #tpu.memory_space<semaphore_mem>>) {add = true}
    %dma_start3A_1798 = arith.constant 1 : i32
    %dma_start3A_1799 = arith.constant 2 : i32
    %dma_start3A_1800 = arith.constant 0 : i32
    %dma_start3A_1801 = arith.constant 0 : i32
    %dma_start3A_1802 = tpu.memref_slice %arg13[%dma_start3A_1799, %dma_start3A_1800, %dma_start3A_1801] : memref<4x128x128xf32, #tpu.memory_space<vmem>> -> memref<1x128x128xf32, #tpu.memory_space<vmem>>
    %dma_start3A_1803 = tpu.memref_squeeze %dma_start3A_1802 : memref<1x128x128xf32, #tpu.memory_space<vmem>> -> memref<128x128xf32, #tpu.memory_space<vmem>>
    %dma_start3A_1804 = arith.constant 2304 : i32
    %dma_start3A_1805 = tpu.memref_slice %arg10[%dma_start3A_1798, %dma_start3A_1804] : memref<2x2560xi32, #tpu.memory_space<vmem>> -> memref<1x128xi32, #tpu.memory_space<vmem>>
    %dma_start3A_1806 = tpu.memref_squeeze %dma_start3A_1805 : memref<1x128xi32, #tpu.memory_space<vmem>> -> memref<128xi32, #tpu.memory_space<vmem>>
    %dma_start3A_1807 = arith.constant 0 : i32
    %dma_start3A_1808 = arith.constant 0 : i32
    %dma_start3A_1809 = tpu.memref_slice %arg3[%dma_start3A_1807, %dma_start3A_1808] : memref<253952x128xf32, #tpu.memory_space<hbm>> -> memref<253952x128xf32, #tpu.memory_space<hbm>>
    tpu.enqueue_indirect_dma source(%dma_start3A_1809 : memref<253952x128xf32, #tpu.memory_space<hbm>>) target(%dma_start3A_1803 : memref<128x128xf32, #tpu.memory_space<vmem>>) offsets(%dma_start3A_1806 : memref<128xi32, #tpu.memory_space<vmem>>) semaphore(%arg15 : memref<!tpu.dma_semaphore, #tpu.memory_space<semaphore_mem>>)
    %dma_wait3A_1810 = arith.constant 1 : i32
    %dma_wait3A_1811 = arith.constant 0 : i32
    %dma_wait3A_1812 = arith.constant 0 : i32
    %dma_wait3A_1813 = arith.constant 0 : i32
    %dma_wait3A_1814 = tpu.memref_slice %arg13[%dma_wait3A_1811, %dma_wait3A_1812, %dma_wait3A_1813] : memref<4x128x128xf32, #tpu.memory_space<vmem>> -> memref<1x128x128xf32, #tpu.memory_space<vmem>>
    %dma_wait3A_1815 = tpu.memref_squeeze %dma_wait3A_1814 : memref<1x128x128xf32, #tpu.memory_space<vmem>> -> memref<128x128xf32, #tpu.memory_space<vmem>>
    %dma_wait3A_1816 = arith.constant 2048 : i32
    %dma_wait3A_1817 = tpu.memref_slice %arg10[%dma_wait3A_1810, %dma_wait3A_1816] : memref<2x2560xi32, #tpu.memory_space<vmem>> -> memref<1x128xi32, #tpu.memory_space<vmem>>
    %dma_wait3A_1818 = tpu.memref_squeeze %dma_wait3A_1817 : memref<1x128xi32, #tpu.memory_space<vmem>> -> memref<128xi32, #tpu.memory_space<vmem>>
    %dma_wait3A_1819 = arith.constant 0 : i32
    %dma_wait3A_1820 = arith.constant 0 : i32
    %dma_wait3A_1821 = tpu.memref_slice %arg3[%dma_wait3A_1819, %dma_wait3A_1820] : memref<253952x128xf32, #tpu.memory_space<hbm>> -> memref<253952x128xf32, #tpu.memory_space<hbm>>
    tpu.wait_indirect_dma semaphore(%arg15 : memref<!tpu.dma_semaphore, #tpu.memory_space<semaphore_mem>>) src(%dma_wait3A_1821 : memref<253952x128xf32, #tpu.memory_space<hbm>>) dst(%dma_wait3A_1815 : memref<128x128xf32, #tpu.memory_space<vmem>>)
    %dma_wait3A_1822 = arith.constant 3 : i32
    %dma_wait3A_1823 = arith.constant 15 : i32
    %dma_wait3A_1824 = arith.constant 0 : i32
    %dma_wait3A_1825 = arith.constant 0 : i32
    %dma_wait3A_1826 = tpu.memref_slice %arg13[%dma_wait3A_1822, %dma_wait3A_1824, %dma_wait3A_1825] : memref<4x128x128xf32, #tpu.memory_space<vmem>> -> memref<1x128x128xf32, #tpu.memory_space<vmem>>
    %dma_wait3A_1827 = tpu.memref_squeeze %dma_wait3A_1826 : memref<1x128x128xf32, #tpu.memory_space<vmem>> -> memref<128x128xf32, #tpu.memory_space<vmem>>
    %dma_wait3A_1828 = arith.constant 0 : i32
    %dma_wait3A_1829 = tpu.memref_slice %arg12[%dma_wait3A_1823, %dma_wait3A_1828] : memref<20x128xi32, #tpu.memory_space<vmem>> -> memref<1x128xi32, #tpu.memory_space<vmem>>
    %dma_wait3A_1830 = tpu.memref_squeeze %dma_wait3A_1829 : memref<1x128xi32, #tpu.memory_space<vmem>> -> memref<128xi32, #tpu.memory_space<vmem>>
    %dma_wait3A_1831 = arith.constant 0 : i32
    %dma_wait3A_1832 = arith.constant 0 : i32
    %dma_wait3A_1833 = tpu.memref_slice %arg14[%dma_wait3A_1831, %dma_wait3A_1832] : memref<6144x128xf32, #tpu.memory_space<vmem_shared>> -> memref<6144x128xf32, #tpu.memory_space<vmem_shared>>
    tpu.wait_indirect_dma semaphore(%arg16 : memref<!tpu.dma_semaphore, #tpu.memory_space<semaphore_mem>>) src(%dma_wait3A_1827 : memref<128x128xf32, #tpu.memory_space<vmem>>) dst(%dma_wait3A_1833 : memref<6144x128xf32, #tpu.memory_space<vmem_shared>>)
    %dma_start3A_1834 = arith.constant 0 : i32
    %dma_start3A_1835 = arith.constant 16 : i32
    %dma_start3A_1836 = arith.constant 0 : i32
    %dma_start3A_1837 = arith.constant 0 : i32
    %dma_start3A_1838 = tpu.memref_slice %arg13[%dma_start3A_1834, %dma_start3A_1836, %dma_start3A_1837] : memref<4x128x128xf32, #tpu.memory_space<vmem>> -> memref<1x128x128xf32, #tpu.memory_space<vmem>>
    %dma_start3A_1839 = tpu.memref_squeeze %dma_start3A_1838 : memref<1x128x128xf32, #tpu.memory_space<vmem>> -> memref<128x128xf32, #tpu.memory_space<vmem>>
    %dma_start3A_1840 = arith.constant 0 : i32
    %dma_start3A_1841 = tpu.memref_slice %arg12[%dma_start3A_1835, %dma_start3A_1840] : memref<20x128xi32, #tpu.memory_space<vmem>> -> memref<1x128xi32, #tpu.memory_space<vmem>>
    %dma_start3A_1842 = tpu.memref_squeeze %dma_start3A_1841 : memref<1x128xi32, #tpu.memory_space<vmem>> -> memref<128xi32, #tpu.memory_space<vmem>>
    %dma_start3A_1843 = arith.constant 0 : i32
    %dma_start3A_1844 = arith.constant 0 : i32
    %dma_start3A_1845 = tpu.memref_slice %arg14[%dma_start3A_1843, %dma_start3A_1844] : memref<6144x128xf32, #tpu.memory_space<vmem_shared>> -> memref<6144x128xf32, #tpu.memory_space<vmem_shared>>
    tpu.enqueue_indirect_dma source(%dma_start3A_1839 : memref<128x128xf32, #tpu.memory_space<vmem>>) target(%dma_start3A_1845 : memref<6144x128xf32, #tpu.memory_space<vmem_shared>>) offsets(%dma_start3A_1842 : memref<128xi32, #tpu.memory_space<vmem>>) semaphore(%arg16 : memref<!tpu.dma_semaphore, #tpu.memory_space<semaphore_mem>>) {add = true}
    %dma_start3A_1846 = arith.constant 1 : i32
    %dma_start3A_1847 = arith.constant 3 : i32
    %dma_start3A_1848 = arith.constant 0 : i32
    %dma_start3A_1849 = arith.constant 0 : i32
    %dma_start3A_1850 = tpu.memref_slice %arg13[%dma_start3A_1847, %dma_start3A_1848, %dma_start3A_1849] : memref<4x128x128xf32, #tpu.memory_space<vmem>> -> memref<1x128x128xf32, #tpu.memory_space<vmem>>
    %dma_start3A_1851 = tpu.memref_squeeze %dma_start3A_1850 : memref<1x128x128xf32, #tpu.memory_space<vmem>> -> memref<128x128xf32, #tpu.memory_space<vmem>>
    %dma_start3A_1852 = arith.constant 2432 : i32
    %dma_start3A_1853 = tpu.memref_slice %arg10[%dma_start3A_1846, %dma_start3A_1852] : memref<2x2560xi32, #tpu.memory_space<vmem>> -> memref<1x128xi32, #tpu.memory_space<vmem>>
    %dma_start3A_1854 = tpu.memref_squeeze %dma_start3A_1853 : memref<1x128xi32, #tpu.memory_space<vmem>> -> memref<128xi32, #tpu.memory_space<vmem>>
    %dma_start3A_1855 = arith.constant 0 : i32
    %dma_start3A_1856 = arith.constant 0 : i32
    %dma_start3A_1857 = tpu.memref_slice %arg3[%dma_start3A_1855, %dma_start3A_1856] : memref<253952x128xf32, #tpu.memory_space<hbm>> -> memref<253952x128xf32, #tpu.memory_space<hbm>>
    tpu.enqueue_indirect_dma source(%dma_start3A_1857 : memref<253952x128xf32, #tpu.memory_space<hbm>>) target(%dma_start3A_1851 : memref<128x128xf32, #tpu.memory_space<vmem>>) offsets(%dma_start3A_1854 : memref<128xi32, #tpu.memory_space<vmem>>) semaphore(%arg15 : memref<!tpu.dma_semaphore, #tpu.memory_space<semaphore_mem>>)
    %dma_wait3A_1858 = arith.constant 1 : i32
    %dma_wait3A_1859 = arith.constant 1 : i32
    %dma_wait3A_1860 = arith.constant 0 : i32
    %dma_wait3A_1861 = arith.constant 0 : i32
    %dma_wait3A_1862 = tpu.memref_slice %arg13[%dma_wait3A_1859, %dma_wait3A_1860, %dma_wait3A_1861] : memref<4x128x128xf32, #tpu.memory_space<vmem>> -> memref<1x128x128xf32, #tpu.memory_space<vmem>>
    %dma_wait3A_1863 = tpu.memref_squeeze %dma_wait3A_1862 : memref<1x128x128xf32, #tpu.memory_space<vmem>> -> memref<128x128xf32, #tpu.memory_space<vmem>>
    %dma_wait3A_1864 = arith.constant 2176 : i32
    %dma_wait3A_1865 = tpu.memref_slice %arg10[%dma_wait3A_1858, %dma_wait3A_1864] : memref<2x2560xi32, #tpu.memory_space<vmem>> -> memref<1x128xi32, #tpu.memory_space<vmem>>
    %dma_wait3A_1866 = tpu.memref_squeeze %dma_wait3A_1865 : memref<1x128xi32, #tpu.memory_space<vmem>> -> memref<128xi32, #tpu.memory_space<vmem>>
    %dma_wait3A_1867 = arith.constant 0 : i32
    %dma_wait3A_1868 = arith.constant 0 : i32
    %dma_wait3A_1869 = tpu.memref_slice %arg3[%dma_wait3A_1867, %dma_wait3A_1868] : memref<253952x128xf32, #tpu.memory_space<hbm>> -> memref<253952x128xf32, #tpu.memory_space<hbm>>
    tpu.wait_indirect_dma semaphore(%arg15 : memref<!tpu.dma_semaphore, #tpu.memory_space<semaphore_mem>>) src(%dma_wait3A_1869 : memref<253952x128xf32, #tpu.memory_space<hbm>>) dst(%dma_wait3A_1863 : memref<128x128xf32, #tpu.memory_space<vmem>>)
    %dma_wait3A_1870 = arith.constant 0 : i32
    %dma_wait3A_1871 = arith.constant 16 : i32
    %dma_wait3A_1872 = arith.constant 0 : i32
    %dma_wait3A_1873 = arith.constant 0 : i32
    %dma_wait3A_1874 = tpu.memref_slice %arg13[%dma_wait3A_1870, %dma_wait3A_1872, %dma_wait3A_1873] : memref<4x128x128xf32, #tpu.memory_space<vmem>> -> memref<1x128x128xf32, #tpu.memory_space<vmem>>
    %dma_wait3A_1875 = tpu.memref_squeeze %dma_wait3A_1874 : memref<1x128x128xf32, #tpu.memory_space<vmem>> -> memref<128x128xf32, #tpu.memory_space<vmem>>
    %dma_wait3A_1876 = arith.constant 0 : i32
    %dma_wait3A_1877 = tpu.memref_slice %arg12[%dma_wait3A_1871, %dma_wait3A_1876] : memref<20x128xi32, #tpu.memory_space<vmem>> -> memref<1x128xi32, #tpu.memory_space<vmem>>
    %dma_wait3A_1878 = tpu.memref_squeeze %dma_wait3A_1877 : memref<1x128xi32, #tpu.memory_space<vmem>> -> memref<128xi32, #tpu.memory_space<vmem>>
    %dma_wait3A_1879 = arith.constant 0 : i32
    %dma_wait3A_1880 = arith.constant 0 : i32
    %dma_wait3A_1881 = tpu.memref_slice %arg14[%dma_wait3A_1879, %dma_wait3A_1880] : memref<6144x128xf32, #tpu.memory_space<vmem_shared>> -> memref<6144x128xf32, #tpu.memory_space<vmem_shared>>
    tpu.wait_indirect_dma semaphore(%arg16 : memref<!tpu.dma_semaphore, #tpu.memory_space<semaphore_mem>>) src(%dma_wait3A_1875 : memref<128x128xf32, #tpu.memory_space<vmem>>) dst(%dma_wait3A_1881 : memref<6144x128xf32, #tpu.memory_space<vmem_shared>>)
    %dma_start3A_1882 = arith.constant 1 : i32
    %dma_start3A_1883 = arith.constant 17 : i32
    %dma_start3A_1884 = arith.constant 0 : i32
    %dma_start3A_1885 = arith.constant 0 : i32
    %dma_start3A_1886 = tpu.memref_slice %arg13[%dma_start3A_1882, %dma_start3A_1884, %dma_start3A_1885] : memref<4x128x128xf32, #tpu.memory_space<vmem>> -> memref<1x128x128xf32, #tpu.memory_space<vmem>>
    %dma_start3A_1887 = tpu.memref_squeeze %dma_start3A_1886 : memref<1x128x128xf32, #tpu.memory_space<vmem>> -> memref<128x128xf32, #tpu.memory_space<vmem>>
    %dma_start3A_1888 = arith.constant 0 : i32
    %dma_start3A_1889 = tpu.memref_slice %arg12[%dma_start3A_1883, %dma_start3A_1888] : memref<20x128xi32, #tpu.memory_space<vmem>> -> memref<1x128xi32, #tpu.memory_space<vmem>>
    %dma_start3A_1890 = tpu.memref_squeeze %dma_start3A_1889 : memref<1x128xi32, #tpu.memory_space<vmem>> -> memref<128xi32, #tpu.memory_space<vmem>>
    %dma_start3A_1891 = arith.constant 0 : i32
    %dma_start3A_1892 = arith.constant 0 : i32
    %dma_start3A_1893 = tpu.memref_slice %arg14[%dma_start3A_1891, %dma_start3A_1892] : memref<6144x128xf32, #tpu.memory_space<vmem_shared>> -> memref<6144x128xf32, #tpu.memory_space<vmem_shared>>
    tpu.enqueue_indirect_dma source(%dma_start3A_1887 : memref<128x128xf32, #tpu.memory_space<vmem>>) target(%dma_start3A_1893 : memref<6144x128xf32, #tpu.memory_space<vmem_shared>>) offsets(%dma_start3A_1890 : memref<128xi32, #tpu.memory_space<vmem>>) semaphore(%arg16 : memref<!tpu.dma_semaphore, #tpu.memory_space<semaphore_mem>>) {add = true}
    %dma_wait3A_1894 = arith.constant 1 : i32
    %dma_wait3A_1895 = arith.constant 2 : i32
    %dma_wait3A_1896 = arith.constant 0 : i32
    %dma_wait3A_1897 = arith.constant 0 : i32
    %dma_wait3A_1898 = tpu.memref_slice %arg13[%dma_wait3A_1895, %dma_wait3A_1896, %dma_wait3A_1897] : memref<4x128x128xf32, #tpu.memory_space<vmem>> -> memref<1x128x128xf32, #tpu.memory_space<vmem>>
    %dma_wait3A_1899 = tpu.memref_squeeze %dma_wait3A_1898 : memref<1x128x128xf32, #tpu.memory_space<vmem>> -> memref<128x128xf32, #tpu.memory_space<vmem>>
    %dma_wait3A_1900 = arith.constant 2304 : i32
    %dma_wait3A_1901 = tpu.memref_slice %arg10[%dma_wait3A_1894, %dma_wait3A_1900] : memref<2x2560xi32, #tpu.memory_space<vmem>> -> memref<1x128xi32, #tpu.memory_space<vmem>>
    %dma_wait3A_1902 = tpu.memref_squeeze %dma_wait3A_1901 : memref<1x128xi32, #tpu.memory_space<vmem>> -> memref<128xi32, #tpu.memory_space<vmem>>
    %dma_wait3A_1903 = arith.constant 0 : i32
    %dma_wait3A_1904 = arith.constant 0 : i32
    %dma_wait3A_1905 = tpu.memref_slice %arg3[%dma_wait3A_1903, %dma_wait3A_1904] : memref<253952x128xf32, #tpu.memory_space<hbm>> -> memref<253952x128xf32, #tpu.memory_space<hbm>>
    tpu.wait_indirect_dma semaphore(%arg15 : memref<!tpu.dma_semaphore, #tpu.memory_space<semaphore_mem>>) src(%dma_wait3A_1905 : memref<253952x128xf32, #tpu.memory_space<hbm>>) dst(%dma_wait3A_1899 : memref<128x128xf32, #tpu.memory_space<vmem>>)
    %dma_wait3A_1906 = arith.constant 1 : i32
    %dma_wait3A_1907 = arith.constant 17 : i32
    %dma_wait3A_1908 = arith.constant 0 : i32
    %dma_wait3A_1909 = arith.constant 0 : i32
    %dma_wait3A_1910 = tpu.memref_slice %arg13[%dma_wait3A_1906, %dma_wait3A_1908, %dma_wait3A_1909] : memref<4x128x128xf32, #tpu.memory_space<vmem>> -> memref<1x128x128xf32, #tpu.memory_space<vmem>>
    %dma_wait3A_1911 = tpu.memref_squeeze %dma_wait3A_1910 : memref<1x128x128xf32, #tpu.memory_space<vmem>> -> memref<128x128xf32, #tpu.memory_space<vmem>>
    %dma_wait3A_1912 = arith.constant 0 : i32
    %dma_wait3A_1913 = tpu.memref_slice %arg12[%dma_wait3A_1907, %dma_wait3A_1912] : memref<20x128xi32, #tpu.memory_space<vmem>> -> memref<1x128xi32, #tpu.memory_space<vmem>>
    %dma_wait3A_1914 = tpu.memref_squeeze %dma_wait3A_1913 : memref<1x128xi32, #tpu.memory_space<vmem>> -> memref<128xi32, #tpu.memory_space<vmem>>
    %dma_wait3A_1915 = arith.constant 0 : i32
    %dma_wait3A_1916 = arith.constant 0 : i32
    %dma_wait3A_1917 = tpu.memref_slice %arg14[%dma_wait3A_1915, %dma_wait3A_1916] : memref<6144x128xf32, #tpu.memory_space<vmem_shared>> -> memref<6144x128xf32, #tpu.memory_space<vmem_shared>>
    tpu.wait_indirect_dma semaphore(%arg16 : memref<!tpu.dma_semaphore, #tpu.memory_space<semaphore_mem>>) src(%dma_wait3A_1911 : memref<128x128xf32, #tpu.memory_space<vmem>>) dst(%dma_wait3A_1917 : memref<6144x128xf32, #tpu.memory_space<vmem_shared>>)
    %dma_start3A_1918 = arith.constant 2 : i32
    %dma_start3A_1919 = arith.constant 18 : i32
    %dma_start3A_1920 = arith.constant 0 : i32
    %dma_start3A_1921 = arith.constant 0 : i32
    %dma_start3A_1922 = tpu.memref_slice %arg13[%dma_start3A_1918, %dma_start3A_1920, %dma_start3A_1921] : memref<4x128x128xf32, #tpu.memory_space<vmem>> -> memref<1x128x128xf32, #tpu.memory_space<vmem>>
    %dma_start3A_1923 = tpu.memref_squeeze %dma_start3A_1922 : memref<1x128x128xf32, #tpu.memory_space<vmem>> -> memref<128x128xf32, #tpu.memory_space<vmem>>
    %dma_start3A_1924 = arith.constant 0 : i32
    %dma_start3A_1925 = tpu.memref_slice %arg12[%dma_start3A_1919, %dma_start3A_1924] : memref<20x128xi32, #tpu.memory_space<vmem>> -> memref<1x128xi32, #tpu.memory_space<vmem>>
    %dma_start3A_1926 = tpu.memref_squeeze %dma_start3A_1925 : memref<1x128xi32, #tpu.memory_space<vmem>> -> memref<128xi32, #tpu.memory_space<vmem>>
    %dma_start3A_1927 = arith.constant 0 : i32
    %dma_start3A_1928 = arith.constant 0 : i32
    %dma_start3A_1929 = tpu.memref_slice %arg14[%dma_start3A_1927, %dma_start3A_1928] : memref<6144x128xf32, #tpu.memory_space<vmem_shared>> -> memref<6144x128xf32, #tpu.memory_space<vmem_shared>>
    tpu.enqueue_indirect_dma source(%dma_start3A_1923 : memref<128x128xf32, #tpu.memory_space<vmem>>) target(%dma_start3A_1929 : memref<6144x128xf32, #tpu.memory_space<vmem_shared>>) offsets(%dma_start3A_1926 : memref<128xi32, #tpu.memory_space<vmem>>) semaphore(%arg16 : memref<!tpu.dma_semaphore, #tpu.memory_space<semaphore_mem>>) {add = true}
    %dma_wait3A_1930 = arith.constant 1 : i32
    %dma_wait3A_1931 = arith.constant 3 : i32
    %dma_wait3A_1932 = arith.constant 0 : i32
    %dma_wait3A_1933 = arith.constant 0 : i32
    %dma_wait3A_1934 = tpu.memref_slice %arg13[%dma_wait3A_1931, %dma_wait3A_1932, %dma_wait3A_1933] : memref<4x128x128xf32, #tpu.memory_space<vmem>> -> memref<1x128x128xf32, #tpu.memory_space<vmem>>
    %dma_wait3A_1935 = tpu.memref_squeeze %dma_wait3A_1934 : memref<1x128x128xf32, #tpu.memory_space<vmem>> -> memref<128x128xf32, #tpu.memory_space<vmem>>
    %dma_wait3A_1936 = arith.constant 2432 : i32
    %dma_wait3A_1937 = tpu.memref_slice %arg10[%dma_wait3A_1930, %dma_wait3A_1936] : memref<2x2560xi32, #tpu.memory_space<vmem>> -> memref<1x128xi32, #tpu.memory_space<vmem>>
    %dma_wait3A_1938 = tpu.memref_squeeze %dma_wait3A_1937 : memref<1x128xi32, #tpu.memory_space<vmem>> -> memref<128xi32, #tpu.memory_space<vmem>>
    %dma_wait3A_1939 = arith.constant 0 : i32
    %dma_wait3A_1940 = arith.constant 0 : i32
    %dma_wait3A_1941 = tpu.memref_slice %arg3[%dma_wait3A_1939, %dma_wait3A_1940] : memref<253952x128xf32, #tpu.memory_space<hbm>> -> memref<253952x128xf32, #tpu.memory_space<hbm>>
    tpu.wait_indirect_dma semaphore(%arg15 : memref<!tpu.dma_semaphore, #tpu.memory_space<semaphore_mem>>) src(%dma_wait3A_1941 : memref<253952x128xf32, #tpu.memory_space<hbm>>) dst(%dma_wait3A_1935 : memref<128x128xf32, #tpu.memory_space<vmem>>)
    %dma_wait3A_1942 = arith.constant 2 : i32
    %dma_wait3A_1943 = arith.constant 18 : i32
    %dma_wait3A_1944 = arith.constant 0 : i32
    %dma_wait3A_1945 = arith.constant 0 : i32
    %dma_wait3A_1946 = tpu.memref_slice %arg13[%dma_wait3A_1942, %dma_wait3A_1944, %dma_wait3A_1945] : memref<4x128x128xf32, #tpu.memory_space<vmem>> -> memref<1x128x128xf32, #tpu.memory_space<vmem>>
    %dma_wait3A_1947 = tpu.memref_squeeze %dma_wait3A_1946 : memref<1x128x128xf32, #tpu.memory_space<vmem>> -> memref<128x128xf32, #tpu.memory_space<vmem>>
    %dma_wait3A_1948 = arith.constant 0 : i32
    %dma_wait3A_1949 = tpu.memref_slice %arg12[%dma_wait3A_1943, %dma_wait3A_1948] : memref<20x128xi32, #tpu.memory_space<vmem>> -> memref<1x128xi32, #tpu.memory_space<vmem>>
    %dma_wait3A_1950 = tpu.memref_squeeze %dma_wait3A_1949 : memref<1x128xi32, #tpu.memory_space<vmem>> -> memref<128xi32, #tpu.memory_space<vmem>>
    %dma_wait3A_1951 = arith.constant 0 : i32
    %dma_wait3A_1952 = arith.constant 0 : i32
    %dma_wait3A_1953 = tpu.memref_slice %arg14[%dma_wait3A_1951, %dma_wait3A_1952] : memref<6144x128xf32, #tpu.memory_space<vmem_shared>> -> memref<6144x128xf32, #tpu.memory_space<vmem_shared>>
    tpu.wait_indirect_dma semaphore(%arg16 : memref<!tpu.dma_semaphore, #tpu.memory_space<semaphore_mem>>) src(%dma_wait3A_1947 : memref<128x128xf32, #tpu.memory_space<vmem>>) dst(%dma_wait3A_1953 : memref<6144x128xf32, #tpu.memory_space<vmem_shared>>)
    %dma_start3A_1954 = arith.constant 3 : i32
    %dma_start3A_1955 = arith.constant 19 : i32
    %dma_start3A_1956 = arith.constant 0 : i32
    %dma_start3A_1957 = arith.constant 0 : i32
    %dma_start3A_1958 = tpu.memref_slice %arg13[%dma_start3A_1954, %dma_start3A_1956, %dma_start3A_1957] : memref<4x128x128xf32, #tpu.memory_space<vmem>> -> memref<1x128x128xf32, #tpu.memory_space<vmem>>
    %dma_start3A_1959 = tpu.memref_squeeze %dma_start3A_1958 : memref<1x128x128xf32, #tpu.memory_space<vmem>> -> memref<128x128xf32, #tpu.memory_space<vmem>>
    %dma_start3A_1960 = arith.constant 0 : i32
    %dma_start3A_1961 = tpu.memref_slice %arg12[%dma_start3A_1955, %dma_start3A_1960] : memref<20x128xi32, #tpu.memory_space<vmem>> -> memref<1x128xi32, #tpu.memory_space<vmem>>
    %dma_start3A_1962 = tpu.memref_squeeze %dma_start3A_1961 : memref<1x128xi32, #tpu.memory_space<vmem>> -> memref<128xi32, #tpu.memory_space<vmem>>
    %dma_start3A_1963 = arith.constant 0 : i32
    %dma_start3A_1964 = arith.constant 0 : i32
    %dma_start3A_1965 = tpu.memref_slice %arg14[%dma_start3A_1963, %dma_start3A_1964] : memref<6144x128xf32, #tpu.memory_space<vmem_shared>> -> memref<6144x128xf32, #tpu.memory_space<vmem_shared>>
    tpu.enqueue_indirect_dma source(%dma_start3A_1959 : memref<128x128xf32, #tpu.memory_space<vmem>>) target(%dma_start3A_1965 : memref<6144x128xf32, #tpu.memory_space<vmem_shared>>) offsets(%dma_start3A_1962 : memref<128xi32, #tpu.memory_space<vmem>>) semaphore(%arg16 : memref<!tpu.dma_semaphore, #tpu.memory_space<semaphore_mem>>) {add = true}
    %dma_wait3A_1966 = arith.constant 3 : i32
    %dma_wait3A_1967 = arith.constant 19 : i32
    %dma_wait3A_1968 = arith.constant 0 : i32
    %dma_wait3A_1969 = arith.constant 0 : i32
    %dma_wait3A_1970 = tpu.memref_slice %arg13[%dma_wait3A_1966, %dma_wait3A_1968, %dma_wait3A_1969] : memref<4x128x128xf32, #tpu.memory_space<vmem>> -> memref<1x128x128xf32, #tpu.memory_space<vmem>>
    %dma_wait3A_1971 = tpu.memref_squeeze %dma_wait3A_1970 : memref<1x128x128xf32, #tpu.memory_space<vmem>> -> memref<128x128xf32, #tpu.memory_space<vmem>>
    %dma_wait3A_1972 = arith.constant 0 : i32
    %dma_wait3A_1973 = tpu.memref_slice %arg12[%dma_wait3A_1967, %dma_wait3A_1972] : memref<20x128xi32, #tpu.memory_space<vmem>> -> memref<1x128xi32, #tpu.memory_space<vmem>>
    %dma_wait3A_1974 = tpu.memref_squeeze %dma_wait3A_1973 : memref<1x128xi32, #tpu.memory_space<vmem>> -> memref<128xi32, #tpu.memory_space<vmem>>
    %dma_wait3A_1975 = arith.constant 0 : i32
    %dma_wait3A_1976 = arith.constant 0 : i32
    %dma_wait3A_1977 = tpu.memref_slice %arg14[%dma_wait3A_1975, %dma_wait3A_1976] : memref<6144x128xf32, #tpu.memory_space<vmem_shared>> -> memref<6144x128xf32, #tpu.memory_space<vmem_shared>>
    tpu.wait_indirect_dma semaphore(%arg16 : memref<!tpu.dma_semaphore, #tpu.memory_space<semaphore_mem>>) src(%dma_wait3A_1971 : memref<128x128xf32, #tpu.memory_space<vmem>>) dst(%dma_wait3A_1977 : memref<6144x128xf32, #tpu.memory_space<vmem_shared>>)
    %add3A_1978 = arith.constant 0 : i32
    %add3A_1979 = arith.addi %add3A_1978, %mul3A_4 : i32
    %mul3A_1980 = arith.constant 512 : i32
    %mul3A_1981 = arith.muli %add3A, %mul3A_1980 : i32
    %add3A_1982 = arith.constant 256 : i32
    %add3A_1983 = arith.addi %mul3A_1981, %add3A_1982 : i32
    "tpu.region"() ({
      %run_scoped3A_1990 = tpu.sem_alloc : memref<!tpu.dma_semaphore, #tpu.memory_space<semaphore_mem>>
      %dma_start3A_1991 = arith.constant 0 : i32
      %dma_start3A_1992 = tpu.memref_slice %arg9[%add3A_1983, %dma_start3A_1991] : memref<16384x128xf32, #tpu.memory_space<hbm>> -> memref<128x128xf32, #tpu.memory_space<hbm>>
      %dma_start3A_1993 = arith.constant 0 : i32
      %dma_start3A_1994 = tpu.memref_slice %arg14[%add3A_1979, %dma_start3A_1993] : memref<6144x128xf32, #tpu.memory_space<vmem_shared>> -> memref<128x128xf32, #tpu.memory_space<vmem_shared>>
      tpu.enqueue_dma source(%dma_start3A_1994 : memref<128x128xf32, #tpu.memory_space<vmem_shared>>) target(%dma_start3A_1992 : memref<128x128xf32, #tpu.memory_space<hbm>>) target_semaphore(%run_scoped3A_1990 : memref<!tpu.dma_semaphore, #tpu.memory_space<semaphore_mem>>)
      %dma_wait3A_1995 = arith.constant 0 : i32
      %dma_wait3A_1996 = tpu.memref_slice %arg9[%add3A_1983, %dma_wait3A_1995] : memref<16384x128xf32, #tpu.memory_space<hbm>> -> memref<128x128xf32, #tpu.memory_space<hbm>>
      %dma_wait3A_1997 = arith.constant 0 : i32
      %dma_wait3A_1998 = tpu.memref_slice %arg14[%add3A_1979, %dma_wait3A_1997] : memref<6144x128xf32, #tpu.memory_space<vmem_shared>> -> memref<128x128xf32, #tpu.memory_space<vmem_shared>>
      tpu.wait_dma2 semaphore(%run_scoped3A_1990 : memref<!tpu.dma_semaphore, #tpu.memory_space<semaphore_mem>>) src(%dma_wait3A_1998 : memref<128x128xf32, #tpu.memory_space<vmem_shared>>) dst(%dma_wait3A_1996 : memref<128x128xf32, #tpu.memory_space<hbm>>)
      tpu.yield
    }) : () -> ()
    %add3A_1984 = arith.constant 2048 : i32
    %add3A_1985 = arith.addi %add3A_1984, %mul3A_4 : i32
    %mul3A_1986 = arith.constant 512 : i32
    %mul3A_1987 = arith.muli %add3A, %mul3A_1986 : i32
    %add3A_1988 = arith.constant 384 : i32
    %add3A_1989 = arith.addi %mul3A_1987, %add3A_1988 : i32
    "tpu.region"() ({
      %run_scoped3A_1990 = tpu.sem_alloc : memref<!tpu.dma_semaphore, #tpu.memory_space<semaphore_mem>>
      %dma_start3A_1991 = arith.constant 0 : i32
      %dma_start3A_1992 = tpu.memref_slice %arg9[%add3A_1989, %dma_start3A_1991] : memref<16384x128xf32, #tpu.memory_space<hbm>> -> memref<128x128xf32, #tpu.memory_space<hbm>>
      %dma_start3A_1993 = arith.constant 0 : i32
      %dma_start3A_1994 = tpu.memref_slice %arg14[%add3A_1985, %dma_start3A_1993] : memref<6144x128xf32, #tpu.memory_space<vmem_shared>> -> memref<128x128xf32, #tpu.memory_space<vmem_shared>>
      tpu.enqueue_dma source(%dma_start3A_1994 : memref<128x128xf32, #tpu.memory_space<vmem_shared>>) target(%dma_start3A_1992 : memref<128x128xf32, #tpu.memory_space<hbm>>) target_semaphore(%run_scoped3A_1990 : memref<!tpu.dma_semaphore, #tpu.memory_space<semaphore_mem>>)
      %dma_wait3A_1995 = arith.constant 0 : i32
      %dma_wait3A_1996 = tpu.memref_slice %arg9[%add3A_1989, %dma_wait3A_1995] : memref<16384x128xf32, #tpu.memory_space<hbm>> -> memref<128x128xf32, #tpu.memory_space<hbm>>
      %dma_wait3A_1997 = arith.constant 0 : i32
      %dma_wait3A_1998 = tpu.memref_slice %arg14[%add3A_1985, %dma_wait3A_1997] : memref<6144x128xf32, #tpu.memory_space<vmem_shared>> -> memref<128x128xf32, #tpu.memory_space<vmem_shared>>
      tpu.wait_dma2 semaphore(%run_scoped3A_1990 : memref<!tpu.dma_semaphore, #tpu.memory_space<semaphore_mem>>) src(%dma_wait3A_1998 : memref<128x128xf32, #tpu.memory_space<vmem_shared>>) dst(%dma_wait3A_1996 : memref<128x128xf32, #tpu.memory_space<hbm>>)
      tpu.yield
    }) : () -> ()
    return
  }
}

module attributes {stable_mosaic.version = 14 : i64} {
  func.func @_mlp_body(%arg0: i32, %arg1: memref<2048x128xf32, #tpu.memory_space<vmem>>, %arg2: memref<2048x128xf32, #tpu.memory_space<vmem>>, %arg3: memref<32x128xf32, #tpu.memory_space<vmem>>, %arg4: memref<1x128xf32, #tpu.memory_space<vmem>>, %arg5: memref<128x64xf32, #tpu.memory_space<vmem>>, %arg6: memref<1x64xf32, #tpu.memory_space<vmem>>, %arg7: memref<32x128xf32, #tpu.memory_space<vmem>>, %arg8: memref<1x128xf32, #tpu.memory_space<vmem>>, %arg9: memref<128x64xf32, #tpu.memory_space<vmem>>, %arg10: memref<1x64xf32, #tpu.memory_space<vmem>>, %arg11: memref<512x64xf32, #tpu.memory_space<vmem>>, %arg12: memref<512x64xf32, #tpu.memory_space<vmem>>) attributes {dimension_semantics = [#tpu.dimension_semantics<arbitrary>], iteration_bounds = array<i64: 8>, scalar_prefetch = 0 : i64, scratch_operands = 0 : i64, tpu.core_type = #tpu.core_type<tc>, window_params = [{transform_indices = @transform_0, window_bounds = array<i64: 2048, 128>}, {transform_indices = @transform_1, window_bounds = array<i64: 2048, 128>}, {pipeline_mode = #tpu.pipeline_mode<synchronous>, transform_indices = @transform_2, window_bounds = array<i64: 32, 128>}, {pipeline_mode = #tpu.pipeline_mode<synchronous>, transform_indices = @transform_3, window_bounds = array<i64: 1, 128>}, {pipeline_mode = #tpu.pipeline_mode<synchronous>, transform_indices = @transform_4, window_bounds = array<i64: 128, 64>}, {pipeline_mode = #tpu.pipeline_mode<synchronous>, transform_indices = @transform_5, window_bounds = array<i64: 1, 64>}, {pipeline_mode = #tpu.pipeline_mode<synchronous>, transform_indices = @transform_6, window_bounds = array<i64: 32, 128>}, {pipeline_mode = #tpu.pipeline_mode<synchronous>, transform_indices = @transform_7, window_bounds = array<i64: 1, 128>}, {pipeline_mode = #tpu.pipeline_mode<synchronous>, transform_indices = @transform_8, window_bounds = array<i64: 128, 64>}, {pipeline_mode = #tpu.pipeline_mode<synchronous>, transform_indices = @transform_9, window_bounds = array<i64: 1, 64>}, {transform_indices = @transform_10, window_bounds = array<i64: 512, 64>}, {transform_indices = @transform_11, window_bounds = array<i64: 512, 64>}]} {
    %get3A = arith.constant 0 : index
    %get3A_0 = arith.constant 0 : index
    %get3A_1 = vector.load %arg1[%get3A, %get3A_0] : memref<2048x128xf32, #tpu.memory_space<vmem>>, vector<2048x128xf32>
    %reshape3A = vector.shape_cast %get3A_1 : vector<2048x128xf32> to vector<512x4x128xf32>
    %slice3A = vector.extract_strided_slice %reshape3A {offsets = [0, 0, 0], sizes = [512, 1, 32], strides = [1, 1, 1]} : vector<512x4x128xf32> to vector<512x1x32xf32>
    %squeeze3A = vector.shape_cast %slice3A : vector<512x1x32xf32> to vector<512x32xf32>
    %slice3A_2 = vector.extract_strided_slice %reshape3A {offsets = [0, 1, 32], sizes = [512, 1, 32], strides = [1, 1, 1]} : vector<512x4x128xf32> to vector<512x1x32xf32>
    %squeeze3A_3 = vector.shape_cast %slice3A_2 : vector<512x1x32xf32> to vector<512x32xf32>
    %add3A = arith.addf %squeeze3A, %squeeze3A_3 : vector<512x32xf32>
    %slice3A_4 = vector.extract_strided_slice %reshape3A {offsets = [0, 2, 64], sizes = [512, 1, 32], strides = [1, 1, 1]} : vector<512x4x128xf32> to vector<512x1x32xf32>
    %squeeze3A_5 = vector.shape_cast %slice3A_4 : vector<512x1x32xf32> to vector<512x32xf32>
    %add3A_6 = arith.addf %add3A, %squeeze3A_5 : vector<512x32xf32>
    %slice3A_7 = vector.extract_strided_slice %reshape3A {offsets = [0, 3, 96], sizes = [512, 1, 32], strides = [1, 1, 1]} : vector<512x4x128xf32> to vector<512x1x32xf32>
    %squeeze3A_8 = vector.shape_cast %slice3A_7 : vector<512x1x32xf32> to vector<512x32xf32>
    %add3A_9 = arith.addf %add3A_6, %squeeze3A_8 : vector<512x32xf32>
    %get3A_10 = arith.constant 0 : index
    %get3A_11 = arith.constant 0 : index
    %get3A_12 = vector.load %arg3[%get3A_10, %get3A_11] : memref<32x128xf32, #tpu.memory_space<vmem>>, vector<32x128xf32>
    %dot_general3A = arith.constant dense<0.000000e+00> : vector<512x128xf32>
    %dot_general3A_13 = tpu.matmul %add3A_9, %get3A_12, %dot_general3A {dimension_numbers = #tpu.dot_dimension_numbers<[1], [0], [0], [1], [0, 0, 1, 1], [], []>, transpose_lhs_hint = false} : vector<512x32xf32>, vector<32x128xf32>, vector<512x128xf32> -> vector<512x128xf32>
    %get3A_14 = arith.constant 0 : index
    %get3A_15 = arith.constant 0 : index
    %get3A_16 = vector.load %arg4[%get3A_14, %get3A_15] : memref<1x128xf32, #tpu.memory_space<vmem>>, vector<1x128xf32>
    %add3A_17 = vector.broadcast %get3A_16 : vector<1x128xf32> to vector<512x128xf32>
    %add3A_18 = arith.addf %dot_general3A_13, %add3A_17 : vector<512x128xf32>
    %max3A = arith.constant 0.000000e+00 : f32
    %max3A_19 = vector.broadcast %max3A : f32 to vector<512x128xf32>
    %max3A_20 = arith.maximumf %add3A_18, %max3A_19 : vector<512x128xf32>
    %get3A_21 = arith.constant 0 : index
    %get3A_22 = arith.constant 0 : index
    %get3A_23 = vector.load %arg5[%get3A_21, %get3A_22] : memref<128x64xf32, #tpu.memory_space<vmem>>, vector<128x64xf32>
    %dot_general3A_24 = arith.constant dense<0.000000e+00> : vector<512x64xf32>
    %dot_general3A_25 = tpu.matmul %max3A_20, %get3A_23, %dot_general3A_24 {dimension_numbers = #tpu.dot_dimension_numbers<[1], [0], [0], [1], [0, 0, 1, 1], [], []>, transpose_lhs_hint = false} : vector<512x128xf32>, vector<128x64xf32>, vector<512x64xf32> -> vector<512x64xf32>
    %get3A_26 = arith.constant 0 : index
    %get3A_27 = arith.constant 0 : index
    %get3A_28 = vector.load %arg6[%get3A_26, %get3A_27] : memref<1x64xf32, #tpu.memory_space<vmem>>, vector<1x64xf32>
    %add3A_29 = vector.broadcast %get3A_28 : vector<1x64xf32> to vector<512x64xf32>
    %add3A_30 = arith.addf %dot_general3A_25, %add3A_29 : vector<512x64xf32>
    %max3A_31 = arith.constant 0.000000e+00 : f32
    %max3A_32 = vector.broadcast %max3A_31 : f32 to vector<512x64xf32>
    %max3A_33 = arith.maximumf %add3A_30, %max3A_32 : vector<512x64xf32>
    %swap3A = arith.constant 0 : index
    %swap3A_34 = arith.constant 0 : index
    %swap3A_35 = vector.load %arg11[%swap3A, %swap3A_34] : memref<512x64xf32, #tpu.memory_space<vmem>>, vector<512x64xf32>
    tpu.vector_store %arg11[%swap3A, %swap3A_34], %max3A_33 {strides = array<i32>} : memref<512x64xf32, #tpu.memory_space<vmem>>, vector<512x64xf32>,
    %get3A_36 = arith.constant 0 : index
    %get3A_37 = arith.constant 0 : index
    %get3A_38 = vector.load %arg2[%get3A_36, %get3A_37] : memref<2048x128xf32, #tpu.memory_space<vmem>>, vector<2048x128xf32>
    %reshape3A_39 = vector.shape_cast %get3A_38 : vector<2048x128xf32> to vector<512x4x128xf32>
    %slice3A_40 = vector.extract_strided_slice %reshape3A_39 {offsets = [0, 0, 0], sizes = [512, 1, 32], strides = [1, 1, 1]} : vector<512x4x128xf32> to vector<512x1x32xf32>
    %squeeze3A_41 = vector.shape_cast %slice3A_40 : vector<512x1x32xf32> to vector<512x32xf32>
    %slice3A_42 = vector.extract_strided_slice %reshape3A_39 {offsets = [0, 1, 32], sizes = [512, 1, 32], strides = [1, 1, 1]} : vector<512x4x128xf32> to vector<512x1x32xf32>
    %squeeze3A_43 = vector.shape_cast %slice3A_42 : vector<512x1x32xf32> to vector<512x32xf32>
    %add3A_44 = arith.addf %squeeze3A_41, %squeeze3A_43 : vector<512x32xf32>
    %slice3A_45 = vector.extract_strided_slice %reshape3A_39 {offsets = [0, 2, 64], sizes = [512, 1, 32], strides = [1, 1, 1]} : vector<512x4x128xf32> to vector<512x1x32xf32>
    %squeeze3A_46 = vector.shape_cast %slice3A_45 : vector<512x1x32xf32> to vector<512x32xf32>
    %add3A_47 = arith.addf %add3A_44, %squeeze3A_46 : vector<512x32xf32>
    %slice3A_48 = vector.extract_strided_slice %reshape3A_39 {offsets = [0, 3, 96], sizes = [512, 1, 32], strides = [1, 1, 1]} : vector<512x4x128xf32> to vector<512x1x32xf32>
    %squeeze3A_49 = vector.shape_cast %slice3A_48 : vector<512x1x32xf32> to vector<512x32xf32>
    %add3A_50 = arith.addf %add3A_47, %squeeze3A_49 : vector<512x32xf32>
    %get3A_51 = arith.constant 0 : index
    %get3A_52 = arith.constant 0 : index
    %get3A_53 = vector.load %arg7[%get3A_51, %get3A_52] : memref<32x128xf32, #tpu.memory_space<vmem>>, vector<32x128xf32>
    %dot_general3A_54 = arith.constant dense<0.000000e+00> : vector<512x128xf32>
    %dot_general3A_55 = tpu.matmul %add3A_50, %get3A_53, %dot_general3A_54 {dimension_numbers = #tpu.dot_dimension_numbers<[1], [0], [0], [1], [0, 0, 1, 1], [], []>, transpose_lhs_hint = false} : vector<512x32xf32>, vector<32x128xf32>, vector<512x128xf32> -> vector<512x128xf32>
    %get3A_56 = arith.constant 0 : index
    %get3A_57 = arith.constant 0 : index
    %get3A_58 = vector.load %arg8[%get3A_56, %get3A_57] : memref<1x128xf32, #tpu.memory_space<vmem>>, vector<1x128xf32>
    %add3A_59 = vector.broadcast %get3A_58 : vector<1x128xf32> to vector<512x128xf32>
    %add3A_60 = arith.addf %dot_general3A_55, %add3A_59 : vector<512x128xf32>
    %max3A_61 = arith.constant 0.000000e+00 : f32
    %max3A_62 = vector.broadcast %max3A_61 : f32 to vector<512x128xf32>
    %max3A_63 = arith.maximumf %add3A_60, %max3A_62 : vector<512x128xf32>
    %get3A_64 = arith.constant 0 : index
    %get3A_65 = arith.constant 0 : index
    %get3A_66 = vector.load %arg9[%get3A_64, %get3A_65] : memref<128x64xf32, #tpu.memory_space<vmem>>, vector<128x64xf32>
    %dot_general3A_67 = arith.constant dense<0.000000e+00> : vector<512x64xf32>
    %dot_general3A_68 = tpu.matmul %max3A_63, %get3A_66, %dot_general3A_67 {dimension_numbers = #tpu.dot_dimension_numbers<[1], [0], [0], [1], [0, 0, 1, 1], [], []>, transpose_lhs_hint = false} : vector<512x128xf32>, vector<128x64xf32>, vector<512x64xf32> -> vector<512x64xf32>
    %get3A_69 = arith.constant 0 : index
    %get3A_70 = arith.constant 0 : index
    %get3A_71 = vector.load %arg10[%get3A_69, %get3A_70] : memref<1x64xf32, #tpu.memory_space<vmem>>, vector<1x64xf32>
    %add3A_72 = vector.broadcast %get3A_71 : vector<1x64xf32> to vector<512x64xf32>
    %add3A_73 = arith.addf %dot_general3A_68, %add3A_72 : vector<512x64xf32>
    %max3A_74 = arith.constant 0.000000e+00 : f32
    %max3A_75 = vector.broadcast %max3A_74 : f32 to vector<512x64xf32>
    %max3A_76 = arith.maximumf %add3A_73, %max3A_75 : vector<512x64xf32>
    %swap3A_77 = arith.constant 0 : index
    %swap3A_78 = arith.constant 0 : index
    %swap3A_79 = vector.load %arg12[%swap3A_77, %swap3A_78] : memref<512x64xf32, #tpu.memory_space<vmem>>, vector<512x64xf32>
    tpu.vector_store %arg12[%swap3A_77, %swap3A_78], %max3A_76 {strides = array<i32>} : memref<512x64xf32, #tpu.memory_space<vmem>>, vector<512x64xf32>,
    return
  }
  func.func @transform_0(%arg0: i32) -> (i32, i32) {
    %c0_i32 = arith.constant 0 : i32
    %c0_i32_0 = arith.constant 0 : i32
    return %arg0, %c0_i32 : i32, i32
  }
  func.func @transform_1(%arg0: i32) -> (i32, i32) {
    %c0_i32 = arith.constant 0 : i32
    %c0_i32_0 = arith.constant 0 : i32
    return %arg0, %c0_i32 : i32, i32
  }
  func.func @transform_2(%arg0: i32) -> (i32, i32) {
    %c0_i32 = arith.constant 0 : i32
    %c0_i32_0 = arith.constant 0 : i32
    %c0_i32_1 = arith.constant 0 : i32
    return %c0_i32, %c0_i32_0 : i32, i32
  }
  func.func @transform_3(%arg0: i32) -> (i32, i32) {
    %c0_i32 = arith.constant 0 : i32
    %c0_i32_0 = arith.constant 0 : i32
    %c0_i32_1 = arith.constant 0 : i32
    return %c0_i32, %c0_i32_0 : i32, i32
  }
  func.func @transform_4(%arg0: i32) -> (i32, i32) {
    %c0_i32 = arith.constant 0 : i32
    %c0_i32_0 = arith.constant 0 : i32
    %c0_i32_1 = arith.constant 0 : i32
    return %c0_i32, %c0_i32_0 : i32, i32
  }
  func.func @transform_5(%arg0: i32) -> (i32, i32) {
    %c0_i32 = arith.constant 0 : i32
    %c0_i32_0 = arith.constant 0 : i32
    %c0_i32_1 = arith.constant 0 : i32
    return %c0_i32, %c0_i32_0 : i32, i32
  }
  func.func @transform_6(%arg0: i32) -> (i32, i32) {
    %c0_i32 = arith.constant 0 : i32
    %c0_i32_0 = arith.constant 0 : i32
    %c0_i32_1 = arith.constant 0 : i32
    return %c0_i32, %c0_i32_0 : i32, i32
  }
  func.func @transform_7(%arg0: i32) -> (i32, i32) {
    %c0_i32 = arith.constant 0 : i32
    %c0_i32_0 = arith.constant 0 : i32
    %c0_i32_1 = arith.constant 0 : i32
    return %c0_i32, %c0_i32_0 : i32, i32
  }
  func.func @transform_8(%arg0: i32) -> (i32, i32) {
    %c0_i32 = arith.constant 0 : i32
    %c0_i32_0 = arith.constant 0 : i32
    %c0_i32_1 = arith.constant 0 : i32
    return %c0_i32, %c0_i32_0 : i32, i32
  }
  func.func @transform_9(%arg0: i32) -> (i32, i32) {
    %c0_i32 = arith.constant 0 : i32
    %c0_i32_0 = arith.constant 0 : i32
    %c0_i32_1 = arith.constant 0 : i32
    return %c0_i32, %c0_i32_0 : i32, i32
  }
  func.func @transform_10(%arg0: i32) -> (i32, i32) {
    %c0_i32 = arith.constant 0 : i32
    %c0_i32_0 = arith.constant 0 : i32
    return %arg0, %c0_i32 : i32, i32
  }
  func.func @transform_11(%arg0: i32) -> (i32, i32) {
    %c0_i32 = arith.constant 0 : i32
    %c0_i32_0 = arith.constant 0 : i32
    return %arg0, %c0_i32 : i32, i32
  }
}

module attributes {stable_mosaic.version = 14 : i64} {
  func.func @_repack_body(%arg0: i32, %arg1: memref<32x16384xf32, #tpu.memory_space<vmem>>, %arg2: memref<32x16384xf32, #tpu.memory_space<vmem>>, %arg3: memref<256x128xf32, #tpu.memory_space<vmem>>, %arg4: memref<4096x128xf32, #tpu.memory_space<vmem>>, %arg5: memref<4096x128xf32, #tpu.memory_space<vmem>>) attributes {dimension_semantics = [#tpu.dimension_semantics<arbitrary>], iteration_bounds = array<i64: 62>, scalar_prefetch = 0 : i64, scratch_operands = 0 : i64, tpu.core_type = #tpu.core_type<tc>, window_params = [{transform_indices = @transform_0, window_bounds = array<i64: 32, 16384>}, {transform_indices = @transform_1, window_bounds = array<i64: 32, 16384>}, {pipeline_mode = #tpu.pipeline_mode<synchronous>, transform_indices = @transform_2, window_bounds = array<i64: 256, 128>}, {transform_indices = @transform_3, window_bounds = array<i64: 4096, 128>}, {transform_indices = @transform_4, window_bounds = array<i64: 4096, 128>}]} {
    %get3A = arith.constant 0 : index
    %get3A_0 = arith.constant 0 : index
    %get3A_1 = vector.load %arg1[%get3A, %get3A_0] : memref<32x16384xf32, #tpu.memory_space<vmem>>, vector<32x16384xf32>
    %convert_element_type3A = arith.truncf %get3A_1 : vector<32x16384xf32> to vector<32x16384xbf16>
    %convert_element_type3A_2 = arith.extf %convert_element_type3A : vector<32x16384xbf16> to vector<32x16384xf32>
    %sub3A = arith.subf %get3A_1, %convert_element_type3A_2 : vector<32x16384xf32>
    %slice3A = vector.extract_strided_slice %convert_element_type3A_2 {offsets = [0, 0], sizes = [32, 4096], strides = [1, 1]} : vector<32x16384xf32> to vector<32x4096xf32>
    %slice3A_3 = vector.extract_strided_slice %convert_element_type3A_2 {offsets = [0, 4096], sizes = [32, 4096], strides = [1, 1]} : vector<32x16384xf32> to vector<32x4096xf32>
    %slice3A_4 = vector.extract_strided_slice %convert_element_type3A_2 {offsets = [0, 8192], sizes = [32, 4096], strides = [1, 1]} : vector<32x16384xf32> to vector<32x4096xf32>
    %slice3A_5 = vector.extract_strided_slice %convert_element_type3A_2 {offsets = [0, 12288], sizes = [32, 4096], strides = [1, 1]} : vector<32x16384xf32> to vector<32x4096xf32>
    %slice3A_6 = vector.extract_strided_slice %sub3A {offsets = [0, 0], sizes = [32, 4096], strides = [1, 1]} : vector<32x16384xf32> to vector<32x4096xf32>
    %slice3A_7 = vector.extract_strided_slice %sub3A {offsets = [0, 4096], sizes = [32, 4096], strides = [1, 1]} : vector<32x16384xf32> to vector<32x4096xf32>
    %slice3A_8 = vector.extract_strided_slice %sub3A {offsets = [0, 8192], sizes = [32, 4096], strides = [1, 1]} : vector<32x16384xf32> to vector<32x4096xf32>
    %slice3A_9 = vector.extract_strided_slice %sub3A {offsets = [0, 12288], sizes = [32, 4096], strides = [1, 1]} : vector<32x16384xf32> to vector<32x4096xf32>
    %concatenate3A = tpu.concatenate %slice3A, %slice3A_3, %slice3A_4, %slice3A_5, %slice3A_6, %slice3A_7, %slice3A_8, %slice3A_9 in 0 : vector<32x4096xf32>, vector<32x4096xf32>, vector<32x4096xf32>, vector<32x4096xf32>, vector<32x4096xf32>, vector<32x4096xf32>, vector<32x4096xf32>, vector<32x4096xf32> -> vector<256x4096xf32>
    %get3A_10 = arith.constant 0 : index
    %get3A_11 = arith.constant 0 : index
    %get3A_12 = vector.load %arg3[%get3A_10, %get3A_11] : memref<256x128xf32, #tpu.memory_space<vmem>>, vector<256x128xf32>
    %dot_general3A = arith.constant dense<0.000000e+00> : vector<4096x128xf32>
    %dot_general3A_13 = tpu.matmul %concatenate3A, %get3A_12, %dot_general3A {dimension_numbers = #tpu.dot_dimension_numbers<[0], [0], [1], [1], [0, 1, 1, 1], [], []>, transpose_lhs_hint = false} : vector<256x4096xf32>, vector<256x128xf32>, vector<4096x128xf32> -> vector<4096x128xf32>
    %swap3A = arith.constant 0 : index
    %swap3A_14 = arith.constant 0 : index
    %swap3A_15 = vector.load %arg4[%swap3A, %swap3A_14] : memref<4096x128xf32, #tpu.memory_space<vmem>>, vector<4096x128xf32>
    tpu.vector_store %arg4[%swap3A, %swap3A_14], %dot_general3A_13 {strides = array<i32>} : memref<4096x128xf32, #tpu.memory_space<vmem>>, vector<4096x128xf32>,
    %get3A_16 = arith.constant 0 : index
    %get3A_17 = arith.constant 0 : index
    %get3A_18 = vector.load %arg2[%get3A_16, %get3A_17] : memref<32x16384xf32, #tpu.memory_space<vmem>>, vector<32x16384xf32>
    %convert_element_type3A_19 = arith.truncf %get3A_18 : vector<32x16384xf32> to vector<32x16384xbf16>
    %convert_element_type3A_20 = arith.extf %convert_element_type3A_19 : vector<32x16384xbf16> to vector<32x16384xf32>
    %sub3A_21 = arith.subf %get3A_18, %convert_element_type3A_20 : vector<32x16384xf32>
    %slice3A_22 = vector.extract_strided_slice %convert_element_type3A_20 {offsets = [0, 0], sizes = [32, 4096], strides = [1, 1]} : vector<32x16384xf32> to vector<32x4096xf32>
    %slice3A_23 = vector.extract_strided_slice %convert_element_type3A_20 {offsets = [0, 4096], sizes = [32, 4096], strides = [1, 1]} : vector<32x16384xf32> to vector<32x4096xf32>
    %slice3A_24 = vector.extract_strided_slice %convert_element_type3A_20 {offsets = [0, 8192], sizes = [32, 4096], strides = [1, 1]} : vector<32x16384xf32> to vector<32x4096xf32>
    %slice3A_25 = vector.extract_strided_slice %convert_element_type3A_20 {offsets = [0, 12288], sizes = [32, 4096], strides = [1, 1]} : vector<32x16384xf32> to vector<32x4096xf32>
    %slice3A_26 = vector.extract_strided_slice %sub3A_21 {offsets = [0, 0], sizes = [32, 4096], strides = [1, 1]} : vector<32x16384xf32> to vector<32x4096xf32>
    %slice3A_27 = vector.extract_strided_slice %sub3A_21 {offsets = [0, 4096], sizes = [32, 4096], strides = [1, 1]} : vector<32x16384xf32> to vector<32x4096xf32>
    %slice3A_28 = vector.extract_strided_slice %sub3A_21 {offsets = [0, 8192], sizes = [32, 4096], strides = [1, 1]} : vector<32x16384xf32> to vector<32x4096xf32>
    %slice3A_29 = vector.extract_strided_slice %sub3A_21 {offsets = [0, 12288], sizes = [32, 4096], strides = [1, 1]} : vector<32x16384xf32> to vector<32x4096xf32>
    %concatenate3A_30 = tpu.concatenate %slice3A_22, %slice3A_23, %slice3A_24, %slice3A_25, %slice3A_26, %slice3A_27, %slice3A_28, %slice3A_29 in 0 : vector<32x4096xf32>, vector<32x4096xf32>, vector<32x4096xf32>, vector<32x4096xf32>, vector<32x4096xf32>, vector<32x4096xf32>, vector<32x4096xf32>, vector<32x4096xf32> -> vector<256x4096xf32>
    %get3A_31 = arith.constant 0 : index
    %get3A_32 = arith.constant 0 : index
    %get3A_33 = vector.load %arg3[%get3A_31, %get3A_32] : memref<256x128xf32, #tpu.memory_space<vmem>>, vector<256x128xf32>
    %dot_general3A_34 = arith.constant dense<0.000000e+00> : vector<4096x128xf32>
    %dot_general3A_35 = tpu.matmul %concatenate3A_30, %get3A_33, %dot_general3A_34 {dimension_numbers = #tpu.dot_dimension_numbers<[0], [0], [1], [1], [0, 1, 1, 1], [], []>, transpose_lhs_hint = false} : vector<256x4096xf32>, vector<256x128xf32>, vector<4096x128xf32> -> vector<4096x128xf32>
    %swap3A_36 = arith.constant 0 : index
    %swap3A_37 = arith.constant 0 : index
    %swap3A_38 = vector.load %arg5[%swap3A_36, %swap3A_37] : memref<4096x128xf32, #tpu.memory_space<vmem>>, vector<4096x128xf32>
    tpu.vector_store %arg5[%swap3A_36, %swap3A_37], %dot_general3A_35 {strides = array<i32>} : memref<4096x128xf32, #tpu.memory_space<vmem>>, vector<4096x128xf32>,
    return
  }
  func.func @transform_0(%arg0: i32) -> (i32, i32) {
    %c0_i32 = arith.constant 0 : i32
    %c0_i32_0 = arith.constant 0 : i32
    return %c0_i32, %arg0 : i32, i32
  }
  func.func @transform_1(%arg0: i32) -> (i32, i32) {
    %c0_i32 = arith.constant 0 : i32
    %c0_i32_0 = arith.constant 0 : i32
    return %c0_i32, %arg0 : i32, i32
  }
  func.func @transform_2(%arg0: i32) -> (i32, i32) {
    %c0_i32 = arith.constant 0 : i32
    %c0_i32_0 = arith.constant 0 : i32
    %c0_i32_1 = arith.constant 0 : i32
    return %c0_i32, %c0_i32_0 : i32, i32
  }
  func.func @transform_3(%arg0: i32) -> (i32, i32) {
    %c0_i32 = arith.constant 0 : i32
    %c0_i32_0 = arith.constant 0 : i32
    return %arg0, %c0_i32 : i32, i32
  }
  func.func @transform_4(%arg0: i32) -> (i32, i32) {
    %c0_i32 = arith.constant 0 : i32
    %c0_i32_0 = arith.constant 0 : i32
    return %arg0, %c0_i32 : i32, i32
  }
}

</mosaic_0001>

<sc_bundles>
// kernel: kernel.5.cloned.1.call-start
scs
__scs_entry_jumppad:
0x0: {  	(pc) =	sbr.rel $0x88, $3  }
0x1: {  	(tag) =	ssettag $0x0;
	lr =	simm.s32 $0x1  }
0x2: {  	[smem:$0x3F95] =	sst lr;
	_ =	strace $0xD0000000  }
0x3: {  	_ = 	snop  }
0x4: {  	_ = 	snop  }
0x5: {  	_ = 	snop  }
0x6: {  	_ = 	snop  }
0x7: {  	_ = 	snop  }
__scs_overlays_trampoline_lowered:
0x8: {  	[smem:$0x3FA4] =	sst s0  }
0x9: {  	[smem:$0x3FA5] =	sst s1  }
0xa: {  	[smem:$0x3FA6] =	sst s2  }
0xb: {  	[smem:$0x3FA7] =	sst s3  }
0xc: {  	[smem:$0x3FA8] =	sst s4  }
0xd: {  	[smem:$0x3FA9] =	sst s5  }
0xe: {  	[smem:$0x3FAA] =	sst s6  }
0xf: {  	[smem:$0x3FAB] =	sst s7  }
0x10: {  	[smem:$0x3FAC] =	sst s8  }
0x11: {  	[smem:$0x3FAD] =	sst s9;
	s0 =	simm.s32 @!p0 $0x0  }
0x12: {  	s1 =	sld [smem:$0x3F93];
	s0 =	simm.s32 @p0 $0x1  }
0x13: {  	[smem:$0x3FAE] =	sst s0;
	s0 =	simm.s32 @!p1 $0x0  }
0x14: {  	s2 =	sld [smem:$0x3F92];
	s0 =	simm.s32 @p1 $0x1  }
0x15: {  	[smem:$0x3FAF] =	sst s0;
	s0 =	simm.s32 @!p2 $0x0  }
0x16: {  	s3 =	sld [smem:$0x3FDB];
	s0 =	simm.s32 @p2 $0x1  }
0x17: {  	s4 =	simm.s32 $0x1BF5;
	[smem:$0x3FB1] =	sst s0  }
0x18: {  	s0 =	sld [smem:$0x3F94];
	_ =	swait.ge [sflag:s4], $0x0  }
0x19: {  	s7 =	sld [smem:$0x3F95]  }
0x1a: {  	s8 =	sadd.s32 $0xFFFFE003, lr  }
0x1b: {  	s9 =	sadd.s32 $0xFFFFFEF7, lr;
	s5 =	simm.s32 $0xFFFFFFFF;
	p2 =	slt.u32 s8, $0xFFFFF086  }
0x1c: {  	p1 =	slt.u32 s9, $0xF7A;
	s5 =	simm.s32 @!p2 $0x0  }
0x1d: {  	s5 =	simm.s32 @p1 $0x1;
	p0 =	seq.s32 s7, s2  }
0x1e: {  	s7 =	smul.u32 @!p0 $0xF7A, s2;
	p2 =	seq.s32 @!p0 s5, $0x0  }
0x1f: {  	s9 =	smul.u32 $0xF7A, s1;
	s8 =	simm.s32 @!p0 $0x1BF5;
	p2 =	por !p2, p0  }
0x20: {  	[sflag:s8] =	ssyncset.s32 @!p0 $0xFFFFF086;
	s6 =	sadd.s32 @!p0 s3, s7;
	s7 =	simm.s32 @!p0 $0x108  }
0x21: {  	s3 =	sadd.s32 s3, s9;
	s6 =	sadd.s32 @!p0 $0x88, s6;
	s7 =	simm.s32 @p2 $0x1082  }
0x22: {  	[simem:s7], [sflag:s8] =	dma.local @!p0 [hbm:s6], $0xF7A  }
0x23: {  	s9 =	sor.u32 $0xD0000000, s2;
	s6 =	simm.s32 $0x108;
	_ =	swait.ge @!p0 [sflag:s8], $0x0  }
0x24: {  	s3 =	sadd.s32 $0x88, s3;
	s6 =	simm.s32 @!p1 $0x1082;
	[sflag:s4] =	ssyncset.s32 $0xFFFFF086  }
0x25: {  	[simem:s6], [sflag:s4] =	dma.local [hbm:s3], $0xF7A  }
0x26: {  	[smem:$0x3F95] =	sst s1;
	(tag) =	ssettag s2;
	_ =	strace s9  }
0x27: {  	s1 =	sld [smem:$0x3FA5]  }
0x28: {  	s2 =	sld [smem:$0x3FA6]  }
0x29: {  	s4 =	sld [smem:$0x3FA8]  }
0x2a: {  	p0 =	seq.s32 s5, $0x0;
	s5 =	sld [smem:$0x3FA9]  }
0x2b: {  	s6 =	sld [smem:$0x3FAA]  }
0x2c: {  	s7 =	sld [smem:$0x3FAB]  }
0x2d: {  	s3 =	simm.s32 $0x108;
	s8 =	sld [smem:$0x3FAC]  }
0x2e: {  	s3 =	simm.s32 @!p0 $0x1082;
	s9 =	sld [smem:$0x3FAD]  }
0x2f: {  	lr =	sadd.s32 s0, s3;
	s0 =	sld [smem:$0x3FA4]  }
0x30: {  	s3 =	sld [smem:$0x3FA7]  }
0x31: {  	[smem:$0x3FB0] =	sst s10  }
0x32: {  	s10 =	sld [smem:$0x3FAE];
	_ =	sdelay $0x3  }
0x33: {  	p0 =	seq.s32 s10, $0x1;
	s10 =	sld [smem:$0x3FB0];
	_ =	sdelay $0x3  }
0x34: {  	[smem:$0x3FB0] =	sst s10  }
0x35: {  	s10 =	sld [smem:$0x3FAF];
	_ =	sdelay $0x3  }
0x36: {  	p1 =	seq.s32 s10, $0x1;
	s10 =	sld [smem:$0x3FB0];
	_ =	sdelay $0x3  }
0x37: {  	[smem:$0x3FB0] =	sst s10  }
0x38: {  	s10 =	sld [smem:$0x3FB1]  }
0x39: {  	_ = 	snop;
	(pc) =	sbr.ind lr, $3  }
0x3a: {  	_ = 	snop  }
0x3b: {  	_ = 	snop  }
0x3c: {  	p2 =	seq.s32 s10, $0x1;
	s10 =	sld [smem:$0x3FB0]  }
0x3d: {  	_ =	shalt  }
0x3e: {  	_ =	shalt  }
0x3f: {  	_ =	shalt  }
0x40: {  	_ =	shalt  }
0x41: {  	_ =	shalt  }
0x42: {  	_ =	shalt  }
0x43: {  	_ =	shalt  }
0x44: {  	_ =	shalt  }
0x45: {  	_ =	shalt  }
0x46: {  	_ =	shalt  }
0x47: {  	_ =	shalt  }
0x48: {  	_ =	shalt  }
0x49: {  	_ =	shalt  }
0x4a: {  	_ =	shalt  }
0x4b: {  	_ =	shalt  }
0x4c: {  	_ =	shalt  }
0x4d: {  	_ =	shalt  }
0x4e: {  	_ =	shalt  }
0x4f: {  	_ =	shalt  }
0x50: {  	_ =	shalt  }
0x51: {  	_ =	shalt  }
0x52: {  	_ =	shalt  }
0x53: {  	_ =	shalt  }
0x54: {  	_ =	shalt  }
0x55: {  	_ =	shalt  }
0x56: {  	_ =	shalt  }
0x57: {  	_ =	shalt  }
0x58: {  	_ =	shalt  }
0x59: {  	_ =	shalt  }
0x5a: {  	_ =	shalt  }
0x5b: {  	_ =	shalt  }
0x5c: {  	_ =	shalt  }
0x5d: {  	_ =	shalt  }
0x5e: {  	_ =	shalt  }
0x5f: {  	_ =	shalt  }
0x60: {  	_ =	shalt  }
0x61: {  	_ =	shalt  }
0x62: {  	_ =	shalt  }
0x63: {  	_ =	shalt  }
0x64: {  	_ =	shalt  }
0x65: {  	_ =	shalt  }
0x66: {  	_ =	shalt  }
0x67: {  	_ =	shalt  }
0x68: {  	_ =	shalt  }
0x69: {  	_ =	shalt  }
0x6a: {  	_ =	shalt  }
0x6b: {  	_ =	shalt  }
0x6c: {  	_ =	shalt  }
0x6d: {  	_ =	shalt  }
0x6e: {  	_ =	shalt  }
0x6f: {  	_ =	shalt  }
0x70: {  	_ =	shalt  }
0x71: {  	_ =	shalt  }
0x72: {  	_ =	shalt  }
0x73: {  	_ =	shalt  }
0x74: {  	_ =	shalt  }
0x75: {  	_ =	shalt  }
0x76: {  	_ =	shalt  }
0x77: {  	_ =	shalt  }
0x78: {  	_ =	shalt  }
0x79: {  	_ =	shalt  }
0x7a: {  	_ =	shalt  }
0x7b: {  	_ =	shalt  }
0x7c: {  	_ =	shalt  }
0x7d: {  	_ =	shalt  }
0x7e: {  	_ =	shalt  }
0x7f: {  	_ =	shalt  }
0x80: {  	_ =	shalt  }
0x81: {  	_ =	shalt  }
0x82: {  	_ =	shalt  }
0x83: {  	_ =	shalt  }
0x84: {  	_ =	shalt  }
0x85: {  	_ =	shalt  }
0x86: {  	_ =	shalt  }
0x87: {  	_ =	shalt  }
.Lfunc_end0:
.L_simem_size_0:
called_computation_lowered:
.L_overlay_start_0:
0x88: {  	s2 =	sld [smem:$0x3FD9]  }
0x89: {  	s3 =	sld [smem:$0x3FFE];
	_ =	sdelay $0x1  }
0x8a: {  	s1 =	srdreg.scid  }
0x8b: {  	s0 =	sand.u32 $0x1, s1  }
0x8c: {  	s14 =	sshll.u32 s0, $0xA;
	s2 =	sadd.s32 s3, s2  }
0x8d: {  	s2 =	sadd.s32 s2, s14  }
0x8e: {  	[smem:$0x3FBC] =	sst s2  }
0x8f: {  	_ = 	snop  }
0x90: {  	s2 =	sld [smem:$0x3FD0];
	_ =	sdelay $0x2  }
0x91: {  	s15 =	simm.s32 $0xA;
	s4 =	simm.s32 $0x10  }
0x92: {  	[smem:s4], [sflag:s15] =	dma.local [hbm:s2], $0x1  }
0x93: {  	_ =	swait.eq [sflag:s15], $0x1  }
0x94: {  	[sflag:s15] =	ssyncset.done $0x0  }
0x95: {  	s16 =	sld [smem:$0x10];
	[sflag:s15] =	ssyncadd.s32 $0xFFFFFFFF  }
0x96: {  	s17 =	sld [smem:$0x11];
	(tm) =	ssettm $0x1  }
0x97: {  	s18 =	sld [smem:$0x3FFB];
	_ =	sdelay $0x3  }
0x98: {  	_ =	strace s18  }
0x99: {  	s4 =	sld [smem:$0x3FFC];
	_ =	sdelay $0x3  }
0x9a: {  	_ =	strace s4  }
0x9b: {  	s4 =	sld [smem:$0x3FFD];
	_ =	sdelay $0x3  }
0x9c: {  	_ =	strace s4  }
0x9d: {  	_ =	strace $0x8FFFFFFF  }
0x9e: {  	s19 =	sld [smem:$0x3FDB];
	_ =	sdelay $0x1  }
0x9f: {  	s5 =	simm.s32 $_scs_section_size  }
0xa0: {  	s6 =	simm.s32 $_size__tile_overlayer_lowered;
	s7 =	simm.s32 $_tile_overlayer_lowered  }
0xa1: {  	s22 =	simm.s32 $0x1BFF;
	s21 =	sshll.u32 s7, $0x1;
	s4 =	sadd.s32 s5, s19  }
0xa2: {  	s8 =	simm.s32 $0x0;
	s20 =	sshll.u32 s6, $0x1;
	s6 =	sadd.s32 s21, s4  }
0xa3: {  	[timem:s8], [sflag:s22] =	dma.local [hbm:s6], s20  }
0xa4: {  	_ =	swait.ge [sflag:s22], s20  }
0xa5: {  	s5 =	ssub.s32 $0x0, s20;
	[sflag:s22] =	ssyncset.done $0x0  }
0xa6: {  	[sflag:s22] =	ssyncadd.s32 s5;
	_ =	sdelay $0x1  }
0xa7: {  	s23 =	simm.s32 $0x1B8B  }
0xa8: {  	_ =	swait.ge [sflag:s23], $0x1  }
0xa9: {  	[sflag:s23] =	ssyncset.done $0x0  }
0xaa: {  	s25 =	simm.s32 $0x1B8E;
	s24 =	sld [smem:$0x3FFE];
	[sflag:s23] =	ssyncadd.s32 $0xFFFFFFFF  }
0xab: {  	s26 =	simm.s32 $execute0_lowered;
	[smem:$0x3FD2] =	sst s25  }
0xac: {  	s6 =	sshll.u32 s26, $0x1;
	_ =	strace $0x80000046;
	[dreg:$0x1] =	wrdreg $0xFFFFFFFF  }
0xad: {  	s28 =	simm.s32 $_size_execute0_lowered;
	s4 =	sadd.s32 s4, s6;
	[dreg:$0x0] =	wrdreg $0x0  }
0xae: {  	s6 =	sshll.u32 s28, $0x1;
	[dreg:$0x2] =	wrdreg s4  }
0xaf: {  	[dreg:$0x3] =	wrdreg s6  }
0xb0: {  	[dreg:$0x4] =	wrdreg $0xC0  }
0xb1: {  	_ =	task [dreg:s8], $0x5FFFF  }
0xb2: {  	[dreg:$0x1] =	wrdreg $0xFFFFFFFF  }
0xb3: {  	[dreg:$0x0] =	wrdreg $0x60  }
0xb4: {  	[dreg:$0x2] =	wrdreg s24  }
0xb5: {  	[dreg:$0x3] =	wrdreg s16  }
0xb6: {  	[dreg:$0x4] =	wrdreg s17  }
0xb7: {  	[dreg:$0x5] =	wrdreg $0x12C000  }
0xb8: {  	[dreg:$0x6] =	wrdreg $0x9  }
0xb9: {  	_ =	task.clear_ibuf [dreg:s8], $0x7FFFF;
	_ =	strace $0x90000046  }
0xba: {  	s29 =	simm.s32 $0x9;
	_ =	strace $0x80000048  }
0xbb: {  	_ =	swait.ge [sflag:s29], $0x1  }
0xbc: {  	[sflag:s29] =	ssyncadd.s32 $0xFFFFFFFF  }
0xbd: {  	_ =	strace $0x90000048  }
0xbe: {  	_ =	sfence  }
0xbf: {  	s30 =	sld [smem:$0x0];
	_ =	sdelay $0x2  }
0xc0: {  	s31 =	sshll.u32 s1, $0xD;
	s1 =	sshrl.u32 s1, $0x2  }
0xc1: {  	s3 =	sand.u32 $0x4000, s31;
	s1 =	sadd.s32 s1, s30  }
0xc2: {  	s0 =	sor.u32 s3, s0;
	s1 =	sshll.u32 s1, $0x11  }
0xc3: {  	s0 =	sor.u32 s1, s0  }
0xc4: {  	s0 =	sadd.s32 $0x8F2B, s0  }
0xc5: {  	[sflag:s0] =	ssyncadd.remote.s32 $0x1  }
0xc6: {  	_ =	sfence.sel $0xFFFF  }
0xc7: {  	[dreg:$0x0] =	wrdreg $0xFFFFFFFF;
	(pc) =	sbr.abs _section_cstart, $3  }
0xc8: {  	[dreg:$0x1] =	wrdreg $0xFFFFFFFF  }
0xc9: {  	_ =	task.clear_ibuf [dreg:s8], $0x2FFFF;
	_ =	strace $0x9FFFFFFF  }
0xca: {  	(tm) =	ssettm $0x7FFFFFFF  }
0xcb: {  	_ =	shalt  }
tec
execute0_lowered:
.L_overlay_start_1:
0x0: {  	(tag) =	ssettag $0x1  }
0x1: {  	s0 =	rddreg [dreg:$0x0]  }
0x2: {  	s1 =	rddreg [dreg:$0x1]  }
0x3: {  	s9 =	rddreg [dreg:$0x2];
	s3 =	srdreg.scid  }
0x4: {  	s15 =	stileid.u32;
	s2 =	rddreg [dreg:$0x3]  }
0x5: {  	s28 =	simm.s32 $0x2C00;
	s30 =	simm.s32 $0x6C00;
	s31 =	simm.s32 $0xEC00  }
0x6: {  	s29 =	simm.s32 $0x2;
	s7 =	sand.u32 $0x1, s3;
	s4 =	sshll.u32 s15, $0x1  }
0x7: {  	s3 =	simm.s32 $0x0;
	s5 =	sadd.s32 $0x3E4C00, s0;
	s6 =	sadd.s32 $0x7C4C00, s0  }
0x8: {  	s12 =	sadd.s32 $0x7C5400, s0;
	s22 =	sshll.u32 s15, $0xE;
	s11 =	sor.u32 s7, s4  }
0x9: {  	[smem:$0x7FF] =	sst s3;
	s7 =	ssub.s32 $0x2, s7;
	s8 =	smul.u32 $0x140, s11  }
0xa: {  	s4 =	sadd.s32 $0x4C00, s0;
	s13 =	sshrl.u32 s7, $0x1;
	s14 =	smul.u32 $0xC00, s11  }
0xb: {  	_ =	strace $0x80000047;
	s20 =	smul.u32 $0x180, s11;
	s13 =	ssub.s32 s7, s13  }
0xc: {  	s10 =	sadd.s32 s8, s0;
	s0 =	sadd.s32 $0x805400, s0;
	s7 =	sadd.s32 s1, s8  }
0xd: {  	s21 =	sshrl.u32 s14, $0x3;
	s1 =	sadd.s32 s9, s20;
	s20 =	smax.u32 s13, $0x1  }
0xe: {  	s8 =	sadd.s32 $0x2400, s10;
	[dreg:$0x5] =	wrdreg s1;
	s23 =	sadd.s32 s9, s21  }
0xf: {  	s10 =	sadd.s32 s22, s2;
	s21 =	sshll.u32 s11, $0xD;
	s9 =	simm.s32 $0x0  }
0x10: {  	s1 =	sadd.s32 $0x3000, s23;
	s24 =	sadd.s32 $0x40000, s10;
	s22 =	sadd.s32 $0x80000, s10  }
0x11: {  	s25 =	sadd.s32 s12, s21;
	s17 =	sor.u32 $0x800, s21;
	s18 =	sor.u32 $0x1000, s21  }
0x12: {  	s19 =	sor.u32 $0x1800, s21;
	s16 =	sadd.s32 s0, s21;
	[dreg:$0x6] =	wrdreg s1  }
0x13: {  	s21 =	simm.s32 $0x3;
	s23 =	simm.s32 $0x2000;
	[dreg:$0x7] =	wrdreg s25  }
0x14: {  	s26 =	sadd.s32 s12, s17;
	s14 =	sadd.s32 s12, s18;
	s15 =	sadd.s32 s12, s19  }
0x15: {  	s17 =	sadd.s32 s0, s17;
	s18 =	sadd.s32 s0, s18;
	s19 =	sadd.s32 s0, s19  }
0x16: {  	s24 =	sshrl.u32 s24, $0x3;
	s25 =	sshrl.u32 s22, $0x3;
	s1 =	simm.s32 $0xAC00  }
0x17: {  	s0 =	simm.s32 $0x1;
	[dreg:$0x8] =	wrdreg s26;
	s26 =	simm.s32 $0x80  }
.LBB2_1:
0x18: {  	s11 =	simm.s32 $0x10  }
0x19: {  	s22 =	sadd.s32 $0x0, s7;
	s12 =	simm.s32 $0x100;
	s13 =	simm.s32 $0x0  }
.LBB2_2:
0x1a: {  	[tilespmem:s13], [sflag:$0x3] =	stream.linear.gather [hbm4b:s22+s3], $0x80, $0x38;
	[tilespmem:$0x1EC00] =	vst v63  }
0x1b: {  	s22 =	smov.u32 s11;
	s13 =	smov.u32 s12;
	p0 =	sne.s32 s11, $0x130  }
.Ltmp0:
0x1c: {  	s11 =	sadd.s32 $0x10, s11;
	(pc) =	sbr.rel @p0 .LBB2_2-.Ltmp0, $2  }
0x1d: {  	_ =	sdelay $0x2  }
0x1e: {  	s12 =	sadd.s32 $0x100, s12;
	s22 =	sadd.s32 s22, s7  }
0x1f: {  	[tilespmem:s13], [sflag:$0x3] =	stream.linear.gather [hbm4b:s22+s3], $0x80, $0x38;
	[tilespmem:$0x1EC00] =	vst v63  }
0x20: {  	_ =	swait.ge [sflag:s21], $0xA00  }
0x21: {  	s11 =	simm.s32 $0x80;
	s12 =	simm.s32 $0x10;
	[sflag:s21] =	ssyncset.done $0x0  }
0x22: {  	s22 =	sadd.s32 $0x0, s8;
	s13 =	simm.s32 $0x180;
	[sflag:s21] =	ssyncadd.s32 $0xFFFFF600  }
.LBB2_4:
0x23: {  	[tilespmem:s11], [sflag:$0x3] =	stream.linear.gather [hbm4b:s22+s3], $0x80, $0x38;
	[tilespmem:$0x1EC00] =	vst v63  }
0x24: {  	s22 =	smov.u32 s12;
	s11 =	smov.u32 s13;
	p0 =	sne.s32 s12, $0x130  }
.Ltmp1:
0x25: {  	s12 =	sadd.s32 $0x10, s12;
	(pc) =	sbr.rel @p0 .LBB2_4-.Ltmp1, $2  }
0x26: {  	_ =	sdelay $0x2  }
0x27: {  	s13 =	sadd.s32 $0x100, s13;
	s22 =	sadd.s32 s22, s8  }
0x28: {  	[tilespmem:s11], [sflag:$0x3] =	stream.linear.gather [hbm4b:s22+s3], $0x80, $0x38;
	[tilespmem:$0x1EC00] =	vst v63  }
0x29: {  	_ =	swait.ge [sflag:s21], $0xA00  }
0x2a: {  	[sflag:s21] =	ssyncset.done $0x0  }
0x2b: {  	s13 =	simm.s32 $0x1400;
	s12 =	rddreg [dreg:$0x5];
	[sflag:s21] =	ssyncadd.s32 $0xFFFFF600  }
0x2c: {  	[tilespmem:s13], [sflag:$0x3] =	stream.linear.gather [hbm4b:s12+s3], $0xA00, $0x38;
	[tilespmem:$0x1EC00] =	vst v63  }
0x2d: {  	_ =	swait.ge [sflag:s21], $0xA00  }
0x2e: {  	[sflag:s21] =	ssyncset.done $0x0  }
0x2f: {  	s22 =	rddreg [dreg:$0x6];
	[sflag:s21] =	ssyncadd.s32 $0xFFFFF600  }
0x30: {  	[tilespmem:s23], [sflag:$0x3] =	stream.linear.gather [hbm4b:s22+s3], $0xA00, $0x38;
	[tilespmem:$0x1EC00] =	vst v63  }
0x31: {  	s12 =	stileid.u32;
	_ =	swait.ge [sflag:s21], $0xA00  }
0x32: {  	s11 =	sshll.u32 s12, $0x6;
	[sflag:s21] =	ssyncset.done $0x0  }
0x33: {  	s12 =	sshrl.u32 s10, $0x3;
	s11 =	sor.u32 $0x1C03, s11;
	[sflag:s21] =	ssyncadd.s32 $0xFFFFF600  }
0x34: {  	[spmem:s12], [sflag:s11] =	dma.local [hbm:s6], $0x800  }
0x35: {  	_ =	swait.ge [sflag:s21], $0x800  }
0x36: {  	[sflag:s21] =	ssyncset.done $0x0  }
0x37: {  	[sflag:s21] =	ssyncadd.s32 $0xFFFFF800  }
0x38: {  	[spmem:s24], [sflag:s11] =	dma.local [hbm:s6], $0x800  }
0x39: {  	_ =	swait.ge [sflag:s21], $0x800  }
0x3a: {  	[sflag:s21] =	ssyncset.done $0x0  }
0x3b: {  	[sflag:s21] =	ssyncadd.s32 $0xFFFFF800  }
0x3c: {  	[tilespmem:s28], [sflag:$0x1] =	stream.indirect.gather [hbm4b:s4+s26], $0x80, s3, s26, $0xb8;
	[tilespmem:$0x1EC00] =	vst v63  }
0x3d: {  	s22 =	simm.s32 $0x100  }
0x3e: {  	[tilespmem:s30], [sflag:$0x1] =	stream.indirect.gather [hbm4b:s4+s26], $0x80, s22, s26, $0xb8;
	[tilespmem:$0x1EC00] =	vst v63  }
0x3f: {  	s22 =	simm.s32 $0x200  }
0x40: {  	[tilespmem:s1], [sflag:$0x1] =	stream.indirect.gather [hbm4b:s4+s26], $0x80, s22, s26, $0xb8;
	[tilespmem:$0x1EC00] =	vst v63  }
0x41: {  	_ =	swait.ge [sflag:s0], $0x4000  }
0x42: {  	[sflag:s0] =	ssyncset.done $0x0  }
0x43: {  	[sflag:s0] =	ssyncadd.s32 $0xFFFFC000  }
0x44: {  	[spmem:s2] =	stream.indirect.scatter.add.f32 [tilespmem:s28], [sflag:$0x2], $0x80, s13, s26, $0xb8;
	[tilespmem:$0x1EC00] =	vst v63  }
0x45: {  	s22 =	simm.s32 $0x300  }
0x46: {  	[tilespmem:s31], [sflag:$0x1] =	stream.indirect.gather [hbm4b:s4+s26], $0x80, s22, s26, $0xb8;
	[tilespmem:$0x1EC00] =	vst v63  }
0x47: {  	_ =	swait.ge [sflag:s0], $0x4000  }
0x48: {  	[sflag:s0] =	ssyncset.done $0x0  }
0x49: {  	[sflag:s0] =	ssyncadd.s32 $0xFFFFC000  }
0x4a: {  	_ =	swait.ge [sflag:s29], $0x4000  }
0x4b: {  	[sflag:s29] =	ssyncset.done $0x0  }
0x4c: {  	s22 =	simm.s32 $0x1480;
	[sflag:s29] =	ssyncadd.s32 $0xFFFFC000  }
0x4d: {  	[spmem:s2] =	stream.indirect.scatter.add.f32 [tilespmem:s30], [sflag:$0x2], $0x80, s22, s26, $0xb8;
	[tilespmem:$0x1EC00] =	vst v63  }
0x4e: {  	s22 =	simm.s32 $0x400  }
0x4f: {  	[tilespmem:s28], [sflag:$0x1] =	stream.indirect.gather [hbm4b:s4+s26], $0x80, s22, s26, $0xb8;
	[tilespmem:$0x1EC00] =	vst v63  }
0x50: {  	_ =	swait.ge [sflag:s0], $0x4000  }
0x51: {  	[sflag:s0] =	ssyncset.done $0x0  }
0x52: {  	[sflag:s0] =	ssyncadd.s32 $0xFFFFC000  }
0x53: {  	_ =	swait.ge [sflag:s29], $0x4000  }
0x54: {  	[sflag:s29] =	ssyncset.done $0x0  }
0x55: {  	s22 =	simm.s32 $0x1500;
	[sflag:s29] =	ssyncadd.s32 $0xFFFFC000  }
0x56: {  	[spmem:s2] =	stream.indirect.scatter.add.f32 [tilespmem:s1], [sflag:$0x2], $0x80, s22, s26, $0xb8;
	[tilespmem:$0x1EC00] =	vst v63  }
0x57: {  	s22 =	simm.s32 $0x500  }
0x58: {  	[tilespmem:s30], [sflag:$0x1] =	stream.indirect.gather [hbm4b:s4+s26], $0x80, s22, s26, $0xb8;
	[tilespmem:$0x1EC00] =	vst v63  }
0x59: {  	_ =	swait.ge [sflag:s0], $0x4000  }
0x5a: {  	[sflag:s0] =	ssyncset.done $0x0  }
0x5b: {  	[sflag:s0] =	ssyncadd.s32 $0xFFFFC000  }
0x5c: {  	_ =	swait.ge [sflag:s29], $0x4000  }
0x5d: {  	[sflag:s29] =	ssyncset.done $0x0  }
0x5e: {  	s22 =	simm.s32 $0x1580;
	[sflag:s29] =	ssyncadd.s32 $0xFFFFC000  }
0x5f: {  	[spmem:s2] =	stream.indirect.scatter.add.f32 [tilespmem:s31], [sflag:$0x2], $0x80, s22, s26, $0xb8;
	[tilespmem:$0x1EC00] =	vst v63  }
0x60: {  	s22 =	simm.s32 $0x600  }
0x61: {  	[tilespmem:s1], [sflag:$0x1] =	stream.indirect.gather [hbm4b:s4+s26], $0x80, s22, s26, $0xb8;
	[tilespmem:$0x1EC00] =	vst v63  }
0x62: {  	_ =	swait.ge [sflag:s0], $0x4000  }
0x63: {  	[sflag:s0] =	ssyncset.done $0x0  }
0x64: {  	[sflag:s0] =	ssyncadd.s32 $0xFFFFC000  }
0x65: {  	_ =	swait.ge [sflag:s29], $0x4000  }
0x66: {  	[sflag:s29] =	ssyncset.done $0x0  }
0x67: {  	s22 =	simm.s32 $0x1600;
	[sflag:s29] =	ssyncadd.s32 $0xFFFFC000  }
0x68: {  	[spmem:s2] =	stream.indirect.scatter.add.f32 [tilespmem:s28], [sflag:$0x2], $0x80, s22, s26, $0xb8;
	[tilespmem:$0x1EC00] =	vst v63  }
0x69: {  	s22 =	simm.s32 $0x700  }
0x6a: {  	[tilespmem:s31], [sflag:$0x1] =	stream.indirect.gather [hbm4b:s4+s26], $0x80, s22, s26, $0xb8;
	[tilespmem:$0x1EC00] =	vst v63  }
0x6b: {  	_ =	swait.ge [sflag:s29], $0x4000  }
0x6c: {  	[sflag:s29] =	ssyncset.done $0x0  }
0x6d: {  	[sflag:s29] =	ssyncadd.s32 $0xFFFFC000  }
0x6e: {  	[spmem:s25], [sflag:s11] =	dma.local [hbm:s6], $0x800  }
0x6f: {  	_ =	swait.ge [sflag:s21], $0x800  }
0x70: {  	[sflag:s21] =	ssyncset.done $0x0  }
0x71: {  	[sflag:s21] =	ssyncadd.s32 $0xFFFFF800  }
0x72: {  	_ =	swait.ge [sflag:s0], $0x4000  }
0x73: {  	[sflag:s0] =	ssyncset.done $0x0  }
0x74: {  	s22 =	simm.s32 $0x1680;
	[sflag:s0] =	ssyncadd.s32 $0xFFFFC000  }
0x75: {  	[spmem:s2] =	stream.indirect.scatter.add.f32 [tilespmem:s30], [sflag:$0x2], $0x80, s22, s26, $0xb8;
	[tilespmem:$0x1EC00] =	vst v63  }
0x76: {  	s22 =	simm.s32 $0x800  }
0x77: {  	[tilespmem:s28], [sflag:$0x1] =	stream.indirect.gather [hbm4b:s4+s26], $0x80, s22, s26, $0xb8;
	[tilespmem:$0x1EC00] =	vst v63  }
0x78: {  	_ =	swait.ge [sflag:s0], $0x4000  }
0x79: {  	[sflag:s0] =	ssyncset.done $0x0  }
0x7a: {  	[sflag:s0] =	ssyncadd.s32 $0xFFFFC000  }
0x7b: {  	_ =	swait.ge [sflag:s29], $0x4000  }
0x7c: {  	[sflag:s29] =	ssyncset.done $0x0  }
0x7d: {  	s22 =	simm.s32 $0x1700;
	[sflag:s29] =	ssyncadd.s32 $0xFFFFC000  }
0x7e: {  	[spmem:s2] =	stream.indirect.scatter.add.f32 [tilespmem:s1], [sflag:$0x2], $0x80, s22, s26, $0xb8;
	[tilespmem:$0x1EC00] =	vst v63  }
0x7f: {  	s22 =	simm.s32 $0x900  }
0x80: {  	[tilespmem:s30], [sflag:$0x1] =	stream.indirect.gather [hbm4b:s4+s26], $0x80, s22, s26, $0xb8;
	[tilespmem:$0x1EC00] =	vst v63  }
0x81: {  	_ =	swait.ge [sflag:s0], $0x4000  }
0x82: {  	[sflag:s0] =	ssyncset.done $0x0  }
0x83: {  	[sflag:s0] =	ssyncadd.s32 $0xFFFFC000  }
0x84: {  	_ =	swait.ge [sflag:s29], $0x4000  }
0x85: {  	[sflag:s29] =	ssyncset.done $0x0  }
0x86: {  	s22 =	simm.s32 $0x1780;
	[sflag:s29] =	ssyncadd.s32 $0xFFFFC000  }
0x87: {  	[spmem:s2] =	stream.indirect.scatter.add.f32 [tilespmem:s31], [sflag:$0x2], $0x80, s22, s26, $0xb8;
	[tilespmem:$0x1EC00] =	vst v63  }
0x88: {  	s22 =	simm.s32 $0xA00  }
0x89: {  	[tilespmem:s1], [sflag:$0x1] =	stream.indirect.gather [hbm4b:s4+s26], $0x80, s22, s26, $0xb8;
	[tilespmem:$0x1EC00] =	vst v63  }
0x8a: {  	_ =	swait.ge [sflag:s0], $0x4000  }
0x8b: {  	[sflag:s0] =	ssyncset.done $0x0  }
0x8c: {  	[sflag:s0] =	ssyncadd.s32 $0xFFFFC000  }
0x8d: {  	_ =	swait.ge [sflag:s29], $0x4000  }
0x8e: {  	[sflag:s29] =	ssyncset.done $0x0  }
0x8f: {  	s22 =	simm.s32 $0x1800;
	[sflag:s29] =	ssyncadd.s32 $0xFFFFC000  }
0x90: {  	[spmem:s2] =	stream.indirect.scatter.add.f32 [tilespmem:s28], [sflag:$0x2], $0x80, s22, s26, $0xb8;
	[tilespmem:$0x1EC00] =	vst v63  }
0x91: {  	s22 =	simm.s32 $0xB00  }
0x92: {  	[tilespmem:s31], [sflag:$0x1] =	stream.indirect.gather [hbm4b:s4+s26], $0x80, s22, s26, $0xb8;
	[tilespmem:$0x1EC00] =	vst v63  }
0x93: {  	_ =	swait.ge [sflag:s0], $0x4000  }
0x94: {  	[sflag:s0] =	ssyncset.done $0x0  }
0x95: {  	[sflag:s0] =	ssyncadd.s32 $0xFFFFC000  }
0x96: {  	_ =	swait.ge [sflag:s29], $0x4000  }
0x97: {  	[sflag:s29] =	ssyncset.done $0x0  }
0x98: {  	s22 =	simm.s32 $0x1880;
	[sflag:s29] =	ssyncadd.s32 $0xFFFFC000  }
0x99: {  	[spmem:s2] =	stream.indirect.scatter.add.f32 [tilespmem:s30], [sflag:$0x2], $0x80, s22, s26, $0xb8;
	[tilespmem:$0x1EC00] =	vst v63  }
0x9a: {  	s22 =	simm.s32 $0xC00  }
0x9b: {  	[tilespmem:s28], [sflag:$0x1] =	stream.indirect.gather [hbm4b:s4+s26], $0x80, s22, s26, $0xb8;
	[tilespmem:$0x1EC00] =	vst v63  }
0x9c: {  	_ =	swait.ge [sflag:s29], $0x4000  }
0x9d: {  	[sflag:s29] =	ssyncset.done $0x0  }
0x9e: {  	s22 =	rddreg [dreg:$0x7];
	[sflag:s29] =	ssyncadd.s32 $0xFFFFC000  }
0x9f: {  	[hbm:s22], [sflag:s11] =	dma.local [spmem:s12], $0x800  }
0xa0: {  	_ =	swait.ge [sflag:s21], $0x800  }
0xa1: {  	[sflag:s21] =	ssyncset.done $0x0  }
0xa2: {  	[sflag:s21] =	ssyncadd.s32 $0xFFFFF800  }
0xa3: {  	[spmem:s12], [sflag:s11] =	dma.local [hbm:s6], $0x800  }
0xa4: {  	_ =	swait.ge [sflag:s21], $0x800  }
0xa5: {  	[sflag:s21] =	ssyncset.done $0x0  }
0xa6: {  	[sflag:s21] =	ssyncadd.s32 $0xFFFFF800  }
0xa7: {  	_ =	swait.ge [sflag:s0], $0x4000  }
0xa8: {  	[sflag:s0] =	ssyncset.done $0x0  }
0xa9: {  	s22 =	simm.s32 $0x1900;
	[sflag:s0] =	ssyncadd.s32 $0xFFFFC000  }
0xaa: {  	[spmem:s2] =	stream.indirect.scatter.add.f32 [tilespmem:s1], [sflag:$0x2], $0x80, s22, s26, $0xb8;
	[tilespmem:$0x1EC00] =	vst v63  }
0xab: {  	s22 =	simm.s32 $0xD00  }
0xac: {  	[tilespmem:s30], [sflag:$0x1] =	stream.indirect.gather [hbm4b:s4+s26], $0x80, s22, s26, $0xb8;
	[tilespmem:$0x1EC00] =	vst v63  }
0xad: {  	_ =	swait.ge [sflag:s0], $0x4000  }
0xae: {  	[sflag:s0] =	ssyncset.done $0x0  }
0xaf: {  	[sflag:s0] =	ssyncadd.s32 $0xFFFFC000  }
0xb0: {  	_ =	swait.ge [sflag:s29], $0x4000  }
0xb1: {  	[sflag:s29] =	ssyncset.done $0x0  }
0xb2: {  	s22 =	simm.s32 $0x1980;
	[sflag:s29] =	ssyncadd.s32 $0xFFFFC000  }
0xb3: {  	[spmem:s2] =	stream.indirect.scatter.add.f32 [tilespmem:s31], [sflag:$0x2], $0x80, s22, s26, $0xb8;
	[tilespmem:$0x1EC00] =	vst v63  }
0xb4: {  	s22 =	simm.s32 $0xE00  }
0xb5: {  	[tilespmem:s1], [sflag:$0x1] =	stream.indirect.gather [hbm4b:s4+s26], $0x80, s22, s26, $0xb8;
	[tilespmem:$0x1EC00] =	vst v63  }
0xb6: {  	_ =	swait.ge [sflag:s0], $0x4000  }
0xb7: {  	[sflag:s0] =	ssyncset.done $0x0  }
0xb8: {  	[sflag:s0] =	ssyncadd.s32 $0xFFFFC000  }
0xb9: {  	_ =	swait.ge [sflag:s29], $0x4000  }
0xba: {  	[sflag:s29] =	ssyncset.done $0x0  }
0xbb: {  	s22 =	simm.s32 $0x1A00;
	[sflag:s29] =	ssyncadd.s32 $0xFFFFC000  }
0xbc: {  	[spmem:s2] =	stream.indirect.scatter.add.f32 [tilespmem:s28], [sflag:$0x2], $0x80, s22, s26, $0xb8;
	[tilespmem:$0x1EC00] =	vst v63  }
0xbd: {  	s22 =	simm.s32 $0xF00  }
0xbe: {  	[tilespmem:s31], [sflag:$0x1] =	stream.indirect.gather [hbm4b:s4+s26], $0x80, s22, s26, $0xb8;
	[tilespmem:$0x1EC00] =	vst v63  }
0xbf: {  	_ =	swait.ge [sflag:s0], $0x4000  }
0xc0: {  	[sflag:s0] =	ssyncset.done $0x0  }
0xc1: {  	[sflag:s0] =	ssyncadd.s32 $0xFFFFC000  }
0xc2: {  	_ =	swait.ge [sflag:s29], $0x4000  }
0xc3: {  	[sflag:s29] =	ssyncset.done $0x0  }
0xc4: {  	s22 =	simm.s32 $0x1A80;
	[sflag:s29] =	ssyncadd.s32 $0xFFFFC000  }
0xc5: {  	[spmem:s2] =	stream.indirect.scatter.add.f32 [tilespmem:s30], [sflag:$0x2], $0x80, s22, s26, $0xb8;
	[tilespmem:$0x1EC00] =	vst v63  }
0xc6: {  	s22 =	simm.s32 $0x1000  }
0xc7: {  	[tilespmem:s28], [sflag:$0x1] =	stream.indirect.gather [hbm4b:s4+s26], $0x80, s22, s26, $0xb8;
	[tilespmem:$0x1EC00] =	vst v63  }
0xc8: {  	_ =	swait.ge [sflag:s0], $0x4000  }
0xc9: {  	[sflag:s0] =	ssyncset.done $0x0  }
0xca: {  	[sflag:s0] =	ssyncadd.s32 $0xFFFFC000  }
0xcb: {  	_ =	swait.ge [sflag:s29], $0x4000  }
0xcc: {  	[sflag:s29] =	ssyncset.done $0x0  }
0xcd: {  	s22 =	simm.s32 $0x1B00;
	[sflag:s29] =	ssyncadd.s32 $0xFFFFC000  }
0xce: {  	[spmem:s2] =	stream.indirect.scatter.add.f32 [tilespmem:s1], [sflag:$0x2], $0x80, s22, s26, $0xb8;
	[tilespmem:$0x1EC00] =	vst v63  }
0xcf: {  	s22 =	simm.s32 $0x1100  }
0xd0: {  	[tilespmem:s30], [sflag:$0x1] =	stream.indirect.gather [hbm4b:s4+s26], $0x80, s22, s26, $0xb8;
	[tilespmem:$0x1EC00] =	vst v63  }
0xd1: {  	_ =	swait.ge [sflag:s29], $0x4000  }
0xd2: {  	[sflag:s29] =	ssyncset.done $0x0  }
0xd3: {  	s22 =	rddreg [dreg:$0x8];
	[sflag:s29] =	ssyncadd.s32 $0xFFFFC000  }
0xd4: {  	[hbm:s22], [sflag:s11] =	dma.local [spmem:s24], $0x800  }
0xd5: {  	_ =	swait.ge [sflag:s21], $0x800  }
0xd6: {  	[sflag:s21] =	ssyncset.done $0x0  }
0xd7: {  	[sflag:s21] =	ssyncadd.s32 $0xFFFFF800  }
0xd8: {  	[spmem:s24], [sflag:s11] =	dma.local [hbm:s6], $0x800  }
0xd9: {  	_ =	swait.ge [sflag:s21], $0x800  }
0xda: {  	[sflag:s21] =	ssyncset.done $0x0  }
0xdb: {  	[sflag:s21] =	ssyncadd.s32 $0xFFFFF800  }
0xdc: {  	_ =	swait.ge [sflag:s0], $0x4000  }
0xdd: {  	[sflag:s0] =	ssyncset.done $0x0  }
0xde: {  	s22 =	simm.s32 $0x1B80;
	[sflag:s0] =	ssyncadd.s32 $0xFFFFC000  }
0xdf: {  	[spmem:s2] =	stream.indirect.scatter.add.f32 [tilespmem:s31], [sflag:$0x2], $0x80, s22, s26, $0xb8;
	[tilespmem:$0x1EC00] =	vst v63  }
0xe0: {  	s22 =	simm.s32 $0x1200  }
0xe1: {  	[tilespmem:s1], [sflag:$0x1] =	stream.indirect.gather [hbm4b:s4+s26], $0x80, s22, s26, $0xb8;
	[tilespmem:$0x1EC00] =	vst v63  }
0xe2: {  	_ =	swait.ge [sflag:s0], $0x4000  }
0xe3: {  	[sflag:s0] =	ssyncset.done $0x0  }
0xe4: {  	[sflag:s0] =	ssyncadd.s32 $0xFFFFC000  }
0xe5: {  	_ =	swait.ge [sflag:s29], $0x4000  }
0xe6: {  	[sflag:s29] =	ssyncset.done $0x0  }
0xe7: {  	s22 =	simm.s32 $0x1C00;
	[sflag:s29] =	ssyncadd.s32 $0xFFFFC000  }
0xe8: {  	[spmem:s2] =	stream.indirect.scatter.add.f32 [tilespmem:s28], [sflag:$0x2], $0x80, s22, s26, $0xb8;
	[tilespmem:$0x1EC00] =	vst v63  }
0xe9: {  	s22 =	simm.s32 $0x1300  }
0xea: {  	[tilespmem:s31], [sflag:$0x1] =	stream.indirect.gather [hbm4b:s4+s26], $0x80, s22, s26, $0xb8;
	[tilespmem:$0x1EC00] =	vst v63  }
0xeb: {  	_ =	swait.ge [sflag:s0], $0x4000  }
0xec: {  	[sflag:s0] =	ssyncset.done $0x0  }
0xed: {  	[sflag:s0] =	ssyncadd.s32 $0xFFFFC000  }
0xee: {  	_ =	swait.ge [sflag:s29], $0x4000  }
0xef: {  	[sflag:s29] =	ssyncset.done $0x0  }
0xf0: {  	s22 =	simm.s32 $0x1C80;
	[sflag:s29] =	ssyncadd.s32 $0xFFFFC000  }
0xf1: {  	[spmem:s2] =	stream.indirect.scatter.add.f32 [tilespmem:s30], [sflag:$0x2], $0x80, s22, s26, $0xb8;
	[tilespmem:$0x1EC00] =	vst v63  }
0xf2: {  	_ = 	snop  }
0xf3: {  	[tilespmem:s28], [sflag:$0x1] =	stream.indirect.gather [hbm4b:s5+s26], $0x80, s26, s26, $0xb8;
	[tilespmem:$0x1EC00] =	vst v63  }
0xf4: {  	_ =	swait.ge [sflag:s0], $0x4000  }
0xf5: {  	[sflag:s0] =	ssyncset.done $0x0  }
0xf6: {  	[sflag:s0] =	ssyncadd.s32 $0xFFFFC000  }
0xf7: {  	_ =	swait.ge [sflag:s29], $0x4000  }
0xf8: {  	[sflag:s29] =	ssyncset.done $0x0  }
0xf9: {  	s22 =	simm.s32 $0x1D00;
	[sflag:s29] =	ssyncadd.s32 $0xFFFFC000  }
0xfa: {  	[spmem:s2] =	stream.indirect.scatter.add.f32 [tilespmem:s1], [sflag:$0x2], $0x80, s22, s26, $0xb8;
	[tilespmem:$0x1EC00] =	vst v63  }
0xfb: {  	s22 =	simm.s32 $0x180  }
0xfc: {  	[tilespmem:s30], [sflag:$0x1] =	stream.indirect.gather [hbm4b:s5+s26], $0x80, s22, s26, $0xb8;
	[tilespmem:$0x1EC00] =	vst v63  }
0xfd: {  	_ =	swait.ge [sflag:s0], $0x4000  }
0xfe: {  	[sflag:s0] =	ssyncset.done $0x0  }
0xff: {  	[sflag:s0] =	ssyncadd.s32 $0xFFFFC000  }
0x100: {  	_ =	swait.ge [sflag:s29], $0x4000  }
0x101: {  	[sflag:s29] =	ssyncset.done $0x0  }
0x102: {  	s22 =	simm.s32 $0x1D80;
	[sflag:s29] =	ssyncadd.s32 $0xFFFFC000  }
0x103: {  	[spmem:s2] =	stream.indirect.scatter.add.f32 [tilespmem:s31], [sflag:$0x2], $0x80, s22, s26, $0xb8;
	[tilespmem:$0x1EC00] =	vst v63  }
0x104: {  	s22 =	simm.s32 $0x280  }
0x105: {  	[tilespmem:s1], [sflag:$0x1] =	stream.indirect.gather [hbm4b:s5+s26], $0x80, s22, s26, $0xb8;
	[tilespmem:$0x1EC00] =	vst v63  }
0x106: {  	_ =	swait.ge [sflag:s29], $0x4000  }
0x107: {  	[sflag:s29] =	ssyncset.done $0x0  }
0x108: {  	[sflag:s29] =	ssyncadd.s32 $0xFFFFC000  }
0x109: {  	[hbm:s14], [sflag:s11] =	dma.local [spmem:s25], $0x800  }
0x10a: {  	_ =	swait.ge [sflag:s21], $0x800  }
0x10b: {  	[sflag:s21] =	ssyncset.done $0x0  }
0x10c: {  	[sflag:s21] =	ssyncadd.s32 $0xFFFFF800  }
0x10d: {  	[spmem:s25], [sflag:s11] =	dma.local [hbm:s6], $0x800  }
0x10e: {  	_ =	swait.ge [sflag:s21], $0x800  }
0x10f: {  	[sflag:s21] =	ssyncset.done $0x0  }
0x110: {  	[sflag:s21] =	ssyncadd.s32 $0xFFFFF800  }
0x111: {  	_ =	swait.ge [sflag:s0], $0x4000  }
0x112: {  	[sflag:s0] =	ssyncset.done $0x0  }
0x113: {  	[sflag:s0] =	ssyncadd.s32 $0xFFFFC000  }
0x114: {  	[spmem:s2] =	stream.indirect.scatter.add.f32 [tilespmem:s28], [sflag:$0x2], $0x80, s23, s26, $0xb8;
	[tilespmem:$0x1EC00] =	vst v63  }
0x115: {  	s22 =	simm.s32 $0x380  }
0x116: {  	[tilespmem:s31], [sflag:$0x1] =	stream.indirect.gather [hbm4b:s5+s26], $0x80, s22, s26, $0xb8;
	[tilespmem:$0x1EC00] =	vst v63  }
0x117: {  	_ =	swait.ge [sflag:s0], $0x4000  }
0x118: {  	[sflag:s0] =	ssyncset.done $0x0  }
0x119: {  	[sflag:s0] =	ssyncadd.s32 $0xFFFFC000  }
0x11a: {  	_ =	swait.ge [sflag:s29], $0x4000  }
0x11b: {  	[sflag:s29] =	ssyncset.done $0x0  }
0x11c: {  	s22 =	simm.s32 $0x2080;
	[sflag:s29] =	ssyncadd.s32 $0xFFFFC000  }
0x11d: {  	[spmem:s2] =	stream.indirect.scatter.add.f32 [tilespmem:s30], [sflag:$0x2], $0x80, s22, s26, $0xb8;
	[tilespmem:$0x1EC00] =	vst v63  }
0x11e: {  	s22 =	simm.s32 $0x480  }
0x11f: {  	[tilespmem:s28], [sflag:$0x1] =	stream.indirect.gather [hbm4b:s5+s26], $0x80, s22, s26, $0xb8;
	[tilespmem:$0x1EC00] =	vst v63  }
0x120: {  	_ =	swait.ge [sflag:s0], $0x4000  }
0x121: {  	[sflag:s0] =	ssyncset.done $0x0  }
0x122: {  	[sflag:s0] =	ssyncadd.s32 $0xFFFFC000  }
0x123: {  	_ =	swait.ge [sflag:s29], $0x4000  }
0x124: {  	[sflag:s29] =	ssyncset.done $0x0  }
0x125: {  	s22 =	simm.s32 $0x2100;
	[sflag:s29] =	ssyncadd.s32 $0xFFFFC000  }
0x126: {  	[spmem:s2] =	stream.indirect.scatter.add.f32 [tilespmem:s1], [sflag:$0x2], $0x80, s22, s26, $0xb8;
	[tilespmem:$0x1EC00] =	vst v63  }
0x127: {  	s22 =	simm.s32 $0x580  }
0x128: {  	[tilespmem:s30], [sflag:$0x1] =	stream.indirect.gather [hbm4b:s5+s26], $0x80, s22, s26, $0xb8;
	[tilespmem:$0x1EC00] =	vst v63  }
0x129: {  	_ =	swait.ge [sflag:s0], $0x4000  }
0x12a: {  	[sflag:s0] =	ssyncset.done $0x0  }
0x12b: {  	[sflag:s0] =	ssyncadd.s32 $0xFFFFC000  }
0x12c: {  	_ =	swait.ge [sflag:s29], $0x4000  }
0x12d: {  	[sflag:s29] =	ssyncset.done $0x0  }
0x12e: {  	s22 =	simm.s32 $0x2180;
	[sflag:s29] =	ssyncadd.s32 $0xFFFFC000  }
0x12f: {  	[spmem:s2] =	stream.indirect.scatter.add.f32 [tilespmem:s31], [sflag:$0x2], $0x80, s22, s26, $0xb8;
	[tilespmem:$0x1EC00] =	vst v63  }
0x130: {  	s22 =	simm.s32 $0x680  }
0x131: {  	[tilespmem:s1], [sflag:$0x1] =	stream.indirect.gather [hbm4b:s5+s26], $0x80, s22, s26, $0xb8;
	[tilespmem:$0x1EC00] =	vst v63  }
0x132: {  	_ =	swait.ge [sflag:s0], $0x4000  }
0x133: {  	[sflag:s0] =	ssyncset.done $0x0  }
0x134: {  	[sflag:s0] =	ssyncadd.s32 $0xFFFFC000  }
0x135: {  	_ =	swait.ge [sflag:s29], $0x4000  }
0x136: {  	[sflag:s29] =	ssyncset.done $0x0  }
0x137: {  	s22 =	simm.s32 $0x2200;
	[sflag:s29] =	ssyncadd.s32 $0xFFFFC000  }
0x138: {  	[spmem:s2] =	stream.indirect.scatter.add.f32 [tilespmem:s28], [sflag:$0x2], $0x80, s22, s26, $0xb8;
	[tilespmem:$0x1EC00] =	vst v63  }
0x139: {  	s22 =	simm.s32 $0x780  }
0x13a: {  	[tilespmem:s31], [sflag:$0x1] =	stream.indirect.gather [hbm4b:s5+s26], $0x80, s22, s26, $0xb8;
	[tilespmem:$0x1EC00] =	vst v63  }
0x13b: {  	_ =	swait.ge [sflag:s29], $0x4000  }
0x13c: {  	[sflag:s29] =	ssyncset.done $0x0  }
0x13d: {  	[sflag:s29] =	ssyncadd.s32 $0xFFFFC000  }
0x13e: {  	[hbm:s15], [sflag:s11] =	dma.local [spmem:s12], $0x800  }
0x13f: {  	_ =	swait.ge [sflag:s21], $0x800  }
0x140: {  	[sflag:s21] =	ssyncset.done $0x0  }
0x141: {  	[sflag:s21] =	ssyncadd.s32 $0xFFFFF800  }
0x142: {  	[spmem:s12], [sflag:s11] =	dma.local [hbm:s6], $0x800  }
0x143: {  	_ =	swait.ge [sflag:s21], $0x800  }
0x144: {  	[sflag:s21] =	ssyncset.done $0x0  }
0x145: {  	[sflag:s21] =	ssyncadd.s32 $0xFFFFF800  }
0x146: {  	_ =	swait.ge [sflag:s0], $0x4000  }
0x147: {  	[sflag:s0] =	ssyncset.done $0x0  }
0x148: {  	s22 =	simm.s32 $0x2280;
	[sflag:s0] =	ssyncadd.s32 $0xFFFFC000  }
0x149: {  	[spmem:s2] =	stream.indirect.scatter.add.f32 [tilespmem:s30], [sflag:$0x2], $0x80, s22, s26, $0xb8;
	[tilespmem:$0x1EC00] =	vst v63  }
0x14a: {  	s22 =	simm.s32 $0x880  }
0x14b: {  	[tilespmem:s28], [sflag:$0x1] =	stream.indirect.gather [hbm4b:s5+s26], $0x80, s22, s26, $0xb8;
	[tilespmem:$0x1EC00] =	vst v63  }
0x14c: {  	_ =	swait.ge [sflag:s0], $0x4000  }
0x14d: {  	[sflag:s0] =	ssyncset.done $0x0  }
0x14e: {  	[sflag:s0] =	ssyncadd.s32 $0xFFFFC000  }
0x14f: {  	_ =	swait.ge [sflag:s29], $0x4000  }
0x150: {  	[sflag:s29] =	ssyncset.done $0x0  }
0x151: {  	s22 =	simm.s32 $0x2300;
	[sflag:s29] =	ssyncadd.s32 $0xFFFFC000  }
0x152: {  	[spmem:s2] =	stream.indirect.scatter.add.f32 [tilespmem:s1], [sflag:$0x2], $0x80, s22, s26, $0xb8;
	[tilespmem:$0x1EC00] =	vst v63  }
0x153: {  	s22 =	simm.s32 $0x980  }
0x154: {  	[tilespmem:s30], [sflag:$0x1] =	stream.indirect.gather [hbm4b:s5+s26], $0x80, s22, s26, $0xb8;
	[tilespmem:$0x1EC00] =	vst v63  }
0x155: {  	_ =	swait.ge [sflag:s0], $0x4000  }
0x156: {  	[sflag:s0] =	ssyncset.done $0x0  }
0x157: {  	[sflag:s0] =	ssyncadd.s32 $0xFFFFC000  }
0x158: {  	_ =	swait.ge [sflag:s29], $0x4000  }
0x159: {  	[sflag:s29] =	ssyncset.done $0x0  }
0x15a: {  	s22 =	simm.s32 $0x2380;
	[sflag:s29] =	ssyncadd.s32 $0xFFFFC000  }
0x15b: {  	[spmem:s2] =	stream.indirect.scatter.add.f32 [tilespmem:s31], [sflag:$0x2], $0x80, s22, s26, $0xb8;
	[tilespmem:$0x1EC00] =	vst v63  }
0x15c: {  	s22 =	simm.s32 $0xA80  }
0x15d: {  	[tilespmem:s1], [sflag:$0x1] =	stream.indirect.gather [hbm4b:s5+s26], $0x80, s22, s26, $0xb8;
	[tilespmem:$0x1EC00] =	vst v63  }
0x15e: {  	_ =	swait.ge [sflag:s0], $0x4000  }
0x15f: {  	[sflag:s0] =	ssyncset.done $0x0  }
0x160: {  	[sflag:s0] =	ssyncadd.s32 $0xFFFFC000  }
0x161: {  	_ =	swait.ge [sflag:s29], $0x4000  }
0x162: {  	[sflag:s29] =	ssyncset.done $0x0  }
0x163: {  	s22 =	simm.s32 $0x2400;
	[sflag:s29] =	ssyncadd.s32 $0xFFFFC000  }
0x164: {  	[spmem:s2] =	stream.indirect.scatter.add.f32 [tilespmem:s28], [sflag:$0x2], $0x80, s22, s26, $0xb8;
	[tilespmem:$0x1EC00] =	vst v63  }
0x165: {  	s22 =	simm.s32 $0xB80  }
0x166: {  	[tilespmem:s31], [sflag:$0x1] =	stream.indirect.gather [hbm4b:s5+s26], $0x80, s22, s26, $0xb8;
	[tilespmem:$0x1EC00] =	vst v63  }
0x167: {  	_ =	swait.ge [sflag:s0], $0x4000  }
0x168: {  	[sflag:s0] =	ssyncset.done $0x0  }
0x169: {  	[sflag:s0] =	ssyncadd.s32 $0xFFFFC000  }
0x16a: {  	_ =	swait.ge [sflag:s29], $0x4000  }
0x16b: {  	[sflag:s29] =	ssyncset.done $0x0  }
0x16c: {  	s22 =	simm.s32 $0x2480;
	[sflag:s29] =	ssyncadd.s32 $0xFFFFC000  }
0x16d: {  	[spmem:s2] =	stream.indirect.scatter.add.f32 [tilespmem:s30], [sflag:$0x2], $0x80, s22, s26, $0xb8;
	[tilespmem:$0x1EC00] =	vst v63  }
0x16e: {  	s22 =	simm.s32 $0xC80  }
0x16f: {  	[tilespmem:s28], [sflag:$0x1] =	stream.indirect.gather [hbm4b:s5+s26], $0x80, s22, s26, $0xb8;
	[tilespmem:$0x1EC00] =	vst v63  }
0x170: {  	_ =	swait.ge [sflag:s29], $0x4000  }
0x171: {  	[sflag:s29] =	ssyncset.done $0x0  }
0x172: {  	[sflag:s29] =	ssyncadd.s32 $0xFFFFC000  }
0x173: {  	[hbm:s16], [sflag:s11] =	dma.local [spmem:s24], $0x800  }
0x174: {  	_ =	swait.ge [sflag:s21], $0x800  }
0x175: {  	[sflag:s21] =	ssyncset.done $0x0  }
0x176: {  	[sflag:s21] =	ssyncadd.s32 $0xFFFFF800  }
0x177: {  	[spmem:s24], [sflag:s11] =	dma.local [hbm:s6], $0x800  }
0x178: {  	_ =	swait.ge [sflag:s21], $0x800  }
0x179: {  	[sflag:s21] =	ssyncset.done $0x0  }
0x17a: {  	[sflag:s21] =	ssyncadd.s32 $0xFFFFF800  }
0x17b: {  	_ =	swait.ge [sflag:s0], $0x4000  }
0x17c: {  	[sflag:s0] =	ssyncset.done $0x0  }
0x17d: {  	s22 =	simm.s32 $0x2500;
	[sflag:s0] =	ssyncadd.s32 $0xFFFFC000  }
0x17e: {  	[spmem:s2] =	stream.indirect.scatter.add.f32 [tilespmem:s1], [sflag:$0x2], $0x80, s22, s26, $0xb8;
	[tilespmem:$0x1EC00] =	vst v63  }
0x17f: {  	s22 =	simm.s32 $0xD80  }
0x180: {  	[tilespmem:s30], [sflag:$0x1] =	stream.indirect.gather [hbm4b:s5+s26], $0x80, s22, s26, $0xb8;
	[tilespmem:$0x1EC00] =	vst v63  }
0x181: {  	_ =	swait.ge [sflag:s0], $0x4000  }
0x182: {  	[sflag:s0] =	ssyncset.done $0x0  }
0x183: {  	[sflag:s0] =	ssyncadd.s32 $0xFFFFC000  }
0x184: {  	_ =	swait.ge [sflag:s29], $0x4000  }
0x185: {  	[sflag:s29] =	ssyncset.done $0x0  }
0x186: {  	s22 =	simm.s32 $0x2580;
	[sflag:s29] =	ssyncadd.s32 $0xFFFFC000  }
0x187: {  	[spmem:s2] =	stream.indirect.scatter.add.f32 [tilespmem:s31], [sflag:$0x2], $0x80, s22, s26, $0xb8;
	[tilespmem:$0x1EC00] =	vst v63  }
0x188: {  	s22 =	simm.s32 $0xE80  }
0x189: {  	[tilespmem:s1], [sflag:$0x1] =	stream.indirect.gather [hbm4b:s5+s26], $0x80, s22, s26, $0xb8;
	[tilespmem:$0x1EC00] =	vst v63  }
0x18a: {  	_ =	swait.ge [sflag:s0], $0x4000  }
0x18b: {  	[sflag:s0] =	ssyncset.done $0x0  }
0x18c: {  	[sflag:s0] =	ssyncadd.s32 $0xFFFFC000  }
0x18d: {  	_ =	swait.ge [sflag:s29], $0x4000  }
0x18e: {  	[sflag:s29] =	ssyncset.done $0x0  }
0x18f: {  	s22 =	simm.s32 $0x2600;
	[sflag:s29] =	ssyncadd.s32 $0xFFFFC000  }
0x190: {  	[spmem:s2] =	stream.indirect.scatter.add.f32 [tilespmem:s28], [sflag:$0x2], $0x80, s22, s26, $0xb8;
	[tilespmem:$0x1EC00] =	vst v63  }
0x191: {  	s22 =	simm.s32 $0xF80  }
0x192: {  	[tilespmem:s31], [sflag:$0x1] =	stream.indirect.gather [hbm4b:s5+s26], $0x80, s22, s26, $0xb8;
	[tilespmem:$0x1EC00] =	vst v63  }
0x193: {  	_ =	swait.ge [sflag:s0], $0x4000  }
0x194: {  	[sflag:s0] =	ssyncset.done $0x0  }
0x195: {  	[sflag:s0] =	ssyncadd.s32 $0xFFFFC000  }
0x196: {  	_ =	swait.ge [sflag:s29], $0x4000  }
0x197: {  	[sflag:s29] =	ssyncset.done $0x0  }
0x198: {  	s22 =	simm.s32 $0x2680;
	[sflag:s29] =	ssyncadd.s32 $0xFFFFC000  }
0x199: {  	[spmem:s2] =	stream.indirect.scatter.add.f32 [tilespmem:s30], [sflag:$0x2], $0x80, s22, s26, $0xb8;
	[tilespmem:$0x1EC00] =	vst v63  }
0x19a: {  	s22 =	simm.s32 $0x1080  }
0x19b: {  	[tilespmem:s28], [sflag:$0x1] =	stream.indirect.gather [hbm4b:s5+s26], $0x80, s22, s26, $0xb8;
	[tilespmem:$0x1EC00] =	vst v63  }
0x19c: {  	_ =	swait.ge [sflag:s0], $0x4000  }
0x19d: {  	[sflag:s0] =	ssyncset.done $0x0  }
0x19e: {  	[sflag:s0] =	ssyncadd.s32 $0xFFFFC000  }
0x19f: {  	_ =	swait.ge [sflag:s29], $0x4000  }
0x1a0: {  	[sflag:s29] =	ssyncset.done $0x0  }
0x1a1: {  	s22 =	simm.s32 $0x2700;
	[sflag:s29] =	ssyncadd.s32 $0xFFFFC000  }
0x1a2: {  	[spmem:s2] =	stream.indirect.scatter.add.f32 [tilespmem:s1], [sflag:$0x2], $0x80, s22, s26, $0xb8;
	[tilespmem:$0x1EC00] =	vst v63  }
0x1a3: {  	s22 =	simm.s32 $0x1180  }
0x1a4: {  	[tilespmem:s30], [sflag:$0x1] =	stream.indirect.gather [hbm4b:s5+s26], $0x80, s22, s26, $0xb8;
	[tilespmem:$0x1EC00] =	vst v63  }
0x1a5: {  	_ =	swait.ge [sflag:s29], $0x4000  }
0x1a6: {  	[sflag:s29] =	ssyncset.done $0x0  }
0x1a7: {  	[sflag:s29] =	ssyncadd.s32 $0xFFFFC000  }
0x1a8: {  	[hbm:s17], [sflag:s11] =	dma.local [spmem:s25], $0x800  }
0x1a9: {  	_ =	swait.ge [sflag:s21], $0x800  }
0x1aa: {  	[sflag:s21] =	ssyncset.done $0x0  }
0x1ab: {  	[sflag:s21] =	ssyncadd.s32 $0xFFFFF800  }
0x1ac: {  	_ =	swait.ge [sflag:s0], $0x4000  }
0x1ad: {  	[sflag:s0] =	ssyncset.done $0x0  }
0x1ae: {  	s22 =	simm.s32 $0x2780;
	[sflag:s0] =	ssyncadd.s32 $0xFFFFC000  }
0x1af: {  	[spmem:s2] =	stream.indirect.scatter.add.f32 [tilespmem:s31], [sflag:$0x2], $0x80, s22, s26, $0xb8;
	[tilespmem:$0x1EC00] =	vst v63  }
0x1b0: {  	s22 =	simm.s32 $0x1280  }
0x1b1: {  	[tilespmem:s1], [sflag:$0x1] =	stream.indirect.gather [hbm4b:s5+s26], $0x80, s22, s26, $0xb8;
	[tilespmem:$0x1EC00] =	vst v63  }
0x1b2: {  	_ =	swait.ge [sflag:s0], $0x4000  }
0x1b3: {  	[sflag:s0] =	ssyncset.done $0x0  }
0x1b4: {  	[sflag:s0] =	ssyncadd.s32 $0xFFFFC000  }
0x1b5: {  	_ =	swait.ge [sflag:s29], $0x4000  }
0x1b6: {  	[sflag:s29] =	ssyncset.done $0x0  }
0x1b7: {  	s22 =	simm.s32 $0x2800;
	[sflag:s29] =	ssyncadd.s32 $0xFFFFC000  }
0x1b8: {  	[spmem:s2] =	stream.indirect.scatter.add.f32 [tilespmem:s28], [sflag:$0x2], $0x80, s22, s26, $0xb8;
	[tilespmem:$0x1EC00] =	vst v63  }
0x1b9: {  	s22 =	simm.s32 $0x1380  }
0x1ba: {  	[tilespmem:s31], [sflag:$0x1] =	stream.indirect.gather [hbm4b:s5+s26], $0x80, s22, s26, $0xb8;
	[tilespmem:$0x1EC00] =	vst v63  }
0x1bb: {  	_ =	swait.ge [sflag:s0], $0x4000  }
0x1bc: {  	[sflag:s0] =	ssyncset.done $0x0  }
0x1bd: {  	[sflag:s0] =	ssyncadd.s32 $0xFFFFC000  }
0x1be: {  	_ =	swait.ge [sflag:s29], $0x4000  }
0x1bf: {  	[sflag:s29] =	ssyncset.done $0x0  }
0x1c0: {  	s22 =	simm.s32 $0x2880;
	[sflag:s29] =	ssyncadd.s32 $0xFFFFC000  }
0x1c1: {  	[spmem:s2] =	stream.indirect.scatter.add.f32 [tilespmem:s30], [sflag:$0x2], $0x80, s22, s26, $0xb8;
	[tilespmem:$0x1EC00] =	vst v63  }
0x1c2: {  	_ =	swait.ge [sflag:s0], $0x4000  }
0x1c3: {  	[sflag:s0] =	ssyncset.done $0x0  }
0x1c4: {  	[sflag:s0] =	ssyncadd.s32 $0xFFFFC000  }
0x1c5: {  	_ =	swait.ge [sflag:s29], $0x4000  }
0x1c6: {  	[sflag:s29] =	ssyncset.done $0x0  }
0x1c7: {  	s22 =	simm.s32 $0x2900;
	[sflag:s29] =	ssyncadd.s32 $0xFFFFC000  }
0x1c8: {  	[spmem:s2] =	stream.indirect.scatter.add.f32 [tilespmem:s1], [sflag:$0x2], $0x80, s22, s26, $0xb8;
	[tilespmem:$0x1EC00] =	vst v63  }
0x1c9: {  	_ =	swait.ge [sflag:s0], $0x4000  }
0x1ca: {  	[sflag:s0] =	ssyncset.done $0x0  }
0x1cb: {  	[sflag:s0] =	ssyncadd.s32 $0xFFFFC000  }
0x1cc: {  	_ =	swait.ge [sflag:s29], $0x4000  }
0x1cd: {  	[sflag:s29] =	ssyncset.done $0x0  }
0x1ce: {  	s22 =	simm.s32 $0x2980;
	[sflag:s29] =	ssyncadd.s32 $0xFFFFC000  }
0x1cf: {  	[spmem:s2] =	stream.indirect.scatter.add.f32 [tilespmem:s31], [sflag:$0x2], $0x80, s22, s26, $0xb8;
	[tilespmem:$0x1EC00] =	vst v63  }
0x1d0: {  	_ =	swait.ge [sflag:s29], $0x4000  }
0x1d1: {  	[sflag:s29] =	ssyncset.done $0x0  }
0x1d2: {  	[sflag:s29] =	ssyncadd.s32 $0xFFFFC000  }
0x1d3: {  	[hbm:s18], [sflag:s11] =	dma.local [spmem:s12], $0x800  }
0x1d4: {  	s9 =	sadd.s32 $0x1, s9;
	_ =	swait.ge [sflag:s21], $0x800  }
0x1d5: {  	p0 =	sne.s32 s9, s20;
	[sflag:s21] =	ssyncset.done $0x0  }
.Ltmp2:
0x1d6: {  	[sflag:s21] =	ssyncadd.s32 $0xFFFFF800;
	(pc) =	sbr.rel @p0 .LBB2_1-.Ltmp2, $4  }
0x1d7: {  	[hbm:s19], [sflag:s11] =	dma.local [spmem:s24], $0x800  }
0x1d8: {  	_ =	swait.ge [sflag:s21], $0x800  }
0x1d9: {  	[sflag:s21] =	ssyncset.done $0x0  }
0x1da: {  	[sflag:s21] =	ssyncadd.s32 $0xFFFFF800  }
0x1db: {  	_ =	sfence.sel $0x180000  }
0x1dc: {  	[bflag:$0x0] =	sbarrier.arrive $0xFFFF  }
0x1dd: {  	_ =	strace $0x90000047  }
0x1de: {  	s0 =	stileid.u32;
	[bflag:$0x2] =	sbarrier.arrive $0xFFFF  }
0x1df: {  	p0 =	sne.s32 s0, $0x0;
	s0 =	rddreg [dreg:$0x4]  }
0x1e0: {  	s0 =	sadd.s32 @!p0 $0x100000, s0  }
0x1e1: {  	[sflag:s0] =	ssyncadd.tile.s32 @!p0 $0x1;
	_ =	shalt  }
.Lfunc_end2:
_tile_overlayer_lowered:
.L_overlay_start_2:
0x1e2: {  	(tag) =	ssettag $0x2  }
0x1e3: {  	s0 =	rddreg [dreg:$0x0];
	s2 =	stileid.u32  }
0x1e4: {  	s1 =	rddreg [dreg:$0x1];
	p0 =	sne.s32 s2, $0x0  }
0x1e5: {  	s3 =	rddreg [dreg:$0x2];
	[bflag:$0x3] =	sbarrier.arrive $0xFFFF;
	s2 =	simm.s32 @!p0 $0x1C03  }
0x1e6: {  	[timem:s3], [sflag:s2] =	dma.local @!p0 [hbm:s0], s1  }
0x1e7: {  	s0 =	simm.s32 @!p0 $0x3  }
0x1e8: {  	_ =	swait.ge @!p0 [sflag:s0], s1  }
0x1e9: {  	s1 =	ssub.s32 @!p0 $0x0, s1;
	[sflag:s0] =	ssyncset.done @!p0 $0x0  }
0x1ea: {  	[sflag:s0] =	ssyncadd.s32 @!p0 s1  }
0x1eb: {  	[bflag:$0x3] =	sbarrier.arrive $0xFFFF  }
0x1ec: {  	_ =	shalt  }

</sc_bundles>
